<compile_context>
chip_gen: v7x
topology: tpu7x:2x2x1
jax: 0.10.2.dev20260603
libtpu: 0.0.44.dev20260713+nightly
codegen_flags: <defaults>
</compile_context>

<pallas_src>
import functools

import jax
import jax.numpy as jnp
from jax import lax
from jax.experimental import pallas as pl
from jax.experimental.pallas import tpu as pltpu
from jax.experimental.pallas import tpu_sc as plsc

N = 5000
E = 160000
SEQ = 128
DEMB = SEQ + 1

NC = 2
NS = 16
LANES = 16
NW = NC * NS

DP = 128
NP = 5120
CH = 128
EPT = 5120
EP = NW * EPT
NCHUNK = EPT // CH
RPT = NP // NS

_f32 = jnp.float32
_i32 = jnp.int32

_SC_MESH = plsc.VectorSubcoreMesh(
    core_axis_name="c", subcore_axis_name="s", num_cores=NC, num_subcores=NS
)
_SC_PARAMS = pltpu.CompilerParams(needs_layout_passes=False,
                                  use_tc_tiling_on_sc=False)



def _deg_body(col_hbm, w_hbm, deg_out, col_v, w_v, deg_v):
    c = lax.axis_index("c")
    s = lax.axis_index("s")
    wid = c * NS + s

    def zero(i, carry):
        deg_v[pl.ds(i * LANES, LANES)] = jnp.zeros((LANES,), _f32)
        return carry

    lax.fori_loop(0, NP // LANES, zero, 0)

    base = wid * EPT
    pltpu.sync_copy(col_hbm.at[pl.ds(base, EPT)], col_v)
    pltpu.sync_copy(w_hbm.at[pl.ds(base, EPT)], w_v)

    def body(i, carry):
        idx = col_v[pl.ds(i * LANES, LANES)]
        vals = w_v[pl.ds(i * LANES, LANES)]
        plsc.addupdate_scatter(deg_v, [idx], vals)
        return carry

    lax.fori_loop(0, EPT // LANES, body, 0)
    pltpu.sync_copy(deg_v, deg_out.at[wid])


_deg_call = functools.partial(
    pl.kernel,
    out_type=jax.ShapeDtypeStruct((NW, NP), _f32),
    mesh=_SC_MESH,
    scratch_types=[
        pltpu.VMEM((EPT,), _i32),
        pltpu.VMEM((EPT,), _f32),
        pltpu.VMEM((NP,), _f32),
    ],
    compiler_params=_SC_PARAMS,
)(_deg_body)



DH = DP // NC
ES = EP // NS
NCH = ES // CH
NBUF = 5
NGRP = NCH // NBUF


def _agg_body(row_hbm, col_hbm, w_hbm, x_hbm, xl_hbm, dinv_hbm,
              out_hbm, outl_hbm,
              ridx, cidx, wv, dinv_v, xl_v, accl_v, rows, acc_sh, x_sh,
              *sems):
    gsem = sems[:NBUF]
    ssem = sems[NBUF:]
    c = lax.axis_index("c")
    s = lax.axis_index("s")

    abase = s * RPT
    pltpu.sync_copy(x_hbm.at[c, pl.ds(abase, RPT)], x_sh.at[pl.ds(abase, RPT)])
    pltpu.sync_copy(dinv_hbm, dinv_v)
    pltpu.sync_copy(xl_hbm, xl_v)
    pltpu.sync_copy(row_hbm.at[s], ridx)
    pltpu.sync_copy(col_hbm.at[s], cidx)
    pltpu.sync_copy(w_hbm.at[s], wv)

    def zlast(i, carry):
        accl_v[pl.ds(i * LANES, LANES)] = jnp.zeros((LANES,), _f32)
        return carry

    lax.fori_loop(0, NP // LANES, zlast, 0)

    def psg(g, carry):
        def psi(i, carry2):
            sl = pl.ds(i * LANES, LANES)
            ri = ridx[g, sl]
            wsc = wv[g, sl] * plsc.load_gather(dinv_v, [ri])
            wv[g, sl] = wsc
            xl = plsc.load_gather(xl_v, [ri])
            plsc.addupdate_scatter(accl_v, [cidx[g, sl]], wsc * xl)
            return carry2
        lax.fori_loop(0, CH // LANES, psi, 0)
        return carry

    lax.fori_loop(0, NCH, psg, 0)

    @pl.when(c == 0)
    def _():
        pltpu.sync_copy(accl_v, outl_hbm.at[s])

    def zrow(i, carry):
        for f in range(DH // LANES):
            rows[0, i, pl.ds(f * LANES, LANES)] = jnp.zeros((LANES,), _f32)
        return carry

    lax.fori_loop(0, CH, zrow, 0)
    pltpu.sync_copy(rows.at[0], acc_sh.at[pl.ds(abase, CH)])
    pltpu.sync_copy(rows.at[0], acc_sh.at[pl.ds(abase + CH, CH)])
    pltpu.sync_copy(rows.at[0, pl.ds(0, RPT - 2 * CH)],
                    acc_sh.at[pl.ds(abase + 2 * CH, RPT - 2 * CH)])
    plsc.subcore_barrier()

    def start_gather(g, b):
        pltpu.async_copy(x_sh.at[ridx.at[g]], rows.at[b], gsem[b])

    def wait_gather(g, b):
        pltpu.make_async_copy(x_sh.at[ridx.at[g]], rows.at[b], gsem[b]).wait()

    def start_scatter(g, b):
        pltpu.async_copy(rows.at[b], acc_sh.at[cidx.at[g]], ssem[b], add=True)

    def wait_scatter(g, b):
        pltpu.make_async_copy(rows.at[b], acc_sh.at[cidx.at[g]],
                              ssem[b]).wait()

    for b in range(NBUF - 1):
        start_gather(b, b)

    def group(grp, carry):
        for b in range(NBUF):
            g = grp * NBUF + b
            bp = (b - 1) % NBUF
            wait_gather(g, b)
            g16 = lax.broadcast(g, (LANES,))

            def edge(j, carry2):
                wvec = plsc.load_gather(wv, [g16, lax.broadcast(j, (LANES,))])
                for f in range(DH // LANES):
                    sl = pl.ds(f * LANES, LANES)
                    rows[b, j, sl] = rows[b, j, sl] * wvec
                return carry2

            lax.fori_loop(0, CH, edge, 0, unroll=4)
            start_scatter(g, b)
            if b == 0:
                @pl.when(grp > 0)
                def _():
                    wait_scatter(g - 1, bp)
                start_gather(g + NBUF - 1, bp)
            else:
                wait_scatter(g - 1, bp)

                @pl.when(grp < NGRP - 1)
                def _():
                    start_gather(g + NBUF - 1, bp)
        return carry

    lax.fori_loop(0, NGRP, group, 0)
    wait_scatter(NCH - 1, (NCH - 1) % NBUF)
    plsc.subcore_barrier()
    pltpu.sync_copy(acc_sh.at[pl.ds(abase, RPT)],
                    out_hbm.at[c, pl.ds(abase, RPT)])


_agg_call = functools.partial(
    pl.kernel,
    out_type=(jax.ShapeDtypeStruct((NC, NP, DH), _f32),
              jax.ShapeDtypeStruct((NS, NP), _f32)),
    mesh=_SC_MESH,
    scratch_types=[
        pltpu.VMEM((NCH, CH), _i32),
        pltpu.VMEM((NCH, CH), _i32),
        pltpu.VMEM((NCH, CH), _f32),
        pltpu.VMEM((NP,), _f32),
        pltpu.VMEM((NP,), _f32),
        pltpu.VMEM((NP,), _f32),
        pltpu.VMEM((NBUF, CH, DH), _f32),
        pltpu.VMEM_SHARED((NP, DH), _f32),
        pltpu.VMEM_SHARED((NP, DH), _f32),
    ] + [pltpu.SemaphoreType.DMA] * (2 * NBUF),
    compiler_params=_SC_PARAMS,
)(_agg_body)



def _layer_body(p_ref, accl_ref, embm_ref, embl_ref, dinv_ref,
                wmm_ref, wml_ref, wlm_ref, wll_ref, bm_ref, bl_ref,
                outm_ref, outl_ref, *, relu):
    dv = dinv_ref[...]
    acc = jnp.concatenate([p_ref[0], p_ref[1]], axis=1)
    embm = jnp.concatenate([embm_ref[0], embm_ref[1]], axis=1)
    aggm = dv * acc + (dv * dv) * embm
    aggl = dv * accl_ref[...] + (dv * dv) * embl_ref[...]
    ym = (jnp.dot(aggm, wmm_ref[...], preferred_element_type=_f32)
          + aggl * wlm_ref[...] + bm_ref[...])
    yl = (jnp.dot(aggm, wml_ref[...], preferred_element_type=_f32)
          + aggl * wll_ref[...] + bl_ref[...])
    if relu:
        ym = jnp.maximum(ym, 0.0)
        yl = jnp.maximum(yl, 0.0)
    outm_ref[0] = ym[:, :DH]
    outm_ref[1] = ym[:, DH:]
    outl_ref[...] = yl


def _layer_call(parts, accl, embm, embl, dinv2d, wmm, wml, wlm, wll, bm, bl,
                relu):
    return pl.pallas_call(
        functools.partial(_layer_body, relu=relu),
        out_shape=(jax.ShapeDtypeStruct((NC, NP, DH), _f32),
                   jax.ShapeDtypeStruct((NP, 1), _f32)),
    )(parts, accl, embm, embl, dinv2d, wmm, wml, wlm, wll, bm, bl)



def _final_body(embm_ref, embl_ref, pidx_ref,
                wqmm_ref, wqml_ref, wqlm_ref, wqll_ref, bqm_ref, bql_ref,
                wkmm_ref, wkml_ref, wklm_ref, wkll_ref, bkm_ref, bkl_ref,
                d0wm_ref, d0wl_ref, d0b_ref, d1w_ref, d1b_ref,
                d2w_ref, d2b_ref, ow_ref, ob_ref, out_ref):
    embm = jnp.concatenate([embm_ref[0], embm_ref[1]], axis=1)
    embl = embl_ref[...]
    p = pidx_ref[0]
    rid = lax.broadcasted_iota(_i32, (NP, 1), 0)
    qsel = (rid == p).astype(_f32)
    qrm = jnp.sum(embm * qsel, axis=0, keepdims=True)
    qrl = jnp.sum(embl * qsel, axis=0, keepdims=True)
    qm = (jnp.dot(qrm, wqmm_ref[...], preferred_element_type=_f32)
          + qrl * wqlm_ref[...] + bqm_ref[...])
    ql = (jnp.dot(qrm, wqml_ref[...], preferred_element_type=_f32)
          + qrl * wqll_ref[...] + bql_ref[...])
    km = (jnp.dot(embm, wkmm_ref[...], preferred_element_type=_f32)
          + embl * wklm_ref[...] + bkm_ref[...])
    kl = (jnp.dot(embm, wkml_ref[...], preferred_element_type=_f32)
          + embl * wkll_ref[...] + bkl_ref[...])
    s = jnp.sum(km * qm, axis=1, keepdims=True) + kl * ql
    s = s * (1.0 / (float(DEMB) ** 0.5))
    valid = rid < N
    s = jnp.where(valid, s, -1e30)
    m = jnp.max(s)
    ex = jnp.where(valid, jnp.exp(s - m), 0.0)
    aw = ex / jnp.sum(ex)
    cm = jnp.sum(embm * aw, axis=0, keepdims=True)
    cl = jnp.sum(embl * aw, axis=0, keepdims=True)
    h = (jnp.dot(cm, d0wm_ref[...], preferred_element_type=_f32)
         + cl * d0wl_ref[...] + d0b_ref[...])
    h = jnp.maximum(h, 0.0)
    h = jnp.dot(h, d1w_ref[...], preferred_element_type=_f32) + d1b_ref[...]
    h = jnp.maximum(h, 0.0)
    h = jnp.dot(h, d2w_ref[...], preferred_element_type=_f32) + d2b_ref[...]
    h = jnp.maximum(h, 0.0)
    out_ref[...] = (jnp.dot(h, ow_ref[...], preferred_element_type=_f32)
                    + ob_ref[...])


def _final_call(embm, embl, pidx, *ws):
    in_specs = [pl.BlockSpec(memory_space=pltpu.VMEM),
                pl.BlockSpec(memory_space=pltpu.VMEM),
                pl.BlockSpec(memory_space=pltpu.SMEM)]
    in_specs += [pl.BlockSpec(memory_space=pltpu.VMEM)] * len(ws)
    return pl.pallas_call(
        _final_body,
        out_shape=jax.ShapeDtypeStruct((1, SEQ), _f32),
        in_specs=in_specs,
    )(embm, embl, pidx, *ws)



def _row(v):
    return v.reshape(1, -1).astype(_f32)


def kernel(src, edge_index, edge_weight, pert_idx, gnn_w0, gnn_b0, gnn_w1,
           gnn_b1, attn_in_w, attn_in_b, attn_out_w, attn_out_b, dec_w0,
           dec_b0, dec_w1, dec_b1, dec_w2, dec_b2, out_w, out_b):
    pert_idx = jnp.asarray(pert_idx, _i32)

    pad_e = EP - E
    row_p = jnp.concatenate([edge_index[0], jnp.zeros((pad_e,), _i32)])
    col_p = jnp.concatenate([edge_index[1], jnp.zeros((pad_e,), _i32)])
    w_p = jnp.concatenate([edge_weight, jnp.zeros((pad_e,), _f32)])
    row3 = row_p.reshape(NS, NCH, CH)
    col3 = col_p.reshape(NS, NCH, CH)
    w3 = w_p.reshape(NS, NCH, CH)

    emb0f = jnp.zeros((NP, DP), _f32).at[:N, :SEQ].set(src)
    emb0m = jnp.stack([emb0f[:, :DH], emb0f[:, DH:]])
    emb0l = jnp.zeros((NP, 1), _f32).at[pert_idx, 0].set(1.0)

    def _split(wt):
        return wt[:SEQ], wt[SEQ:SEQ + 1]

    w0mm, w0lm = _split(gnn_w0.T[:, :SEQ])
    w0ml, w0ll = _split(gnn_w0.T[:, SEQ:DEMB])
    w1mm, w1lm = _split(gnn_w1.T[:, :SEQ])
    w1ml, w1ll = _split(gnn_w1.T[:, SEQ:DEMB])
    b0m, b0l = _row(gnn_b0[:SEQ]), _row(gnn_b0[SEQ:DEMB])
    b1m, b1l = _row(gnn_b1[:SEQ]), _row(gnn_b1[SEQ:DEMB])

    wq = attn_in_w[:DEMB].T
    wk = attn_in_w[DEMB:2 * DEMB].T
    wqmm, wqlm = _split(wq[:, :SEQ])
    wqml, wqll = _split(wq[:, SEQ:DEMB])
    wkmm, wklm = _split(wk[:, :SEQ])
    wkml, wkll = _split(wk[:, SEQ:DEMB])
    bqm, bql = _row(attn_in_b[:SEQ]), _row(attn_in_b[SEQ:DEMB])
    bkm = _row(attn_in_b[DEMB:DEMB + SEQ])
    bkl = _row(attn_in_b[DEMB + SEQ:2 * DEMB])

    d0wm, d0wl = _split(dec_w0.T)
    d0b = _row(dec_b0)
    d1w, d1b = dec_w1.T, _row(dec_b1)
    d2w, d2b = dec_w2.T, _row(dec_b2)
    ow, ob = out_w.T, _row(out_b)

    deg_parts = _deg_call(col_p, w_p)
    self_loop = (jnp.arange(NP) < N).astype(_f32)
    deg = jnp.sum(deg_parts, axis=0) + self_loop
    dinv = jnp.where(deg > 0, 1.0 / jnp.sqrt(deg), 0.0)
    dinv2d = dinv.reshape(NP, 1)

    parts0, pl0 = _agg_call(row3, col3, w3, emb0m,
                            emb0l.reshape(NP), dinv)
    accl0 = jnp.sum(pl0, axis=0).reshape(NP, 1)
    emb1m, emb1l = _layer_call(parts0, accl0, emb0m, emb0l, dinv2d,
                               w0mm, w0ml, w0lm, w0ll, b0m, b0l, relu=True)

    parts1, pl1 = _agg_call(row3, col3, w3, emb1m,
                            emb1l.reshape(NP), dinv)
    accl1 = jnp.sum(pl1, axis=0).reshape(NP, 1)
    emb2m, emb2l = _layer_call(parts1, accl1, emb1m, emb1l, dinv2d,
                               w1mm, w1ml, w1lm, w1ll, b1m, b1l, relu=False)

    pidx = pert_idx.reshape(1)
    return _final_call(emb2m, emb2l, pidx,
                       wqmm, wqml, wqlm, wqll, bqm, bql,
                       wkmm, wkml, wklm, wkll, bkm, bkl,
                       d0wm, d0wl, d0b, d1w, d1b, d2w, d2b, ow, ob)

# --- scband reference (transcript-rebuilt; emitter-appended) ---
"""Pipeline reference for scband-gnn-66322884984930 (READ-ONLY COPY).

The authoritative reference and input builder live on the scoring server;
editing this copy changes nothing except your own understanding.
"""

import jax
import jax.numpy as jnp
import numpy as np

N = 5000
E = 160000
SEQ = 128
DEMB = SEQ + 1
N_LAYERS = 2


def setup_inputs(seed: int = 0) -> dict:
    key = jax.random.key(seed)
    ks = jax.random.split(key, 16)
    inp = {}
    inp["src"] = jax.random.normal(ks[0], (N, SEQ), dtype=jnp.float32)
    inp["edge_index"] = jax.random.randint(ks[1], (2, E), 0, N, dtype=jnp.int32)
    inp["edge_weight"] = jax.random.uniform(ks[2], (E,), dtype=jnp.float32)
    inp["pert_idx"] = 123
    inp["gnn_w0"] = jax.random.normal(ks[3], (DEMB, DEMB), dtype=jnp.float32) * 0.05
    inp["gnn_b0"] = jnp.zeros((DEMB,), dtype=jnp.float32)
    inp["gnn_w1"] = jax.random.normal(ks[4], (DEMB, DEMB), dtype=jnp.float32) * 0.05
    inp["gnn_b1"] = jnp.zeros((DEMB,), dtype=jnp.float32)
    inp["attn_in_w"] = jax.random.normal(ks[5], (3 * DEMB, DEMB), dtype=jnp.float32) * 0.05
    inp["attn_in_b"] = jnp.zeros((3 * DEMB,), dtype=jnp.float32)
    inp["attn_out_w"] = jax.random.normal(ks[6], (DEMB, DEMB), dtype=jnp.float32) * 0.05
    inp["attn_out_b"] = jnp.zeros((DEMB,), dtype=jnp.float32)
    inp["dec_w0"] = jax.random.normal(ks[7], (64, DEMB), dtype=jnp.float32) * 0.05
    inp["dec_b0"] = jnp.zeros((64,), dtype=jnp.float32)
    inp["dec_w1"] = jax.random.normal(ks[8], (64, 64), dtype=jnp.float32) * 0.05
    inp["dec_b1"] = jnp.zeros((64,), dtype=jnp.float32)
    inp["dec_w2"] = jax.random.normal(ks[9], (128, 64), dtype=jnp.float32) * 0.05
    inp["dec_b2"] = jnp.zeros((128,), dtype=jnp.float32)
    inp["out_w"] = jax.random.normal(ks[10], (SEQ, 128), dtype=jnp.float32) * 0.05
    inp["out_b"] = jnp.zeros((SEQ,), dtype=jnp.float32)
    return inp


def _gcn_norm(edge_index, edge_weight, num_nodes):
    # PyG gcn_norm with add_self_loops=True: A_hat = D^{-1/2} (A + I) D^{-1/2}
    row = edge_index[0]
    col = edge_index[1]
    loop = jnp.arange(num_nodes, dtype=row.dtype)
    row = jnp.concatenate([row, loop])
    col = jnp.concatenate([col, loop])
    w = jnp.concatenate([edge_weight, jnp.ones((num_nodes,), dtype=edge_weight.dtype)])
    deg = jnp.zeros((num_nodes,), dtype=edge_weight.dtype).at[col].add(w)
    dinv = jnp.where(deg > 0, 1.0 / jnp.sqrt(deg), 0.0)
    norm = dinv[row] * w * dinv[col]
    return row, col, norm


def reference(src, edge_index, edge_weight, pert_idx, gnn_w0, gnn_b0, gnn_w1, gnn_b1, attn_in_w, attn_in_b, attn_out_w, attn_out_b, dec_w0, dec_b0, dec_w1, dec_b1, dec_w2, dec_b2, out_w, out_b):
    # perturbation one-hot column appended to expression features
    pert_emb = jnp.zeros((N, 1), dtype=src.dtype).at[pert_idx, 0].set(1.0)
    emb = jnp.concatenate([src, pert_emb], axis=1)
    row, col, norm = _gcn_norm(edge_index, edge_weight, N)
    gnn_params = [(gnn_w0, gnn_b0), (gnn_w1, gnn_b1)]
    for i, (W, b) in enumerate(gnn_params):
        # SGConv K=1: propagate then linear
        msg = emb[row] * norm[:, None]
        agg = jnp.zeros_like(emb).at[col].add(msg)
        emb = agg @ W.T + b
        if i < N_LAYERS - 1:
            emb = jax.nn.relu(emb)
    # single-head MultiheadAttention (eval mode, dropout inactive)
    qkv = emb @ attn_in_w.T + attn_in_b
    q, k, v = jnp.split(qkv, 3, axis=1)
    scores = (q @ k.T) / jnp.sqrt(jnp.asarray(float(DEMB), dtype=q.dtype))
    attn_weights = jax.nn.softmax(scores, axis=-1)
    attn_output = (attn_weights @ v) @ attn_out_w.T + attn_out_b  # computed in torch forward, unused downstream
    cell_emb = (attn_weights[pert_idx] @ emb).reshape(1, -1)
    # decoder MLP (batch_norm=False -> Linear+ReLU stack)
    h = jax.nn.relu(cell_emb @ dec_w0.T + dec_b0)
    h = jax.nn.relu(h @ dec_w1.T + dec_b1)
    h = jax.nn.relu(h @ dec_w2.T + dec_b2)
    out = h @ out_w.T + out_b
    return out

if __name__ == "__main__":
    import jax
    _d = setup_inputs()
    print(jax.jit(kernel)(*tuple(_d.values())))

</pallas_src>

<mosaic_0001>
#map = affine_map<(d0, d1) -> (0)>
#map1 = affine_map<(d0, d1) -> (0, 0)>
module attributes {stable_mosaic.version = 14 : i64} {
  func.func @_deg_body(%arg0: i32, %arg1: i32, %arg2: memref<163840xi32, #tpu.memory_space<hbm>>, %arg3: memref<163840xf32, #tpu.memory_space<hbm>>, %arg4: memref<32x5120xf32, #tpu.memory_space<hbm>>, %arg5: memref<5120xi32, #tpu.memory_space<vmem>>, %arg6: memref<5120xf32, #tpu.memory_space<vmem>>, %arg7: memref<5120xf32, #tpu.memory_space<vmem>>) attributes {dimension_semantics = [#tpu.dimension_semantics<core_parallel>, #tpu.dimension_semantics<subcore_parallel>], iteration_bounds = array<i64: 2, 16>, scalar_prefetch = 0 : i64, scratch_operands = 3 : i64, tpu.core_type = #tpu.core_type<sc_vector_subcore>, window_params = [{transform_indices = #map}, {transform_indices = #map}, {transform_indices = #map1}]} {
    %mul3A = arith.constant 16 : i32
    %mul3A_0 = arith.muli %arg0, %mul3A : i32
    %add3A = arith.addi %mul3A_0, %arg1 : i32
    %scan3A = arith.constant 0 : i32
    %scan3A_1 = arith.constant 0 : i32
    %scan3A_2 = arith.constant 320 : i32
    %scan3A_3 = arith.addi %scan3A_1, %scan3A_2 : i32
    %scan3A_4 = arith.constant 1 : i32
    scf.for %scan3A_14 = %scan3A_1 to %scan3A_3 step %scan3A_4  : i32 {
      %broadcast_in_dim3A = arith.constant 0.000000e+00 : f32
      %broadcast_in_dim3A_15 = vector.broadcast %broadcast_in_dim3A : f32 to vector<16xf32>
      %mul3A_16 = arith.constant 16 : i32
      %mul3A_17 = arith.muli %scan3A_14, %mul3A_16 : i32
      %swap3A = arith.index_cast %mul3A_17 : i32 to index
      %swap3A_18 = tpu.vector_load %arg7[%swap3A] {strides = array<i32>} : memref<5120xf32, #tpu.memory_space<vmem>>, vector<16xf32>,
      tpu.vector_store %arg7[%swap3A], %broadcast_in_dim3A_15 {strides = array<i32>} : memref<5120xf32, #tpu.memory_space<vmem>>, vector<16xf32>,
    }
    %scan3A_5 = arith.constant 320 : i32
    %mul3A_6 = arith.constant 5120 : i32
    %mul3A_7 = arith.muli %add3A, %mul3A_6 : i32
    "tpu.region"() ({
      %run_scoped3A = tpu.sem_alloc : memref<!tpu.dma_semaphore, #tpu.memory_space<semaphore_mem>>
      %dma_start3A = tpu.memref_slice %arg2[%mul3A_7] : memref<163840xi32, #tpu.memory_space<hbm>> -> memref<5120xi32, #tpu.memory_space<hbm>>
      %dma_start3A_14 = tpu.memref_slice %arg2[%mul3A_7] : memref<163840xi32, #tpu.memory_space<hbm>> -> memref<5120xi32, #tpu.memory_space<hbm>>
      tpu.enqueue_dma source(%dma_start3A_14 : memref<5120xi32, #tpu.memory_space<hbm>>) target(%arg5 : memref<5120xi32, #tpu.memory_space<vmem>>) target_semaphore(%run_scoped3A : memref<!tpu.dma_semaphore, #tpu.memory_space<semaphore_mem>>)
      %dma_wait3A = tpu.memref_slice %arg2[%mul3A_7] : memref<163840xi32, #tpu.memory_space<hbm>> -> memref<5120xi32, #tpu.memory_space<hbm>>
      %dma_wait3A_15 = tpu.memref_slice %arg2[%mul3A_7] : memref<163840xi32, #tpu.memory_space<hbm>> -> memref<5120xi32, #tpu.memory_space<hbm>>
      tpu.wait_dma2 semaphore(%run_scoped3A : memref<!tpu.dma_semaphore, #tpu.memory_space<semaphore_mem>>) src(%dma_wait3A_15 : memref<5120xi32, #tpu.memory_space<hbm>>) dst(%arg5 : memref<5120xi32, #tpu.memory_space<vmem>>)
      tpu.yield
    }) : () -> ()
    "tpu.region"() ({
      %run_scoped3A = tpu.sem_alloc : memref<!tpu.dma_semaphore, #tpu.memory_space<semaphore_mem>>
      %dma_start3A = tpu.memref_slice %arg3[%mul3A_7] : memref<163840xf32, #tpu.memory_space<hbm>> -> memref<5120xf32, #tpu.memory_space<hbm>>
      %dma_start3A_14 = tpu.memref_slice %arg3[%mul3A_7] : memref<163840xf32, #tpu.memory_space<hbm>> -> memref<5120xf32, #tpu.memory_space<hbm>>
      tpu.enqueue_dma source(%dma_start3A_14 : memref<5120xf32, #tpu.memory_space<hbm>>) target(%arg6 : memref<5120xf32, #tpu.memory_space<vmem>>) target_semaphore(%run_scoped3A : memref<!tpu.dma_semaphore, #tpu.memory_space<semaphore_mem>>)
      %dma_wait3A = tpu.memref_slice %arg3[%mul3A_7] : memref<163840xf32, #tpu.memory_space<hbm>> -> memref<5120xf32, #tpu.memory_space<hbm>>
      %dma_wait3A_15 = tpu.memref_slice %arg3[%mul3A_7] : memref<163840xf32, #tpu.memory_space<hbm>> -> memref<5120xf32, #tpu.memory_space<hbm>>
      tpu.wait_dma2 semaphore(%run_scoped3A : memref<!tpu.dma_semaphore, #tpu.memory_space<semaphore_mem>>) src(%dma_wait3A_15 : memref<5120xf32, #tpu.memory_space<hbm>>) dst(%arg6 : memref<5120xf32, #tpu.memory_space<vmem>>)
      tpu.yield
    }) : () -> ()
    %scan3A_8 = arith.constant 0 : i32
    %scan3A_9 = arith.constant 0 : i32
    %scan3A_10 = arith.constant 320 : i32
    %scan3A_11 = arith.addi %scan3A_9, %scan3A_10 : i32
    %scan3A_12 = arith.constant 1 : i32
    scf.for %scan3A_14 = %scan3A_9 to %scan3A_11 step %scan3A_12  : i32 {
      %mul3A_15 = arith.constant 16 : i32
      %mul3A_16 = arith.muli %scan3A_14, %mul3A_15 : i32
      %get3A = arith.index_cast %mul3A_16 : i32 to index
      %get3A_17 = tpu.vector_load %arg5[%get3A] {strides = array<i32>} : memref<5120xi32, #tpu.memory_space<vmem>>, vector<16xi32>,
      %mul3A_18 = arith.constant 16 : i32
      %mul3A_19 = arith.muli %scan3A_14, %mul3A_18 : i32
      %get3A_20 = arith.index_cast %mul3A_19 : i32 to index
      %get3A_21 = tpu.vector_load %arg6[%get3A_20] {strides = array<i32>} : memref<5120xf32, #tpu.memory_space<vmem>>, vector<16xf32>,
      tpu.vector_store_idx %arg7[%get3A_17], %get3A_21 {add = true} : memref<5120xf32, #tpu.memory_space<vmem>>[vector<16xi32>], vector<16xf32>,
    }
    %scan3A_13 = arith.constant 320 : i32
    "tpu.region"() ({
      %run_scoped3A = tpu.sem_alloc : memref<!tpu.dma_semaphore, #tpu.memory_space<semaphore_mem>>
      %dma_start3A = arith.constant 0 : i32
      %dma_start3A_14 = tpu.memref_slice %arg4[%add3A, %dma_start3A] : memref<32x5120xf32, #tpu.memory_space<hbm>> -> memref<1x5120xf32, #tpu.memory_space<hbm>>
      %dma_start3A_15 = tpu.memref_squeeze %dma_start3A_14 : memref<1x5120xf32, #tpu.memory_space<hbm>> -> memref<5120xf32, #tpu.memory_space<hbm>>
      %dma_start3A_16 = arith.constant 0 : i32
      %dma_start3A_17 = tpu.memref_slice %arg4[%add3A, %dma_start3A_16] : memref<32x5120xf32, #tpu.memory_space<hbm>> -> memref<1x5120xf32, #tpu.memory_space<hbm>>
      %dma_start3A_18 = tpu.memref_squeeze %dma_start3A_17 : memref<1x5120xf32, #tpu.memory_space<hbm>> -> memref<5120xf32, #tpu.memory_space<hbm>>
      tpu.enqueue_dma source(%arg7 : memref<5120xf32, #tpu.memory_space<vmem>>) target(%dma_start3A_18 : memref<5120xf32, #tpu.memory_space<hbm>>) target_semaphore(%run_scoped3A : memref<!tpu.dma_semaphore, #tpu.memory_space<semaphore_mem>>)
      %dma_wait3A = arith.constant 0 : i32
      %dma_wait3A_19 = tpu.memref_slice %arg4[%add3A, %dma_wait3A] : memref<32x5120xf32, #tpu.memory_space<hbm>> -> memref<1x5120xf32, #tpu.memory_space<hbm>>
      %dma_wait3A_20 = tpu.memref_squeeze %dma_wait3A_19 : memref<1x5120xf32, #tpu.memory_space<hbm>> -> memref<5120xf32, #tpu.memory_space<hbm>>
      %dma_wait3A_21 = arith.constant 0 : i32
      %dma_wait3A_22 = tpu.memref_slice %arg4[%add3A, %dma_wait3A_21] : memref<32x5120xf32, #tpu.memory_space<hbm>> -> memref<1x5120xf32, #tpu.memory_space<hbm>>
      %dma_wait3A_23 = tpu.memref_squeeze %dma_wait3A_22 : memref<1x5120xf32, #tpu.memory_space<hbm>> -> memref<5120xf32, #tpu.memory_space<hbm>>
      tpu.wait_dma2 semaphore(%run_scoped3A : memref<!tpu.dma_semaphore, #tpu.memory_space<semaphore_mem>>) src(%arg7 : memref<5120xf32, #tpu.memory_space<vmem>>) dst(%dma_wait3A_23 : memref<5120xf32, #tpu.memory_space<hbm>>)
      tpu.yield
    }) : () -> ()
    return
  }
}

#map = affine_map<(d0, d1) -> (0, 0, 0)>
#map1 = affine_map<(d0, d1) -> (0)>
#map2 = affine_map<(d0, d1) -> (0, 0)>
module attributes {stable_mosaic.version = 14 : i64} {
  func.func @_agg_body(%arg0: i32, %arg1: i32, %arg2: memref<16x80x128xi32, #tpu.memory_space<hbm>>, %arg3: memref<16x80x128xi32, #tpu.memory_space<hbm>>, %arg4: memref<16x80x128xf32, #tpu.memory_space<hbm>>, %arg5: memref<2x5120x64xf32, #tpu.memory_space<hbm>>, %arg6: memref<5120xf32, #tpu.memory_space<hbm>>, %arg7: memref<5120xf32, #tpu.memory_space<hbm>>, %arg8: memref<2x5120x64xf32, #tpu.memory_space<hbm>>, %arg9: memref<16x5120xf32, #tpu.memory_space<hbm>>, %arg10: memref<80x128xi32, #tpu.memory_space<vmem>>, %arg11: memref<80x128xi32, #tpu.memory_space<vmem>>, %arg12: memref<80x128xf32, #tpu.memory_space<vmem>>, %arg13: memref<5120xf32, #tpu.memory_space<vmem>>, %arg14: memref<5120xf32, #tpu.memory_space<vmem>>, %arg15: memref<5120xf32, #tpu.memory_space<vmem>>, %arg16: memref<5x128x64xf32, #tpu.memory_space<vmem>>, %arg17: memref<5120x64xf32, #tpu.memory_space<vmem_shared>>, %arg18: memref<5120x64xf32, #tpu.memory_space<vmem_shared>>, %arg19: memref<!tpu.dma_semaphore, #tpu.memory_space<semaphore_mem>>, %arg20: memref<!tpu.dma_semaphore, #tpu.memory_space<semaphore_mem>>, %arg21: memref<!tpu.dma_semaphore, #tpu.memory_space<semaphore_mem>>, %arg22: memref<!tpu.dma_semaphore, #tpu.memory_space<semaphore_mem>>, %arg23: memref<!tpu.dma_semaphore, #tpu.memory_space<semaphore_mem>>, %arg24: memref<!tpu.dma_semaphore, #tpu.memory_space<semaphore_mem>>, %arg25: memref<!tpu.dma_semaphore, #tpu.memory_space<semaphore_mem>>, %arg26: memref<!tpu.dma_semaphore, #tpu.memory_space<semaphore_mem>>, %arg27: memref<!tpu.dma_semaphore, #tpu.memory_space<semaphore_mem>>, %arg28: memref<!tpu.dma_semaphore, #tpu.memory_space<semaphore_mem>>) attributes {dimension_semantics = [#tpu.dimension_semantics<core_parallel>, #tpu.dimension_semantics<subcore_parallel>], iteration_bounds = array<i64: 2, 16>, scalar_prefetch = 0 : i64, scratch_operands = 19 : i64, tpu.core_type = #tpu.core_type<sc_vector_subcore>, window_params = [{transform_indices = #map}, {transform_indices = #map}, {transform_indices = #map}, {transform_indices = #map}, {transform_indices = #map1}, {transform_indices = #map1}, {transform_indices = #map}, {transform_indices = #map2}]} {
    %mul3A = arith.constant 320 : i32
    %mul3A_0 = arith.muli %arg1, %mul3A : i32
    "tpu.region"() ({
      %run_scoped3A_90 = tpu.sem_alloc : memref<!tpu.dma_semaphore, #tpu.memory_space<semaphore_mem>>
      %dma_start3A_91 = arith.constant 0 : i32
      %dma_start3A_92 = tpu.memref_slice %arg18[%mul3A_0, %dma_start3A_91] : memref<5120x64xf32, #tpu.memory_space<vmem_shared>> -> memref<320x64xf32, #tpu.memory_space<vmem_shared>>
      %dma_start3A_93 = arith.constant 0 : i32
      %dma_start3A_94 = tpu.memref_slice %arg5[%arg0, %mul3A_0, %dma_start3A_93] : memref<2x5120x64xf32, #tpu.memory_space<hbm>> -> memref<1x320x64xf32, #tpu.memory_space<hbm>>
      %dma_start3A_95 = tpu.memref_squeeze %dma_start3A_94 : memref<1x320x64xf32, #tpu.memory_space<hbm>> -> memref<320x64xf32, #tpu.memory_space<hbm>>
      tpu.enqueue_dma source(%dma_start3A_95 : memref<320x64xf32, #tpu.memory_space<hbm>>) target(%dma_start3A_92 : memref<320x64xf32, #tpu.memory_space<vmem_shared>>) target_semaphore(%run_scoped3A_90 : memref<!tpu.dma_semaphore, #tpu.memory_space<semaphore_mem>>)
      %dma_wait3A_96 = arith.constant 0 : i32
      %dma_wait3A_97 = tpu.memref_slice %arg18[%mul3A_0, %dma_wait3A_96] : memref<5120x64xf32, #tpu.memory_space<vmem_shared>> -> memref<320x64xf32, #tpu.memory_space<vmem_shared>>
      %dma_wait3A_98 = arith.constant 0 : i32
      %dma_wait3A_99 = tpu.memref_slice %arg5[%arg0, %mul3A_0, %dma_wait3A_98] : memref<2x5120x64xf32, #tpu.memory_space<hbm>> -> memref<1x320x64xf32, #tpu.memory_space<hbm>>
      %dma_wait3A_100 = tpu.memref_squeeze %dma_wait3A_99 : memref<1x320x64xf32, #tpu.memory_space<hbm>> -> memref<320x64xf32, #tpu.memory_space<hbm>>
      tpu.wait_dma2 semaphore(%run_scoped3A_90 : memref<!tpu.dma_semaphore, #tpu.memory_space<semaphore_mem>>) src(%dma_wait3A_100 : memref<320x64xf32, #tpu.memory_space<hbm>>) dst(%dma_wait3A_97 : memref<320x64xf32, #tpu.memory_space<vmem_shared>>)
      tpu.yield
    }) : () -> ()
    "tpu.region"() ({
      %run_scoped3A_90 = tpu.sem_alloc : memref<!tpu.dma_semaphore, #tpu.memory_space<semaphore_mem>>
      tpu.enqueue_dma source(%arg7 : memref<5120xf32, #tpu.memory_space<hbm>>) target(%arg13 : memref<5120xf32, #tpu.memory_space<vmem>>) target_semaphore(%run_scoped3A_90 : memref<!tpu.dma_semaphore, #tpu.memory_space<semaphore_mem>>)
      tpu.wait_dma2 semaphore(%run_scoped3A_90 : memref<!tpu.dma_semaphore, #tpu.memory_space<semaphore_mem>>) src(%arg7 : memref<5120xf32, #tpu.memory_space<hbm>>) dst(%arg13 : memref<5120xf32, #tpu.memory_space<vmem>>)
      tpu.yield
    }) : () -> ()
    "tpu.region"() ({
      %run_scoped3A_90 = tpu.sem_alloc : memref<!tpu.dma_semaphore, #tpu.memory_space<semaphore_mem>>
      tpu.enqueue_dma source(%arg6 : memref<5120xf32, #tpu.memory_space<hbm>>) target(%arg14 : memref<5120xf32, #tpu.memory_space<vmem>>) target_semaphore(%run_scoped3A_90 : memref<!tpu.dma_semaphore, #tpu.memory_space<semaphore_mem>>)
      tpu.wait_dma2 semaphore(%run_scoped3A_90 : memref<!tpu.dma_semaphore, #tpu.memory_space<semaphore_mem>>) src(%arg6 : memref<5120xf32, #tpu.memory_space<hbm>>) dst(%arg14 : memref<5120xf32, #tpu.memory_space<vmem>>)
      tpu.yield
    }) : () -> ()
    "tpu.region"() ({
      %run_scoped3A_90 = tpu.sem_alloc : memref<!tpu.dma_semaphore, #tpu.memory_space<semaphore_mem>>
      %dma_start3A_91 = arith.constant 0 : i32
      %dma_start3A_92 = arith.constant 0 : i32
      %dma_start3A_93 = tpu.memref_slice %arg2[%arg1, %dma_start3A_91, %dma_start3A_92] : memref<16x80x128xi32, #tpu.memory_space<hbm>> -> memref<1x80x128xi32, #tpu.memory_space<hbm>>
      %dma_start3A_94 = tpu.memref_squeeze %dma_start3A_93 : memref<1x80x128xi32, #tpu.memory_space<hbm>> -> memref<80x128xi32, #tpu.memory_space<hbm>>
      %dma_start3A_95 = arith.constant 0 : i32
      %dma_start3A_96 = arith.constant 0 : i32
      %dma_start3A_97 = tpu.memref_slice %arg2[%arg1, %dma_start3A_95, %dma_start3A_96] : memref<16x80x128xi32, #tpu.memory_space<hbm>> -> memref<1x80x128xi32, #tpu.memory_space<hbm>>
      %dma_start3A_98 = tpu.memref_squeeze %dma_start3A_97 : memref<1x80x128xi32, #tpu.memory_space<hbm>> -> memref<80x128xi32, #tpu.memory_space<hbm>>
      tpu.enqueue_dma source(%dma_start3A_98 : memref<80x128xi32, #tpu.memory_space<hbm>>) target(%arg10 : memref<80x128xi32, #tpu.memory_space<vmem>>) target_semaphore(%run_scoped3A_90 : memref<!tpu.dma_semaphore, #tpu.memory_space<semaphore_mem>>)
      %dma_wait3A_99 = arith.constant 0 : i32
      %dma_wait3A_100 = arith.constant 0 : i32
      %dma_wait3A_101 = tpu.memref_slice %arg2[%arg1, %dma_wait3A_99, %dma_wait3A_100] : memref<16x80x128xi32, #tpu.memory_space<hbm>> -> memref<1x80x128xi32, #tpu.memory_space<hbm>>
      %dma_wait3A_102 = tpu.memref_squeeze %dma_wait3A_101 : memref<1x80x128xi32, #tpu.memory_space<hbm>> -> memref<80x128xi32, #tpu.memory_space<hbm>>
      %dma_wait3A_103 = arith.constant 0 : i32
      %dma_wait3A_104 = arith.constant 0 : i32
      %dma_wait3A_105 = tpu.memref_slice %arg2[%arg1, %dma_wait3A_103, %dma_wait3A_104] : memref<16x80x128xi32, #tpu.memory_space<hbm>> -> memref<1x80x128xi32, #tpu.memory_space<hbm>>
      %dma_wait3A_106 = tpu.memref_squeeze %dma_wait3A_105 : memref<1x80x128xi32, #tpu.memory_space<hbm>> -> memref<80x128xi32, #tpu.memory_space<hbm>>
      tpu.wait_dma2 semaphore(%run_scoped3A_90 : memref<!tpu.dma_semaphore, #tpu.memory_space<semaphore_mem>>) src(%dma_wait3A_106 : memref<80x128xi32, #tpu.memory_space<hbm>>) dst(%arg10 : memref<80x128xi32, #tpu.memory_space<vmem>>)
      tpu.yield
    }) : () -> ()
    "tpu.region"() ({
      %run_scoped3A_90 = tpu.sem_alloc : memref<!tpu.dma_semaphore, #tpu.memory_space<semaphore_mem>>
      %dma_start3A_91 = arith.constant 0 : i32
      %dma_start3A_92 = arith.constant 0 : i32
      %dma_start3A_93 = tpu.memref_slice %arg3[%arg1, %dma_start3A_91, %dma_start3A_92] : memref<16x80x128xi32, #tpu.memory_space<hbm>> -> memref<1x80x128xi32, #tpu.memory_space<hbm>>
      %dma_start3A_94 = tpu.memref_squeeze %dma_start3A_93 : memref<1x80x128xi32, #tpu.memory_space<hbm>> -> memref<80x128xi32, #tpu.memory_space<hbm>>
      %dma_start3A_95 = arith.constant 0 : i32
      %dma_start3A_96 = arith.constant 0 : i32
      %dma_start3A_97 = tpu.memref_slice %arg3[%arg1, %dma_start3A_95, %dma_start3A_96] : memref<16x80x128xi32, #tpu.memory_space<hbm>> -> memref<1x80x128xi32, #tpu.memory_space<hbm>>
      %dma_start3A_98 = tpu.memref_squeeze %dma_start3A_97 : memref<1x80x128xi32, #tpu.memory_space<hbm>> -> memref<80x128xi32, #tpu.memory_space<hbm>>
      tpu.enqueue_dma source(%dma_start3A_98 : memref<80x128xi32, #tpu.memory_space<hbm>>) target(%arg11 : memref<80x128xi32, #tpu.memory_space<vmem>>) target_semaphore(%run_scoped3A_90 : memref<!tpu.dma_semaphore, #tpu.memory_space<semaphore_mem>>)
      %dma_wait3A_99 = arith.constant 0 : i32
      %dma_wait3A_100 = arith.constant 0 : i32
      %dma_wait3A_101 = tpu.memref_slice %arg3[%arg1, %dma_wait3A_99, %dma_wait3A_100] : memref<16x80x128xi32, #tpu.memory_space<hbm>> -> memref<1x80x128xi32, #tpu.memory_space<hbm>>
      %dma_wait3A_102 = tpu.memref_squeeze %dma_wait3A_101 : memref<1x80x128xi32, #tpu.memory_space<hbm>> -> memref<80x128xi32, #tpu.memory_space<hbm>>
      %dma_wait3A_103 = arith.constant 0 : i32
      %dma_wait3A_104 = arith.constant 0 : i32
      %dma_wait3A_105 = tpu.memref_slice %arg3[%arg1, %dma_wait3A_103, %dma_wait3A_104] : memref<16x80x128xi32, #tpu.memory_space<hbm>> -> memref<1x80x128xi32, #tpu.memory_space<hbm>>
      %dma_wait3A_106 = tpu.memref_squeeze %dma_wait3A_105 : memref<1x80x128xi32, #tpu.memory_space<hbm>> -> memref<80x128xi32, #tpu.memory_space<hbm>>
      tpu.wait_dma2 semaphore(%run_scoped3A_90 : memref<!tpu.dma_semaphore, #tpu.memory_space<semaphore_mem>>) src(%dma_wait3A_106 : memref<80x128xi32, #tpu.memory_space<hbm>>) dst(%arg11 : memref<80x128xi32, #tpu.memory_space<vmem>>)
      tpu.yield
    }) : () -> ()
    "tpu.region"() ({
      %run_scoped3A_90 = tpu.sem_alloc : memref<!tpu.dma_semaphore, #tpu.memory_space<semaphore_mem>>
      %dma_start3A_91 = arith.constant 0 : i32
      %dma_start3A_92 = arith.constant 0 : i32
      %dma_start3A_93 = tpu.memref_slice %arg4[%arg1, %dma_start3A_91, %dma_start3A_92] : memref<16x80x128xf32, #tpu.memory_space<hbm>> -> memref<1x80x128xf32, #tpu.memory_space<hbm>>
      %dma_start3A_94 = tpu.memref_squeeze %dma_start3A_93 : memref<1x80x128xf32, #tpu.memory_space<hbm>> -> memref<80x128xf32, #tpu.memory_space<hbm>>
      %dma_start3A_95 = arith.constant 0 : i32
      %dma_start3A_96 = arith.constant 0 : i32
      %dma_start3A_97 = tpu.memref_slice %arg4[%arg1, %dma_start3A_95, %dma_start3A_96] : memref<16x80x128xf32, #tpu.memory_space<hbm>> -> memref<1x80x128xf32, #tpu.memory_space<hbm>>
      %dma_start3A_98 = tpu.memref_squeeze %dma_start3A_97 : memref<1x80x128xf32, #tpu.memory_space<hbm>> -> memref<80x128xf32, #tpu.memory_space<hbm>>
      tpu.enqueue_dma source(%dma_start3A_98 : memref<80x128xf32, #tpu.memory_space<hbm>>) target(%arg12 : memref<80x128xf32, #tpu.memory_space<vmem>>) target_semaphore(%run_scoped3A_90 : memref<!tpu.dma_semaphore, #tpu.memory_space<semaphore_mem>>)
      %dma_wait3A_99 = arith.constant 0 : i32
      %dma_wait3A_100 = arith.constant 0 : i32
      %dma_wait3A_101 = tpu.memref_slice %arg4[%arg1, %dma_wait3A_99, %dma_wait3A_100] : memref<16x80x128xf32, #tpu.memory_space<hbm>> -> memref<1x80x128xf32, #tpu.memory_space<hbm>>
      %dma_wait3A_102 = tpu.memref_squeeze %dma_wait3A_101 : memref<1x80x128xf32, #tpu.memory_space<hbm>> -> memref<80x128xf32, #tpu.memory_space<hbm>>
      %dma_wait3A_103 = arith.constant 0 : i32
      %dma_wait3A_104 = arith.constant 0 : i32
      %dma_wait3A_105 = tpu.memref_slice %arg4[%arg1, %dma_wait3A_103, %dma_wait3A_104] : memref<16x80x128xf32, #tpu.memory_space<hbm>> -> memref<1x80x128xf32, #tpu.memory_space<hbm>>
      %dma_wait3A_106 = tpu.memref_squeeze %dma_wait3A_105 : memref<1x80x128xf32, #tpu.memory_space<hbm>> -> memref<80x128xf32, #tpu.memory_space<hbm>>
      tpu.wait_dma2 semaphore(%run_scoped3A_90 : memref<!tpu.dma_semaphore, #tpu.memory_space<semaphore_mem>>) src(%dma_wait3A_106 : memref<80x128xf32, #tpu.memory_space<hbm>>) dst(%arg12 : memref<80x128xf32, #tpu.memory_space<vmem>>)
      tpu.yield
    }) : () -> ()
    %scan3A = arith.constant 0 : i32
    %scan3A_1 = arith.constant 0 : i32
    %scan3A_2 = arith.constant 320 : i32
    %scan3A_3 = arith.addi %scan3A_1, %scan3A_2 : i32
    %scan3A_4 = arith.constant 1 : i32
    scf.for %scan3A_90 = %scan3A_1 to %scan3A_3 step %scan3A_4  : i32 {
      %broadcast_in_dim3A = arith.constant 0.000000e+00 : f32
      %broadcast_in_dim3A_91 = vector.broadcast %broadcast_in_dim3A : f32 to vector<16xf32>
      %mul3A_92 = arith.constant 16 : i32
      %mul3A_93 = arith.muli %scan3A_90, %mul3A_92 : i32
      %swap3A = arith.index_cast %mul3A_93 : i32 to index
      %swap3A_94 = tpu.vector_load %arg15[%swap3A] {strides = array<i32>} : memref<5120xf32, #tpu.memory_space<vmem>>, vector<16xf32>,
      tpu.vector_store %arg15[%swap3A], %broadcast_in_dim3A_91 {strides = array<i32>} : memref<5120xf32, #tpu.memory_space<vmem>>, vector<16xf32>,
    }
    %scan3A_5 = arith.constant 320 : i32
    %scan3A_6 = arith.constant 0 : i32
    %scan3A_7 = arith.constant 0 : i32
    %scan3A_8 = arith.constant 80 : i32
    %scan3A_9 = arith.addi %scan3A_7, %scan3A_8 : i32
    %scan3A_10 = arith.constant 1 : i32
    scf.for %scan3A_90 = %scan3A_7 to %scan3A_9 step %scan3A_10  : i32 {
      %scan3A_91 = arith.constant 0 : i32
      %scan3A_92 = arith.constant 0 : i32
      %scan3A_93 = arith.constant 8 : i32
      %scan3A_94 = arith.addi %scan3A_92, %scan3A_93 : i32
      %scan3A_95 = arith.constant 1 : i32
      scf.for %scan3A_97 = %scan3A_92 to %scan3A_94 step %scan3A_95  : i32 {
        %mul3A_98 = arith.constant 16 : i32
        %mul3A_99 = arith.muli %scan3A_97, %mul3A_98 : i32
        %get3A = arith.index_cast %scan3A_90 : i32 to index
        %get3A_100 = arith.index_cast %mul3A_99 : i32 to index
        %get3A_101 = tpu.vector_load %arg10[%get3A, %get3A_100] {strides = array<i32>} : memref<80x128xi32, #tpu.memory_space<vmem>>, vector<16xi32>,
        %get3A_102 = arith.index_cast %scan3A_90 : i32 to index
        %get3A_103 = arith.index_cast %mul3A_99 : i32 to index
        %get3A_104 = tpu.vector_load %arg12[%get3A_102, %get3A_103] {strides = array<i32>} : memref<80x128xf32, #tpu.memory_space<vmem>>, vector<16xf32>,
        %gather3A = tpu.vector_load_idx %arg13[%get3A_101] : memref<5120xf32, #tpu.memory_space<vmem>>[vector<16xi32>], vector<16xf32>,
        %mul3A_105 = arith.mulf %get3A_104, %gather3A : vector<16xf32>
        %swap3A = arith.index_cast %scan3A_90 : i32 to index
        %swap3A_106 = arith.index_cast %mul3A_99 : i32 to index
        %swap3A_107 = tpu.vector_load %arg12[%swap3A, %swap3A_106] {strides = array<i32>} : memref<80x128xf32, #tpu.memory_space<vmem>>, vector<16xf32>,
        tpu.vector_store %arg12[%swap3A, %swap3A_106], %mul3A_105 {strides = array<i32>} : memref<80x128xf32, #tpu.memory_space<vmem>>, vector<16xf32>,
        %gather3A_108 = tpu.vector_load_idx %arg14[%get3A_101] : memref<5120xf32, #tpu.memory_space<vmem>>[vector<16xi32>], vector<16xf32>,
        %get3A_109 = arith.index_cast %scan3A_90 : i32 to index
        %get3A_110 = arith.index_cast %mul3A_99 : i32 to index
        %get3A_111 = tpu.vector_load %arg11[%get3A_109, %get3A_110] {strides = array<i32>} : memref<80x128xi32, #tpu.memory_space<vmem>>, vector<16xi32>,
        %mul3A_112 = arith.mulf %mul3A_105, %gather3A_108 : vector<16xf32>
        tpu.vector_store_idx %arg15[%get3A_111], %mul3A_112 {add = true} : memref<5120xf32, #tpu.memory_space<vmem>>[vector<16xi32>], vector<16xf32>,
      }
      %scan3A_96 = arith.constant 8 : i32
    }
    %scan3A_11 = arith.constant 80 : i32
    %eq3A = arith.constant 0 : i32
    %eq3A_12 = arith.cmpi eq, %arg0, %eq3A : i32
    %convert_element_type3A = arith.extui %eq3A_12 : i1 to i32
    %cond3A = arith.constant 0 : i32
    %cond3A_13 = arith.cmpi ne, %convert_element_type3A, %cond3A : i32
    scf.if %cond3A_13 {
      "tpu.region"() ({
        %run_scoped3A_90 = tpu.sem_alloc : memref<!tpu.dma_semaphore, #tpu.memory_space<semaphore_mem>>
        %dma_start3A_91 = arith.constant 0 : i32
        %dma_start3A_92 = tpu.memref_slice %arg9[%arg1, %dma_start3A_91] : memref<16x5120xf32, #tpu.memory_space<hbm>> -> memref<1x5120xf32, #tpu.memory_space<hbm>>
        %dma_start3A_93 = tpu.memref_squeeze %dma_start3A_92 : memref<1x5120xf32, #tpu.memory_space<hbm>> -> memref<5120xf32, #tpu.memory_space<hbm>>
        %dma_start3A_94 = arith.constant 0 : i32
        %dma_start3A_95 = tpu.memref_slice %arg9[%arg1, %dma_start3A_94] : memref<16x5120xf32, #tpu.memory_space<hbm>> -> memref<1x5120xf32, #tpu.memory_space<hbm>>
        %dma_start3A_96 = tpu.memref_squeeze %dma_start3A_95 : memref<1x5120xf32, #tpu.memory_space<hbm>> -> memref<5120xf32, #tpu.memory_space<hbm>>
        tpu.enqueue_dma source(%arg15 : memref<5120xf32, #tpu.memory_space<vmem>>) target(%dma_start3A_96 : memref<5120xf32, #tpu.memory_space<hbm>>) target_semaphore(%run_scoped3A_90 : memref<!tpu.dma_semaphore, #tpu.memory_space<semaphore_mem>>)
        %dma_wait3A_97 = arith.constant 0 : i32
        %dma_wait3A_98 = tpu.memref_slice %arg9[%arg1, %dma_wait3A_97] : memref<16x5120xf32, #tpu.memory_space<hbm>> -> memref<1x5120xf32, #tpu.memory_space<hbm>>
        %dma_wait3A_99 = tpu.memref_squeeze %dma_wait3A_98 : memref<1x5120xf32, #tpu.memory_space<hbm>> -> memref<5120xf32, #tpu.memory_space<hbm>>
        %dma_wait3A_100 = arith.constant 0 : i32
        %dma_wait3A_101 = tpu.memref_slice %arg9[%arg1, %dma_wait3A_100] : memref<16x5120xf32, #tpu.memory_space<hbm>> -> memref<1x5120xf32, #tpu.memory_space<hbm>>
        %dma_wait3A_102 = tpu.memref_squeeze %dma_wait3A_101 : memref<1x5120xf32, #tpu.memory_space<hbm>> -> memref<5120xf32, #tpu.memory_space<hbm>>
        tpu.wait_dma2 semaphore(%run_scoped3A_90 : memref<!tpu.dma_semaphore, #tpu.memory_space<semaphore_mem>>) src(%arg15 : memref<5120xf32, #tpu.memory_space<vmem>>) dst(%dma_wait3A_102 : memref<5120xf32, #tpu.memory_space<hbm>>)
        tpu.yield
      }) : () -> ()
    } else {
    }
    %scan3A_14 = arith.constant 0 : i32
    %scan3A_15 = arith.constant 0 : i32
    %scan3A_16 = arith.constant 128 : i32
    %scan3A_17 = arith.addi %scan3A_15, %scan3A_16 : i32
    %scan3A_18 = arith.constant 1 : i32
    scf.for %scan3A_90 = %scan3A_15 to %scan3A_17 step %scan3A_18  : i32 {
      %broadcast_in_dim3A = arith.constant 0.000000e+00 : f32
      %broadcast_in_dim3A_91 = vector.broadcast %broadcast_in_dim3A : f32 to vector<16xf32>
      %swap3A = arith.constant 0 : i32
      %swap3A_92 = arith.index_cast %swap3A : i32 to index
      %swap3A_93 = arith.index_cast %scan3A_90 : i32 to index
      %swap3A_94 = arith.constant 0 : index
      %swap3A_95 = tpu.vector_load %arg16[%swap3A_92, %swap3A_93, %swap3A_94] {strides = array<i32>} : memref<5x128x64xf32, #tpu.memory_space<vmem>>, vector<16xf32>,
      tpu.vector_store %arg16[%swap3A_92, %swap3A_93, %swap3A_94], %broadcast_in_dim3A_91 {strides = array<i32>} : memref<5x128x64xf32, #tpu.memory_space<vmem>>, vector<16xf32>,
      %broadcast_in_dim3A_96 = arith.constant 0.000000e+00 : f32
      %broadcast_in_dim3A_97 = vector.broadcast %broadcast_in_dim3A_96 : f32 to vector<16xf32>
      %swap3A_98 = arith.constant 0 : i32
      %swap3A_99 = arith.index_cast %swap3A_98 : i32 to index
      %swap3A_100 = arith.index_cast %scan3A_90 : i32 to index
      %swap3A_101 = arith.constant 16 : index
      %swap3A_102 = tpu.vector_load %arg16[%swap3A_99, %swap3A_100, %swap3A_101] {strides = array<i32>} : memref<5x128x64xf32, #tpu.memory_space<vmem>>, vector<16xf32>,
      tpu.vector_store %arg16[%swap3A_99, %swap3A_100, %swap3A_101], %broadcast_in_dim3A_97 {strides = array<i32>} : memref<5x128x64xf32, #tpu.memory_space<vmem>>, vector<16xf32>,
      %broadcast_in_dim3A_103 = arith.constant 0.000000e+00 : f32
      %broadcast_in_dim3A_104 = vector.broadcast %broadcast_in_dim3A_103 : f32 to vector<16xf32>
      %swap3A_105 = arith.constant 0 : i32
      %swap3A_106 = arith.index_cast %swap3A_105 : i32 to index
      %swap3A_107 = arith.index_cast %scan3A_90 : i32 to index
      %swap3A_108 = arith.constant 32 : index
      %swap3A_109 = tpu.vector_load %arg16[%swap3A_106, %swap3A_107, %swap3A_108] {strides = array<i32>} : memref<5x128x64xf32, #tpu.memory_space<vmem>>, vector<16xf32>,
      tpu.vector_store %arg16[%swap3A_106, %swap3A_107, %swap3A_108], %broadcast_in_dim3A_104 {strides = array<i32>} : memref<5x128x64xf32, #tpu.memory_space<vmem>>, vector<16xf32>,
      %broadcast_in_dim3A_110 = arith.constant 0.000000e+00 : f32
      %broadcast_in_dim3A_111 = vector.broadcast %broadcast_in_dim3A_110 : f32 to vector<16xf32>
      %swap3A_112 = arith.constant 0 : i32
      %swap3A_113 = arith.index_cast %swap3A_112 : i32 to index
      %swap3A_114 = arith.index_cast %scan3A_90 : i32 to index
      %swap3A_115 = arith.constant 48 : index
      %swap3A_116 = tpu.vector_load %arg16[%swap3A_113, %swap3A_114, %swap3A_115] {strides = array<i32>} : memref<5x128x64xf32, #tpu.memory_space<vmem>>, vector<16xf32>,
      tpu.vector_store %arg16[%swap3A_113, %swap3A_114, %swap3A_115], %broadcast_in_dim3A_111 {strides = array<i32>} : memref<5x128x64xf32, #tpu.memory_space<vmem>>, vector<16xf32>,
    }
    %scan3A_19 = arith.constant 128 : i32
    %run_scoped3A = arith.constant 0 : i32
    "tpu.region"() ({
      %run_scoped3A_90 = tpu.sem_alloc : memref<!tpu.dma_semaphore, #tpu.memory_space<semaphore_mem>>
      %dma_start3A_91 = arith.constant 0 : i32
      %dma_start3A_92 = arith.constant 0 : i32
      %dma_start3A_93 = tpu.memref_slice %arg16[%run_scoped3A, %dma_start3A_91, %dma_start3A_92] : memref<5x128x64xf32, #tpu.memory_space<vmem>> -> memref<1x128x64xf32, #tpu.memory_space<vmem>>
      %dma_start3A_94 = tpu.memref_squeeze %dma_start3A_93 : memref<1x128x64xf32, #tpu.memory_space<vmem>> -> memref<128x64xf32, #tpu.memory_space<vmem>>
      %dma_start3A_95 = arith.constant 0 : i32
      %dma_start3A_96 = tpu.memref_slice %arg17[%mul3A_0, %dma_start3A_95] : memref<5120x64xf32, #tpu.memory_space<vmem_shared>> -> memref<128x64xf32, #tpu.memory_space<vmem_shared>>
      %dma_start3A_97 = arith.constant 0 : i32
      %dma_start3A_98 = tpu.memref_slice %arg17[%mul3A_0, %dma_start3A_97] : memref<5120x64xf32, #tpu.memory_space<vmem_shared>> -> memref<128x64xf32, #tpu.memory_space<vmem_shared>>
      %dma_start3A_99 = arith.constant 0 : i32
      %dma_start3A_100 = arith.constant 0 : i32
      %dma_start3A_101 = tpu.memref_slice %arg16[%run_scoped3A, %dma_start3A_99, %dma_start3A_100] : memref<5x128x64xf32, #tpu.memory_space<vmem>> -> memref<1x128x64xf32, #tpu.memory_space<vmem>>
      %dma_start3A_102 = tpu.memref_squeeze %dma_start3A_101 : memref<1x128x64xf32, #tpu.memory_space<vmem>> -> memref<128x64xf32, #tpu.memory_space<vmem>>
      tpu.enqueue_dma source(%dma_start3A_102 : memref<128x64xf32, #tpu.memory_space<vmem>>) target(%dma_start3A_98 : memref<128x64xf32, #tpu.memory_space<vmem_shared>>) target_semaphore(%run_scoped3A_90 : memref<!tpu.dma_semaphore, #tpu.memory_space<semaphore_mem>>)
      %dma_wait3A_103 = arith.constant 0 : i32
      %dma_wait3A_104 = arith.constant 0 : i32
      %dma_wait3A_105 = tpu.memref_slice %arg16[%run_scoped3A, %dma_wait3A_103, %dma_wait3A_104] : memref<5x128x64xf32, #tpu.memory_space<vmem>> -> memref<1x128x64xf32, #tpu.memory_space<vmem>>
      %dma_wait3A_106 = tpu.memref_squeeze %dma_wait3A_105 : memref<1x128x64xf32, #tpu.memory_space<vmem>> -> memref<128x64xf32, #tpu.memory_space<vmem>>
      %dma_wait3A_107 = arith.constant 0 : i32
      %dma_wait3A_108 = tpu.memref_slice %arg17[%mul3A_0, %dma_wait3A_107] : memref<5120x64xf32, #tpu.memory_space<vmem_shared>> -> memref<128x64xf32, #tpu.memory_space<vmem_shared>>
      %dma_wait3A_109 = arith.constant 0 : i32
      %dma_wait3A_110 = tpu.memref_slice %arg17[%mul3A_0, %dma_wait3A_109] : memref<5120x64xf32, #tpu.memory_space<vmem_shared>> -> memref<128x64xf32, #tpu.memory_space<vmem_shared>>
      %dma_wait3A_111 = arith.constant 0 : i32
      %dma_wait3A_112 = arith.constant 0 : i32
      %dma_wait3A_113 = tpu.memref_slice %arg16[%run_scoped3A, %dma_wait3A_111, %dma_wait3A_112] : memref<5x128x64xf32, #tpu.memory_space<vmem>> -> memref<1x128x64xf32, #tpu.memory_space<vmem>>
      %dma_wait3A_114 = tpu.memref_squeeze %dma_wait3A_113 : memref<1x128x64xf32, #tpu.memory_space<vmem>> -> memref<128x64xf32, #tpu.memory_space<vmem>>
      tpu.wait_dma2 semaphore(%run_scoped3A_90 : memref<!tpu.dma_semaphore, #tpu.memory_space<semaphore_mem>>) src(%dma_wait3A_114 : memref<128x64xf32, #tpu.memory_space<vmem>>) dst(%dma_wait3A_110 : memref<128x64xf32, #tpu.memory_space<vmem_shared>>)
      tpu.yield
    }) : () -> ()
    %add3A = arith.constant 128 : i32
    %add3A_20 = arith.addi %mul3A_0, %add3A : i32
    %run_scoped3A_21 = arith.constant 0 : i32
    "tpu.region"() ({
      %run_scoped3A_90 = tpu.sem_alloc : memref<!tpu.dma_semaphore, #tpu.memory_space<semaphore_mem>>
      %dma_start3A_91 = arith.constant 0 : i32
      %dma_start3A_92 = arith.constant 0 : i32
      %dma_start3A_93 = tpu.memref_slice %arg16[%run_scoped3A_21, %dma_start3A_91, %dma_start3A_92] : memref<5x128x64xf32, #tpu.memory_space<vmem>> -> memref<1x128x64xf32, #tpu.memory_space<vmem>>
      %dma_start3A_94 = tpu.memref_squeeze %dma_start3A_93 : memref<1x128x64xf32, #tpu.memory_space<vmem>> -> memref<128x64xf32, #tpu.memory_space<vmem>>
      %dma_start3A_95 = arith.constant 0 : i32
      %dma_start3A_96 = tpu.memref_slice %arg17[%add3A_20, %dma_start3A_95] : memref<5120x64xf32, #tpu.memory_space<vmem_shared>> -> memref<128x64xf32, #tpu.memory_space<vmem_shared>>
      %dma_start3A_97 = arith.constant 0 : i32
      %dma_start3A_98 = tpu.memref_slice %arg17[%add3A_20, %dma_start3A_97] : memref<5120x64xf32, #tpu.memory_space<vmem_shared>> -> memref<128x64xf32, #tpu.memory_space<vmem_shared>>
      %dma_start3A_99 = arith.constant 0 : i32
      %dma_start3A_100 = arith.constant 0 : i32
      %dma_start3A_101 = tpu.memref_slice %arg16[%run_scoped3A_21, %dma_start3A_99, %dma_start3A_100] : memref<5x128x64xf32, #tpu.memory_space<vmem>> -> memref<1x128x64xf32, #tpu.memory_space<vmem>>
      %dma_start3A_102 = tpu.memref_squeeze %dma_start3A_101 : memref<1x128x64xf32, #tpu.memory_space<vmem>> -> memref<128x64xf32, #tpu.memory_space<vmem>>
      tpu.enqueue_dma source(%dma_start3A_102 : memref<128x64xf32, #tpu.memory_space<vmem>>) target(%dma_start3A_98 : memref<128x64xf32, #tpu.memory_space<vmem_shared>>) target_semaphore(%run_scoped3A_90 : memref<!tpu.dma_semaphore, #tpu.memory_space<semaphore_mem>>)
      %dma_wait3A_103 = arith.constant 0 : i32
      %dma_wait3A_104 = arith.constant 0 : i32
      %dma_wait3A_105 = tpu.memref_slice %arg16[%run_scoped3A_21, %dma_wait3A_103, %dma_wait3A_104] : memref<5x128x64xf32, #tpu.memory_space<vmem>> -> memref<1x128x64xf32, #tpu.memory_space<vmem>>
      %dma_wait3A_106 = tpu.memref_squeeze %dma_wait3A_105 : memref<1x128x64xf32, #tpu.memory_space<vmem>> -> memref<128x64xf32, #tpu.memory_space<vmem>>
      %dma_wait3A_107 = arith.constant 0 : i32
      %dma_wait3A_108 = tpu.memref_slice %arg17[%add3A_20, %dma_wait3A_107] : memref<5120x64xf32, #tpu.memory_space<vmem_shared>> -> memref<128x64xf32, #tpu.memory_space<vmem_shared>>
      %dma_wait3A_109 = arith.constant 0 : i32
      %dma_wait3A_110 = tpu.memref_slice %arg17[%add3A_20, %dma_wait3A_109] : memref<5120x64xf32, #tpu.memory_space<vmem_shared>> -> memref<128x64xf32, #tpu.memory_space<vmem_shared>>
      %dma_wait3A_111 = arith.constant 0 : i32
      %dma_wait3A_112 = arith.constant 0 : i32
      %dma_wait3A_113 = tpu.memref_slice %arg16[%run_scoped3A_21, %dma_wait3A_111, %dma_wait3A_112] : memref<5x128x64xf32, #tpu.memory_space<vmem>> -> memref<1x128x64xf32, #tpu.memory_space<vmem>>
      %dma_wait3A_114 = tpu.memref_squeeze %dma_wait3A_113 : memref<1x128x64xf32, #tpu.memory_space<vmem>> -> memref<128x64xf32, #tpu.memory_space<vmem>>
      tpu.wait_dma2 semaphore(%run_scoped3A_90 : memref<!tpu.dma_semaphore, #tpu.memory_space<semaphore_mem>>) src(%dma_wait3A_114 : memref<128x64xf32, #tpu.memory_space<vmem>>) dst(%dma_wait3A_110 : memref<128x64xf32, #tpu.memory_space<vmem_shared>>)
      tpu.yield
    }) : () -> ()
    %add3A_22 = arith.constant 256 : i32
    %add3A_23 = arith.addi %mul3A_0, %add3A_22 : i32
    %run_scoped3A_24 = arith.constant 0 : i32
    "tpu.region"() ({
      %run_scoped3A_90 = tpu.sem_alloc : memref<!tpu.dma_semaphore, #tpu.memory_space<semaphore_mem>>
      %dma_start3A_91 = arith.constant 0 : i32
      %dma_start3A_92 = arith.constant 0 : i32
      %dma_start3A_93 = tpu.memref_slice %arg16[%run_scoped3A_24, %dma_start3A_91, %dma_start3A_92] : memref<5x128x64xf32, #tpu.memory_space<vmem>> -> memref<1x64x64xf32, #tpu.memory_space<vmem>>
      %dma_start3A_94 = tpu.memref_squeeze %dma_start3A_93 : memref<1x64x64xf32, #tpu.memory_space<vmem>> -> memref<64x64xf32, #tpu.memory_space<vmem>>
      %dma_start3A_95 = arith.constant 0 : i32
      %dma_start3A_96 = tpu.memref_slice %arg17[%add3A_23, %dma_start3A_95] : memref<5120x64xf32, #tpu.memory_space<vmem_shared>> -> memref<64x64xf32, #tpu.memory_space<vmem_shared>>
      %dma_start3A_97 = arith.constant 0 : i32
      %dma_start3A_98 = tpu.memref_slice %arg17[%add3A_23, %dma_start3A_97] : memref<5120x64xf32, #tpu.memory_space<vmem_shared>> -> memref<64x64xf32, #tpu.memory_space<vmem_shared>>
      %dma_start3A_99 = arith.constant 0 : i32
      %dma_start3A_100 = arith.constant 0 : i32
      %dma_start3A_101 = tpu.memref_slice %arg16[%run_scoped3A_24, %dma_start3A_99, %dma_start3A_100] : memref<5x128x64xf32, #tpu.memory_space<vmem>> -> memref<1x64x64xf32, #tpu.memory_space<vmem>>
      %dma_start3A_102 = tpu.memref_squeeze %dma_start3A_101 : memref<1x64x64xf32, #tpu.memory_space<vmem>> -> memref<64x64xf32, #tpu.memory_space<vmem>>
      tpu.enqueue_dma source(%dma_start3A_102 : memref<64x64xf32, #tpu.memory_space<vmem>>) target(%dma_start3A_98 : memref<64x64xf32, #tpu.memory_space<vmem_shared>>) target_semaphore(%run_scoped3A_90 : memref<!tpu.dma_semaphore, #tpu.memory_space<semaphore_mem>>)
      %dma_wait3A_103 = arith.constant 0 : i32
      %dma_wait3A_104 = arith.constant 0 : i32
      %dma_wait3A_105 = tpu.memref_slice %arg16[%run_scoped3A_24, %dma_wait3A_103, %dma_wait3A_104] : memref<5x128x64xf32, #tpu.memory_space<vmem>> -> memref<1x64x64xf32, #tpu.memory_space<vmem>>
      %dma_wait3A_106 = tpu.memref_squeeze %dma_wait3A_105 : memref<1x64x64xf32, #tpu.memory_space<vmem>> -> memref<64x64xf32, #tpu.memory_space<vmem>>
      %dma_wait3A_107 = arith.constant 0 : i32
      %dma_wait3A_108 = tpu.memref_slice %arg17[%add3A_23, %dma_wait3A_107] : memref<5120x64xf32, #tpu.memory_space<vmem_shared>> -> memref<64x64xf32, #tpu.memory_space<vmem_shared>>
      %dma_wait3A_109 = arith.constant 0 : i32
      %dma_wait3A_110 = tpu.memref_slice %arg17[%add3A_23, %dma_wait3A_109] : memref<5120x64xf32, #tpu.memory_space<vmem_shared>> -> memref<64x64xf32, #tpu.memory_space<vmem_shared>>
      %dma_wait3A_111 = arith.constant 0 : i32
      %dma_wait3A_112 = arith.constant 0 : i32
      %dma_wait3A_113 = tpu.memref_slice %arg16[%run_scoped3A_24, %dma_wait3A_111, %dma_wait3A_112] : memref<5x128x64xf32, #tpu.memory_space<vmem>> -> memref<1x64x64xf32, #tpu.memory_space<vmem>>
      %dma_wait3A_114 = tpu.memref_squeeze %dma_wait3A_113 : memref<1x64x64xf32, #tpu.memory_space<vmem>> -> memref<64x64xf32, #tpu.memory_space<vmem>>
      tpu.wait_dma2 semaphore(%run_scoped3A_90 : memref<!tpu.dma_semaphore, #tpu.memory_space<semaphore_mem>>) src(%dma_wait3A_114 : memref<64x64xf32, #tpu.memory_space<vmem>>) dst(%dma_wait3A_110 : memref<64x64xf32, #tpu.memory_space<vmem_shared>>)
      tpu.yield
    }) : () -> ()
    %barrier3A = arith.constant 0 : index
    tpu.barrier barrier_id(%barrier3A)
    %dma_start3A = arith.constant 0 : i32
    %dma_start3A_25 = arith.constant 0 : i32
    %dma_start3A_26 = arith.constant 0 : i32
    %dma_start3A_27 = arith.constant 0 : i32
    %dma_start3A_28 = tpu.memref_slice %arg16[%dma_start3A_25, %dma_start3A_26, %dma_start3A_27] : memref<5x128x64xf32, #tpu.memory_space<vmem>> -> memref<1x128x64xf32, #tpu.memory_space<vmem>>
    %dma_start3A_29 = tpu.memref_squeeze %dma_start3A_28 : memref<1x128x64xf32, #tpu.memory_space<vmem>> -> memref<128x64xf32, #tpu.memory_space<vmem>>
    %dma_start3A_30 = arith.constant 0 : i32
    %dma_start3A_31 = tpu.memref_slice %arg10[%dma_start3A, %dma_start3A_30] : memref<80x128xi32, #tpu.memory_space<vmem>> -> memref<1x128xi32, #tpu.memory_space<vmem>>
    %dma_start3A_32 = tpu.memref_squeeze %dma_start3A_31 : memref<1x128xi32, #tpu.memory_space<vmem>> -> memref<128xi32, #tpu.memory_space<vmem>>
    %dma_start3A_33 = arith.constant 0 : i32
    %dma_start3A_34 = arith.constant 0 : i32
    %dma_start3A_35 = tpu.memref_slice %arg18[%dma_start3A_33, %dma_start3A_34] : memref<5120x64xf32, #tpu.memory_space<vmem_shared>> -> memref<5120x64xf32, #tpu.memory_space<vmem_shared>>
    tpu.enqueue_indirect_dma source(%dma_start3A_35 : memref<5120x64xf32, #tpu.memory_space<vmem_shared>>) target(%dma_start3A_29 : memref<128x64xf32, #tpu.memory_space<vmem>>) offsets(%dma_start3A_32 : memref<128xi32, #tpu.memory_space<vmem>>) semaphore(%arg19 : memref<!tpu.dma_semaphore, #tpu.memory_space<semaphore_mem>>)
    %dma_start3A_36 = arith.constant 1 : i32
    %dma_start3A_37 = arith.constant 1 : i32
    %dma_start3A_38 = arith.constant 0 : i32
    %dma_start3A_39 = arith.constant 0 : i32
    %dma_start3A_40 = tpu.memref_slice %arg16[%dma_start3A_37, %dma_start3A_38, %dma_start3A_39] : memref<5x128x64xf32, #tpu.memory_space<vmem>> -> memref<1x128x64xf32, #tpu.memory_space<vmem>>
    %dma_start3A_41 = tpu.memref_squeeze %dma_start3A_40 : memref<1x128x64xf32, #tpu.memory_space<vmem>> -> memref<128x64xf32, #tpu.memory_space<vmem>>
    %dma_start3A_42 = arith.constant 0 : i32
    %dma_start3A_43 = tpu.memref_slice %arg10[%dma_start3A_36, %dma_start3A_42] : memref<80x128xi32, #tpu.memory_space<vmem>> -> memref<1x128xi32, #tpu.memory_space<vmem>>
    %dma_start3A_44 = tpu.memref_squeeze %dma_start3A_43 : memref<1x128xi32, #tpu.memory_space<vmem>> -> memref<128xi32, #tpu.memory_space<vmem>>
    %dma_start3A_45 = arith.constant 0 : i32
    %dma_start3A_46 = arith.constant 0 : i32
    %dma_start3A_47 = tpu.memref_slice %arg18[%dma_start3A_45, %dma_start3A_46] : memref<5120x64xf32, #tpu.memory_space<vmem_shared>> -> memref<5120x64xf32, #tpu.memory_space<vmem_shared>>
    tpu.enqueue_indirect_dma source(%dma_start3A_47 : memref<5120x64xf32, #tpu.memory_space<vmem_shared>>) target(%dma_start3A_41 : memref<128x64xf32, #tpu.memory_space<vmem>>) offsets(%dma_start3A_44 : memref<128xi32, #tpu.memory_space<vmem>>) semaphore(%arg20 : memref<!tpu.dma_semaphore, #tpu.memory_space<semaphore_mem>>)
    %dma_start3A_48 = arith.constant 2 : i32
    %dma_start3A_49 = arith.constant 2 : i32
    %dma_start3A_50 = arith.constant 0 : i32
    %dma_start3A_51 = arith.constant 0 : i32
    %dma_start3A_52 = tpu.memref_slice %arg16[%dma_start3A_49, %dma_start3A_50, %dma_start3A_51] : memref<5x128x64xf32, #tpu.memory_space<vmem>> -> memref<1x128x64xf32, #tpu.memory_space<vmem>>
    %dma_start3A_53 = tpu.memref_squeeze %dma_start3A_52 : memref<1x128x64xf32, #tpu.memory_space<vmem>> -> memref<128x64xf32, #tpu.memory_space<vmem>>
    %dma_start3A_54 = arith.constant 0 : i32
    %dma_start3A_55 = tpu.memref_slice %arg10[%dma_start3A_48, %dma_start3A_54] : memref<80x128xi32, #tpu.memory_space<vmem>> -> memref<1x128xi32, #tpu.memory_space<vmem>>
    %dma_start3A_56 = tpu.memref_squeeze %dma_start3A_55 : memref<1x128xi32, #tpu.memory_space<vmem>> -> memref<128xi32, #tpu.memory_space<vmem>>
    %dma_start3A_57 = arith.constant 0 : i32
    %dma_start3A_58 = arith.constant 0 : i32
    %dma_start3A_59 = tpu.memref_slice %arg18[%dma_start3A_57, %dma_start3A_58] : memref<5120x64xf32, #tpu.memory_space<vmem_shared>> -> memref<5120x64xf32, #tpu.memory_space<vmem_shared>>
    tpu.enqueue_indirect_dma source(%dma_start3A_59 : memref<5120x64xf32, #tpu.memory_space<vmem_shared>>) target(%dma_start3A_53 : memref<128x64xf32, #tpu.memory_space<vmem>>) offsets(%dma_start3A_56 : memref<128xi32, #tpu.memory_space<vmem>>) semaphore(%arg21 : memref<!tpu.dma_semaphore, #tpu.memory_space<semaphore_mem>>)
    %dma_start3A_60 = arith.constant 3 : i32
    %dma_start3A_61 = arith.constant 3 : i32
    %dma_start3A_62 = arith.constant 0 : i32
    %dma_start3A_63 = arith.constant 0 : i32
    %dma_start3A_64 = tpu.memref_slice %arg16[%dma_start3A_61, %dma_start3A_62, %dma_start3A_63] : memref<5x128x64xf32, #tpu.memory_space<vmem>> -> memref<1x128x64xf32, #tpu.memory_space<vmem>>
    %dma_start3A_65 = tpu.memref_squeeze %dma_start3A_64 : memref<1x128x64xf32, #tpu.memory_space<vmem>> -> memref<128x64xf32, #tpu.memory_space<vmem>>
    %dma_start3A_66 = arith.constant 0 : i32
    %dma_start3A_67 = tpu.memref_slice %arg10[%dma_start3A_60, %dma_start3A_66] : memref<80x128xi32, #tpu.memory_space<vmem>> -> memref<1x128xi32, #tpu.memory_space<vmem>>
    %dma_start3A_68 = tpu.memref_squeeze %dma_start3A_67 : memref<1x128xi32, #tpu.memory_space<vmem>> -> memref<128xi32, #tpu.memory_space<vmem>>
    %dma_start3A_69 = arith.constant 0 : i32
    %dma_start3A_70 = arith.constant 0 : i32
    %dma_start3A_71 = tpu.memref_slice %arg18[%dma_start3A_69, %dma_start3A_70] : memref<5120x64xf32, #tpu.memory_space<vmem_shared>> -> memref<5120x64xf32, #tpu.memory_space<vmem_shared>>
    tpu.enqueue_indirect_dma source(%dma_start3A_71 : memref<5120x64xf32, #tpu.memory_space<vmem_shared>>) target(%dma_start3A_65 : memref<128x64xf32, #tpu.memory_space<vmem>>) offsets(%dma_start3A_68 : memref<128xi32, #tpu.memory_space<vmem>>) semaphore(%arg22 : memref<!tpu.dma_semaphore, #tpu.memory_space<semaphore_mem>>)
    %scan3A_72 = arith.constant 0 : i32
    %scan3A_73 = arith.constant 0 : i32
    %scan3A_74 = arith.constant 16 : i32
    %scan3A_75 = arith.addi %scan3A_73, %scan3A_74 : i32
    %scan3A_76 = arith.constant 1 : i32
    scf.for %scan3A_90 = %scan3A_73 to %scan3A_75 step %scan3A_76  : i32 {
      %mul3A_91 = arith.constant 5 : i32
      %mul3A_92 = arith.muli %scan3A_90, %mul3A_91 : i32
      %add3A_93 = arith.constant 0 : i32
      %add3A_94 = arith.addi %mul3A_92, %add3A_93 : i32
      %dma_wait3A_95 = arith.constant 0 : i32
      %dma_wait3A_96 = arith.constant 0 : i32
      %dma_wait3A_97 = arith.constant 0 : i32
      %dma_wait3A_98 = tpu.memref_slice %arg16[%dma_wait3A_95, %dma_wait3A_96, %dma_wait3A_97] : memref<5x128x64xf32, #tpu.memory_space<vmem>> -> memref<1x128x64xf32, #tpu.memory_space<vmem>>
      %dma_wait3A_99 = tpu.memref_squeeze %dma_wait3A_98 : memref<1x128x64xf32, #tpu.memory_space<vmem>> -> memref<128x64xf32, #tpu.memory_space<vmem>>
      %dma_wait3A_100 = arith.constant 0 : i32
      %dma_wait3A_101 = tpu.memref_slice %arg10[%add3A_94, %dma_wait3A_100] : memref<80x128xi32, #tpu.memory_space<vmem>> -> memref<1x128xi32, #tpu.memory_space<vmem>>
      %dma_wait3A_102 = tpu.memref_squeeze %dma_wait3A_101 : memref<1x128xi32, #tpu.memory_space<vmem>> -> memref<128xi32, #tpu.memory_space<vmem>>
      %dma_wait3A_103 = arith.constant 0 : i32
      %dma_wait3A_104 = arith.constant 0 : i32
      %dma_wait3A_105 = tpu.memref_slice %arg18[%dma_wait3A_103, %dma_wait3A_104] : memref<5120x64xf32, #tpu.memory_space<vmem_shared>> -> memref<5120x64xf32, #tpu.memory_space<vmem_shared>>
      tpu.wait_indirect_dma semaphore(%arg19 : memref<!tpu.dma_semaphore, #tpu.memory_space<semaphore_mem>>) src(%dma_wait3A_105 : memref<5120x64xf32, #tpu.memory_space<vmem_shared>>) dst(%dma_wait3A_99 : memref<128x64xf32, #tpu.memory_space<vmem>>)
      %broadcast_in_dim3A = vector.broadcast %add3A_94 : i32 to vector<16xi32>
      %scan3A_106 = arith.constant 0 : i32
      %scan3A_107 = arith.constant 0 : i32
      %scan3A_108 = arith.constant 128 : i32
      %scan3A_109 = arith.addi %scan3A_107, %scan3A_108 : i32
      %scan3A_110 = arith.constant 4 : i32
      scf.for %scan3A_344 = %scan3A_107 to %scan3A_109 step %scan3A_110  : i32 {
        %broadcast_in_dim3A_345 = vector.broadcast %scan3A_344 : i32 to vector<16xi32>
        %gather3A = tpu.vector_load_idx %arg12[%broadcast_in_dim3A, %broadcast_in_dim3A_345] : memref<80x128xf32, #tpu.memory_space<vmem>>[vector<16xi32>, vector<16xi32>], vector<16xf32>,
        %get3A = arith.constant 0 : i32
        %get3A_346 = arith.index_cast %get3A : i32 to index
        %get3A_347 = arith.index_cast %scan3A_344 : i32 to index
        %get3A_348 = arith.constant 0 : index
        %get3A_349 = tpu.vector_load %arg16[%get3A_346, %get3A_347, %get3A_348] {strides = array<i32>} : memref<5x128x64xf32, #tpu.memory_space<vmem>>, vector<16xf32>,
        %mul3A_350 = arith.mulf %get3A_349, %gather3A : vector<16xf32>
        %swap3A = arith.constant 0 : i32
        %swap3A_351 = arith.index_cast %swap3A : i32 to index
        %swap3A_352 = arith.index_cast %scan3A_344 : i32 to index
        %swap3A_353 = arith.constant 0 : index
        %swap3A_354 = tpu.vector_load %arg16[%swap3A_351, %swap3A_352, %swap3A_353] {strides = array<i32>} : memref<5x128x64xf32, #tpu.memory_space<vmem>>, vector<16xf32>,
        tpu.vector_store %arg16[%swap3A_351, %swap3A_352, %swap3A_353], %mul3A_350 {strides = array<i32>} : memref<5x128x64xf32, #tpu.memory_space<vmem>>, vector<16xf32>,
        %get3A_355 = arith.constant 0 : i32
        %get3A_356 = arith.index_cast %get3A_355 : i32 to index
        %get3A_357 = arith.index_cast %scan3A_344 : i32 to index
        %get3A_358 = arith.constant 16 : index
        %get3A_359 = tpu.vector_load %arg16[%get3A_356, %get3A_357, %get3A_358] {strides = array<i32>} : memref<5x128x64xf32, #tpu.memory_space<vmem>>, vector<16xf32>,
        %mul3A_360 = arith.mulf %get3A_359, %gather3A : vector<16xf32>
        %swap3A_361 = arith.constant 0 : i32
        %swap3A_362 = arith.index_cast %swap3A_361 : i32 to index
        %swap3A_363 = arith.index_cast %scan3A_344 : i32 to index
        %swap3A_364 = arith.constant 16 : index
        %swap3A_365 = tpu.vector_load %arg16[%swap3A_362, %swap3A_363, %swap3A_364] {strides = array<i32>} : memref<5x128x64xf32, #tpu.memory_space<vmem>>, vector<16xf32>,
        tpu.vector_store %arg16[%swap3A_362, %swap3A_363, %swap3A_364], %mul3A_360 {strides = array<i32>} : memref<5x128x64xf32, #tpu.memory_space<vmem>>, vector<16xf32>,
        %get3A_366 = arith.constant 0 : i32
        %get3A_367 = arith.index_cast %get3A_366 : i32 to index
        %get3A_368 = arith.index_cast %scan3A_344 : i32 to index
        %get3A_369 = arith.constant 32 : index
        %get3A_370 = tpu.vector_load %arg16[%get3A_367, %get3A_368, %get3A_369] {strides = array<i32>} : memref<5x128x64xf32, #tpu.memory_space<vmem>>, vector<16xf32>,
        %mul3A_371 = arith.mulf %get3A_370, %gather3A : vector<16xf32>
        %swap3A_372 = arith.constant 0 : i32
        %swap3A_373 = arith.index_cast %swap3A_372 : i32 to index
        %swap3A_374 = arith.index_cast %scan3A_344 : i32 to index
        %swap3A_375 = arith.constant 32 : index
        %swap3A_376 = tpu.vector_load %arg16[%swap3A_373, %swap3A_374, %swap3A_375] {strides = array<i32>} : memref<5x128x64xf32, #tpu.memory_space<vmem>>, vector<16xf32>,
        tpu.vector_store %arg16[%swap3A_373, %swap3A_374, %swap3A_375], %mul3A_371 {strides = array<i32>} : memref<5x128x64xf32, #tpu.memory_space<vmem>>, vector<16xf32>,
        %get3A_377 = arith.constant 0 : i32
        %get3A_378 = arith.index_cast %get3A_377 : i32 to index
        %get3A_379 = arith.index_cast %scan3A_344 : i32 to index
        %get3A_380 = arith.constant 48 : index
        %get3A_381 = tpu.vector_load %arg16[%get3A_378, %get3A_379, %get3A_380] {strides = array<i32>} : memref<5x128x64xf32, #tpu.memory_space<vmem>>, vector<16xf32>,
        %mul3A_382 = arith.mulf %get3A_381, %gather3A : vector<16xf32>
        %swap3A_383 = arith.constant 0 : i32
        %swap3A_384 = arith.index_cast %swap3A_383 : i32 to index
        %swap3A_385 = arith.index_cast %scan3A_344 : i32 to index
        %swap3A_386 = arith.constant 48 : index
        %swap3A_387 = tpu.vector_load %arg16[%swap3A_384, %swap3A_385, %swap3A_386] {strides = array<i32>} : memref<5x128x64xf32, #tpu.memory_space<vmem>>, vector<16xf32>,
        tpu.vector_store %arg16[%swap3A_384, %swap3A_385, %swap3A_386], %mul3A_382 {strides = array<i32>} : memref<5x128x64xf32, #tpu.memory_space<vmem>>, vector<16xf32>,
        %scan3A_388 = arith.constant 1 : i32
        %scan3A_389 = arith.addi %scan3A_344, %scan3A_388 : i32
        %broadcast_in_dim3A_390 = vector.broadcast %scan3A_389 : i32 to vector<16xi32>
        %gather3A_391 = tpu.vector_load_idx %arg12[%broadcast_in_dim3A, %broadcast_in_dim3A_390] : memref<80x128xf32, #tpu.memory_space<vmem>>[vector<16xi32>, vector<16xi32>], vector<16xf32>,
        %get3A_392 = arith.constant 0 : i32
        %get3A_393 = arith.index_cast %get3A_392 : i32 to index
        %get3A_394 = arith.index_cast %scan3A_389 : i32 to index
        %get3A_395 = arith.constant 0 : index
        %get3A_396 = tpu.vector_load %arg16[%get3A_393, %get3A_394, %get3A_395] {strides = array<i32>} : memref<5x128x64xf32, #tpu.memory_space<vmem>>, vector<16xf32>,
        %mul3A_397 = arith.mulf %get3A_396, %gather3A_391 : vector<16xf32>
        %swap3A_398 = arith.constant 0 : i32
        %swap3A_399 = arith.index_cast %swap3A_398 : i32 to index
        %swap3A_400 = arith.index_cast %scan3A_389 : i32 to index
        %swap3A_401 = arith.constant 0 : index
        %swap3A_402 = tpu.vector_load %arg16[%swap3A_399, %swap3A_400, %swap3A_401] {strides = array<i32>} : memref<5x128x64xf32, #tpu.memory_space<vmem>>, vector<16xf32>,
        tpu.vector_store %arg16[%swap3A_399, %swap3A_400, %swap3A_401], %mul3A_397 {strides = array<i32>} : memref<5x128x64xf32, #tpu.memory_space<vmem>>, vector<16xf32>,
        %get3A_403 = arith.constant 0 : i32
        %get3A_404 = arith.index_cast %get3A_403 : i32 to index
        %get3A_405 = arith.index_cast %scan3A_389 : i32 to index
        %get3A_406 = arith.constant 16 : index
        %get3A_407 = tpu.vector_load %arg16[%get3A_404, %get3A_405, %get3A_406] {strides = array<i32>} : memref<5x128x64xf32, #tpu.memory_space<vmem>>, vector<16xf32>,
        %mul3A_408 = arith.mulf %get3A_407, %gather3A_391 : vector<16xf32>
        %swap3A_409 = arith.constant 0 : i32
        %swap3A_410 = arith.index_cast %swap3A_409 : i32 to index
        %swap3A_411 = arith.index_cast %scan3A_389 : i32 to index
        %swap3A_412 = arith.constant 16 : index
        %swap3A_413 = tpu.vector_load %arg16[%swap3A_410, %swap3A_411, %swap3A_412] {strides = array<i32>} : memref<5x128x64xf32, #tpu.memory_space<vmem>>, vector<16xf32>,
        tpu.vector_store %arg16[%swap3A_410, %swap3A_411, %swap3A_412], %mul3A_408 {strides = array<i32>} : memref<5x128x64xf32, #tpu.memory_space<vmem>>, vector<16xf32>,
        %get3A_414 = arith.constant 0 : i32
        %get3A_415 = arith.index_cast %get3A_414 : i32 to index
        %get3A_416 = arith.index_cast %scan3A_389 : i32 to index
        %get3A_417 = arith.constant 32 : index
        %get3A_418 = tpu.vector_load %arg16[%get3A_415, %get3A_416, %get3A_417] {strides = array<i32>} : memref<5x128x64xf32, #tpu.memory_space<vmem>>, vector<16xf32>,
        %mul3A_419 = arith.mulf %get3A_418, %gather3A_391 : vector<16xf32>
        %swap3A_420 = arith.constant 0 : i32
        %swap3A_421 = arith.index_cast %swap3A_420 : i32 to index
        %swap3A_422 = arith.index_cast %scan3A_389 : i32 to index
        %swap3A_423 = arith.constant 32 : index
        %swap3A_424 = tpu.vector_load %arg16[%swap3A_421, %swap3A_422, %swap3A_423] {strides = array<i32>} : memref<5x128x64xf32, #tpu.memory_space<vmem>>, vector<16xf32>,
        tpu.vector_store %arg16[%swap3A_421, %swap3A_422, %swap3A_423], %mul3A_419 {strides = array<i32>} : memref<5x128x64xf32, #tpu.memory_space<vmem>>, vector<16xf32>,
        %get3A_425 = arith.constant 0 : i32
        %get3A_426 = arith.index_cast %get3A_425 : i32 to index
        %get3A_427 = arith.index_cast %scan3A_389 : i32 to index
        %get3A_428 = arith.constant 48 : index
        %get3A_429 = tpu.vector_load %arg16[%get3A_426, %get3A_427, %get3A_428] {strides = array<i32>} : memref<5x128x64xf32, #tpu.memory_space<vmem>>, vector<16xf32>,
        %mul3A_430 = arith.mulf %get3A_429, %gather3A_391 : vector<16xf32>
        %swap3A_431 = arith.constant 0 : i32
        %swap3A_432 = arith.index_cast %swap3A_431 : i32 to index
        %swap3A_433 = arith.index_cast %scan3A_389 : i32 to index
        %swap3A_434 = arith.constant 48 : index
        %swap3A_435 = tpu.vector_load %arg16[%swap3A_432, %swap3A_433, %swap3A_434] {strides = array<i32>} : memref<5x128x64xf32, #tpu.memory_space<vmem>>, vector<16xf32>,
        tpu.vector_store %arg16[%swap3A_432, %swap3A_433, %swap3A_434], %mul3A_430 {strides = array<i32>} : memref<5x128x64xf32, #tpu.memory_space<vmem>>, vector<16xf32>,
        %scan3A_436 = arith.constant 2 : i32
        %scan3A_437 = arith.addi %scan3A_344, %scan3A_436 : i32
        %broadcast_in_dim3A_438 = vector.broadcast %scan3A_437 : i32 to vector<16xi32>
        %gather3A_439 = tpu.vector_load_idx %arg12[%broadcast_in_dim3A, %broadcast_in_dim3A_438] : memref<80x128xf32, #tpu.memory_space<vmem>>[vector<16xi32>, vector<16xi32>], vector<16xf32>,
        %get3A_440 = arith.constant 0 : i32
        %get3A_441 = arith.index_cast %get3A_440 : i32 to index
        %get3A_442 = arith.index_cast %scan3A_437 : i32 to index
        %get3A_443 = arith.constant 0 : index
        %get3A_444 = tpu.vector_load %arg16[%get3A_441, %get3A_442, %get3A_443] {strides = array<i32>} : memref<5x128x64xf32, #tpu.memory_space<vmem>>, vector<16xf32>,
        %mul3A_445 = arith.mulf %get3A_444, %gather3A_439 : vector<16xf32>
        %swap3A_446 = arith.constant 0 : i32
        %swap3A_447 = arith.index_cast %swap3A_446 : i32 to index
        %swap3A_448 = arith.index_cast %scan3A_437 : i32 to index
        %swap3A_449 = arith.constant 0 : index
        %swap3A_450 = tpu.vector_load %arg16[%swap3A_447, %swap3A_448, %swap3A_449] {strides = array<i32>} : memref<5x128x64xf32, #tpu.memory_space<vmem>>, vector<16xf32>,
        tpu.vector_store %arg16[%swap3A_447, %swap3A_448, %swap3A_449], %mul3A_445 {strides = array<i32>} : memref<5x128x64xf32, #tpu.memory_space<vmem>>, vector<16xf32>,
        %get3A_451 = arith.constant 0 : i32
        %get3A_452 = arith.index_cast %get3A_451 : i32 to index
        %get3A_453 = arith.index_cast %scan3A_437 : i32 to index
        %get3A_454 = arith.constant 16 : index
        %get3A_455 = tpu.vector_load %arg16[%get3A_452, %get3A_453, %get3A_454] {strides = array<i32>} : memref<5x128x64xf32, #tpu.memory_space<vmem>>, vector<16xf32>,
        %mul3A_456 = arith.mulf %get3A_455, %gather3A_439 : vector<16xf32>
        %swap3A_457 = arith.constant 0 : i32
        %swap3A_458 = arith.index_cast %swap3A_457 : i32 to index
        %swap3A_459 = arith.index_cast %scan3A_437 : i32 to index
        %swap3A_460 = arith.constant 16 : index
        %swap3A_461 = tpu.vector_load %arg16[%swap3A_458, %swap3A_459, %swap3A_460] {strides = array<i32>} : memref<5x128x64xf32, #tpu.memory_space<vmem>>, vector<16xf32>,
        tpu.vector_store %arg16[%swap3A_458, %swap3A_459, %swap3A_460], %mul3A_456 {strides = array<i32>} : memref<5x128x64xf32, #tpu.memory_space<vmem>>, vector<16xf32>,
        %get3A_462 = arith.constant 0 : i32
        %get3A_463 = arith.index_cast %get3A_462 : i32 to index
        %get3A_464 = arith.index_cast %scan3A_437 : i32 to index
        %get3A_465 = arith.constant 32 : index
        %get3A_466 = tpu.vector_load %arg16[%get3A_463, %get3A_464, %get3A_465] {strides = array<i32>} : memref<5x128x64xf32, #tpu.memory_space<vmem>>, vector<16xf32>,
        %mul3A_467 = arith.mulf %get3A_466, %gather3A_439 : vector<16xf32>
        %swap3A_468 = arith.constant 0 : i32
        %swap3A_469 = arith.index_cast %swap3A_468 : i32 to index
        %swap3A_470 = arith.index_cast %scan3A_437 : i32 to index
        %swap3A_471 = arith.constant 32 : index
        %swap3A_472 = tpu.vector_load %arg16[%swap3A_469, %swap3A_470, %swap3A_471] {strides = array<i32>} : memref<5x128x64xf32, #tpu.memory_space<vmem>>, vector<16xf32>,
        tpu.vector_store %arg16[%swap3A_469, %swap3A_470, %swap3A_471], %mul3A_467 {strides = array<i32>} : memref<5x128x64xf32, #tpu.memory_space<vmem>>, vector<16xf32>,
        %get3A_473 = arith.constant 0 : i32
        %get3A_474 = arith.index_cast %get3A_473 : i32 to index
        %get3A_475 = arith.index_cast %scan3A_437 : i32 to index
        %get3A_476 = arith.constant 48 : index
        %get3A_477 = tpu.vector_load %arg16[%get3A_474, %get3A_475, %get3A_476] {strides = array<i32>} : memref<5x128x64xf32, #tpu.memory_space<vmem>>, vector<16xf32>,
        %mul3A_478 = arith.mulf %get3A_477, %gather3A_439 : vector<16xf32>
        %swap3A_479 = arith.constant 0 : i32
        %swap3A_480 = arith.index_cast %swap3A_479 : i32 to index
        %swap3A_481 = arith.index_cast %scan3A_437 : i32 to index
        %swap3A_482 = arith.constant 48 : index
        %swap3A_483 = tpu.vector_load %arg16[%swap3A_480, %swap3A_481, %swap3A_482] {strides = array<i32>} : memref<5x128x64xf32, #tpu.memory_space<vmem>>, vector<16xf32>,
        tpu.vector_store %arg16[%swap3A_480, %swap3A_481, %swap3A_482], %mul3A_478 {strides = array<i32>} : memref<5x128x64xf32, #tpu.memory_space<vmem>>, vector<16xf32>,
        %scan3A_484 = arith.constant 3 : i32
        %scan3A_485 = arith.addi %scan3A_344, %scan3A_484 : i32
        %broadcast_in_dim3A_486 = vector.broadcast %scan3A_485 : i32 to vector<16xi32>
        %gather3A_487 = tpu.vector_load_idx %arg12[%broadcast_in_dim3A, %broadcast_in_dim3A_486] : memref<80x128xf32, #tpu.memory_space<vmem>>[vector<16xi32>, vector<16xi32>], vector<16xf32>,
        %get3A_488 = arith.constant 0 : i32
        %get3A_489 = arith.index_cast %get3A_488 : i32 to index
        %get3A_490 = arith.index_cast %scan3A_485 : i32 to index
        %get3A_491 = arith.constant 0 : index
        %get3A_492 = tpu.vector_load %arg16[%get3A_489, %get3A_490, %get3A_491] {strides = array<i32>} : memref<5x128x64xf32, #tpu.memory_space<vmem>>, vector<16xf32>,
        %mul3A_493 = arith.mulf %get3A_492, %gather3A_487 : vector<16xf32>
        %swap3A_494 = arith.constant 0 : i32
        %swap3A_495 = arith.index_cast %swap3A_494 : i32 to index
        %swap3A_496 = arith.index_cast %scan3A_485 : i32 to index
        %swap3A_497 = arith.constant 0 : index
        %swap3A_498 = tpu.vector_load %arg16[%swap3A_495, %swap3A_496, %swap3A_497] {strides = array<i32>} : memref<5x128x64xf32, #tpu.memory_space<vmem>>, vector<16xf32>,
        tpu.vector_store %arg16[%swap3A_495, %swap3A_496, %swap3A_497], %mul3A_493 {strides = array<i32>} : memref<5x128x64xf32, #tpu.memory_space<vmem>>, vector<16xf32>,
        %get3A_499 = arith.constant 0 : i32
        %get3A_500 = arith.index_cast %get3A_499 : i32 to index
        %get3A_501 = arith.index_cast %scan3A_485 : i32 to index
        %get3A_502 = arith.constant 16 : index
        %get3A_503 = tpu.vector_load %arg16[%get3A_500, %get3A_501, %get3A_502] {strides = array<i32>} : memref<5x128x64xf32, #tpu.memory_space<vmem>>, vector<16xf32>,
        %mul3A_504 = arith.mulf %get3A_503, %gather3A_487 : vector<16xf32>
        %swap3A_505 = arith.constant 0 : i32
        %swap3A_506 = arith.index_cast %swap3A_505 : i32 to index
        %swap3A_507 = arith.index_cast %scan3A_485 : i32 to index
        %swap3A_508 = arith.constant 16 : index
        %swap3A_509 = tpu.vector_load %arg16[%swap3A_506, %swap3A_507, %swap3A_508] {strides = array<i32>} : memref<5x128x64xf32, #tpu.memory_space<vmem>>, vector<16xf32>,
        tpu.vector_store %arg16[%swap3A_506, %swap3A_507, %swap3A_508], %mul3A_504 {strides = array<i32>} : memref<5x128x64xf32, #tpu.memory_space<vmem>>, vector<16xf32>,
        %get3A_510 = arith.constant 0 : i32
        %get3A_511 = arith.index_cast %get3A_510 : i32 to index
        %get3A_512 = arith.index_cast %scan3A_485 : i32 to index
        %get3A_513 = arith.constant 32 : index
        %get3A_514 = tpu.vector_load %arg16[%get3A_511, %get3A_512, %get3A_513] {strides = array<i32>} : memref<5x128x64xf32, #tpu.memory_space<vmem>>, vector<16xf32>,
        %mul3A_515 = arith.mulf %get3A_514, %gather3A_487 : vector<16xf32>
        %swap3A_516 = arith.constant 0 : i32
        %swap3A_517 = arith.index_cast %swap3A_516 : i32 to index
        %swap3A_518 = arith.index_cast %scan3A_485 : i32 to index
        %swap3A_519 = arith.constant 32 : index
        %swap3A_520 = tpu.vector_load %arg16[%swap3A_517, %swap3A_518, %swap3A_519] {strides = array<i32>} : memref<5x128x64xf32, #tpu.memory_space<vmem>>, vector<16xf32>,
        tpu.vector_store %arg16[%swap3A_517, %swap3A_518, %swap3A_519], %mul3A_515 {strides = array<i32>} : memref<5x128x64xf32, #tpu.memory_space<vmem>>, vector<16xf32>,
        %get3A_521 = arith.constant 0 : i32
        %get3A_522 = arith.index_cast %get3A_521 : i32 to index
        %get3A_523 = arith.index_cast %scan3A_485 : i32 to index
        %get3A_524 = arith.constant 48 : index
        %get3A_525 = tpu.vector_load %arg16[%get3A_522, %get3A_523, %get3A_524] {strides = array<i32>} : memref<5x128x64xf32, #tpu.memory_space<vmem>>, vector<16xf32>,
        %mul3A_526 = arith.mulf %get3A_525, %gather3A_487 : vector<16xf32>
        %swap3A_527 = arith.constant 0 : i32
        %swap3A_528 = arith.index_cast %swap3A_527 : i32 to index
        %swap3A_529 = arith.index_cast %scan3A_485 : i32 to index
        %swap3A_530 = arith.constant 48 : index
        %swap3A_531 = tpu.vector_load %arg16[%swap3A_528, %swap3A_529, %swap3A_530] {strides = array<i32>} : memref<5x128x64xf32, #tpu.memory_space<vmem>>, vector<16xf32>,
        tpu.vector_store %arg16[%swap3A_528, %swap3A_529, %swap3A_530], %mul3A_526 {strides = array<i32>} : memref<5x128x64xf32, #tpu.memory_space<vmem>>, vector<16xf32>,
      }
      %scan3A_111 = arith.constant 128 : i32
      %dma_start3A_112 = arith.constant 0 : i32
      %dma_start3A_113 = arith.constant 0 : i32
      %dma_start3A_114 = arith.constant 0 : i32
      %dma_start3A_115 = tpu.memref_slice %arg16[%dma_start3A_112, %dma_start3A_113, %dma_start3A_114] : memref<5x128x64xf32, #tpu.memory_space<vmem>> -> memref<1x128x64xf32, #tpu.memory_space<vmem>>
      %dma_start3A_116 = tpu.memref_squeeze %dma_start3A_115 : memref<1x128x64xf32, #tpu.memory_space<vmem>> -> memref<128x64xf32, #tpu.memory_space<vmem>>
      %dma_start3A_117 = arith.constant 0 : i32
      %dma_start3A_118 = tpu.memref_slice %arg11[%add3A_94, %dma_start3A_117] : memref<80x128xi32, #tpu.memory_space<vmem>> -> memref<1x128xi32, #tpu.memory_space<vmem>>
      %dma_start3A_119 = tpu.memref_squeeze %dma_start3A_118 : memref<1x128xi32, #tpu.memory_space<vmem>> -> memref<128xi32, #tpu.memory_space<vmem>>
      %dma_start3A_120 = arith.constant 0 : i32
      %dma_start3A_121 = arith.constant 0 : i32
      %dma_start3A_122 = tpu.memref_slice %arg17[%dma_start3A_120, %dma_start3A_121] : memref<5120x64xf32, #tpu.memory_space<vmem_shared>> -> memref<5120x64xf32, #tpu.memory_space<vmem_shared>>
      tpu.enqueue_indirect_dma source(%dma_start3A_116 : memref<128x64xf32, #tpu.memory_space<vmem>>) target(%dma_start3A_122 : memref<5120x64xf32, #tpu.memory_space<vmem_shared>>) offsets(%dma_start3A_119 : memref<128xi32, #tpu.memory_space<vmem>>) semaphore(%arg24 : memref<!tpu.dma_semaphore, #tpu.memory_space<semaphore_mem>>) {add = true}
      %gt3A = arith.constant 0 : i32
      %gt3A_123 = arith.cmpi sgt, %scan3A_90, %gt3A : i32
      %convert_element_type3A_124 = arith.extui %gt3A_123 : i1 to i32
      %cond3A_125 = arith.constant 0 : i32
      %cond3A_126 = arith.cmpi ne, %convert_element_type3A_124, %cond3A_125 : i32
      scf.if %cond3A_126 {
        %sub3A_344 = arith.constant 1 : i32
        %sub3A_345 = arith.subi %add3A_94, %sub3A_344 : i32
        %dma_wait3A_346 = arith.constant 4 : i32
        %dma_wait3A_347 = arith.constant 0 : i32
        %dma_wait3A_348 = arith.constant 0 : i32
        %dma_wait3A_349 = tpu.memref_slice %arg16[%dma_wait3A_346, %dma_wait3A_347, %dma_wait3A_348] : memref<5x128x64xf32, #tpu.memory_space<vmem>> -> memref<1x128x64xf32, #tpu.memory_space<vmem>>
        %dma_wait3A_350 = tpu.memref_squeeze %dma_wait3A_349 : memref<1x128x64xf32, #tpu.memory_space<vmem>> -> memref<128x64xf32, #tpu.memory_space<vmem>>
        %dma_wait3A_351 = arith.constant 0 : i32
        %dma_wait3A_352 = tpu.memref_slice %arg11[%sub3A_345, %dma_wait3A_351] : memref<80x128xi32, #tpu.memory_space<vmem>> -> memref<1x128xi32, #tpu.memory_space<vmem>>
        %dma_wait3A_353 = tpu.memref_squeeze %dma_wait3A_352 : memref<1x128xi32, #tpu.memory_space<vmem>> -> memref<128xi32, #tpu.memory_space<vmem>>
        %dma_wait3A_354 = arith.constant 0 : i32
        %dma_wait3A_355 = arith.constant 0 : i32
        %dma_wait3A_356 = tpu.memref_slice %arg17[%dma_wait3A_354, %dma_wait3A_355] : memref<5120x64xf32, #tpu.memory_space<vmem_shared>> -> memref<5120x64xf32, #tpu.memory_space<vmem_shared>>
        tpu.wait_indirect_dma semaphore(%arg28 : memref<!tpu.dma_semaphore, #tpu.memory_space<semaphore_mem>>) src(%dma_wait3A_350 : memref<128x64xf32, #tpu.memory_space<vmem>>) dst(%dma_wait3A_356 : memref<5120x64xf32, #tpu.memory_space<vmem_shared>>)
      } else {
      }
      %add3A_127 = arith.constant 5 : i32
      %add3A_128 = arith.addi %add3A_94, %add3A_127 : i32
      %sub3A = arith.constant 1 : i32
      %sub3A_129 = arith.subi %add3A_128, %sub3A : i32
      %dma_start3A_130 = arith.constant 4 : i32
      %dma_start3A_131 = arith.constant 0 : i32
      %dma_start3A_132 = arith.constant 0 : i32
      %dma_start3A_133 = tpu.memref_slice %arg16[%dma_start3A_130, %dma_start3A_131, %dma_start3A_132] : memref<5x128x64xf32, #tpu.memory_space<vmem>> -> memref<1x128x64xf32, #tpu.memory_space<vmem>>
      %dma_start3A_134 = tpu.memref_squeeze %dma_start3A_133 : memref<1x128x64xf32, #tpu.memory_space<vmem>> -> memref<128x64xf32, #tpu.memory_space<vmem>>
      %dma_start3A_135 = arith.constant 0 : i32
      %dma_start3A_136 = tpu.memref_slice %arg10[%sub3A_129, %dma_start3A_135] : memref<80x128xi32, #tpu.memory_space<vmem>> -> memref<1x128xi32, #tpu.memory_space<vmem>>
      %dma_start3A_137 = tpu.memref_squeeze %dma_start3A_136 : memref<1x128xi32, #tpu.memory_space<vmem>> -> memref<128xi32, #tpu.memory_space<vmem>>
      %dma_start3A_138 = arith.constant 0 : i32
      %dma_start3A_139 = arith.constant 0 : i32
      %dma_start3A_140 = tpu.memref_slice %arg18[%dma_start3A_138, %dma_start3A_139] : memref<5120x64xf32, #tpu.memory_space<vmem_shared>> -> memref<5120x64xf32, #tpu.memory_space<vmem_shared>>
      tpu.enqueue_indirect_dma source(%dma_start3A_140 : memref<5120x64xf32, #tpu.memory_space<vmem_shared>>) target(%dma_start3A_134 : memref<128x64xf32, #tpu.memory_space<vmem>>) offsets(%dma_start3A_137 : memref<128xi32, #tpu.memory_space<vmem>>) semaphore(%arg23 : memref<!tpu.dma_semaphore, #tpu.memory_space<semaphore_mem>>)
      %mul3A_141 = arith.constant 5 : i32
      %mul3A_142 = arith.muli %scan3A_90, %mul3A_141 : i32
      %add3A_143 = arith.constant 1 : i32
      %add3A_144 = arith.addi %mul3A_142, %add3A_143 : i32
      %dma_wait3A_145 = arith.constant 1 : i32
      %dma_wait3A_146 = arith.constant 0 : i32
      %dma_wait3A_147 = arith.constant 0 : i32
      %dma_wait3A_148 = tpu.memref_slice %arg16[%dma_wait3A_145, %dma_wait3A_146, %dma_wait3A_147] : memref<5x128x64xf32, #tpu.memory_space<vmem>> -> memref<1x128x64xf32, #tpu.memory_space<vmem>>
      %dma_wait3A_149 = tpu.memref_squeeze %dma_wait3A_148 : memref<1x128x64xf32, #tpu.memory_space<vmem>> -> memref<128x64xf32, #tpu.memory_space<vmem>>
      %dma_wait3A_150 = arith.constant 0 : i32
      %dma_wait3A_151 = tpu.memref_slice %arg10[%add3A_144, %dma_wait3A_150] : memref<80x128xi32, #tpu.memory_space<vmem>> -> memref<1x128xi32, #tpu.memory_space<vmem>>
      %dma_wait3A_152 = tpu.memref_squeeze %dma_wait3A_151 : memref<1x128xi32, #tpu.memory_space<vmem>> -> memref<128xi32, #tpu.memory_space<vmem>>
      %dma_wait3A_153 = arith.constant 0 : i32
      %dma_wait3A_154 = arith.constant 0 : i32
      %dma_wait3A_155 = tpu.memref_slice %arg18[%dma_wait3A_153, %dma_wait3A_154] : memref<5120x64xf32, #tpu.memory_space<vmem_shared>> -> memref<5120x64xf32, #tpu.memory_space<vmem_shared>>
      tpu.wait_indirect_dma semaphore(%arg20 : memref<!tpu.dma_semaphore, #tpu.memory_space<semaphore_mem>>) src(%dma_wait3A_155 : memref<5120x64xf32, #tpu.memory_space<vmem_shared>>) dst(%dma_wait3A_149 : memref<128x64xf32, #tpu.memory_space<vmem>>)
      %broadcast_in_dim3A_156 = vector.broadcast %add3A_144 : i32 to vector<16xi32>
      %scan3A_157 = arith.constant 0 : i32
      %scan3A_158 = arith.constant 0 : i32
      %scan3A_159 = arith.constant 128 : i32
      %scan3A_160 = arith.addi %scan3A_158, %scan3A_159 : i32
      %scan3A_161 = arith.constant 4 : i32
      scf.for %scan3A_344 = %scan3A_158 to %scan3A_160 step %scan3A_161  : i32 {
        %broadcast_in_dim3A_345 = vector.broadcast %scan3A_344 : i32 to vector<16xi32>
        %gather3A = tpu.vector_load_idx %arg12[%broadcast_in_dim3A_156, %broadcast_in_dim3A_345] : memref<80x128xf32, #tpu.memory_space<vmem>>[vector<16xi32>, vector<16xi32>], vector<16xf32>,
        %get3A = arith.constant 1 : i32
        %get3A_346 = arith.index_cast %get3A : i32 to index
        %get3A_347 = arith.index_cast %scan3A_344 : i32 to index
        %get3A_348 = arith.constant 0 : index
        %get3A_349 = tpu.vector_load %arg16[%get3A_346, %get3A_347, %get3A_348] {strides = array<i32>} : memref<5x128x64xf32, #tpu.memory_space<vmem>>, vector<16xf32>,
        %mul3A_350 = arith.mulf %get3A_349, %gather3A : vector<16xf32>
        %swap3A = arith.constant 1 : i32
        %swap3A_351 = arith.index_cast %swap3A : i32 to index
        %swap3A_352 = arith.index_cast %scan3A_344 : i32 to index
        %swap3A_353 = arith.constant 0 : index
        %swap3A_354 = tpu.vector_load %arg16[%swap3A_351, %swap3A_352, %swap3A_353] {strides = array<i32>} : memref<5x128x64xf32, #tpu.memory_space<vmem>>, vector<16xf32>,
        tpu.vector_store %arg16[%swap3A_351, %swap3A_352, %swap3A_353], %mul3A_350 {strides = array<i32>} : memref<5x128x64xf32, #tpu.memory_space<vmem>>, vector<16xf32>,
        %get3A_355 = arith.constant 1 : i32
        %get3A_356 = arith.index_cast %get3A_355 : i32 to index
        %get3A_357 = arith.index_cast %scan3A_344 : i32 to index
        %get3A_358 = arith.constant 16 : index
        %get3A_359 = tpu.vector_load %arg16[%get3A_356, %get3A_357, %get3A_358] {strides = array<i32>} : memref<5x128x64xf32, #tpu.memory_space<vmem>>, vector<16xf32>,
        %mul3A_360 = arith.mulf %get3A_359, %gather3A : vector<16xf32>
        %swap3A_361 = arith.constant 1 : i32
        %swap3A_362 = arith.index_cast %swap3A_361 : i32 to index
        %swap3A_363 = arith.index_cast %scan3A_344 : i32 to index
        %swap3A_364 = arith.constant 16 : index
        %swap3A_365 = tpu.vector_load %arg16[%swap3A_362, %swap3A_363, %swap3A_364] {strides = array<i32>} : memref<5x128x64xf32, #tpu.memory_space<vmem>>, vector<16xf32>,
        tpu.vector_store %arg16[%swap3A_362, %swap3A_363, %swap3A_364], %mul3A_360 {strides = array<i32>} : memref<5x128x64xf32, #tpu.memory_space<vmem>>, vector<16xf32>,
        %get3A_366 = arith.constant 1 : i32
        %get3A_367 = arith.index_cast %get3A_366 : i32 to index
        %get3A_368 = arith.index_cast %scan3A_344 : i32 to index
        %get3A_369 = arith.constant 32 : index
        %get3A_370 = tpu.vector_load %arg16[%get3A_367, %get3A_368, %get3A_369] {strides = array<i32>} : memref<5x128x64xf32, #tpu.memory_space<vmem>>, vector<16xf32>,
        %mul3A_371 = arith.mulf %get3A_370, %gather3A : vector<16xf32>
        %swap3A_372 = arith.constant 1 : i32
        %swap3A_373 = arith.index_cast %swap3A_372 : i32 to index
        %swap3A_374 = arith.index_cast %scan3A_344 : i32 to index
        %swap3A_375 = arith.constant 32 : index
        %swap3A_376 = tpu.vector_load %arg16[%swap3A_373, %swap3A_374, %swap3A_375] {strides = array<i32>} : memref<5x128x64xf32, #tpu.memory_space<vmem>>, vector<16xf32>,
        tpu.vector_store %arg16[%swap3A_373, %swap3A_374, %swap3A_375], %mul3A_371 {strides = array<i32>} : memref<5x128x64xf32, #tpu.memory_space<vmem>>, vector<16xf32>,
        %get3A_377 = arith.constant 1 : i32
        %get3A_378 = arith.index_cast %get3A_377 : i32 to index
        %get3A_379 = arith.index_cast %scan3A_344 : i32 to index
        %get3A_380 = arith.constant 48 : index
        %get3A_381 = tpu.vector_load %arg16[%get3A_378, %get3A_379, %get3A_380] {strides = array<i32>} : memref<5x128x64xf32, #tpu.memory_space<vmem>>, vector<16xf32>,
        %mul3A_382 = arith.mulf %get3A_381, %gather3A : vector<16xf32>
        %swap3A_383 = arith.constant 1 : i32
        %swap3A_384 = arith.index_cast %swap3A_383 : i32 to index
        %swap3A_385 = arith.index_cast %scan3A_344 : i32 to index
        %swap3A_386 = arith.constant 48 : index
        %swap3A_387 = tpu.vector_load %arg16[%swap3A_384, %swap3A_385, %swap3A_386] {strides = array<i32>} : memref<5x128x64xf32, #tpu.memory_space<vmem>>, vector<16xf32>,
        tpu.vector_store %arg16[%swap3A_384, %swap3A_385, %swap3A_386], %mul3A_382 {strides = array<i32>} : memref<5x128x64xf32, #tpu.memory_space<vmem>>, vector<16xf32>,
        %scan3A_388 = arith.constant 1 : i32
        %scan3A_389 = arith.addi %scan3A_344, %scan3A_388 : i32
        %broadcast_in_dim3A_390 = vector.broadcast %scan3A_389 : i32 to vector<16xi32>
        %gather3A_391 = tpu.vector_load_idx %arg12[%broadcast_in_dim3A_156, %broadcast_in_dim3A_390] : memref<80x128xf32, #tpu.memory_space<vmem>>[vector<16xi32>, vector<16xi32>], vector<16xf32>,
        %get3A_392 = arith.constant 1 : i32
        %get3A_393 = arith.index_cast %get3A_392 : i32 to index
        %get3A_394 = arith.index_cast %scan3A_389 : i32 to index
        %get3A_395 = arith.constant 0 : index
        %get3A_396 = tpu.vector_load %arg16[%get3A_393, %get3A_394, %get3A_395] {strides = array<i32>} : memref<5x128x64xf32, #tpu.memory_space<vmem>>, vector<16xf32>,
        %mul3A_397 = arith.mulf %get3A_396, %gather3A_391 : vector<16xf32>
        %swap3A_398 = arith.constant 1 : i32
        %swap3A_399 = arith.index_cast %swap3A_398 : i32 to index
        %swap3A_400 = arith.index_cast %scan3A_389 : i32 to index
        %swap3A_401 = arith.constant 0 : index
        %swap3A_402 = tpu.vector_load %arg16[%swap3A_399, %swap3A_400, %swap3A_401] {strides = array<i32>} : memref<5x128x64xf32, #tpu.memory_space<vmem>>, vector<16xf32>,
        tpu.vector_store %arg16[%swap3A_399, %swap3A_400, %swap3A_401], %mul3A_397 {strides = array<i32>} : memref<5x128x64xf32, #tpu.memory_space<vmem>>, vector<16xf32>,
        %get3A_403 = arith.constant 1 : i32
        %get3A_404 = arith.index_cast %get3A_403 : i32 to index
        %get3A_405 = arith.index_cast %scan3A_389 : i32 to index
        %get3A_406 = arith.constant 16 : index
        %get3A_407 = tpu.vector_load %arg16[%get3A_404, %get3A_405, %get3A_406] {strides = array<i32>} : memref<5x128x64xf32, #tpu.memory_space<vmem>>, vector<16xf32>,
        %mul3A_408 = arith.mulf %get3A_407, %gather3A_391 : vector<16xf32>
        %swap3A_409 = arith.constant 1 : i32
        %swap3A_410 = arith.index_cast %swap3A_409 : i32 to index
        %swap3A_411 = arith.index_cast %scan3A_389 : i32 to index
        %swap3A_412 = arith.constant 16 : index
        %swap3A_413 = tpu.vector_load %arg16[%swap3A_410, %swap3A_411, %swap3A_412] {strides = array<i32>} : memref<5x128x64xf32, #tpu.memory_space<vmem>>, vector<16xf32>,
        tpu.vector_store %arg16[%swap3A_410, %swap3A_411, %swap3A_412], %mul3A_408 {strides = array<i32>} : memref<5x128x64xf32, #tpu.memory_space<vmem>>, vector<16xf32>,
        %get3A_414 = arith.constant 1 : i32
        %get3A_415 = arith.index_cast %get3A_414 : i32 to index
        %get3A_416 = arith.index_cast %scan3A_389 : i32 to index
        %get3A_417 = arith.constant 32 : index
        %get3A_418 = tpu.vector_load %arg16[%get3A_415, %get3A_416, %get3A_417] {strides = array<i32>} : memref<5x128x64xf32, #tpu.memory_space<vmem>>, vector<16xf32>,
        %mul3A_419 = arith.mulf %get3A_418, %gather3A_391 : vector<16xf32>
        %swap3A_420 = arith.constant 1 : i32
        %swap3A_421 = arith.index_cast %swap3A_420 : i32 to index
        %swap3A_422 = arith.index_cast %scan3A_389 : i32 to index
        %swap3A_423 = arith.constant 32 : index
        %swap3A_424 = tpu.vector_load %arg16[%swap3A_421, %swap3A_422, %swap3A_423] {strides = array<i32>} : memref<5x128x64xf32, #tpu.memory_space<vmem>>, vector<16xf32>,
        tpu.vector_store %arg16[%swap3A_421, %swap3A_422, %swap3A_423], %mul3A_419 {strides = array<i32>} : memref<5x128x64xf32, #tpu.memory_space<vmem>>, vector<16xf32>,
        %get3A_425 = arith.constant 1 : i32
        %get3A_426 = arith.index_cast %get3A_425 : i32 to index
        %get3A_427 = arith.index_cast %scan3A_389 : i32 to index
        %get3A_428 = arith.constant 48 : index
        %get3A_429 = tpu.vector_load %arg16[%get3A_426, %get3A_427, %get3A_428] {strides = array<i32>} : memref<5x128x64xf32, #tpu.memory_space<vmem>>, vector<16xf32>,
        %mul3A_430 = arith.mulf %get3A_429, %gather3A_391 : vector<16xf32>
        %swap3A_431 = arith.constant 1 : i32
        %swap3A_432 = arith.index_cast %swap3A_431 : i32 to index
        %swap3A_433 = arith.index_cast %scan3A_389 : i32 to index
        %swap3A_434 = arith.constant 48 : index
        %swap3A_435 = tpu.vector_load %arg16[%swap3A_432, %swap3A_433, %swap3A_434] {strides = array<i32>} : memref<5x128x64xf32, #tpu.memory_space<vmem>>, vector<16xf32>,
        tpu.vector_store %arg16[%swap3A_432, %swap3A_433, %swap3A_434], %mul3A_430 {strides = array<i32>} : memref<5x128x64xf32, #tpu.memory_space<vmem>>, vector<16xf32>,
        %scan3A_436 = arith.constant 2 : i32
        %scan3A_437 = arith.addi %scan3A_344, %scan3A_436 : i32
        %broadcast_in_dim3A_438 = vector.broadcast %scan3A_437 : i32 to vector<16xi32>
        %gather3A_439 = tpu.vector_load_idx %arg12[%broadcast_in_dim3A_156, %broadcast_in_dim3A_438] : memref<80x128xf32, #tpu.memory_space<vmem>>[vector<16xi32>, vector<16xi32>], vector<16xf32>,
        %get3A_440 = arith.constant 1 : i32
        %get3A_441 = arith.index_cast %get3A_440 : i32 to index
        %get3A_442 = arith.index_cast %scan3A_437 : i32 to index
        %get3A_443 = arith.constant 0 : index
        %get3A_444 = tpu.vector_load %arg16[%get3A_441, %get3A_442, %get3A_443] {strides = array<i32>} : memref<5x128x64xf32, #tpu.memory_space<vmem>>, vector<16xf32>,
        %mul3A_445 = arith.mulf %get3A_444, %gather3A_439 : vector<16xf32>
        %swap3A_446 = arith.constant 1 : i32
        %swap3A_447 = arith.index_cast %swap3A_446 : i32 to index
        %swap3A_448 = arith.index_cast %scan3A_437 : i32 to index
        %swap3A_449 = arith.constant 0 : index
        %swap3A_450 = tpu.vector_load %arg16[%swap3A_447, %swap3A_448, %swap3A_449] {strides = array<i32>} : memref<5x128x64xf32, #tpu.memory_space<vmem>>, vector<16xf32>,
        tpu.vector_store %arg16[%swap3A_447, %swap3A_448, %swap3A_449], %mul3A_445 {strides = array<i32>} : memref<5x128x64xf32, #tpu.memory_space<vmem>>, vector<16xf32>,
        %get3A_451 = arith.constant 1 : i32
        %get3A_452 = arith.index_cast %get3A_451 : i32 to index
        %get3A_453 = arith.index_cast %scan3A_437 : i32 to index
        %get3A_454 = arith.constant 16 : index
        %get3A_455 = tpu.vector_load %arg16[%get3A_452, %get3A_453, %get3A_454] {strides = array<i32>} : memref<5x128x64xf32, #tpu.memory_space<vmem>>, vector<16xf32>,
        %mul3A_456 = arith.mulf %get3A_455, %gather3A_439 : vector<16xf32>
        %swap3A_457 = arith.constant 1 : i32
        %swap3A_458 = arith.index_cast %swap3A_457 : i32 to index
        %swap3A_459 = arith.index_cast %scan3A_437 : i32 to index
        %swap3A_460 = arith.constant 16 : index
        %swap3A_461 = tpu.vector_load %arg16[%swap3A_458, %swap3A_459, %swap3A_460] {strides = array<i32>} : memref<5x128x64xf32, #tpu.memory_space<vmem>>, vector<16xf32>,
        tpu.vector_store %arg16[%swap3A_458, %swap3A_459, %swap3A_460], %mul3A_456 {strides = array<i32>} : memref<5x128x64xf32, #tpu.memory_space<vmem>>, vector<16xf32>,
        %get3A_462 = arith.constant 1 : i32
        %get3A_463 = arith.index_cast %get3A_462 : i32 to index
        %get3A_464 = arith.index_cast %scan3A_437 : i32 to index
        %get3A_465 = arith.constant 32 : index
        %get3A_466 = tpu.vector_load %arg16[%get3A_463, %get3A_464, %get3A_465] {strides = array<i32>} : memref<5x128x64xf32, #tpu.memory_space<vmem>>, vector<16xf32>,
        %mul3A_467 = arith.mulf %get3A_466, %gather3A_439 : vector<16xf32>
        %swap3A_468 = arith.constant 1 : i32
        %swap3A_469 = arith.index_cast %swap3A_468 : i32 to index
        %swap3A_470 = arith.index_cast %scan3A_437 : i32 to index
        %swap3A_471 = arith.constant 32 : index
        %swap3A_472 = tpu.vector_load %arg16[%swap3A_469, %swap3A_470, %swap3A_471] {strides = array<i32>} : memref<5x128x64xf32, #tpu.memory_space<vmem>>, vector<16xf32>,
        tpu.vector_store %arg16[%swap3A_469, %swap3A_470, %swap3A_471], %mul3A_467 {strides = array<i32>} : memref<5x128x64xf32, #tpu.memory_space<vmem>>, vector<16xf32>,
        %get3A_473 = arith.constant 1 : i32
        %get3A_474 = arith.index_cast %get3A_473 : i32 to index
        %get3A_475 = arith.index_cast %scan3A_437 : i32 to index
        %get3A_476 = arith.constant 48 : index
        %get3A_477 = tpu.vector_load %arg16[%get3A_474, %get3A_475, %get3A_476] {strides = array<i32>} : memref<5x128x64xf32, #tpu.memory_space<vmem>>, vector<16xf32>,
        %mul3A_478 = arith.mulf %get3A_477, %gather3A_439 : vector<16xf32>
        %swap3A_479 = arith.constant 1 : i32
        %swap3A_480 = arith.index_cast %swap3A_479 : i32 to index
        %swap3A_481 = arith.index_cast %scan3A_437 : i32 to index
        %swap3A_482 = arith.constant 48 : index
        %swap3A_483 = tpu.vector_load %arg16[%swap3A_480, %swap3A_481, %swap3A_482] {strides = array<i32>} : memref<5x128x64xf32, #tpu.memory_space<vmem>>, vector<16xf32>,
        tpu.vector_store %arg16[%swap3A_480, %swap3A_481, %swap3A_482], %mul3A_478 {strides = array<i32>} : memref<5x128x64xf32, #tpu.memory_space<vmem>>, vector<16xf32>,
        %scan3A_484 = arith.constant 3 : i32
        %scan3A_485 = arith.addi %scan3A_344, %scan3A_484 : i32
        %broadcast_in_dim3A_486 = vector.broadcast %scan3A_485 : i32 to vector<16xi32>
        %gather3A_487 = tpu.vector_load_idx %arg12[%broadcast_in_dim3A_156, %broadcast_in_dim3A_486] : memref<80x128xf32, #tpu.memory_space<vmem>>[vector<16xi32>, vector<16xi32>], vector<16xf32>,
        %get3A_488 = arith.constant 1 : i32
        %get3A_489 = arith.index_cast %get3A_488 : i32 to index
        %get3A_490 = arith.index_cast %scan3A_485 : i32 to index
        %get3A_491 = arith.constant 0 : index
        %get3A_492 = tpu.vector_load %arg16[%get3A_489, %get3A_490, %get3A_491] {strides = array<i32>} : memref<5x128x64xf32, #tpu.memory_space<vmem>>, vector<16xf32>,
        %mul3A_493 = arith.mulf %get3A_492, %gather3A_487 : vector<16xf32>
        %swap3A_494 = arith.constant 1 : i32
        %swap3A_495 = arith.index_cast %swap3A_494 : i32 to index
        %swap3A_496 = arith.index_cast %scan3A_485 : i32 to index
        %swap3A_497 = arith.constant 0 : index
        %swap3A_498 = tpu.vector_load %arg16[%swap3A_495, %swap3A_496, %swap3A_497] {strides = array<i32>} : memref<5x128x64xf32, #tpu.memory_space<vmem>>, vector<16xf32>,
        tpu.vector_store %arg16[%swap3A_495, %swap3A_496, %swap3A_497], %mul3A_493 {strides = array<i32>} : memref<5x128x64xf32, #tpu.memory_space<vmem>>, vector<16xf32>,
        %get3A_499 = arith.constant 1 : i32
        %get3A_500 = arith.index_cast %get3A_499 : i32 to index
        %get3A_501 = arith.index_cast %scan3A_485 : i32 to index
        %get3A_502 = arith.constant 16 : index
        %get3A_503 = tpu.vector_load %arg16[%get3A_500, %get3A_501, %get3A_502] {strides = array<i32>} : memref<5x128x64xf32, #tpu.memory_space<vmem>>, vector<16xf32>,
        %mul3A_504 = arith.mulf %get3A_503, %gather3A_487 : vector<16xf32>
        %swap3A_505 = arith.constant 1 : i32
        %swap3A_506 = arith.index_cast %swap3A_505 : i32 to index
        %swap3A_507 = arith.index_cast %scan3A_485 : i32 to index
        %swap3A_508 = arith.constant 16 : index
        %swap3A_509 = tpu.vector_load %arg16[%swap3A_506, %swap3A_507, %swap3A_508] {strides = array<i32>} : memref<5x128x64xf32, #tpu.memory_space<vmem>>, vector<16xf32>,
        tpu.vector_store %arg16[%swap3A_506, %swap3A_507, %swap3A_508], %mul3A_504 {strides = array<i32>} : memref<5x128x64xf32, #tpu.memory_space<vmem>>, vector<16xf32>,
        %get3A_510 = arith.constant 1 : i32
        %get3A_511 = arith.index_cast %get3A_510 : i32 to index
        %get3A_512 = arith.index_cast %scan3A_485 : i32 to index
        %get3A_513 = arith.constant 32 : index
        %get3A_514 = tpu.vector_load %arg16[%get3A_511, %get3A_512, %get3A_513] {strides = array<i32>} : memref<5x128x64xf32, #tpu.memory_space<vmem>>, vector<16xf32>,
        %mul3A_515 = arith.mulf %get3A_514, %gather3A_487 : vector<16xf32>
        %swap3A_516 = arith.constant 1 : i32
        %swap3A_517 = arith.index_cast %swap3A_516 : i32 to index
        %swap3A_518 = arith.index_cast %scan3A_485 : i32 to index
        %swap3A_519 = arith.constant 32 : index
        %swap3A_520 = tpu.vector_load %arg16[%swap3A_517, %swap3A_518, %swap3A_519] {strides = array<i32>} : memref<5x128x64xf32, #tpu.memory_space<vmem>>, vector<16xf32>,
        tpu.vector_store %arg16[%swap3A_517, %swap3A_518, %swap3A_519], %mul3A_515 {strides = array<i32>} : memref<5x128x64xf32, #tpu.memory_space<vmem>>, vector<16xf32>,
        %get3A_521 = arith.constant 1 : i32
        %get3A_522 = arith.index_cast %get3A_521 : i32 to index
        %get3A_523 = arith.index_cast %scan3A_485 : i32 to index
        %get3A_524 = arith.constant 48 : index
        %get3A_525 = tpu.vector_load %arg16[%get3A_522, %get3A_523, %get3A_524] {strides = array<i32>} : memref<5x128x64xf32, #tpu.memory_space<vmem>>, vector<16xf32>,
        %mul3A_526 = arith.mulf %get3A_525, %gather3A_487 : vector<16xf32>
        %swap3A_527 = arith.constant 1 : i32
        %swap3A_528 = arith.index_cast %swap3A_527 : i32 to index
        %swap3A_529 = arith.index_cast %scan3A_485 : i32 to index
        %swap3A_530 = arith.constant 48 : index
        %swap3A_531 = tpu.vector_load %arg16[%swap3A_528, %swap3A_529, %swap3A_530] {strides = array<i32>} : memref<5x128x64xf32, #tpu.memory_space<vmem>>, vector<16xf32>,
        tpu.vector_store %arg16[%swap3A_528, %swap3A_529, %swap3A_530], %mul3A_526 {strides = array<i32>} : memref<5x128x64xf32, #tpu.memory_space<vmem>>, vector<16xf32>,
      }
      %scan3A_162 = arith.constant 128 : i32
      %dma_start3A_163 = arith.constant 1 : i32
      %dma_start3A_164 = arith.constant 0 : i32
      %dma_start3A_165 = arith.constant 0 : i32
      %dma_start3A_166 = tpu.memref_slice %arg16[%dma_start3A_163, %dma_start3A_164, %dma_start3A_165] : memref<5x128x64xf32, #tpu.memory_space<vmem>> -> memref<1x128x64xf32, #tpu.memory_space<vmem>>
      %dma_start3A_167 = tpu.memref_squeeze %dma_start3A_166 : memref<1x128x64xf32, #tpu.memory_space<vmem>> -> memref<128x64xf32, #tpu.memory_space<vmem>>
      %dma_start3A_168 = arith.constant 0 : i32
      %dma_start3A_169 = tpu.memref_slice %arg11[%add3A_144, %dma_start3A_168] : memref<80x128xi32, #tpu.memory_space<vmem>> -> memref<1x128xi32, #tpu.memory_space<vmem>>
      %dma_start3A_170 = tpu.memref_squeeze %dma_start3A_169 : memref<1x128xi32, #tpu.memory_space<vmem>> -> memref<128xi32, #tpu.memory_space<vmem>>
      %dma_start3A_171 = arith.constant 0 : i32
      %dma_start3A_172 = arith.constant 0 : i32
      %dma_start3A_173 = tpu.memref_slice %arg17[%dma_start3A_171, %dma_start3A_172] : memref<5120x64xf32, #tpu.memory_space<vmem_shared>> -> memref<5120x64xf32, #tpu.memory_space<vmem_shared>>
      tpu.enqueue_indirect_dma source(%dma_start3A_167 : memref<128x64xf32, #tpu.memory_space<vmem>>) target(%dma_start3A_173 : memref<5120x64xf32, #tpu.memory_space<vmem_shared>>) offsets(%dma_start3A_170 : memref<128xi32, #tpu.memory_space<vmem>>) semaphore(%arg25 : memref<!tpu.dma_semaphore, #tpu.memory_space<semaphore_mem>>) {add = true}
      %sub3A_174 = arith.constant 1 : i32
      %sub3A_175 = arith.subi %add3A_144, %sub3A_174 : i32
      %dma_wait3A_176 = arith.constant 0 : i32
      %dma_wait3A_177 = arith.constant 0 : i32
      %dma_wait3A_178 = arith.constant 0 : i32
      %dma_wait3A_179 = tpu.memref_slice %arg16[%dma_wait3A_176, %dma_wait3A_177, %dma_wait3A_178] : memref<5x128x64xf32, #tpu.memory_space<vmem>> -> memref<1x128x64xf32, #tpu.memory_space<vmem>>
      %dma_wait3A_180 = tpu.memref_squeeze %dma_wait3A_179 : memref<1x128x64xf32, #tpu.memory_space<vmem>> -> memref<128x64xf32, #tpu.memory_space<vmem>>
      %dma_wait3A_181 = arith.constant 0 : i32
      %dma_wait3A_182 = tpu.memref_slice %arg11[%sub3A_175, %dma_wait3A_181] : memref<80x128xi32, #tpu.memory_space<vmem>> -> memref<1x128xi32, #tpu.memory_space<vmem>>
      %dma_wait3A_183 = tpu.memref_squeeze %dma_wait3A_182 : memref<1x128xi32, #tpu.memory_space<vmem>> -> memref<128xi32, #tpu.memory_space<vmem>>
      %dma_wait3A_184 = arith.constant 0 : i32
      %dma_wait3A_185 = arith.constant 0 : i32
      %dma_wait3A_186 = tpu.memref_slice %arg17[%dma_wait3A_184, %dma_wait3A_185] : memref<5120x64xf32, #tpu.memory_space<vmem_shared>> -> memref<5120x64xf32, #tpu.memory_space<vmem_shared>>
      tpu.wait_indirect_dma semaphore(%arg24 : memref<!tpu.dma_semaphore, #tpu.memory_space<semaphore_mem>>) src(%dma_wait3A_180 : memref<128x64xf32, #tpu.memory_space<vmem>>) dst(%dma_wait3A_186 : memref<5120x64xf32, #tpu.memory_space<vmem_shared>>)
      %lt3A = arith.constant 15 : i32
      %lt3A_187 = arith.cmpi slt, %scan3A_90, %lt3A : i32
      %convert_element_type3A_188 = arith.extui %lt3A_187 : i1 to i32
      %cond3A_189 = arith.constant 0 : i32
      %cond3A_190 = arith.cmpi ne, %convert_element_type3A_188, %cond3A_189 : i32
      scf.if %cond3A_190 {
        %add3A_344 = arith.constant 5 : i32
        %add3A_345 = arith.addi %add3A_144, %add3A_344 : i32
        %sub3A_346 = arith.constant 1 : i32
        %sub3A_347 = arith.subi %add3A_345, %sub3A_346 : i32
        %dma_start3A_348 = arith.constant 0 : i32
        %dma_start3A_349 = arith.constant 0 : i32
        %dma_start3A_350 = arith.constant 0 : i32
        %dma_start3A_351 = tpu.memref_slice %arg16[%dma_start3A_348, %dma_start3A_349, %dma_start3A_350] : memref<5x128x64xf32, #tpu.memory_space<vmem>> -> memref<1x128x64xf32, #tpu.memory_space<vmem>>
        %dma_start3A_352 = tpu.memref_squeeze %dma_start3A_351 : memref<1x128x64xf32, #tpu.memory_space<vmem>> -> memref<128x64xf32, #tpu.memory_space<vmem>>
        %dma_start3A_353 = arith.constant 0 : i32
        %dma_start3A_354 = tpu.memref_slice %arg10[%sub3A_347, %dma_start3A_353] : memref<80x128xi32, #tpu.memory_space<vmem>> -> memref<1x128xi32, #tpu.memory_space<vmem>>
        %dma_start3A_355 = tpu.memref_squeeze %dma_start3A_354 : memref<1x128xi32, #tpu.memory_space<vmem>> -> memref<128xi32, #tpu.memory_space<vmem>>
        %dma_start3A_356 = arith.constant 0 : i32
        %dma_start3A_357 = arith.constant 0 : i32
        %dma_start3A_358 = tpu.memref_slice %arg18[%dma_start3A_356, %dma_start3A_357] : memref<5120x64xf32, #tpu.memory_space<vmem_shared>> -> memref<5120x64xf32, #tpu.memory_space<vmem_shared>>
        tpu.enqueue_indirect_dma source(%dma_start3A_358 : memref<5120x64xf32, #tpu.memory_space<vmem_shared>>) target(%dma_start3A_352 : memref<128x64xf32, #tpu.memory_space<vmem>>) offsets(%dma_start3A_355 : memref<128xi32, #tpu.memory_space<vmem>>) semaphore(%arg19 : memref<!tpu.dma_semaphore, #tpu.memory_space<semaphore_mem>>)
      } else {
      }
      %mul3A_191 = arith.constant 5 : i32
      %mul3A_192 = arith.muli %scan3A_90, %mul3A_191 : i32
      %add3A_193 = arith.constant 2 : i32
      %add3A_194 = arith.addi %mul3A_192, %add3A_193 : i32
      %dma_wait3A_195 = arith.constant 2 : i32
      %dma_wait3A_196 = arith.constant 0 : i32
      %dma_wait3A_197 = arith.constant 0 : i32
      %dma_wait3A_198 = tpu.memref_slice %arg16[%dma_wait3A_195, %dma_wait3A_196, %dma_wait3A_197] : memref<5x128x64xf32, #tpu.memory_space<vmem>> -> memref<1x128x64xf32, #tpu.memory_space<vmem>>
      %dma_wait3A_199 = tpu.memref_squeeze %dma_wait3A_198 : memref<1x128x64xf32, #tpu.memory_space<vmem>> -> memref<128x64xf32, #tpu.memory_space<vmem>>
      %dma_wait3A_200 = arith.constant 0 : i32
      %dma_wait3A_201 = tpu.memref_slice %arg10[%add3A_194, %dma_wait3A_200] : memref<80x128xi32, #tpu.memory_space<vmem>> -> memref<1x128xi32, #tpu.memory_space<vmem>>
      %dma_wait3A_202 = tpu.memref_squeeze %dma_wait3A_201 : memref<1x128xi32, #tpu.memory_space<vmem>> -> memref<128xi32, #tpu.memory_space<vmem>>
      %dma_wait3A_203 = arith.constant 0 : i32
      %dma_wait3A_204 = arith.constant 0 : i32
      %dma_wait3A_205 = tpu.memref_slice %arg18[%dma_wait3A_203, %dma_wait3A_204] : memref<5120x64xf32, #tpu.memory_space<vmem_shared>> -> memref<5120x64xf32, #tpu.memory_space<vmem_shared>>
      tpu.wait_indirect_dma semaphore(%arg21 : memref<!tpu.dma_semaphore, #tpu.memory_space<semaphore_mem>>) src(%dma_wait3A_205 : memref<5120x64xf32, #tpu.memory_space<vmem_shared>>) dst(%dma_wait3A_199 : memref<128x64xf32, #tpu.memory_space<vmem>>)
      %broadcast_in_dim3A_206 = vector.broadcast %add3A_194 : i32 to vector<16xi32>
      %scan3A_207 = arith.constant 0 : i32
      %scan3A_208 = arith.constant 0 : i32
      %scan3A_209 = arith.constant 128 : i32
      %scan3A_210 = arith.addi %scan3A_208, %scan3A_209 : i32
      %scan3A_211 = arith.constant 4 : i32
      scf.for %scan3A_344 = %scan3A_208 to %scan3A_210 step %scan3A_211  : i32 {
        %broadcast_in_dim3A_345 = vector.broadcast %scan3A_344 : i32 to vector<16xi32>
        %gather3A = tpu.vector_load_idx %arg12[%broadcast_in_dim3A_206, %broadcast_in_dim3A_345] : memref<80x128xf32, #tpu.memory_space<vmem>>[vector<16xi32>, vector<16xi32>], vector<16xf32>,
        %get3A = arith.constant 2 : i32
        %get3A_346 = arith.index_cast %get3A : i32 to index
        %get3A_347 = arith.index_cast %scan3A_344 : i32 to index
        %get3A_348 = arith.constant 0 : index
        %get3A_349 = tpu.vector_load %arg16[%get3A_346, %get3A_347, %get3A_348] {strides = array<i32>} : memref<5x128x64xf32, #tpu.memory_space<vmem>>, vector<16xf32>,
        %mul3A_350 = arith.mulf %get3A_349, %gather3A : vector<16xf32>
        %swap3A = arith.constant 2 : i32
        %swap3A_351 = arith.index_cast %swap3A : i32 to index
        %swap3A_352 = arith.index_cast %scan3A_344 : i32 to index
        %swap3A_353 = arith.constant 0 : index
        %swap3A_354 = tpu.vector_load %arg16[%swap3A_351, %swap3A_352, %swap3A_353] {strides = array<i32>} : memref<5x128x64xf32, #tpu.memory_space<vmem>>, vector<16xf32>,
        tpu.vector_store %arg16[%swap3A_351, %swap3A_352, %swap3A_353], %mul3A_350 {strides = array<i32>} : memref<5x128x64xf32, #tpu.memory_space<vmem>>, vector<16xf32>,
        %get3A_355 = arith.constant 2 : i32
        %get3A_356 = arith.index_cast %get3A_355 : i32 to index
        %get3A_357 = arith.index_cast %scan3A_344 : i32 to index
        %get3A_358 = arith.constant 16 : index
        %get3A_359 = tpu.vector_load %arg16[%get3A_356, %get3A_357, %get3A_358] {strides = array<i32>} : memref<5x128x64xf32, #tpu.memory_space<vmem>>, vector<16xf32>,
        %mul3A_360 = arith.mulf %get3A_359, %gather3A : vector<16xf32>
        %swap3A_361 = arith.constant 2 : i32
        %swap3A_362 = arith.index_cast %swap3A_361 : i32 to index
        %swap3A_363 = arith.index_cast %scan3A_344 : i32 to index
        %swap3A_364 = arith.constant 16 : index
        %swap3A_365 = tpu.vector_load %arg16[%swap3A_362, %swap3A_363, %swap3A_364] {strides = array<i32>} : memref<5x128x64xf32, #tpu.memory_space<vmem>>, vector<16xf32>,
        tpu.vector_store %arg16[%swap3A_362, %swap3A_363, %swap3A_364], %mul3A_360 {strides = array<i32>} : memref<5x128x64xf32, #tpu.memory_space<vmem>>, vector<16xf32>,
        %get3A_366 = arith.constant 2 : i32
        %get3A_367 = arith.index_cast %get3A_366 : i32 to index
        %get3A_368 = arith.index_cast %scan3A_344 : i32 to index
        %get3A_369 = arith.constant 32 : index
        %get3A_370 = tpu.vector_load %arg16[%get3A_367, %get3A_368, %get3A_369] {strides = array<i32>} : memref<5x128x64xf32, #tpu.memory_space<vmem>>, vector<16xf32>,
        %mul3A_371 = arith.mulf %get3A_370, %gather3A : vector<16xf32>
        %swap3A_372 = arith.constant 2 : i32
        %swap3A_373 = arith.index_cast %swap3A_372 : i32 to index
        %swap3A_374 = arith.index_cast %scan3A_344 : i32 to index
        %swap3A_375 = arith.constant 32 : index
        %swap3A_376 = tpu.vector_load %arg16[%swap3A_373, %swap3A_374, %swap3A_375] {strides = array<i32>} : memref<5x128x64xf32, #tpu.memory_space<vmem>>, vector<16xf32>,
        tpu.vector_store %arg16[%swap3A_373, %swap3A_374, %swap3A_375], %mul3A_371 {strides = array<i32>} : memref<5x128x64xf32, #tpu.memory_space<vmem>>, vector<16xf32>,
        %get3A_377 = arith.constant 2 : i32
        %get3A_378 = arith.index_cast %get3A_377 : i32 to index
        %get3A_379 = arith.index_cast %scan3A_344 : i32 to index
        %get3A_380 = arith.constant 48 : index
        %get3A_381 = tpu.vector_load %arg16[%get3A_378, %get3A_379, %get3A_380] {strides = array<i32>} : memref<5x128x64xf32, #tpu.memory_space<vmem>>, vector<16xf32>,
        %mul3A_382 = arith.mulf %get3A_381, %gather3A : vector<16xf32>
        %swap3A_383 = arith.constant 2 : i32
        %swap3A_384 = arith.index_cast %swap3A_383 : i32 to index
        %swap3A_385 = arith.index_cast %scan3A_344 : i32 to index
        %swap3A_386 = arith.constant 48 : index
        %swap3A_387 = tpu.vector_load %arg16[%swap3A_384, %swap3A_385, %swap3A_386] {strides = array<i32>} : memref<5x128x64xf32, #tpu.memory_space<vmem>>, vector<16xf32>,
        tpu.vector_store %arg16[%swap3A_384, %swap3A_385, %swap3A_386], %mul3A_382 {strides = array<i32>} : memref<5x128x64xf32, #tpu.memory_space<vmem>>, vector<16xf32>,
        %scan3A_388 = arith.constant 1 : i32
        %scan3A_389 = arith.addi %scan3A_344, %scan3A_388 : i32
        %broadcast_in_dim3A_390 = vector.broadcast %scan3A_389 : i32 to vector<16xi32>
        %gather3A_391 = tpu.vector_load_idx %arg12[%broadcast_in_dim3A_206, %broadcast_in_dim3A_390] : memref<80x128xf32, #tpu.memory_space<vmem>>[vector<16xi32>, vector<16xi32>], vector<16xf32>,
        %get3A_392 = arith.constant 2 : i32
        %get3A_393 = arith.index_cast %get3A_392 : i32 to index
        %get3A_394 = arith.index_cast %scan3A_389 : i32 to index
        %get3A_395 = arith.constant 0 : index
        %get3A_396 = tpu.vector_load %arg16[%get3A_393, %get3A_394, %get3A_395] {strides = array<i32>} : memref<5x128x64xf32, #tpu.memory_space<vmem>>, vector<16xf32>,
        %mul3A_397 = arith.mulf %get3A_396, %gather3A_391 : vector<16xf32>
        %swap3A_398 = arith.constant 2 : i32
        %swap3A_399 = arith.index_cast %swap3A_398 : i32 to index
        %swap3A_400 = arith.index_cast %scan3A_389 : i32 to index
        %swap3A_401 = arith.constant 0 : index
        %swap3A_402 = tpu.vector_load %arg16[%swap3A_399, %swap3A_400, %swap3A_401] {strides = array<i32>} : memref<5x128x64xf32, #tpu.memory_space<vmem>>, vector<16xf32>,
        tpu.vector_store %arg16[%swap3A_399, %swap3A_400, %swap3A_401], %mul3A_397 {strides = array<i32>} : memref<5x128x64xf32, #tpu.memory_space<vmem>>, vector<16xf32>,
        %get3A_403 = arith.constant 2 : i32
        %get3A_404 = arith.index_cast %get3A_403 : i32 to index
        %get3A_405 = arith.index_cast %scan3A_389 : i32 to index
        %get3A_406 = arith.constant 16 : index
        %get3A_407 = tpu.vector_load %arg16[%get3A_404, %get3A_405, %get3A_406] {strides = array<i32>} : memref<5x128x64xf32, #tpu.memory_space<vmem>>, vector<16xf32>,
        %mul3A_408 = arith.mulf %get3A_407, %gather3A_391 : vector<16xf32>
        %swap3A_409 = arith.constant 2 : i32
        %swap3A_410 = arith.index_cast %swap3A_409 : i32 to index
        %swap3A_411 = arith.index_cast %scan3A_389 : i32 to index
        %swap3A_412 = arith.constant 16 : index
        %swap3A_413 = tpu.vector_load %arg16[%swap3A_410, %swap3A_411, %swap3A_412] {strides = array<i32>} : memref<5x128x64xf32, #tpu.memory_space<vmem>>, vector<16xf32>,
        tpu.vector_store %arg16[%swap3A_410, %swap3A_411, %swap3A_412], %mul3A_408 {strides = array<i32>} : memref<5x128x64xf32, #tpu.memory_space<vmem>>, vector<16xf32>,
        %get3A_414 = arith.constant 2 : i32
        %get3A_415 = arith.index_cast %get3A_414 : i32 to index
        %get3A_416 = arith.index_cast %scan3A_389 : i32 to index
        %get3A_417 = arith.constant 32 : index
        %get3A_418 = tpu.vector_load %arg16[%get3A_415, %get3A_416, %get3A_417] {strides = array<i32>} : memref<5x128x64xf32, #tpu.memory_space<vmem>>, vector<16xf32>,
        %mul3A_419 = arith.mulf %get3A_418, %gather3A_391 : vector<16xf32>
        %swap3A_420 = arith.constant 2 : i32
        %swap3A_421 = arith.index_cast %swap3A_420 : i32 to index
        %swap3A_422 = arith.index_cast %scan3A_389 : i32 to index
        %swap3A_423 = arith.constant 32 : index
        %swap3A_424 = tpu.vector_load %arg16[%swap3A_421, %swap3A_422, %swap3A_423] {strides = array<i32>} : memref<5x128x64xf32, #tpu.memory_space<vmem>>, vector<16xf32>,
        tpu.vector_store %arg16[%swap3A_421, %swap3A_422, %swap3A_423], %mul3A_419 {strides = array<i32>} : memref<5x128x64xf32, #tpu.memory_space<vmem>>, vector<16xf32>,
        %get3A_425 = arith.constant 2 : i32
        %get3A_426 = arith.index_cast %get3A_425 : i32 to index
        %get3A_427 = arith.index_cast %scan3A_389 : i32 to index
        %get3A_428 = arith.constant 48 : index
        %get3A_429 = tpu.vector_load %arg16[%get3A_426, %get3A_427, %get3A_428] {strides = array<i32>} : memref<5x128x64xf32, #tpu.memory_space<vmem>>, vector<16xf32>,
        %mul3A_430 = arith.mulf %get3A_429, %gather3A_391 : vector<16xf32>
        %swap3A_431 = arith.constant 2 : i32
        %swap3A_432 = arith.index_cast %swap3A_431 : i32 to index
        %swap3A_433 = arith.index_cast %scan3A_389 : i32 to index
        %swap3A_434 = arith.constant 48 : index
        %swap3A_435 = tpu.vector_load %arg16[%swap3A_432, %swap3A_433, %swap3A_434] {strides = array<i32>} : memref<5x128x64xf32, #tpu.memory_space<vmem>>, vector<16xf32>,
        tpu.vector_store %arg16[%swap3A_432, %swap3A_433, %swap3A_434], %mul3A_430 {strides = array<i32>} : memref<5x128x64xf32, #tpu.memory_space<vmem>>, vector<16xf32>,
        %scan3A_436 = arith.constant 2 : i32
        %scan3A_437 = arith.addi %scan3A_344, %scan3A_436 : i32
        %broadcast_in_dim3A_438 = vector.broadcast %scan3A_437 : i32 to vector<16xi32>
        %gather3A_439 = tpu.vector_load_idx %arg12[%broadcast_in_dim3A_206, %broadcast_in_dim3A_438] : memref<80x128xf32, #tpu.memory_space<vmem>>[vector<16xi32>, vector<16xi32>], vector<16xf32>,
        %get3A_440 = arith.constant 2 : i32
        %get3A_441 = arith.index_cast %get3A_440 : i32 to index
        %get3A_442 = arith.index_cast %scan3A_437 : i32 to index
        %get3A_443 = arith.constant 0 : index
        %get3A_444 = tpu.vector_load %arg16[%get3A_441, %get3A_442, %get3A_443] {strides = array<i32>} : memref<5x128x64xf32, #tpu.memory_space<vmem>>, vector<16xf32>,
        %mul3A_445 = arith.mulf %get3A_444, %gather3A_439 : vector<16xf32>
        %swap3A_446 = arith.constant 2 : i32
        %swap3A_447 = arith.index_cast %swap3A_446 : i32 to index
        %swap3A_448 = arith.index_cast %scan3A_437 : i32 to index
        %swap3A_449 = arith.constant 0 : index
        %swap3A_450 = tpu.vector_load %arg16[%swap3A_447, %swap3A_448, %swap3A_449] {strides = array<i32>} : memref<5x128x64xf32, #tpu.memory_space<vmem>>, vector<16xf32>,
        tpu.vector_store %arg16[%swap3A_447, %swap3A_448, %swap3A_449], %mul3A_445 {strides = array<i32>} : memref<5x128x64xf32, #tpu.memory_space<vmem>>, vector<16xf32>,
        %get3A_451 = arith.constant 2 : i32
        %get3A_452 = arith.index_cast %get3A_451 : i32 to index
        %get3A_453 = arith.index_cast %scan3A_437 : i32 to index
        %get3A_454 = arith.constant 16 : index
        %get3A_455 = tpu.vector_load %arg16[%get3A_452, %get3A_453, %get3A_454] {strides = array<i32>} : memref<5x128x64xf32, #tpu.memory_space<vmem>>, vector<16xf32>,
        %mul3A_456 = arith.mulf %get3A_455, %gather3A_439 : vector<16xf32>
        %swap3A_457 = arith.constant 2 : i32
        %swap3A_458 = arith.index_cast %swap3A_457 : i32 to index
        %swap3A_459 = arith.index_cast %scan3A_437 : i32 to index
        %swap3A_460 = arith.constant 16 : index
        %swap3A_461 = tpu.vector_load %arg16[%swap3A_458, %swap3A_459, %swap3A_460] {strides = array<i32>} : memref<5x128x64xf32, #tpu.memory_space<vmem>>, vector<16xf32>,
        tpu.vector_store %arg16[%swap3A_458, %swap3A_459, %swap3A_460], %mul3A_456 {strides = array<i32>} : memref<5x128x64xf32, #tpu.memory_space<vmem>>, vector<16xf32>,
        %get3A_462 = arith.constant 2 : i32
        %get3A_463 = arith.index_cast %get3A_462 : i32 to index
        %get3A_464 = arith.index_cast %scan3A_437 : i32 to index
        %get3A_465 = arith.constant 32 : index
        %get3A_466 = tpu.vector_load %arg16[%get3A_463, %get3A_464, %get3A_465] {strides = array<i32>} : memref<5x128x64xf32, #tpu.memory_space<vmem>>, vector<16xf32>,
        %mul3A_467 = arith.mulf %get3A_466, %gather3A_439 : vector<16xf32>
        %swap3A_468 = arith.constant 2 : i32
        %swap3A_469 = arith.index_cast %swap3A_468 : i32 to index
        %swap3A_470 = arith.index_cast %scan3A_437 : i32 to index
        %swap3A_471 = arith.constant 32 : index
        %swap3A_472 = tpu.vector_load %arg16[%swap3A_469, %swap3A_470, %swap3A_471] {strides = array<i32>} : memref<5x128x64xf32, #tpu.memory_space<vmem>>, vector<16xf32>,
        tpu.vector_store %arg16[%swap3A_469, %swap3A_470, %swap3A_471], %mul3A_467 {strides = array<i32>} : memref<5x128x64xf32, #tpu.memory_space<vmem>>, vector<16xf32>,
        %get3A_473 = arith.constant 2 : i32
        %get3A_474 = arith.index_cast %get3A_473 : i32 to index
        %get3A_475 = arith.index_cast %scan3A_437 : i32 to index
        %get3A_476 = arith.constant 48 : index
        %get3A_477 = tpu.vector_load %arg16[%get3A_474, %get3A_475, %get3A_476] {strides = array<i32>} : memref<5x128x64xf32, #tpu.memory_space<vmem>>, vector<16xf32>,
        %mul3A_478 = arith.mulf %get3A_477, %gather3A_439 : vector<16xf32>
        %swap3A_479 = arith.constant 2 : i32
        %swap3A_480 = arith.index_cast %swap3A_479 : i32 to index
        %swap3A_481 = arith.index_cast %scan3A_437 : i32 to index
        %swap3A_482 = arith.constant 48 : index
        %swap3A_483 = tpu.vector_load %arg16[%swap3A_480, %swap3A_481, %swap3A_482] {strides = array<i32>} : memref<5x128x64xf32, #tpu.memory_space<vmem>>, vector<16xf32>,
        tpu.vector_store %arg16[%swap3A_480, %swap3A_481, %swap3A_482], %mul3A_478 {strides = array<i32>} : memref<5x128x64xf32, #tpu.memory_space<vmem>>, vector<16xf32>,
        %scan3A_484 = arith.constant 3 : i32
        %scan3A_485 = arith.addi %scan3A_344, %scan3A_484 : i32
        %broadcast_in_dim3A_486 = vector.broadcast %scan3A_485 : i32 to vector<16xi32>
        %gather3A_487 = tpu.vector_load_idx %arg12[%broadcast_in_dim3A_206, %broadcast_in_dim3A_486] : memref<80x128xf32, #tpu.memory_space<vmem>>[vector<16xi32>, vector<16xi32>], vector<16xf32>,
        %get3A_488 = arith.constant 2 : i32
        %get3A_489 = arith.index_cast %get3A_488 : i32 to index
        %get3A_490 = arith.index_cast %scan3A_485 : i32 to index
        %get3A_491 = arith.constant 0 : index
        %get3A_492 = tpu.vector_load %arg16[%get3A_489, %get3A_490, %get3A_491] {strides = array<i32>} : memref<5x128x64xf32, #tpu.memory_space<vmem>>, vector<16xf32>,
        %mul3A_493 = arith.mulf %get3A_492, %gather3A_487 : vector<16xf32>
        %swap3A_494 = arith.constant 2 : i32
        %swap3A_495 = arith.index_cast %swap3A_494 : i32 to index
        %swap3A_496 = arith.index_cast %scan3A_485 : i32 to index
        %swap3A_497 = arith.constant 0 : index
        %swap3A_498 = tpu.vector_load %arg16[%swap3A_495, %swap3A_496, %swap3A_497] {strides = array<i32>} : memref<5x128x64xf32, #tpu.memory_space<vmem>>, vector<16xf32>,
        tpu.vector_store %arg16[%swap3A_495, %swap3A_496, %swap3A_497], %mul3A_493 {strides = array<i32>} : memref<5x128x64xf32, #tpu.memory_space<vmem>>, vector<16xf32>,
        %get3A_499 = arith.constant 2 : i32
        %get3A_500 = arith.index_cast %get3A_499 : i32 to index
        %get3A_501 = arith.index_cast %scan3A_485 : i32 to index
        %get3A_502 = arith.constant 16 : index
        %get3A_503 = tpu.vector_load %arg16[%get3A_500, %get3A_501, %get3A_502] {strides = array<i32>} : memref<5x128x64xf32, #tpu.memory_space<vmem>>, vector<16xf32>,
        %mul3A_504 = arith.mulf %get3A_503, %gather3A_487 : vector<16xf32>
        %swap3A_505 = arith.constant 2 : i32
        %swap3A_506 = arith.index_cast %swap3A_505 : i32 to index
        %swap3A_507 = arith.index_cast %scan3A_485 : i32 to index
        %swap3A_508 = arith.constant 16 : index
        %swap3A_509 = tpu.vector_load %arg16[%swap3A_506, %swap3A_507, %swap3A_508] {strides = array<i32>} : memref<5x128x64xf32, #tpu.memory_space<vmem>>, vector<16xf32>,
        tpu.vector_store %arg16[%swap3A_506, %swap3A_507, %swap3A_508], %mul3A_504 {strides = array<i32>} : memref<5x128x64xf32, #tpu.memory_space<vmem>>, vector<16xf32>,
        %get3A_510 = arith.constant 2 : i32
        %get3A_511 = arith.index_cast %get3A_510 : i32 to index
        %get3A_512 = arith.index_cast %scan3A_485 : i32 to index
        %get3A_513 = arith.constant 32 : index
        %get3A_514 = tpu.vector_load %arg16[%get3A_511, %get3A_512, %get3A_513] {strides = array<i32>} : memref<5x128x64xf32, #tpu.memory_space<vmem>>, vector<16xf32>,
        %mul3A_515 = arith.mulf %get3A_514, %gather3A_487 : vector<16xf32>
        %swap3A_516 = arith.constant 2 : i32
        %swap3A_517 = arith.index_cast %swap3A_516 : i32 to index
        %swap3A_518 = arith.index_cast %scan3A_485 : i32 to index
        %swap3A_519 = arith.constant 32 : index
        %swap3A_520 = tpu.vector_load %arg16[%swap3A_517, %swap3A_518, %swap3A_519] {strides = array<i32>} : memref<5x128x64xf32, #tpu.memory_space<vmem>>, vector<16xf32>,
        tpu.vector_store %arg16[%swap3A_517, %swap3A_518, %swap3A_519], %mul3A_515 {strides = array<i32>} : memref<5x128x64xf32, #tpu.memory_space<vmem>>, vector<16xf32>,
        %get3A_521 = arith.constant 2 : i32
        %get3A_522 = arith.index_cast %get3A_521 : i32 to index
        %get3A_523 = arith.index_cast %scan3A_485 : i32 to index
        %get3A_524 = arith.constant 48 : index
        %get3A_525 = tpu.vector_load %arg16[%get3A_522, %get3A_523, %get3A_524] {strides = array<i32>} : memref<5x128x64xf32, #tpu.memory_space<vmem>>, vector<16xf32>,
        %mul3A_526 = arith.mulf %get3A_525, %gather3A_487 : vector<16xf32>
        %swap3A_527 = arith.constant 2 : i32
        %swap3A_528 = arith.index_cast %swap3A_527 : i32 to index
        %swap3A_529 = arith.index_cast %scan3A_485 : i32 to index
        %swap3A_530 = arith.constant 48 : index
        %swap3A_531 = tpu.vector_load %arg16[%swap3A_528, %swap3A_529, %swap3A_530] {strides = array<i32>} : memref<5x128x64xf32, #tpu.memory_space<vmem>>, vector<16xf32>,
        tpu.vector_store %arg16[%swap3A_528, %swap3A_529, %swap3A_530], %mul3A_526 {strides = array<i32>} : memref<5x128x64xf32, #tpu.memory_space<vmem>>, vector<16xf32>,
      }
      %scan3A_212 = arith.constant 128 : i32
      %dma_start3A_213 = arith.constant 2 : i32
      %dma_start3A_214 = arith.constant 0 : i32
      %dma_start3A_215 = arith.constant 0 : i32
      %dma_start3A_216 = tpu.memref_slice %arg16[%dma_start3A_213, %dma_start3A_214, %dma_start3A_215] : memref<5x128x64xf32, #tpu.memory_space<vmem>> -> memref<1x128x64xf32, #tpu.memory_space<vmem>>
      %dma_start3A_217 = tpu.memref_squeeze %dma_start3A_216 : memref<1x128x64xf32, #tpu.memory_space<vmem>> -> memref<128x64xf32, #tpu.memory_space<vmem>>
      %dma_start3A_218 = arith.constant 0 : i32
      %dma_start3A_219 = tpu.memref_slice %arg11[%add3A_194, %dma_start3A_218] : memref<80x128xi32, #tpu.memory_space<vmem>> -> memref<1x128xi32, #tpu.memory_space<vmem>>
      %dma_start3A_220 = tpu.memref_squeeze %dma_start3A_219 : memref<1x128xi32, #tpu.memory_space<vmem>> -> memref<128xi32, #tpu.memory_space<vmem>>
      %dma_start3A_221 = arith.constant 0 : i32
      %dma_start3A_222 = arith.constant 0 : i32
      %dma_start3A_223 = tpu.memref_slice %arg17[%dma_start3A_221, %dma_start3A_222] : memref<5120x64xf32, #tpu.memory_space<vmem_shared>> -> memref<5120x64xf32, #tpu.memory_space<vmem_shared>>
      tpu.enqueue_indirect_dma source(%dma_start3A_217 : memref<128x64xf32, #tpu.memory_space<vmem>>) target(%dma_start3A_223 : memref<5120x64xf32, #tpu.memory_space<vmem_shared>>) offsets(%dma_start3A_220 : memref<128xi32, #tpu.memory_space<vmem>>) semaphore(%arg26 : memref<!tpu.dma_semaphore, #tpu.memory_space<semaphore_mem>>) {add = true}
      %sub3A_224 = arith.constant 1 : i32
      %sub3A_225 = arith.subi %add3A_194, %sub3A_224 : i32
      %dma_wait3A_226 = arith.constant 1 : i32
      %dma_wait3A_227 = arith.constant 0 : i32
      %dma_wait3A_228 = arith.constant 0 : i32
      %dma_wait3A_229 = tpu.memref_slice %arg16[%dma_wait3A_226, %dma_wait3A_227, %dma_wait3A_228] : memref<5x128x64xf32, #tpu.memory_space<vmem>> -> memref<1x128x64xf32, #tpu.memory_space<vmem>>
      %dma_wait3A_230 = tpu.memref_squeeze %dma_wait3A_229 : memref<1x128x64xf32, #tpu.memory_space<vmem>> -> memref<128x64xf32, #tpu.memory_space<vmem>>
      %dma_wait3A_231 = arith.constant 0 : i32
      %dma_wait3A_232 = tpu.memref_slice %arg11[%sub3A_225, %dma_wait3A_231] : memref<80x128xi32, #tpu.memory_space<vmem>> -> memref<1x128xi32, #tpu.memory_space<vmem>>
      %dma_wait3A_233 = tpu.memref_squeeze %dma_wait3A_232 : memref<1x128xi32, #tpu.memory_space<vmem>> -> memref<128xi32, #tpu.memory_space<vmem>>
      %dma_wait3A_234 = arith.constant 0 : i32
      %dma_wait3A_235 = arith.constant 0 : i32
      %dma_wait3A_236 = tpu.memref_slice %arg17[%dma_wait3A_234, %dma_wait3A_235] : memref<5120x64xf32, #tpu.memory_space<vmem_shared>> -> memref<5120x64xf32, #tpu.memory_space<vmem_shared>>
      tpu.wait_indirect_dma semaphore(%arg25 : memref<!tpu.dma_semaphore, #tpu.memory_space<semaphore_mem>>) src(%dma_wait3A_230 : memref<128x64xf32, #tpu.memory_space<vmem>>) dst(%dma_wait3A_236 : memref<5120x64xf32, #tpu.memory_space<vmem_shared>>)
      %lt3A_237 = arith.constant 15 : i32
      %lt3A_238 = arith.cmpi slt, %scan3A_90, %lt3A_237 : i32
      %convert_element_type3A_239 = arith.extui %lt3A_238 : i1 to i32
      %cond3A_240 = arith.constant 0 : i32
      %cond3A_241 = arith.cmpi ne, %convert_element_type3A_239, %cond3A_240 : i32
      scf.if %cond3A_241 {
        %add3A_344 = arith.constant 5 : i32
        %add3A_345 = arith.addi %add3A_194, %add3A_344 : i32
        %sub3A_346 = arith.constant 1 : i32
        %sub3A_347 = arith.subi %add3A_345, %sub3A_346 : i32
        %dma_start3A_348 = arith.constant 1 : i32
        %dma_start3A_349 = arith.constant 0 : i32
        %dma_start3A_350 = arith.constant 0 : i32
        %dma_start3A_351 = tpu.memref_slice %arg16[%dma_start3A_348, %dma_start3A_349, %dma_start3A_350] : memref<5x128x64xf32, #tpu.memory_space<vmem>> -> memref<1x128x64xf32, #tpu.memory_space<vmem>>
        %dma_start3A_352 = tpu.memref_squeeze %dma_start3A_351 : memref<1x128x64xf32, #tpu.memory_space<vmem>> -> memref<128x64xf32, #tpu.memory_space<vmem>>
        %dma_start3A_353 = arith.constant 0 : i32
        %dma_start3A_354 = tpu.memref_slice %arg10[%sub3A_347, %dma_start3A_353] : memref<80x128xi32, #tpu.memory_space<vmem>> -> memref<1x128xi32, #tpu.memory_space<vmem>>
        %dma_start3A_355 = tpu.memref_squeeze %dma_start3A_354 : memref<1x128xi32, #tpu.memory_space<vmem>> -> memref<128xi32, #tpu.memory_space<vmem>>
        %dma_start3A_356 = arith.constant 0 : i32
        %dma_start3A_357 = arith.constant 0 : i32
        %dma_start3A_358 = tpu.memref_slice %arg18[%dma_start3A_356, %dma_start3A_357] : memref<5120x64xf32, #tpu.memory_space<vmem_shared>> -> memref<5120x64xf32, #tpu.memory_space<vmem_shared>>
        tpu.enqueue_indirect_dma source(%dma_start3A_358 : memref<5120x64xf32, #tpu.memory_space<vmem_shared>>) target(%dma_start3A_352 : memref<128x64xf32, #tpu.memory_space<vmem>>) offsets(%dma_start3A_355 : memref<128xi32, #tpu.memory_space<vmem>>) semaphore(%arg20 : memref<!tpu.dma_semaphore, #tpu.memory_space<semaphore_mem>>)
      } else {
      }
      %mul3A_242 = arith.constant 5 : i32
      %mul3A_243 = arith.muli %scan3A_90, %mul3A_242 : i32
      %add3A_244 = arith.constant 3 : i32
      %add3A_245 = arith.addi %mul3A_243, %add3A_244 : i32
      %dma_wait3A_246 = arith.constant 3 : i32
      %dma_wait3A_247 = arith.constant 0 : i32
      %dma_wait3A_248 = arith.constant 0 : i32
      %dma_wait3A_249 = tpu.memref_slice %arg16[%dma_wait3A_246, %dma_wait3A_247, %dma_wait3A_248] : memref<5x128x64xf32, #tpu.memory_space<vmem>> -> memref<1x128x64xf32, #tpu.memory_space<vmem>>
      %dma_wait3A_250 = tpu.memref_squeeze %dma_wait3A_249 : memref<1x128x64xf32, #tpu.memory_space<vmem>> -> memref<128x64xf32, #tpu.memory_space<vmem>>
      %dma_wait3A_251 = arith.constant 0 : i32
      %dma_wait3A_252 = tpu.memref_slice %arg10[%add3A_245, %dma_wait3A_251] : memref<80x128xi32, #tpu.memory_space<vmem>> -> memref<1x128xi32, #tpu.memory_space<vmem>>
      %dma_wait3A_253 = tpu.memref_squeeze %dma_wait3A_252 : memref<1x128xi32, #tpu.memory_space<vmem>> -> memref<128xi32, #tpu.memory_space<vmem>>
      %dma_wait3A_254 = arith.constant 0 : i32
      %dma_wait3A_255 = arith.constant 0 : i32
      %dma_wait3A_256 = tpu.memref_slice %arg18[%dma_wait3A_254, %dma_wait3A_255] : memref<5120x64xf32, #tpu.memory_space<vmem_shared>> -> memref<5120x64xf32, #tpu.memory_space<vmem_shared>>
      tpu.wait_indirect_dma semaphore(%arg22 : memref<!tpu.dma_semaphore, #tpu.memory_space<semaphore_mem>>) src(%dma_wait3A_256 : memref<5120x64xf32, #tpu.memory_space<vmem_shared>>) dst(%dma_wait3A_250 : memref<128x64xf32, #tpu.memory_space<vmem>>)
      %broadcast_in_dim3A_257 = vector.broadcast %add3A_245 : i32 to vector<16xi32>
      %scan3A_258 = arith.constant 0 : i32
      %scan3A_259 = arith.constant 0 : i32
      %scan3A_260 = arith.constant 128 : i32
      %scan3A_261 = arith.addi %scan3A_259, %scan3A_260 : i32
      %scan3A_262 = arith.constant 4 : i32
      scf.for %scan3A_344 = %scan3A_259 to %scan3A_261 step %scan3A_262  : i32 {
        %broadcast_in_dim3A_345 = vector.broadcast %scan3A_344 : i32 to vector<16xi32>
        %gather3A = tpu.vector_load_idx %arg12[%broadcast_in_dim3A_257, %broadcast_in_dim3A_345] : memref<80x128xf32, #tpu.memory_space<vmem>>[vector<16xi32>, vector<16xi32>], vector<16xf32>,
        %get3A = arith.constant 3 : i32
        %get3A_346 = arith.index_cast %get3A : i32 to index
        %get3A_347 = arith.index_cast %scan3A_344 : i32 to index
        %get3A_348 = arith.constant 0 : index
        %get3A_349 = tpu.vector_load %arg16[%get3A_346, %get3A_347, %get3A_348] {strides = array<i32>} : memref<5x128x64xf32, #tpu.memory_space<vmem>>, vector<16xf32>,
        %mul3A_350 = arith.mulf %get3A_349, %gather3A : vector<16xf32>
        %swap3A = arith.constant 3 : i32
        %swap3A_351 = arith.index_cast %swap3A : i32 to index
        %swap3A_352 = arith.index_cast %scan3A_344 : i32 to index
        %swap3A_353 = arith.constant 0 : index
        %swap3A_354 = tpu.vector_load %arg16[%swap3A_351, %swap3A_352, %swap3A_353] {strides = array<i32>} : memref<5x128x64xf32, #tpu.memory_space<vmem>>, vector<16xf32>,
        tpu.vector_store %arg16[%swap3A_351, %swap3A_352, %swap3A_353], %mul3A_350 {strides = array<i32>} : memref<5x128x64xf32, #tpu.memory_space<vmem>>, vector<16xf32>,
        %get3A_355 = arith.constant 3 : i32
        %get3A_356 = arith.index_cast %get3A_355 : i32 to index
        %get3A_357 = arith.index_cast %scan3A_344 : i32 to index
        %get3A_358 = arith.constant 16 : index
        %get3A_359 = tpu.vector_load %arg16[%get3A_356, %get3A_357, %get3A_358] {strides = array<i32>} : memref<5x128x64xf32, #tpu.memory_space<vmem>>, vector<16xf32>,
        %mul3A_360 = arith.mulf %get3A_359, %gather3A : vector<16xf32>
        %swap3A_361 = arith.constant 3 : i32
        %swap3A_362 = arith.index_cast %swap3A_361 : i32 to index
        %swap3A_363 = arith.index_cast %scan3A_344 : i32 to index
        %swap3A_364 = arith.constant 16 : index
        %swap3A_365 = tpu.vector_load %arg16[%swap3A_362, %swap3A_363, %swap3A_364] {strides = array<i32>} : memref<5x128x64xf32, #tpu.memory_space<vmem>>, vector<16xf32>,
        tpu.vector_store %arg16[%swap3A_362, %swap3A_363, %swap3A_364], %mul3A_360 {strides = array<i32>} : memref<5x128x64xf32, #tpu.memory_space<vmem>>, vector<16xf32>,
        %get3A_366 = arith.constant 3 : i32
        %get3A_367 = arith.index_cast %get3A_366 : i32 to index
        %get3A_368 = arith.index_cast %scan3A_344 : i32 to index
        %get3A_369 = arith.constant 32 : index
        %get3A_370 = tpu.vector_load %arg16[%get3A_367, %get3A_368, %get3A_369] {strides = array<i32>} : memref<5x128x64xf32, #tpu.memory_space<vmem>>, vector<16xf32>,
        %mul3A_371 = arith.mulf %get3A_370, %gather3A : vector<16xf32>
        %swap3A_372 = arith.constant 3 : i32
        %swap3A_373 = arith.index_cast %swap3A_372 : i32 to index
        %swap3A_374 = arith.index_cast %scan3A_344 : i32 to index
        %swap3A_375 = arith.constant 32 : index
        %swap3A_376 = tpu.vector_load %arg16[%swap3A_373, %swap3A_374, %swap3A_375] {strides = array<i32>} : memref<5x128x64xf32, #tpu.memory_space<vmem>>, vector<16xf32>,
        tpu.vector_store %arg16[%swap3A_373, %swap3A_374, %swap3A_375], %mul3A_371 {strides = array<i32>} : memref<5x128x64xf32, #tpu.memory_space<vmem>>, vector<16xf32>,
        %get3A_377 = arith.constant 3 : i32
        %get3A_378 = arith.index_cast %get3A_377 : i32 to index
        %get3A_379 = arith.index_cast %scan3A_344 : i32 to index
        %get3A_380 = arith.constant 48 : index
        %get3A_381 = tpu.vector_load %arg16[%get3A_378, %get3A_379, %get3A_380] {strides = array<i32>} : memref<5x128x64xf32, #tpu.memory_space<vmem>>, vector<16xf32>,
        %mul3A_382 = arith.mulf %get3A_381, %gather3A : vector<16xf32>
        %swap3A_383 = arith.constant 3 : i32
        %swap3A_384 = arith.index_cast %swap3A_383 : i32 to index
        %swap3A_385 = arith.index_cast %scan3A_344 : i32 to index
        %swap3A_386 = arith.constant 48 : index
        %swap3A_387 = tpu.vector_load %arg16[%swap3A_384, %swap3A_385, %swap3A_386] {strides = array<i32>} : memref<5x128x64xf32, #tpu.memory_space<vmem>>, vector<16xf32>,
        tpu.vector_store %arg16[%swap3A_384, %swap3A_385, %swap3A_386], %mul3A_382 {strides = array<i32>} : memref<5x128x64xf32, #tpu.memory_space<vmem>>, vector<16xf32>,
        %scan3A_388 = arith.constant 1 : i32
        %scan3A_389 = arith.addi %scan3A_344, %scan3A_388 : i32
        %broadcast_in_dim3A_390 = vector.broadcast %scan3A_389 : i32 to vector<16xi32>
        %gather3A_391 = tpu.vector_load_idx %arg12[%broadcast_in_dim3A_257, %broadcast_in_dim3A_390] : memref<80x128xf32, #tpu.memory_space<vmem>>[vector<16xi32>, vector<16xi32>], vector<16xf32>,
        %get3A_392 = arith.constant 3 : i32
        %get3A_393 = arith.index_cast %get3A_392 : i32 to index
        %get3A_394 = arith.index_cast %scan3A_389 : i32 to index
        %get3A_395 = arith.constant 0 : index
        %get3A_396 = tpu.vector_load %arg16[%get3A_393, %get3A_394, %get3A_395] {strides = array<i32>} : memref<5x128x64xf32, #tpu.memory_space<vmem>>, vector<16xf32>,
        %mul3A_397 = arith.mulf %get3A_396, %gather3A_391 : vector<16xf32>
        %swap3A_398 = arith.constant 3 : i32
        %swap3A_399 = arith.index_cast %swap3A_398 : i32 to index
        %swap3A_400 = arith.index_cast %scan3A_389 : i32 to index
        %swap3A_401 = arith.constant 0 : index
        %swap3A_402 = tpu.vector_load %arg16[%swap3A_399, %swap3A_400, %swap3A_401] {strides = array<i32>} : memref<5x128x64xf32, #tpu.memory_space<vmem>>, vector<16xf32>,
        tpu.vector_store %arg16[%swap3A_399, %swap3A_400, %swap3A_401], %mul3A_397 {strides = array<i32>} : memref<5x128x64xf32, #tpu.memory_space<vmem>>, vector<16xf32>,
        %get3A_403 = arith.constant 3 : i32
        %get3A_404 = arith.index_cast %get3A_403 : i32 to index
        %get3A_405 = arith.index_cast %scan3A_389 : i32 to index
        %get3A_406 = arith.constant 16 : index
        %get3A_407 = tpu.vector_load %arg16[%get3A_404, %get3A_405, %get3A_406] {strides = array<i32>} : memref<5x128x64xf32, #tpu.memory_space<vmem>>, vector<16xf32>,
        %mul3A_408 = arith.mulf %get3A_407, %gather3A_391 : vector<16xf32>
        %swap3A_409 = arith.constant 3 : i32
        %swap3A_410 = arith.index_cast %swap3A_409 : i32 to index
        %swap3A_411 = arith.index_cast %scan3A_389 : i32 to index
        %swap3A_412 = arith.constant 16 : index
        %swap3A_413 = tpu.vector_load %arg16[%swap3A_410, %swap3A_411, %swap3A_412] {strides = array<i32>} : memref<5x128x64xf32, #tpu.memory_space<vmem>>, vector<16xf32>,
        tpu.vector_store %arg16[%swap3A_410, %swap3A_411, %swap3A_412], %mul3A_408 {strides = array<i32>} : memref<5x128x64xf32, #tpu.memory_space<vmem>>, vector<16xf32>,
        %get3A_414 = arith.constant 3 : i32
        %get3A_415 = arith.index_cast %get3A_414 : i32 to index
        %get3A_416 = arith.index_cast %scan3A_389 : i32 to index
        %get3A_417 = arith.constant 32 : index
        %get3A_418 = tpu.vector_load %arg16[%get3A_415, %get3A_416, %get3A_417] {strides = array<i32>} : memref<5x128x64xf32, #tpu.memory_space<vmem>>, vector<16xf32>,
        %mul3A_419 = arith.mulf %get3A_418, %gather3A_391 : vector<16xf32>
        %swap3A_420 = arith.constant 3 : i32
        %swap3A_421 = arith.index_cast %swap3A_420 : i32 to index
        %swap3A_422 = arith.index_cast %scan3A_389 : i32 to index
        %swap3A_423 = arith.constant 32 : index
        %swap3A_424 = tpu.vector_load %arg16[%swap3A_421, %swap3A_422, %swap3A_423] {strides = array<i32>} : memref<5x128x64xf32, #tpu.memory_space<vmem>>, vector<16xf32>,
        tpu.vector_store %arg16[%swap3A_421, %swap3A_422, %swap3A_423], %mul3A_419 {strides = array<i32>} : memref<5x128x64xf32, #tpu.memory_space<vmem>>, vector<16xf32>,
        %get3A_425 = arith.constant 3 : i32
        %get3A_426 = arith.index_cast %get3A_425 : i32 to index
        %get3A_427 = arith.index_cast %scan3A_389 : i32 to index
        %get3A_428 = arith.constant 48 : index
        %get3A_429 = tpu.vector_load %arg16[%get3A_426, %get3A_427, %get3A_428] {strides = array<i32>} : memref<5x128x64xf32, #tpu.memory_space<vmem>>, vector<16xf32>,
        %mul3A_430 = arith.mulf %get3A_429, %gather3A_391 : vector<16xf32>
        %swap3A_431 = arith.constant 3 : i32
        %swap3A_432 = arith.index_cast %swap3A_431 : i32 to index
        %swap3A_433 = arith.index_cast %scan3A_389 : i32 to index
        %swap3A_434 = arith.constant 48 : index
        %swap3A_435 = tpu.vector_load %arg16[%swap3A_432, %swap3A_433, %swap3A_434] {strides = array<i32>} : memref<5x128x64xf32, #tpu.memory_space<vmem>>, vector<16xf32>,
        tpu.vector_store %arg16[%swap3A_432, %swap3A_433, %swap3A_434], %mul3A_430 {strides = array<i32>} : memref<5x128x64xf32, #tpu.memory_space<vmem>>, vector<16xf32>,
        %scan3A_436 = arith.constant 2 : i32
        %scan3A_437 = arith.addi %scan3A_344, %scan3A_436 : i32
        %broadcast_in_dim3A_438 = vector.broadcast %scan3A_437 : i32 to vector<16xi32>
        %gather3A_439 = tpu.vector_load_idx %arg12[%broadcast_in_dim3A_257, %broadcast_in_dim3A_438] : memref<80x128xf32, #tpu.memory_space<vmem>>[vector<16xi32>, vector<16xi32>], vector<16xf32>,
        %get3A_440 = arith.constant 3 : i32
        %get3A_441 = arith.index_cast %get3A_440 : i32 to index
        %get3A_442 = arith.index_cast %scan3A_437 : i32 to index
        %get3A_443 = arith.constant 0 : index
        %get3A_444 = tpu.vector_load %arg16[%get3A_441, %get3A_442, %get3A_443] {strides = array<i32>} : memref<5x128x64xf32, #tpu.memory_space<vmem>>, vector<16xf32>,
        %mul3A_445 = arith.mulf %get3A_444, %gather3A_439 : vector<16xf32>
        %swap3A_446 = arith.constant 3 : i32
        %swap3A_447 = arith.index_cast %swap3A_446 : i32 to index
        %swap3A_448 = arith.index_cast %scan3A_437 : i32 to index
        %swap3A_449 = arith.constant 0 : index
        %swap3A_450 = tpu.vector_load %arg16[%swap3A_447, %swap3A_448, %swap3A_449] {strides = array<i32>} : memref<5x128x64xf32, #tpu.memory_space<vmem>>, vector<16xf32>,
        tpu.vector_store %arg16[%swap3A_447, %swap3A_448, %swap3A_449], %mul3A_445 {strides = array<i32>} : memref<5x128x64xf32, #tpu.memory_space<vmem>>, vector<16xf32>,
        %get3A_451 = arith.constant 3 : i32
        %get3A_452 = arith.index_cast %get3A_451 : i32 to index
        %get3A_453 = arith.index_cast %scan3A_437 : i32 to index
        %get3A_454 = arith.constant 16 : index
        %get3A_455 = tpu.vector_load %arg16[%get3A_452, %get3A_453, %get3A_454] {strides = array<i32>} : memref<5x128x64xf32, #tpu.memory_space<vmem>>, vector<16xf32>,
        %mul3A_456 = arith.mulf %get3A_455, %gather3A_439 : vector<16xf32>
        %swap3A_457 = arith.constant 3 : i32
        %swap3A_458 = arith.index_cast %swap3A_457 : i32 to index
        %swap3A_459 = arith.index_cast %scan3A_437 : i32 to index
        %swap3A_460 = arith.constant 16 : index
        %swap3A_461 = tpu.vector_load %arg16[%swap3A_458, %swap3A_459, %swap3A_460] {strides = array<i32>} : memref<5x128x64xf32, #tpu.memory_space<vmem>>, vector<16xf32>,
        tpu.vector_store %arg16[%swap3A_458, %swap3A_459, %swap3A_460], %mul3A_456 {strides = array<i32>} : memref<5x128x64xf32, #tpu.memory_space<vmem>>, vector<16xf32>,
        %get3A_462 = arith.constant 3 : i32
        %get3A_463 = arith.index_cast %get3A_462 : i32 to index
        %get3A_464 = arith.index_cast %scan3A_437 : i32 to index
        %get3A_465 = arith.constant 32 : index
        %get3A_466 = tpu.vector_load %arg16[%get3A_463, %get3A_464, %get3A_465] {strides = array<i32>} : memref<5x128x64xf32, #tpu.memory_space<vmem>>, vector<16xf32>,
        %mul3A_467 = arith.mulf %get3A_466, %gather3A_439 : vector<16xf32>
        %swap3A_468 = arith.constant 3 : i32
        %swap3A_469 = arith.index_cast %swap3A_468 : i32 to index
        %swap3A_470 = arith.index_cast %scan3A_437 : i32 to index
        %swap3A_471 = arith.constant 32 : index
        %swap3A_472 = tpu.vector_load %arg16[%swap3A_469, %swap3A_470, %swap3A_471] {strides = array<i32>} : memref<5x128x64xf32, #tpu.memory_space<vmem>>, vector<16xf32>,
        tpu.vector_store %arg16[%swap3A_469, %swap3A_470, %swap3A_471], %mul3A_467 {strides = array<i32>} : memref<5x128x64xf32, #tpu.memory_space<vmem>>, vector<16xf32>,
        %get3A_473 = arith.constant 3 : i32
        %get3A_474 = arith.index_cast %get3A_473 : i32 to index
        %get3A_475 = arith.index_cast %scan3A_437 : i32 to index
        %get3A_476 = arith.constant 48 : index
        %get3A_477 = tpu.vector_load %arg16[%get3A_474, %get3A_475, %get3A_476] {strides = array<i32>} : memref<5x128x64xf32, #tpu.memory_space<vmem>>, vector<16xf32>,
        %mul3A_478 = arith.mulf %get3A_477, %gather3A_439 : vector<16xf32>
        %swap3A_479 = arith.constant 3 : i32
        %swap3A_480 = arith.index_cast %swap3A_479 : i32 to index
        %swap3A_481 = arith.index_cast %scan3A_437 : i32 to index
        %swap3A_482 = arith.constant 48 : index
        %swap3A_483 = tpu.vector_load %arg16[%swap3A_480, %swap3A_481, %swap3A_482] {strides = array<i32>} : memref<5x128x64xf32, #tpu.memory_space<vmem>>, vector<16xf32>,
        tpu.vector_store %arg16[%swap3A_480, %swap3A_481, %swap3A_482], %mul3A_478 {strides = array<i32>} : memref<5x128x64xf32, #tpu.memory_space<vmem>>, vector<16xf32>,
        %scan3A_484 = arith.constant 3 : i32
        %scan3A_485 = arith.addi %scan3A_344, %scan3A_484 : i32
        %broadcast_in_dim3A_486 = vector.broadcast %scan3A_485 : i32 to vector<16xi32>
        %gather3A_487 = tpu.vector_load_idx %arg12[%broadcast_in_dim3A_257, %broadcast_in_dim3A_486] : memref<80x128xf32, #tpu.memory_space<vmem>>[vector<16xi32>, vector<16xi32>], vector<16xf32>,
        %get3A_488 = arith.constant 3 : i32
        %get3A_489 = arith.index_cast %get3A_488 : i32 to index
        %get3A_490 = arith.index_cast %scan3A_485 : i32 to index
        %get3A_491 = arith.constant 0 : index
        %get3A_492 = tpu.vector_load %arg16[%get3A_489, %get3A_490, %get3A_491] {strides = array<i32>} : memref<5x128x64xf32, #tpu.memory_space<vmem>>, vector<16xf32>,
        %mul3A_493 = arith.mulf %get3A_492, %gather3A_487 : vector<16xf32>
        %swap3A_494 = arith.constant 3 : i32
        %swap3A_495 = arith.index_cast %swap3A_494 : i32 to index
        %swap3A_496 = arith.index_cast %scan3A_485 : i32 to index
        %swap3A_497 = arith.constant 0 : index
        %swap3A_498 = tpu.vector_load %arg16[%swap3A_495, %swap3A_496, %swap3A_497] {strides = array<i32>} : memref<5x128x64xf32, #tpu.memory_space<vmem>>, vector<16xf32>,
        tpu.vector_store %arg16[%swap3A_495, %swap3A_496, %swap3A_497], %mul3A_493 {strides = array<i32>} : memref<5x128x64xf32, #tpu.memory_space<vmem>>, vector<16xf32>,
        %get3A_499 = arith.constant 3 : i32
        %get3A_500 = arith.index_cast %get3A_499 : i32 to index
        %get3A_501 = arith.index_cast %scan3A_485 : i32 to index
        %get3A_502 = arith.constant 16 : index
        %get3A_503 = tpu.vector_load %arg16[%get3A_500, %get3A_501, %get3A_502] {strides = array<i32>} : memref<5x128x64xf32, #tpu.memory_space<vmem>>, vector<16xf32>,
        %mul3A_504 = arith.mulf %get3A_503, %gather3A_487 : vector<16xf32>
        %swap3A_505 = arith.constant 3 : i32
        %swap3A_506 = arith.index_cast %swap3A_505 : i32 to index
        %swap3A_507 = arith.index_cast %scan3A_485 : i32 to index
        %swap3A_508 = arith.constant 16 : index
        %swap3A_509 = tpu.vector_load %arg16[%swap3A_506, %swap3A_507, %swap3A_508] {strides = array<i32>} : memref<5x128x64xf32, #tpu.memory_space<vmem>>, vector<16xf32>,
        tpu.vector_store %arg16[%swap3A_506, %swap3A_507, %swap3A_508], %mul3A_504 {strides = array<i32>} : memref<5x128x64xf32, #tpu.memory_space<vmem>>, vector<16xf32>,
        %get3A_510 = arith.constant 3 : i32
        %get3A_511 = arith.index_cast %get3A_510 : i32 to index
        %get3A_512 = arith.index_cast %scan3A_485 : i32 to index
        %get3A_513 = arith.constant 32 : index
        %get3A_514 = tpu.vector_load %arg16[%get3A_511, %get3A_512, %get3A_513] {strides = array<i32>} : memref<5x128x64xf32, #tpu.memory_space<vmem>>, vector<16xf32>,
        %mul3A_515 = arith.mulf %get3A_514, %gather3A_487 : vector<16xf32>
        %swap3A_516 = arith.constant 3 : i32
        %swap3A_517 = arith.index_cast %swap3A_516 : i32 to index
        %swap3A_518 = arith.index_cast %scan3A_485 : i32 to index
        %swap3A_519 = arith.constant 32 : index
        %swap3A_520 = tpu.vector_load %arg16[%swap3A_517, %swap3A_518, %swap3A_519] {strides = array<i32>} : memref<5x128x64xf32, #tpu.memory_space<vmem>>, vector<16xf32>,
        tpu.vector_store %arg16[%swap3A_517, %swap3A_518, %swap3A_519], %mul3A_515 {strides = array<i32>} : memref<5x128x64xf32, #tpu.memory_space<vmem>>, vector<16xf32>,
        %get3A_521 = arith.constant 3 : i32
        %get3A_522 = arith.index_cast %get3A_521 : i32 to index
        %get3A_523 = arith.index_cast %scan3A_485 : i32 to index
        %get3A_524 = arith.constant 48 : index
        %get3A_525 = tpu.vector_load %arg16[%get3A_522, %get3A_523, %get3A_524] {strides = array<i32>} : memref<5x128x64xf32, #tpu.memory_space<vmem>>, vector<16xf32>,
        %mul3A_526 = arith.mulf %get3A_525, %gather3A_487 : vector<16xf32>
        %swap3A_527 = arith.constant 3 : i32
        %swap3A_528 = arith.index_cast %swap3A_527 : i32 to index
        %swap3A_529 = arith.index_cast %scan3A_485 : i32 to index
        %swap3A_530 = arith.constant 48 : index
        %swap3A_531 = tpu.vector_load %arg16[%swap3A_528, %swap3A_529, %swap3A_530] {strides = array<i32>} : memref<5x128x64xf32, #tpu.memory_space<vmem>>, vector<16xf32>,
        tpu.vector_store %arg16[%swap3A_528, %swap3A_529, %swap3A_530], %mul3A_526 {strides = array<i32>} : memref<5x128x64xf32, #tpu.memory_space<vmem>>, vector<16xf32>,
      }
      %scan3A_263 = arith.constant 128 : i32
      %dma_start3A_264 = arith.constant 3 : i32
      %dma_start3A_265 = arith.constant 0 : i32
      %dma_start3A_266 = arith.constant 0 : i32
      %dma_start3A_267 = tpu.memref_slice %arg16[%dma_start3A_264, %dma_start3A_265, %dma_start3A_266] : memref<5x128x64xf32, #tpu.memory_space<vmem>> -> memref<1x128x64xf32, #tpu.memory_space<vmem>>
      %dma_start3A_268 = tpu.memref_squeeze %dma_start3A_267 : memref<1x128x64xf32, #tpu.memory_space<vmem>> -> memref<128x64xf32, #tpu.memory_space<vmem>>
      %dma_start3A_269 = arith.constant 0 : i32
      %dma_start3A_270 = tpu.memref_slice %arg11[%add3A_245, %dma_start3A_269] : memref<80x128xi32, #tpu.memory_space<vmem>> -> memref<1x128xi32, #tpu.memory_space<vmem>>
      %dma_start3A_271 = tpu.memref_squeeze %dma_start3A_270 : memref<1x128xi32, #tpu.memory_space<vmem>> -> memref<128xi32, #tpu.memory_space<vmem>>
      %dma_start3A_272 = arith.constant 0 : i32
      %dma_start3A_273 = arith.constant 0 : i32
      %dma_start3A_274 = tpu.memref_slice %arg17[%dma_start3A_272, %dma_start3A_273] : memref<5120x64xf32, #tpu.memory_space<vmem_shared>> -> memref<5120x64xf32, #tpu.memory_space<vmem_shared>>
      tpu.enqueue_indirect_dma source(%dma_start3A_268 : memref<128x64xf32, #tpu.memory_space<vmem>>) target(%dma_start3A_274 : memref<5120x64xf32, #tpu.memory_space<vmem_shared>>) offsets(%dma_start3A_271 : memref<128xi32, #tpu.memory_space<vmem>>) semaphore(%arg27 : memref<!tpu.dma_semaphore, #tpu.memory_space<semaphore_mem>>) {add = true}
      %sub3A_275 = arith.constant 1 : i32
      %sub3A_276 = arith.subi %add3A_245, %sub3A_275 : i32
      %dma_wait3A_277 = arith.constant 2 : i32
      %dma_wait3A_278 = arith.constant 0 : i32
      %dma_wait3A_279 = arith.constant 0 : i32
      %dma_wait3A_280 = tpu.memref_slice %arg16[%dma_wait3A_277, %dma_wait3A_278, %dma_wait3A_279] : memref<5x128x64xf32, #tpu.memory_space<vmem>> -> memref<1x128x64xf32, #tpu.memory_space<vmem>>
      %dma_wait3A_281 = tpu.memref_squeeze %dma_wait3A_280 : memref<1x128x64xf32, #tpu.memory_space<vmem>> -> memref<128x64xf32, #tpu.memory_space<vmem>>
      %dma_wait3A_282 = arith.constant 0 : i32
      %dma_wait3A_283 = tpu.memref_slice %arg11[%sub3A_276, %dma_wait3A_282] : memref<80x128xi32, #tpu.memory_space<vmem>> -> memref<1x128xi32, #tpu.memory_space<vmem>>
      %dma_wait3A_284 = tpu.memref_squeeze %dma_wait3A_283 : memref<1x128xi32, #tpu.memory_space<vmem>> -> memref<128xi32, #tpu.memory_space<vmem>>
      %dma_wait3A_285 = arith.constant 0 : i32
      %dma_wait3A_286 = arith.constant 0 : i32
      %dma_wait3A_287 = tpu.memref_slice %arg17[%dma_wait3A_285, %dma_wait3A_286] : memref<5120x64xf32, #tpu.memory_space<vmem_shared>> -> memref<5120x64xf32, #tpu.memory_space<vmem_shared>>
      tpu.wait_indirect_dma semaphore(%arg26 : memref<!tpu.dma_semaphore, #tpu.memory_space<semaphore_mem>>) src(%dma_wait3A_281 : memref<128x64xf32, #tpu.memory_space<vmem>>) dst(%dma_wait3A_287 : memref<5120x64xf32, #tpu.memory_space<vmem_shared>>)
      %lt3A_288 = arith.constant 15 : i32
      %lt3A_289 = arith.cmpi slt, %scan3A_90, %lt3A_288 : i32
      %convert_element_type3A_290 = arith.extui %lt3A_289 : i1 to i32
      %cond3A_291 = arith.constant 0 : i32
      %cond3A_292 = arith.cmpi ne, %convert_element_type3A_290, %cond3A_291 : i32
      scf.if %cond3A_292 {
        %add3A_344 = arith.constant 5 : i32
        %add3A_345 = arith.addi %add3A_245, %add3A_344 : i32
        %sub3A_346 = arith.constant 1 : i32
        %sub3A_347 = arith.subi %add3A_345, %sub3A_346 : i32
        %dma_start3A_348 = arith.constant 2 : i32
        %dma_start3A_349 = arith.constant 0 : i32
        %dma_start3A_350 = arith.constant 0 : i32
        %dma_start3A_351 = tpu.memref_slice %arg16[%dma_start3A_348, %dma_start3A_349, %dma_start3A_350] : memref<5x128x64xf32, #tpu.memory_space<vmem>> -> memref<1x128x64xf32, #tpu.memory_space<vmem>>
        %dma_start3A_352 = tpu.memref_squeeze %dma_start3A_351 : memref<1x128x64xf32, #tpu.memory_space<vmem>> -> memref<128x64xf32, #tpu.memory_space<vmem>>
        %dma_start3A_353 = arith.constant 0 : i32
        %dma_start3A_354 = tpu.memref_slice %arg10[%sub3A_347, %dma_start3A_353] : memref<80x128xi32, #tpu.memory_space<vmem>> -> memref<1x128xi32, #tpu.memory_space<vmem>>
        %dma_start3A_355 = tpu.memref_squeeze %dma_start3A_354 : memref<1x128xi32, #tpu.memory_space<vmem>> -> memref<128xi32, #tpu.memory_space<vmem>>
        %dma_start3A_356 = arith.constant 0 : i32
        %dma_start3A_357 = arith.constant 0 : i32
        %dma_start3A_358 = tpu.memref_slice %arg18[%dma_start3A_356, %dma_start3A_357] : memref<5120x64xf32, #tpu.memory_space<vmem_shared>> -> memref<5120x64xf32, #tpu.memory_space<vmem_shared>>
        tpu.enqueue_indirect_dma source(%dma_start3A_358 : memref<5120x64xf32, #tpu.memory_space<vmem_shared>>) target(%dma_start3A_352 : memref<128x64xf32, #tpu.memory_space<vmem>>) offsets(%dma_start3A_355 : memref<128xi32, #tpu.memory_space<vmem>>) semaphore(%arg21 : memref<!tpu.dma_semaphore, #tpu.memory_space<semaphore_mem>>)
      } else {
      }
      %mul3A_293 = arith.constant 5 : i32
      %mul3A_294 = arith.muli %scan3A_90, %mul3A_293 : i32
      %add3A_295 = arith.constant 4 : i32
      %add3A_296 = arith.addi %mul3A_294, %add3A_295 : i32
      %dma_wait3A_297 = arith.constant 4 : i32
      %dma_wait3A_298 = arith.constant 0 : i32
      %dma_wait3A_299 = arith.constant 0 : i32
      %dma_wait3A_300 = tpu.memref_slice %arg16[%dma_wait3A_297, %dma_wait3A_298, %dma_wait3A_299] : memref<5x128x64xf32, #tpu.memory_space<vmem>> -> memref<1x128x64xf32, #tpu.memory_space<vmem>>
      %dma_wait3A_301 = tpu.memref_squeeze %dma_wait3A_300 : memref<1x128x64xf32, #tpu.memory_space<vmem>> -> memref<128x64xf32, #tpu.memory_space<vmem>>
      %dma_wait3A_302 = arith.constant 0 : i32
      %dma_wait3A_303 = tpu.memref_slice %arg10[%add3A_296, %dma_wait3A_302] : memref<80x128xi32, #tpu.memory_space<vmem>> -> memref<1x128xi32, #tpu.memory_space<vmem>>
      %dma_wait3A_304 = tpu.memref_squeeze %dma_wait3A_303 : memref<1x128xi32, #tpu.memory_space<vmem>> -> memref<128xi32, #tpu.memory_space<vmem>>
      %dma_wait3A_305 = arith.constant 0 : i32
      %dma_wait3A_306 = arith.constant 0 : i32
      %dma_wait3A_307 = tpu.memref_slice %arg18[%dma_wait3A_305, %dma_wait3A_306] : memref<5120x64xf32, #tpu.memory_space<vmem_shared>> -> memref<5120x64xf32, #tpu.memory_space<vmem_shared>>
      tpu.wait_indirect_dma semaphore(%arg23 : memref<!tpu.dma_semaphore, #tpu.memory_space<semaphore_mem>>) src(%dma_wait3A_307 : memref<5120x64xf32, #tpu.memory_space<vmem_shared>>) dst(%dma_wait3A_301 : memref<128x64xf32, #tpu.memory_space<vmem>>)
      %broadcast_in_dim3A_308 = vector.broadcast %add3A_296 : i32 to vector<16xi32>
      %scan3A_309 = arith.constant 0 : i32
      %scan3A_310 = arith.constant 0 : i32
      %scan3A_311 = arith.constant 128 : i32
      %scan3A_312 = arith.addi %scan3A_310, %scan3A_311 : i32
      %scan3A_313 = arith.constant 4 : i32
      scf.for %scan3A_344 = %scan3A_310 to %scan3A_312 step %scan3A_313  : i32 {
        %broadcast_in_dim3A_345 = vector.broadcast %scan3A_344 : i32 to vector<16xi32>
        %gather3A = tpu.vector_load_idx %arg12[%broadcast_in_dim3A_308, %broadcast_in_dim3A_345] : memref<80x128xf32, #tpu.memory_space<vmem>>[vector<16xi32>, vector<16xi32>], vector<16xf32>,
        %get3A = arith.constant 4 : i32
        %get3A_346 = arith.index_cast %get3A : i32 to index
        %get3A_347 = arith.index_cast %scan3A_344 : i32 to index
        %get3A_348 = arith.constant 0 : index
        %get3A_349 = tpu.vector_load %arg16[%get3A_346, %get3A_347, %get3A_348] {strides = array<i32>} : memref<5x128x64xf32, #tpu.memory_space<vmem>>, vector<16xf32>,
        %mul3A_350 = arith.mulf %get3A_349, %gather3A : vector<16xf32>
        %swap3A = arith.constant 4 : i32
        %swap3A_351 = arith.index_cast %swap3A : i32 to index
        %swap3A_352 = arith.index_cast %scan3A_344 : i32 to index
        %swap3A_353 = arith.constant 0 : index
        %swap3A_354 = tpu.vector_load %arg16[%swap3A_351, %swap3A_352, %swap3A_353] {strides = array<i32>} : memref<5x128x64xf32, #tpu.memory_space<vmem>>, vector<16xf32>,
        tpu.vector_store %arg16[%swap3A_351, %swap3A_352, %swap3A_353], %mul3A_350 {strides = array<i32>} : memref<5x128x64xf32, #tpu.memory_space<vmem>>, vector<16xf32>,
        %get3A_355 = arith.constant 4 : i32
        %get3A_356 = arith.index_cast %get3A_355 : i32 to index
        %get3A_357 = arith.index_cast %scan3A_344 : i32 to index
        %get3A_358 = arith.constant 16 : index
        %get3A_359 = tpu.vector_load %arg16[%get3A_356, %get3A_357, %get3A_358] {strides = array<i32>} : memref<5x128x64xf32, #tpu.memory_space<vmem>>, vector<16xf32>,
        %mul3A_360 = arith.mulf %get3A_359, %gather3A : vector<16xf32>
        %swap3A_361 = arith.constant 4 : i32
        %swap3A_362 = arith.index_cast %swap3A_361 : i32 to index
        %swap3A_363 = arith.index_cast %scan3A_344 : i32 to index
        %swap3A_364 = arith.constant 16 : index
        %swap3A_365 = tpu.vector_load %arg16[%swap3A_362, %swap3A_363, %swap3A_364] {strides = array<i32>} : memref<5x128x64xf32, #tpu.memory_space<vmem>>, vector<16xf32>,
        tpu.vector_store %arg16[%swap3A_362, %swap3A_363, %swap3A_364], %mul3A_360 {strides = array<i32>} : memref<5x128x64xf32, #tpu.memory_space<vmem>>, vector<16xf32>,
        %get3A_366 = arith.constant 4 : i32
        %get3A_367 = arith.index_cast %get3A_366 : i32 to index
        %get3A_368 = arith.index_cast %scan3A_344 : i32 to index
        %get3A_369 = arith.constant 32 : index
        %get3A_370 = tpu.vector_load %arg16[%get3A_367, %get3A_368, %get3A_369] {strides = array<i32>} : memref<5x128x64xf32, #tpu.memory_space<vmem>>, vector<16xf32>,
        %mul3A_371 = arith.mulf %get3A_370, %gather3A : vector<16xf32>
        %swap3A_372 = arith.constant 4 : i32
        %swap3A_373 = arith.index_cast %swap3A_372 : i32 to index
        %swap3A_374 = arith.index_cast %scan3A_344 : i32 to index
        %swap3A_375 = arith.constant 32 : index
        %swap3A_376 = tpu.vector_load %arg16[%swap3A_373, %swap3A_374, %swap3A_375] {strides = array<i32>} : memref<5x128x64xf32, #tpu.memory_space<vmem>>, vector<16xf32>,
        tpu.vector_store %arg16[%swap3A_373, %swap3A_374, %swap3A_375], %mul3A_371 {strides = array<i32>} : memref<5x128x64xf32, #tpu.memory_space<vmem>>, vector<16xf32>,
        %get3A_377 = arith.constant 4 : i32
        %get3A_378 = arith.index_cast %get3A_377 : i32 to index
        %get3A_379 = arith.index_cast %scan3A_344 : i32 to index
        %get3A_380 = arith.constant 48 : index
        %get3A_381 = tpu.vector_load %arg16[%get3A_378, %get3A_379, %get3A_380] {strides = array<i32>} : memref<5x128x64xf32, #tpu.memory_space<vmem>>, vector<16xf32>,
        %mul3A_382 = arith.mulf %get3A_381, %gather3A : vector<16xf32>
        %swap3A_383 = arith.constant 4 : i32
        %swap3A_384 = arith.index_cast %swap3A_383 : i32 to index
        %swap3A_385 = arith.index_cast %scan3A_344 : i32 to index
        %swap3A_386 = arith.constant 48 : index
        %swap3A_387 = tpu.vector_load %arg16[%swap3A_384, %swap3A_385, %swap3A_386] {strides = array<i32>} : memref<5x128x64xf32, #tpu.memory_space<vmem>>, vector<16xf32>,
        tpu.vector_store %arg16[%swap3A_384, %swap3A_385, %swap3A_386], %mul3A_382 {strides = array<i32>} : memref<5x128x64xf32, #tpu.memory_space<vmem>>, vector<16xf32>,
        %scan3A_388 = arith.constant 1 : i32
        %scan3A_389 = arith.addi %scan3A_344, %scan3A_388 : i32
        %broadcast_in_dim3A_390 = vector.broadcast %scan3A_389 : i32 to vector<16xi32>
        %gather3A_391 = tpu.vector_load_idx %arg12[%broadcast_in_dim3A_308, %broadcast_in_dim3A_390] : memref<80x128xf32, #tpu.memory_space<vmem>>[vector<16xi32>, vector<16xi32>], vector<16xf32>,
        %get3A_392 = arith.constant 4 : i32
        %get3A_393 = arith.index_cast %get3A_392 : i32 to index
        %get3A_394 = arith.index_cast %scan3A_389 : i32 to index
        %get3A_395 = arith.constant 0 : index
        %get3A_396 = tpu.vector_load %arg16[%get3A_393, %get3A_394, %get3A_395] {strides = array<i32>} : memref<5x128x64xf32, #tpu.memory_space<vmem>>, vector<16xf32>,
        %mul3A_397 = arith.mulf %get3A_396, %gather3A_391 : vector<16xf32>
        %swap3A_398 = arith.constant 4 : i32
        %swap3A_399 = arith.index_cast %swap3A_398 : i32 to index
        %swap3A_400 = arith.index_cast %scan3A_389 : i32 to index
        %swap3A_401 = arith.constant 0 : index
        %swap3A_402 = tpu.vector_load %arg16[%swap3A_399, %swap3A_400, %swap3A_401] {strides = array<i32>} : memref<5x128x64xf32, #tpu.memory_space<vmem>>, vector<16xf32>,
        tpu.vector_store %arg16[%swap3A_399, %swap3A_400, %swap3A_401], %mul3A_397 {strides = array<i32>} : memref<5x128x64xf32, #tpu.memory_space<vmem>>, vector<16xf32>,
        %get3A_403 = arith.constant 4 : i32
        %get3A_404 = arith.index_cast %get3A_403 : i32 to index
        %get3A_405 = arith.index_cast %scan3A_389 : i32 to index
        %get3A_406 = arith.constant 16 : index
        %get3A_407 = tpu.vector_load %arg16[%get3A_404, %get3A_405, %get3A_406] {strides = array<i32>} : memref<5x128x64xf32, #tpu.memory_space<vmem>>, vector<16xf32>,
        %mul3A_408 = arith.mulf %get3A_407, %gather3A_391 : vector<16xf32>
        %swap3A_409 = arith.constant 4 : i32
        %swap3A_410 = arith.index_cast %swap3A_409 : i32 to index
        %swap3A_411 = arith.index_cast %scan3A_389 : i32 to index
        %swap3A_412 = arith.constant 16 : index
        %swap3A_413 = tpu.vector_load %arg16[%swap3A_410, %swap3A_411, %swap3A_412] {strides = array<i32>} : memref<5x128x64xf32, #tpu.memory_space<vmem>>, vector<16xf32>,
        tpu.vector_store %arg16[%swap3A_410, %swap3A_411, %swap3A_412], %mul3A_408 {strides = array<i32>} : memref<5x128x64xf32, #tpu.memory_space<vmem>>, vector<16xf32>,
        %get3A_414 = arith.constant 4 : i32
        %get3A_415 = arith.index_cast %get3A_414 : i32 to index
        %get3A_416 = arith.index_cast %scan3A_389 : i32 to index
        %get3A_417 = arith.constant 32 : index
        %get3A_418 = tpu.vector_load %arg16[%get3A_415, %get3A_416, %get3A_417] {strides = array<i32>} : memref<5x128x64xf32, #tpu.memory_space<vmem>>, vector<16xf32>,
        %mul3A_419 = arith.mulf %get3A_418, %gather3A_391 : vector<16xf32>
        %swap3A_420 = arith.constant 4 : i32
        %swap3A_421 = arith.index_cast %swap3A_420 : i32 to index
        %swap3A_422 = arith.index_cast %scan3A_389 : i32 to index
        %swap3A_423 = arith.constant 32 : index
        %swap3A_424 = tpu.vector_load %arg16[%swap3A_421, %swap3A_422, %swap3A_423] {strides = array<i32>} : memref<5x128x64xf32, #tpu.memory_space<vmem>>, vector<16xf32>,
        tpu.vector_store %arg16[%swap3A_421, %swap3A_422, %swap3A_423], %mul3A_419 {strides = array<i32>} : memref<5x128x64xf32, #tpu.memory_space<vmem>>, vector<16xf32>,
        %get3A_425 = arith.constant 4 : i32
        %get3A_426 = arith.index_cast %get3A_425 : i32 to index
        %get3A_427 = arith.index_cast %scan3A_389 : i32 to index
        %get3A_428 = arith.constant 48 : index
        %get3A_429 = tpu.vector_load %arg16[%get3A_426, %get3A_427, %get3A_428] {strides = array<i32>} : memref<5x128x64xf32, #tpu.memory_space<vmem>>, vector<16xf32>,
        %mul3A_430 = arith.mulf %get3A_429, %gather3A_391 : vector<16xf32>
        %swap3A_431 = arith.constant 4 : i32
        %swap3A_432 = arith.index_cast %swap3A_431 : i32 to index
        %swap3A_433 = arith.index_cast %scan3A_389 : i32 to index
        %swap3A_434 = arith.constant 48 : index
        %swap3A_435 = tpu.vector_load %arg16[%swap3A_432, %swap3A_433, %swap3A_434] {strides = array<i32>} : memref<5x128x64xf32, #tpu.memory_space<vmem>>, vector<16xf32>,
        tpu.vector_store %arg16[%swap3A_432, %swap3A_433, %swap3A_434], %mul3A_430 {strides = array<i32>} : memref<5x128x64xf32, #tpu.memory_space<vmem>>, vector<16xf32>,
        %scan3A_436 = arith.constant 2 : i32
        %scan3A_437 = arith.addi %scan3A_344, %scan3A_436 : i32
        %broadcast_in_dim3A_438 = vector.broadcast %scan3A_437 : i32 to vector<16xi32>
        %gather3A_439 = tpu.vector_load_idx %arg12[%broadcast_in_dim3A_308, %broadcast_in_dim3A_438] : memref<80x128xf32, #tpu.memory_space<vmem>>[vector<16xi32>, vector<16xi32>], vector<16xf32>,
        %get3A_440 = arith.constant 4 : i32
        %get3A_441 = arith.index_cast %get3A_440 : i32 to index
        %get3A_442 = arith.index_cast %scan3A_437 : i32 to index
        %get3A_443 = arith.constant 0 : index
        %get3A_444 = tpu.vector_load %arg16[%get3A_441, %get3A_442, %get3A_443] {strides = array<i32>} : memref<5x128x64xf32, #tpu.memory_space<vmem>>, vector<16xf32>,
        %mul3A_445 = arith.mulf %get3A_444, %gather3A_439 : vector<16xf32>
        %swap3A_446 = arith.constant 4 : i32
        %swap3A_447 = arith.index_cast %swap3A_446 : i32 to index
        %swap3A_448 = arith.index_cast %scan3A_437 : i32 to index
        %swap3A_449 = arith.constant 0 : index
        %swap3A_450 = tpu.vector_load %arg16[%swap3A_447, %swap3A_448, %swap3A_449] {strides = array<i32>} : memref<5x128x64xf32, #tpu.memory_space<vmem>>, vector<16xf32>,
        tpu.vector_store %arg16[%swap3A_447, %swap3A_448, %swap3A_449], %mul3A_445 {strides = array<i32>} : memref<5x128x64xf32, #tpu.memory_space<vmem>>, vector<16xf32>,
        %get3A_451 = arith.constant 4 : i32
        %get3A_452 = arith.index_cast %get3A_451 : i32 to index
        %get3A_453 = arith.index_cast %scan3A_437 : i32 to index
        %get3A_454 = arith.constant 16 : index
        %get3A_455 = tpu.vector_load %arg16[%get3A_452, %get3A_453, %get3A_454] {strides = array<i32>} : memref<5x128x64xf32, #tpu.memory_space<vmem>>, vector<16xf32>,
        %mul3A_456 = arith.mulf %get3A_455, %gather3A_439 : vector<16xf32>
        %swap3A_457 = arith.constant 4 : i32
        %swap3A_458 = arith.index_cast %swap3A_457 : i32 to index
        %swap3A_459 = arith.index_cast %scan3A_437 : i32 to index
        %swap3A_460 = arith.constant 16 : index
        %swap3A_461 = tpu.vector_load %arg16[%swap3A_458, %swap3A_459, %swap3A_460] {strides = array<i32>} : memref<5x128x64xf32, #tpu.memory_space<vmem>>, vector<16xf32>,
        tpu.vector_store %arg16[%swap3A_458, %swap3A_459, %swap3A_460], %mul3A_456 {strides = array<i32>} : memref<5x128x64xf32, #tpu.memory_space<vmem>>, vector<16xf32>,
        %get3A_462 = arith.constant 4 : i32
        %get3A_463 = arith.index_cast %get3A_462 : i32 to index
        %get3A_464 = arith.index_cast %scan3A_437 : i32 to index
        %get3A_465 = arith.constant 32 : index
        %get3A_466 = tpu.vector_load %arg16[%get3A_463, %get3A_464, %get3A_465] {strides = array<i32>} : memref<5x128x64xf32, #tpu.memory_space<vmem>>, vector<16xf32>,
        %mul3A_467 = arith.mulf %get3A_466, %gather3A_439 : vector<16xf32>
        %swap3A_468 = arith.constant 4 : i32
        %swap3A_469 = arith.index_cast %swap3A_468 : i32 to index
        %swap3A_470 = arith.index_cast %scan3A_437 : i32 to index
        %swap3A_471 = arith.constant 32 : index
        %swap3A_472 = tpu.vector_load %arg16[%swap3A_469, %swap3A_470, %swap3A_471] {strides = array<i32>} : memref<5x128x64xf32, #tpu.memory_space<vmem>>, vector<16xf32>,
        tpu.vector_store %arg16[%swap3A_469, %swap3A_470, %swap3A_471], %mul3A_467 {strides = array<i32>} : memref<5x128x64xf32, #tpu.memory_space<vmem>>, vector<16xf32>,
        %get3A_473 = arith.constant 4 : i32
        %get3A_474 = arith.index_cast %get3A_473 : i32 to index
        %get3A_475 = arith.index_cast %scan3A_437 : i32 to index
        %get3A_476 = arith.constant 48 : index
        %get3A_477 = tpu.vector_load %arg16[%get3A_474, %get3A_475, %get3A_476] {strides = array<i32>} : memref<5x128x64xf32, #tpu.memory_space<vmem>>, vector<16xf32>,
        %mul3A_478 = arith.mulf %get3A_477, %gather3A_439 : vector<16xf32>
        %swap3A_479 = arith.constant 4 : i32
        %swap3A_480 = arith.index_cast %swap3A_479 : i32 to index
        %swap3A_481 = arith.index_cast %scan3A_437 : i32 to index
        %swap3A_482 = arith.constant 48 : index
        %swap3A_483 = tpu.vector_load %arg16[%swap3A_480, %swap3A_481, %swap3A_482] {strides = array<i32>} : memref<5x128x64xf32, #tpu.memory_space<vmem>>, vector<16xf32>,
        tpu.vector_store %arg16[%swap3A_480, %swap3A_481, %swap3A_482], %mul3A_478 {strides = array<i32>} : memref<5x128x64xf32, #tpu.memory_space<vmem>>, vector<16xf32>,
        %scan3A_484 = arith.constant 3 : i32
        %scan3A_485 = arith.addi %scan3A_344, %scan3A_484 : i32
        %broadcast_in_dim3A_486 = vector.broadcast %scan3A_485 : i32 to vector<16xi32>
        %gather3A_487 = tpu.vector_load_idx %arg12[%broadcast_in_dim3A_308, %broadcast_in_dim3A_486] : memref<80x128xf32, #tpu.memory_space<vmem>>[vector<16xi32>, vector<16xi32>], vector<16xf32>,
        %get3A_488 = arith.constant 4 : i32
        %get3A_489 = arith.index_cast %get3A_488 : i32 to index
        %get3A_490 = arith.index_cast %scan3A_485 : i32 to index
        %get3A_491 = arith.constant 0 : index
        %get3A_492 = tpu.vector_load %arg16[%get3A_489, %get3A_490, %get3A_491] {strides = array<i32>} : memref<5x128x64xf32, #tpu.memory_space<vmem>>, vector<16xf32>,
        %mul3A_493 = arith.mulf %get3A_492, %gather3A_487 : vector<16xf32>
        %swap3A_494 = arith.constant 4 : i32
        %swap3A_495 = arith.index_cast %swap3A_494 : i32 to index
        %swap3A_496 = arith.index_cast %scan3A_485 : i32 to index
        %swap3A_497 = arith.constant 0 : index
        %swap3A_498 = tpu.vector_load %arg16[%swap3A_495, %swap3A_496, %swap3A_497] {strides = array<i32>} : memref<5x128x64xf32, #tpu.memory_space<vmem>>, vector<16xf32>,
        tpu.vector_store %arg16[%swap3A_495, %swap3A_496, %swap3A_497], %mul3A_493 {strides = array<i32>} : memref<5x128x64xf32, #tpu.memory_space<vmem>>, vector<16xf32>,
        %get3A_499 = arith.constant 4 : i32
        %get3A_500 = arith.index_cast %get3A_499 : i32 to index
        %get3A_501 = arith.index_cast %scan3A_485 : i32 to index
        %get3A_502 = arith.constant 16 : index
        %get3A_503 = tpu.vector_load %arg16[%get3A_500, %get3A_501, %get3A_502] {strides = array<i32>} : memref<5x128x64xf32, #tpu.memory_space<vmem>>, vector<16xf32>,
        %mul3A_504 = arith.mulf %get3A_503, %gather3A_487 : vector<16xf32>
        %swap3A_505 = arith.constant 4 : i32
        %swap3A_506 = arith.index_cast %swap3A_505 : i32 to index
        %swap3A_507 = arith.index_cast %scan3A_485 : i32 to index
        %swap3A_508 = arith.constant 16 : index
        %swap3A_509 = tpu.vector_load %arg16[%swap3A_506, %swap3A_507, %swap3A_508] {strides = array<i32>} : memref<5x128x64xf32, #tpu.memory_space<vmem>>, vector<16xf32>,
        tpu.vector_store %arg16[%swap3A_506, %swap3A_507, %swap3A_508], %mul3A_504 {strides = array<i32>} : memref<5x128x64xf32, #tpu.memory_space<vmem>>, vector<16xf32>,
        %get3A_510 = arith.constant 4 : i32
        %get3A_511 = arith.index_cast %get3A_510 : i32 to index
        %get3A_512 = arith.index_cast %scan3A_485 : i32 to index
        %get3A_513 = arith.constant 32 : index
        %get3A_514 = tpu.vector_load %arg16[%get3A_511, %get3A_512, %get3A_513] {strides = array<i32>} : memref<5x128x64xf32, #tpu.memory_space<vmem>>, vector<16xf32>,
        %mul3A_515 = arith.mulf %get3A_514, %gather3A_487 : vector<16xf32>
        %swap3A_516 = arith.constant 4 : i32
        %swap3A_517 = arith.index_cast %swap3A_516 : i32 to index
        %swap3A_518 = arith.index_cast %scan3A_485 : i32 to index
        %swap3A_519 = arith.constant 32 : index
        %swap3A_520 = tpu.vector_load %arg16[%swap3A_517, %swap3A_518, %swap3A_519] {strides = array<i32>} : memref<5x128x64xf32, #tpu.memory_space<vmem>>, vector<16xf32>,
        tpu.vector_store %arg16[%swap3A_517, %swap3A_518, %swap3A_519], %mul3A_515 {strides = array<i32>} : memref<5x128x64xf32, #tpu.memory_space<vmem>>, vector<16xf32>,
        %get3A_521 = arith.constant 4 : i32
        %get3A_522 = arith.index_cast %get3A_521 : i32 to index
        %get3A_523 = arith.index_cast %scan3A_485 : i32 to index
        %get3A_524 = arith.constant 48 : index
        %get3A_525 = tpu.vector_load %arg16[%get3A_522, %get3A_523, %get3A_524] {strides = array<i32>} : memref<5x128x64xf32, #tpu.memory_space<vmem>>, vector<16xf32>,
        %mul3A_526 = arith.mulf %get3A_525, %gather3A_487 : vector<16xf32>
        %swap3A_527 = arith.constant 4 : i32
        %swap3A_528 = arith.index_cast %swap3A_527 : i32 to index
        %swap3A_529 = arith.index_cast %scan3A_485 : i32 to index
        %swap3A_530 = arith.constant 48 : index
        %swap3A_531 = tpu.vector_load %arg16[%swap3A_528, %swap3A_529, %swap3A_530] {strides = array<i32>} : memref<5x128x64xf32, #tpu.memory_space<vmem>>, vector<16xf32>,
        tpu.vector_store %arg16[%swap3A_528, %swap3A_529, %swap3A_530], %mul3A_526 {strides = array<i32>} : memref<5x128x64xf32, #tpu.memory_space<vmem>>, vector<16xf32>,
      }
      %scan3A_314 = arith.constant 128 : i32
      %dma_start3A_315 = arith.constant 4 : i32
      %dma_start3A_316 = arith.constant 0 : i32
      %dma_start3A_317 = arith.constant 0 : i32
      %dma_start3A_318 = tpu.memref_slice %arg16[%dma_start3A_315, %dma_start3A_316, %dma_start3A_317] : memref<5x128x64xf32, #tpu.memory_space<vmem>> -> memref<1x128x64xf32, #tpu.memory_space<vmem>>
      %dma_start3A_319 = tpu.memref_squeeze %dma_start3A_318 : memref<1x128x64xf32, #tpu.memory_space<vmem>> -> memref<128x64xf32, #tpu.memory_space<vmem>>
      %dma_start3A_320 = arith.constant 0 : i32
      %dma_start3A_321 = tpu.memref_slice %arg11[%add3A_296, %dma_start3A_320] : memref<80x128xi32, #tpu.memory_space<vmem>> -> memref<1x128xi32, #tpu.memory_space<vmem>>
      %dma_start3A_322 = tpu.memref_squeeze %dma_start3A_321 : memref<1x128xi32, #tpu.memory_space<vmem>> -> memref<128xi32, #tpu.memory_space<vmem>>
      %dma_start3A_323 = arith.constant 0 : i32
      %dma_start3A_324 = arith.constant 0 : i32
      %dma_start3A_325 = tpu.memref_slice %arg17[%dma_start3A_323, %dma_start3A_324] : memref<5120x64xf32, #tpu.memory_space<vmem_shared>> -> memref<5120x64xf32, #tpu.memory_space<vmem_shared>>
      tpu.enqueue_indirect_dma source(%dma_start3A_319 : memref<128x64xf32, #tpu.memory_space<vmem>>) target(%dma_start3A_325 : memref<5120x64xf32, #tpu.memory_space<vmem_shared>>) offsets(%dma_start3A_322 : memref<128xi32, #tpu.memory_space<vmem>>) semaphore(%arg28 : memref<!tpu.dma_semaphore, #tpu.memory_space<semaphore_mem>>) {add = true}
      %sub3A_326 = arith.constant 1 : i32
      %sub3A_327 = arith.subi %add3A_296, %sub3A_326 : i32
      %dma_wait3A_328 = arith.constant 3 : i32
      %dma_wait3A_329 = arith.constant 0 : i32
      %dma_wait3A_330 = arith.constant 0 : i32
      %dma_wait3A_331 = tpu.memref_slice %arg16[%dma_wait3A_328, %dma_wait3A_329, %dma_wait3A_330] : memref<5x128x64xf32, #tpu.memory_space<vmem>> -> memref<1x128x64xf32, #tpu.memory_space<vmem>>
      %dma_wait3A_332 = tpu.memref_squeeze %dma_wait3A_331 : memref<1x128x64xf32, #tpu.memory_space<vmem>> -> memref<128x64xf32, #tpu.memory_space<vmem>>
      %dma_wait3A_333 = arith.constant 0 : i32
      %dma_wait3A_334 = tpu.memref_slice %arg11[%sub3A_327, %dma_wait3A_333] : memref<80x128xi32, #tpu.memory_space<vmem>> -> memref<1x128xi32, #tpu.memory_space<vmem>>
      %dma_wait3A_335 = tpu.memref_squeeze %dma_wait3A_334 : memref<1x128xi32, #tpu.memory_space<vmem>> -> memref<128xi32, #tpu.memory_space<vmem>>
      %dma_wait3A_336 = arith.constant 0 : i32
      %dma_wait3A_337 = arith.constant 0 : i32
      %dma_wait3A_338 = tpu.memref_slice %arg17[%dma_wait3A_336, %dma_wait3A_337] : memref<5120x64xf32, #tpu.memory_space<vmem_shared>> -> memref<5120x64xf32, #tpu.memory_space<vmem_shared>>
      tpu.wait_indirect_dma semaphore(%arg27 : memref<!tpu.dma_semaphore, #tpu.memory_space<semaphore_mem>>) src(%dma_wait3A_332 : memref<128x64xf32, #tpu.memory_space<vmem>>) dst(%dma_wait3A_338 : memref<5120x64xf32, #tpu.memory_space<vmem_shared>>)
      %lt3A_339 = arith.constant 15 : i32
      %lt3A_340 = arith.cmpi slt, %scan3A_90, %lt3A_339 : i32
      %convert_element_type3A_341 = arith.extui %lt3A_340 : i1 to i32
      %cond3A_342 = arith.constant 0 : i32
      %cond3A_343 = arith.cmpi ne, %convert_element_type3A_341, %cond3A_342 : i32
      scf.if %cond3A_343 {
        %add3A_344 = arith.constant 5 : i32
        %add3A_345 = arith.addi %add3A_296, %add3A_344 : i32
        %sub3A_346 = arith.constant 1 : i32
        %sub3A_347 = arith.subi %add3A_345, %sub3A_346 : i32
        %dma_start3A_348 = arith.constant 3 : i32
        %dma_start3A_349 = arith.constant 0 : i32
        %dma_start3A_350 = arith.constant 0 : i32
        %dma_start3A_351 = tpu.memref_slice %arg16[%dma_start3A_348, %dma_start3A_349, %dma_start3A_350] : memref<5x128x64xf32, #tpu.memory_space<vmem>> -> memref<1x128x64xf32, #tpu.memory_space<vmem>>
        %dma_start3A_352 = tpu.memref_squeeze %dma_start3A_351 : memref<1x128x64xf32, #tpu.memory_space<vmem>> -> memref<128x64xf32, #tpu.memory_space<vmem>>
        %dma_start3A_353 = arith.constant 0 : i32
        %dma_start3A_354 = tpu.memref_slice %arg10[%sub3A_347, %dma_start3A_353] : memref<80x128xi32, #tpu.memory_space<vmem>> -> memref<1x128xi32, #tpu.memory_space<vmem>>
        %dma_start3A_355 = tpu.memref_squeeze %dma_start3A_354 : memref<1x128xi32, #tpu.memory_space<vmem>> -> memref<128xi32, #tpu.memory_space<vmem>>
        %dma_start3A_356 = arith.constant 0 : i32
        %dma_start3A_357 = arith.constant 0 : i32
        %dma_start3A_358 = tpu.memref_slice %arg18[%dma_start3A_356, %dma_start3A_357] : memref<5120x64xf32, #tpu.memory_space<vmem_shared>> -> memref<5120x64xf32, #tpu.memory_space<vmem_shared>>
        tpu.enqueue_indirect_dma source(%dma_start3A_358 : memref<5120x64xf32, #tpu.memory_space<vmem_shared>>) target(%dma_start3A_352 : memref<128x64xf32, #tpu.memory_space<vmem>>) offsets(%dma_start3A_355 : memref<128xi32, #tpu.memory_space<vmem>>) semaphore(%arg22 : memref<!tpu.dma_semaphore, #tpu.memory_space<semaphore_mem>>)
      } else {
      }
    }
    %scan3A_77 = arith.constant 16 : i32
    %dma_wait3A = arith.constant 4 : i32
    %dma_wait3A_78 = arith.constant 79 : i32
    %dma_wait3A_79 = arith.constant 0 : i32
    %dma_wait3A_80 = arith.constant 0 : i32
    %dma_wait3A_81 = tpu.memref_slice %arg16[%dma_wait3A, %dma_wait3A_79, %dma_wait3A_80] : memref<5x128x64xf32, #tpu.memory_space<vmem>> -> memref<1x128x64xf32, #tpu.memory_space<vmem>>
    %dma_wait3A_82 = tpu.memref_squeeze %dma_wait3A_81 : memref<1x128x64xf32, #tpu.memory_space<vmem>> -> memref<128x64xf32, #tpu.memory_space<vmem>>
    %dma_wait3A_83 = arith.constant 0 : i32
    %dma_wait3A_84 = tpu.memref_slice %arg11[%dma_wait3A_78, %dma_wait3A_83] : memref<80x128xi32, #tpu.memory_space<vmem>> -> memref<1x128xi32, #tpu.memory_space<vmem>>
    %dma_wait3A_85 = tpu.memref_squeeze %dma_wait3A_84 : memref<1x128xi32, #tpu.memory_space<vmem>> -> memref<128xi32, #tpu.memory_space<vmem>>
    %dma_wait3A_86 = arith.constant 0 : i32
    %dma_wait3A_87 = arith.constant 0 : i32
    %dma_wait3A_88 = tpu.memref_slice %arg17[%dma_wait3A_86, %dma_wait3A_87] : memref<5120x64xf32, #tpu.memory_space<vmem_shared>> -> memref<5120x64xf32, #tpu.memory_space<vmem_shared>>
    tpu.wait_indirect_dma semaphore(%arg28 : memref<!tpu.dma_semaphore, #tpu.memory_space<semaphore_mem>>) src(%dma_wait3A_82 : memref<128x64xf32, #tpu.memory_space<vmem>>) dst(%dma_wait3A_88 : memref<5120x64xf32, #tpu.memory_space<vmem_shared>>)
    %barrier3A_89 = arith.constant 0 : index
    tpu.barrier barrier_id(%barrier3A_89)
    "tpu.region"() ({
      %run_scoped3A_90 = tpu.sem_alloc : memref<!tpu.dma_semaphore, #tpu.memory_space<semaphore_mem>>
      %dma_start3A_91 = arith.constant 0 : i32
      %dma_start3A_92 = tpu.memref_slice %arg8[%arg0, %mul3A_0, %dma_start3A_91] : memref<2x5120x64xf32, #tpu.memory_space<hbm>> -> memref<1x320x64xf32, #tpu.memory_space<hbm>>
      %dma_start3A_93 = tpu.memref_squeeze %dma_start3A_92 : memref<1x320x64xf32, #tpu.memory_space<hbm>> -> memref<320x64xf32, #tpu.memory_space<hbm>>
      %dma_start3A_94 = arith.constant 0 : i32
      %dma_start3A_95 = tpu.memref_slice %arg17[%mul3A_0, %dma_start3A_94] : memref<5120x64xf32, #tpu.memory_space<vmem_shared>> -> memref<320x64xf32, #tpu.memory_space<vmem_shared>>
      tpu.enqueue_dma source(%dma_start3A_95 : memref<320x64xf32, #tpu.memory_space<vmem_shared>>) target(%dma_start3A_93 : memref<320x64xf32, #tpu.memory_space<hbm>>) target_semaphore(%run_scoped3A_90 : memref<!tpu.dma_semaphore, #tpu.memory_space<semaphore_mem>>)
      %dma_wait3A_96 = arith.constant 0 : i32
      %dma_wait3A_97 = tpu.memref_slice %arg8[%arg0, %mul3A_0, %dma_wait3A_96] : memref<2x5120x64xf32, #tpu.memory_space<hbm>> -> memref<1x320x64xf32, #tpu.memory_space<hbm>>
      %dma_wait3A_98 = tpu.memref_squeeze %dma_wait3A_97 : memref<1x320x64xf32, #tpu.memory_space<hbm>> -> memref<320x64xf32, #tpu.memory_space<hbm>>
      %dma_wait3A_99 = arith.constant 0 : i32
      %dma_wait3A_100 = tpu.memref_slice %arg17[%mul3A_0, %dma_wait3A_99] : memref<5120x64xf32, #tpu.memory_space<vmem_shared>> -> memref<320x64xf32, #tpu.memory_space<vmem_shared>>
      tpu.wait_dma2 semaphore(%run_scoped3A_90 : memref<!tpu.dma_semaphore, #tpu.memory_space<semaphore_mem>>) src(%dma_wait3A_100 : memref<320x64xf32, #tpu.memory_space<vmem_shared>>) dst(%dma_wait3A_98 : memref<320x64xf32, #tpu.memory_space<hbm>>)
      tpu.yield
    }) : () -> ()
    return
  }
}

#map = affine_map<(d0, d1) -> (0, 0, 0)>
#map1 = affine_map<(d0, d1) -> (0)>
#map2 = affine_map<(d0, d1) -> (0, 0)>
module attributes {stable_mosaic.version = 14 : i64} {
  func.func @_agg_body(%arg0: i32, %arg1: i32, %arg2: memref<16x80x128xi32, #tpu.memory_space<hbm>>, %arg3: memref<16x80x128xi32, #tpu.memory_space<hbm>>, %arg4: memref<16x80x128xf32, #tpu.memory_space<hbm>>, %arg5: memref<2x5120x64xf32, #tpu.memory_space<hbm>>, %arg6: memref<5120xf32, #tpu.memory_space<hbm>>, %arg7: memref<5120xf32, #tpu.memory_space<hbm>>, %arg8: memref<2x5120x64xf32, #tpu.memory_space<hbm>>, %arg9: memref<16x5120xf32, #tpu.memory_space<hbm>>, %arg10: memref<80x128xi32, #tpu.memory_space<vmem>>, %arg11: memref<80x128xi32, #tpu.memory_space<vmem>>, %arg12: memref<80x128xf32, #tpu.memory_space<vmem>>, %arg13: memref<5120xf32, #tpu.memory_space<vmem>>, %arg14: memref<5120xf32, #tpu.memory_space<vmem>>, %arg15: memref<5120xf32, #tpu.memory_space<vmem>>, %arg16: memref<5x128x64xf32, #tpu.memory_space<vmem>>, %arg17: memref<5120x64xf32, #tpu.memory_space<vmem_shared>>, %arg18: memref<5120x64xf32, #tpu.memory_space<vmem_shared>>, %arg19: memref<!tpu.dma_semaphore, #tpu.memory_space<semaphore_mem>>, %arg20: memref<!tpu.dma_semaphore, #tpu.memory_space<semaphore_mem>>, %arg21: memref<!tpu.dma_semaphore, #tpu.memory_space<semaphore_mem>>, %arg22: memref<!tpu.dma_semaphore, #tpu.memory_space<semaphore_mem>>, %arg23: memref<!tpu.dma_semaphore, #tpu.memory_space<semaphore_mem>>, %arg24: memref<!tpu.dma_semaphore, #tpu.memory_space<semaphore_mem>>, %arg25: memref<!tpu.dma_semaphore, #tpu.memory_space<semaphore_mem>>, %arg26: memref<!tpu.dma_semaphore, #tpu.memory_space<semaphore_mem>>, %arg27: memref<!tpu.dma_semaphore, #tpu.memory_space<semaphore_mem>>, %arg28: memref<!tpu.dma_semaphore, #tpu.memory_space<semaphore_mem>>) attributes {dimension_semantics = [#tpu.dimension_semantics<core_parallel>, #tpu.dimension_semantics<subcore_parallel>], iteration_bounds = array<i64: 2, 16>, scalar_prefetch = 0 : i64, scratch_operands = 19 : i64, tpu.core_type = #tpu.core_type<sc_vector_subcore>, window_params = [{transform_indices = #map}, {transform_indices = #map}, {transform_indices = #map}, {transform_indices = #map}, {transform_indices = #map1}, {transform_indices = #map1}, {transform_indices = #map}, {transform_indices = #map2}]} {
    %mul3A = arith.constant 320 : i32
    %mul3A_0 = arith.muli %arg1, %mul3A : i32
    "tpu.region"() ({
      %run_scoped3A_90 = tpu.sem_alloc : memref<!tpu.dma_semaphore, #tpu.memory_space<semaphore_mem>>
      %dma_start3A_91 = arith.constant 0 : i32
      %dma_start3A_92 = tpu.memref_slice %arg18[%mul3A_0, %dma_start3A_91] : memref<5120x64xf32, #tpu.memory_space<vmem_shared>> -> memref<320x64xf32, #tpu.memory_space<vmem_shared>>
      %dma_start3A_93 = arith.constant 0 : i32
      %dma_start3A_94 = tpu.memref_slice %arg5[%arg0, %mul3A_0, %dma_start3A_93] : memref<2x5120x64xf32, #tpu.memory_space<hbm>> -> memref<1x320x64xf32, #tpu.memory_space<hbm>>
      %dma_start3A_95 = tpu.memref_squeeze %dma_start3A_94 : memref<1x320x64xf32, #tpu.memory_space<hbm>> -> memref<320x64xf32, #tpu.memory_space<hbm>>
      tpu.enqueue_dma source(%dma_start3A_95 : memref<320x64xf32, #tpu.memory_space<hbm>>) target(%dma_start3A_92 : memref<320x64xf32, #tpu.memory_space<vmem_shared>>) target_semaphore(%run_scoped3A_90 : memref<!tpu.dma_semaphore, #tpu.memory_space<semaphore_mem>>)
      %dma_wait3A_96 = arith.constant 0 : i32
      %dma_wait3A_97 = tpu.memref_slice %arg18[%mul3A_0, %dma_wait3A_96] : memref<5120x64xf32, #tpu.memory_space<vmem_shared>> -> memref<320x64xf32, #tpu.memory_space<vmem_shared>>
      %dma_wait3A_98 = arith.constant 0 : i32
      %dma_wait3A_99 = tpu.memref_slice %arg5[%arg0, %mul3A_0, %dma_wait3A_98] : memref<2x5120x64xf32, #tpu.memory_space<hbm>> -> memref<1x320x64xf32, #tpu.memory_space<hbm>>
      %dma_wait3A_100 = tpu.memref_squeeze %dma_wait3A_99 : memref<1x320x64xf32, #tpu.memory_space<hbm>> -> memref<320x64xf32, #tpu.memory_space<hbm>>
      tpu.wait_dma2 semaphore(%run_scoped3A_90 : memref<!tpu.dma_semaphore, #tpu.memory_space<semaphore_mem>>) src(%dma_wait3A_100 : memref<320x64xf32, #tpu.memory_space<hbm>>) dst(%dma_wait3A_97 : memref<320x64xf32, #tpu.memory_space<vmem_shared>>)
      tpu.yield
    }) : () -> ()
    "tpu.region"() ({
      %run_scoped3A_90 = tpu.sem_alloc : memref<!tpu.dma_semaphore, #tpu.memory_space<semaphore_mem>>
      tpu.enqueue_dma source(%arg7 : memref<5120xf32, #tpu.memory_space<hbm>>) target(%arg13 : memref<5120xf32, #tpu.memory_space<vmem>>) target_semaphore(%run_scoped3A_90 : memref<!tpu.dma_semaphore, #tpu.memory_space<semaphore_mem>>)
      tpu.wait_dma2 semaphore(%run_scoped3A_90 : memref<!tpu.dma_semaphore, #tpu.memory_space<semaphore_mem>>) src(%arg7 : memref<5120xf32, #tpu.memory_space<hbm>>) dst(%arg13 : memref<5120xf32, #tpu.memory_space<vmem>>)
      tpu.yield
    }) : () -> ()
    "tpu.region"() ({
      %run_scoped3A_90 = tpu.sem_alloc : memref<!tpu.dma_semaphore, #tpu.memory_space<semaphore_mem>>
      tpu.enqueue_dma source(%arg6 : memref<5120xf32, #tpu.memory_space<hbm>>) target(%arg14 : memref<5120xf32, #tpu.memory_space<vmem>>) target_semaphore(%run_scoped3A_90 : memref<!tpu.dma_semaphore, #tpu.memory_space<semaphore_mem>>)
      tpu.wait_dma2 semaphore(%run_scoped3A_90 : memref<!tpu.dma_semaphore, #tpu.memory_space<semaphore_mem>>) src(%arg6 : memref<5120xf32, #tpu.memory_space<hbm>>) dst(%arg14 : memref<5120xf32, #tpu.memory_space<vmem>>)
      tpu.yield
    }) : () -> ()
    "tpu.region"() ({
      %run_scoped3A_90 = tpu.sem_alloc : memref<!tpu.dma_semaphore, #tpu.memory_space<semaphore_mem>>
      %dma_start3A_91 = arith.constant 0 : i32
      %dma_start3A_92 = arith.constant 0 : i32
      %dma_start3A_93 = tpu.memref_slice %arg2[%arg1, %dma_start3A_91, %dma_start3A_92] : memref<16x80x128xi32, #tpu.memory_space<hbm>> -> memref<1x80x128xi32, #tpu.memory_space<hbm>>
      %dma_start3A_94 = tpu.memref_squeeze %dma_start3A_93 : memref<1x80x128xi32, #tpu.memory_space<hbm>> -> memref<80x128xi32, #tpu.memory_space<hbm>>
      %dma_start3A_95 = arith.constant 0 : i32
      %dma_start3A_96 = arith.constant 0 : i32
      %dma_start3A_97 = tpu.memref_slice %arg2[%arg1, %dma_start3A_95, %dma_start3A_96] : memref<16x80x128xi32, #tpu.memory_space<hbm>> -> memref<1x80x128xi32, #tpu.memory_space<hbm>>
      %dma_start3A_98 = tpu.memref_squeeze %dma_start3A_97 : memref<1x80x128xi32, #tpu.memory_space<hbm>> -> memref<80x128xi32, #tpu.memory_space<hbm>>
      tpu.enqueue_dma source(%dma_start3A_98 : memref<80x128xi32, #tpu.memory_space<hbm>>) target(%arg10 : memref<80x128xi32, #tpu.memory_space<vmem>>) target_semaphore(%run_scoped3A_90 : memref<!tpu.dma_semaphore, #tpu.memory_space<semaphore_mem>>)
      %dma_wait3A_99 = arith.constant 0 : i32
      %dma_wait3A_100 = arith.constant 0 : i32
      %dma_wait3A_101 = tpu.memref_slice %arg2[%arg1, %dma_wait3A_99, %dma_wait3A_100] : memref<16x80x128xi32, #tpu.memory_space<hbm>> -> memref<1x80x128xi32, #tpu.memory_space<hbm>>
      %dma_wait3A_102 = tpu.memref_squeeze %dma_wait3A_101 : memref<1x80x128xi32, #tpu.memory_space<hbm>> -> memref<80x128xi32, #tpu.memory_space<hbm>>
      %dma_wait3A_103 = arith.constant 0 : i32
      %dma_wait3A_104 = arith.constant 0 : i32
      %dma_wait3A_105 = tpu.memref_slice %arg2[%arg1, %dma_wait3A_103, %dma_wait3A_104] : memref<16x80x128xi32, #tpu.memory_space<hbm>> -> memref<1x80x128xi32, #tpu.memory_space<hbm>>
      %dma_wait3A_106 = tpu.memref_squeeze %dma_wait3A_105 : memref<1x80x128xi32, #tpu.memory_space<hbm>> -> memref<80x128xi32, #tpu.memory_space<hbm>>
      tpu.wait_dma2 semaphore(%run_scoped3A_90 : memref<!tpu.dma_semaphore, #tpu.memory_space<semaphore_mem>>) src(%dma_wait3A_106 : memref<80x128xi32, #tpu.memory_space<hbm>>) dst(%arg10 : memref<80x128xi32, #tpu.memory_space<vmem>>)
      tpu.yield
    }) : () -> ()
    "tpu.region"() ({
      %run_scoped3A_90 = tpu.sem_alloc : memref<!tpu.dma_semaphore, #tpu.memory_space<semaphore_mem>>
      %dma_start3A_91 = arith.constant 0 : i32
      %dma_start3A_92 = arith.constant 0 : i32
      %dma_start3A_93 = tpu.memref_slice %arg3[%arg1, %dma_start3A_91, %dma_start3A_92] : memref<16x80x128xi32, #tpu.memory_space<hbm>> -> memref<1x80x128xi32, #tpu.memory_space<hbm>>
      %dma_start3A_94 = tpu.memref_squeeze %dma_start3A_93 : memref<1x80x128xi32, #tpu.memory_space<hbm>> -> memref<80x128xi32, #tpu.memory_space<hbm>>
      %dma_start3A_95 = arith.constant 0 : i32
      %dma_start3A_96 = arith.constant 0 : i32
      %dma_start3A_97 = tpu.memref_slice %arg3[%arg1, %dma_start3A_95, %dma_start3A_96] : memref<16x80x128xi32, #tpu.memory_space<hbm>> -> memref<1x80x128xi32, #tpu.memory_space<hbm>>
      %dma_start3A_98 = tpu.memref_squeeze %dma_start3A_97 : memref<1x80x128xi32, #tpu.memory_space<hbm>> -> memref<80x128xi32, #tpu.memory_space<hbm>>
      tpu.enqueue_dma source(%dma_start3A_98 : memref<80x128xi32, #tpu.memory_space<hbm>>) target(%arg11 : memref<80x128xi32, #tpu.memory_space<vmem>>) target_semaphore(%run_scoped3A_90 : memref<!tpu.dma_semaphore, #tpu.memory_space<semaphore_mem>>)
      %dma_wait3A_99 = arith.constant 0 : i32
      %dma_wait3A_100 = arith.constant 0 : i32
      %dma_wait3A_101 = tpu.memref_slice %arg3[%arg1, %dma_wait3A_99, %dma_wait3A_100] : memref<16x80x128xi32, #tpu.memory_space<hbm>> -> memref<1x80x128xi32, #tpu.memory_space<hbm>>
      %dma_wait3A_102 = tpu.memref_squeeze %dma_wait3A_101 : memref<1x80x128xi32, #tpu.memory_space<hbm>> -> memref<80x128xi32, #tpu.memory_space<hbm>>
      %dma_wait3A_103 = arith.constant 0 : i32
      %dma_wait3A_104 = arith.constant 0 : i32
      %dma_wait3A_105 = tpu.memref_slice %arg3[%arg1, %dma_wait3A_103, %dma_wait3A_104] : memref<16x80x128xi32, #tpu.memory_space<hbm>> -> memref<1x80x128xi32, #tpu.memory_space<hbm>>
      %dma_wait3A_106 = tpu.memref_squeeze %dma_wait3A_105 : memref<1x80x128xi32, #tpu.memory_space<hbm>> -> memref<80x128xi32, #tpu.memory_space<hbm>>
      tpu.wait_dma2 semaphore(%run_scoped3A_90 : memref<!tpu.dma_semaphore, #tpu.memory_space<semaphore_mem>>) src(%dma_wait3A_106 : memref<80x128xi32, #tpu.memory_space<hbm>>) dst(%arg11 : memref<80x128xi32, #tpu.memory_space<vmem>>)
      tpu.yield
    }) : () -> ()
    "tpu.region"() ({
      %run_scoped3A_90 = tpu.sem_alloc : memref<!tpu.dma_semaphore, #tpu.memory_space<semaphore_mem>>
      %dma_start3A_91 = arith.constant 0 : i32
      %dma_start3A_92 = arith.constant 0 : i32
      %dma_start3A_93 = tpu.memref_slice %arg4[%arg1, %dma_start3A_91, %dma_start3A_92] : memref<16x80x128xf32, #tpu.memory_space<hbm>> -> memref<1x80x128xf32, #tpu.memory_space<hbm>>
      %dma_start3A_94 = tpu.memref_squeeze %dma_start3A_93 : memref<1x80x128xf32, #tpu.memory_space<hbm>> -> memref<80x128xf32, #tpu.memory_space<hbm>>
      %dma_start3A_95 = arith.constant 0 : i32
      %dma_start3A_96 = arith.constant 0 : i32
      %dma_start3A_97 = tpu.memref_slice %arg4[%arg1, %dma_start3A_95, %dma_start3A_96] : memref<16x80x128xf32, #tpu.memory_space<hbm>> -> memref<1x80x128xf32, #tpu.memory_space<hbm>>
      %dma_start3A_98 = tpu.memref_squeeze %dma_start3A_97 : memref<1x80x128xf32, #tpu.memory_space<hbm>> -> memref<80x128xf32, #tpu.memory_space<hbm>>
      tpu.enqueue_dma source(%dma_start3A_98 : memref<80x128xf32, #tpu.memory_space<hbm>>) target(%arg12 : memref<80x128xf32, #tpu.memory_space<vmem>>) target_semaphore(%run_scoped3A_90 : memref<!tpu.dma_semaphore, #tpu.memory_space<semaphore_mem>>)
      %dma_wait3A_99 = arith.constant 0 : i32
      %dma_wait3A_100 = arith.constant 0 : i32
      %dma_wait3A_101 = tpu.memref_slice %arg4[%arg1, %dma_wait3A_99, %dma_wait3A_100] : memref<16x80x128xf32, #tpu.memory_space<hbm>> -> memref<1x80x128xf32, #tpu.memory_space<hbm>>
      %dma_wait3A_102 = tpu.memref_squeeze %dma_wait3A_101 : memref<1x80x128xf32, #tpu.memory_space<hbm>> -> memref<80x128xf32, #tpu.memory_space<hbm>>
      %dma_wait3A_103 = arith.constant 0 : i32
      %dma_wait3A_104 = arith.constant 0 : i32
      %dma_wait3A_105 = tpu.memref_slice %arg4[%arg1, %dma_wait3A_103, %dma_wait3A_104] : memref<16x80x128xf32, #tpu.memory_space<hbm>> -> memref<1x80x128xf32, #tpu.memory_space<hbm>>
      %dma_wait3A_106 = tpu.memref_squeeze %dma_wait3A_105 : memref<1x80x128xf32, #tpu.memory_space<hbm>> -> memref<80x128xf32, #tpu.memory_space<hbm>>
      tpu.wait_dma2 semaphore(%run_scoped3A_90 : memref<!tpu.dma_semaphore, #tpu.memory_space<semaphore_mem>>) src(%dma_wait3A_106 : memref<80x128xf32, #tpu.memory_space<hbm>>) dst(%arg12 : memref<80x128xf32, #tpu.memory_space<vmem>>)
      tpu.yield
    }) : () -> ()
    %scan3A = arith.constant 0 : i32
    %scan3A_1 = arith.constant 0 : i32
    %scan3A_2 = arith.constant 320 : i32
    %scan3A_3 = arith.addi %scan3A_1, %scan3A_2 : i32
    %scan3A_4 = arith.constant 1 : i32
    scf.for %scan3A_90 = %scan3A_1 to %scan3A_3 step %scan3A_4  : i32 {
      %broadcast_in_dim3A = arith.constant 0.000000e+00 : f32
      %broadcast_in_dim3A_91 = vector.broadcast %broadcast_in_dim3A : f32 to vector<16xf32>
      %mul3A_92 = arith.constant 16 : i32
      %mul3A_93 = arith.muli %scan3A_90, %mul3A_92 : i32
      %swap3A = arith.index_cast %mul3A_93 : i32 to index
      %swap3A_94 = tpu.vector_load %arg15[%swap3A] {strides = array<i32>} : memref<5120xf32, #tpu.memory_space<vmem>>, vector<16xf32>,
      tpu.vector_store %arg15[%swap3A], %broadcast_in_dim3A_91 {strides = array<i32>} : memref<5120xf32, #tpu.memory_space<vmem>>, vector<16xf32>,
    }
    %scan3A_5 = arith.constant 320 : i32
    %scan3A_6 = arith.constant 0 : i32
    %scan3A_7 = arith.constant 0 : i32
    %scan3A_8 = arith.constant 80 : i32
    %scan3A_9 = arith.addi %scan3A_7, %scan3A_8 : i32
    %scan3A_10 = arith.constant 1 : i32
    scf.for %scan3A_90 = %scan3A_7 to %scan3A_9 step %scan3A_10  : i32 {
      %scan3A_91 = arith.constant 0 : i32
      %scan3A_92 = arith.constant 0 : i32
      %scan3A_93 = arith.constant 8 : i32
      %scan3A_94 = arith.addi %scan3A_92, %scan3A_93 : i32
      %scan3A_95 = arith.constant 1 : i32
      scf.for %scan3A_97 = %scan3A_92 to %scan3A_94 step %scan3A_95  : i32 {
        %mul3A_98 = arith.constant 16 : i32
        %mul3A_99 = arith.muli %scan3A_97, %mul3A_98 : i32
        %get3A = arith.index_cast %scan3A_90 : i32 to index
        %get3A_100 = arith.index_cast %mul3A_99 : i32 to index
        %get3A_101 = tpu.vector_load %arg10[%get3A, %get3A_100] {strides = array<i32>} : memref<80x128xi32, #tpu.memory_space<vmem>>, vector<16xi32>,
        %get3A_102 = arith.index_cast %scan3A_90 : i32 to index
        %get3A_103 = arith.index_cast %mul3A_99 : i32 to index
        %get3A_104 = tpu.vector_load %arg12[%get3A_102, %get3A_103] {strides = array<i32>} : memref<80x128xf32, #tpu.memory_space<vmem>>, vector<16xf32>,
        %gather3A = tpu.vector_load_idx %arg13[%get3A_101] : memref<5120xf32, #tpu.memory_space<vmem>>[vector<16xi32>], vector<16xf32>,
        %mul3A_105 = arith.mulf %get3A_104, %gather3A : vector<16xf32>
        %swap3A = arith.index_cast %scan3A_90 : i32 to index
        %swap3A_106 = arith.index_cast %mul3A_99 : i32 to index
        %swap3A_107 = tpu.vector_load %arg12[%swap3A, %swap3A_106] {strides = array<i32>} : memref<80x128xf32, #tpu.memory_space<vmem>>, vector<16xf32>,
        tpu.vector_store %arg12[%swap3A, %swap3A_106], %mul3A_105 {strides = array<i32>} : memref<80x128xf32, #tpu.memory_space<vmem>>, vector<16xf32>,
        %gather3A_108 = tpu.vector_load_idx %arg14[%get3A_101] : memref<5120xf32, #tpu.memory_space<vmem>>[vector<16xi32>], vector<16xf32>,
        %get3A_109 = arith.index_cast %scan3A_90 : i32 to index
        %get3A_110 = arith.index_cast %mul3A_99 : i32 to index
        %get3A_111 = tpu.vector_load %arg11[%get3A_109, %get3A_110] {strides = array<i32>} : memref<80x128xi32, #tpu.memory_space<vmem>>, vector<16xi32>,
        %mul3A_112 = arith.mulf %mul3A_105, %gather3A_108 : vector<16xf32>
        tpu.vector_store_idx %arg15[%get3A_111], %mul3A_112 {add = true} : memref<5120xf32, #tpu.memory_space<vmem>>[vector<16xi32>], vector<16xf32>,
      }
      %scan3A_96 = arith.constant 8 : i32
    }
    %scan3A_11 = arith.constant 80 : i32
    %eq3A = arith.constant 0 : i32
    %eq3A_12 = arith.cmpi eq, %arg0, %eq3A : i32
    %convert_element_type3A = arith.extui %eq3A_12 : i1 to i32
    %cond3A = arith.constant 0 : i32
    %cond3A_13 = arith.cmpi ne, %convert_element_type3A, %cond3A : i32
    scf.if %cond3A_13 {
      "tpu.region"() ({
        %run_scoped3A_90 = tpu.sem_alloc : memref<!tpu.dma_semaphore, #tpu.memory_space<semaphore_mem>>
        %dma_start3A_91 = arith.constant 0 : i32
        %dma_start3A_92 = tpu.memref_slice %arg9[%arg1, %dma_start3A_91] : memref<16x5120xf32, #tpu.memory_space<hbm>> -> memref<1x5120xf32, #tpu.memory_space<hbm>>
        %dma_start3A_93 = tpu.memref_squeeze %dma_start3A_92 : memref<1x5120xf32, #tpu.memory_space<hbm>> -> memref<5120xf32, #tpu.memory_space<hbm>>
        %dma_start3A_94 = arith.constant 0 : i32
        %dma_start3A_95 = tpu.memref_slice %arg9[%arg1, %dma_start3A_94] : memref<16x5120xf32, #tpu.memory_space<hbm>> -> memref<1x5120xf32, #tpu.memory_space<hbm>>
        %dma_start3A_96 = tpu.memref_squeeze %dma_start3A_95 : memref<1x5120xf32, #tpu.memory_space<hbm>> -> memref<5120xf32, #tpu.memory_space<hbm>>
        tpu.enqueue_dma source(%arg15 : memref<5120xf32, #tpu.memory_space<vmem>>) target(%dma_start3A_96 : memref<5120xf32, #tpu.memory_space<hbm>>) target_semaphore(%run_scoped3A_90 : memref<!tpu.dma_semaphore, #tpu.memory_space<semaphore_mem>>)
        %dma_wait3A_97 = arith.constant 0 : i32
        %dma_wait3A_98 = tpu.memref_slice %arg9[%arg1, %dma_wait3A_97] : memref<16x5120xf32, #tpu.memory_space<hbm>> -> memref<1x5120xf32, #tpu.memory_space<hbm>>
        %dma_wait3A_99 = tpu.memref_squeeze %dma_wait3A_98 : memref<1x5120xf32, #tpu.memory_space<hbm>> -> memref<5120xf32, #tpu.memory_space<hbm>>
        %dma_wait3A_100 = arith.constant 0 : i32
        %dma_wait3A_101 = tpu.memref_slice %arg9[%arg1, %dma_wait3A_100] : memref<16x5120xf32, #tpu.memory_space<hbm>> -> memref<1x5120xf32, #tpu.memory_space<hbm>>
        %dma_wait3A_102 = tpu.memref_squeeze %dma_wait3A_101 : memref<1x5120xf32, #tpu.memory_space<hbm>> -> memref<5120xf32, #tpu.memory_space<hbm>>
        tpu.wait_dma2 semaphore(%run_scoped3A_90 : memref<!tpu.dma_semaphore, #tpu.memory_space<semaphore_mem>>) src(%arg15 : memref<5120xf32, #tpu.memory_space<vmem>>) dst(%dma_wait3A_102 : memref<5120xf32, #tpu.memory_space<hbm>>)
        tpu.yield
      }) : () -> ()
    } else {
    }
    %scan3A_14 = arith.constant 0 : i32
    %scan3A_15 = arith.constant 0 : i32
    %scan3A_16 = arith.constant 128 : i32
    %scan3A_17 = arith.addi %scan3A_15, %scan3A_16 : i32
    %scan3A_18 = arith.constant 1 : i32
    scf.for %scan3A_90 = %scan3A_15 to %scan3A_17 step %scan3A_18  : i32 {
      %broadcast_in_dim3A = arith.constant 0.000000e+00 : f32
      %broadcast_in_dim3A_91 = vector.broadcast %broadcast_in_dim3A : f32 to vector<16xf32>
      %swap3A = arith.constant 0 : i32
      %swap3A_92 = arith.index_cast %swap3A : i32 to index
      %swap3A_93 = arith.index_cast %scan3A_90 : i32 to index
      %swap3A_94 = arith.constant 0 : index
      %swap3A_95 = tpu.vector_load %arg16[%swap3A_92, %swap3A_93, %swap3A_94] {strides = array<i32>} : memref<5x128x64xf32, #tpu.memory_space<vmem>>, vector<16xf32>,
      tpu.vector_store %arg16[%swap3A_92, %swap3A_93, %swap3A_94], %broadcast_in_dim3A_91 {strides = array<i32>} : memref<5x128x64xf32, #tpu.memory_space<vmem>>, vector<16xf32>,
      %broadcast_in_dim3A_96 = arith.constant 0.000000e+00 : f32
      %broadcast_in_dim3A_97 = vector.broadcast %broadcast_in_dim3A_96 : f32 to vector<16xf32>
      %swap3A_98 = arith.constant 0 : i32
      %swap3A_99 = arith.index_cast %swap3A_98 : i32 to index
      %swap3A_100 = arith.index_cast %scan3A_90 : i32 to index
      %swap3A_101 = arith.constant 16 : index
      %swap3A_102 = tpu.vector_load %arg16[%swap3A_99, %swap3A_100, %swap3A_101] {strides = array<i32>} : memref<5x128x64xf32, #tpu.memory_space<vmem>>, vector<16xf32>,
      tpu.vector_store %arg16[%swap3A_99, %swap3A_100, %swap3A_101], %broadcast_in_dim3A_97 {strides = array<i32>} : memref<5x128x64xf32, #tpu.memory_space<vmem>>, vector<16xf32>,
      %broadcast_in_dim3A_103 = arith.constant 0.000000e+00 : f32
      %broadcast_in_dim3A_104 = vector.broadcast %broadcast_in_dim3A_103 : f32 to vector<16xf32>
      %swap3A_105 = arith.constant 0 : i32
      %swap3A_106 = arith.index_cast %swap3A_105 : i32 to index
      %swap3A_107 = arith.index_cast %scan3A_90 : i32 to index
      %swap3A_108 = arith.constant 32 : index
      %swap3A_109 = tpu.vector_load %arg16[%swap3A_106, %swap3A_107, %swap3A_108] {strides = array<i32>} : memref<5x128x64xf32, #tpu.memory_space<vmem>>, vector<16xf32>,
      tpu.vector_store %arg16[%swap3A_106, %swap3A_107, %swap3A_108], %broadcast_in_dim3A_104 {strides = array<i32>} : memref<5x128x64xf32, #tpu.memory_space<vmem>>, vector<16xf32>,
      %broadcast_in_dim3A_110 = arith.constant 0.000000e+00 : f32
      %broadcast_in_dim3A_111 = vector.broadcast %broadcast_in_dim3A_110 : f32 to vector<16xf32>
      %swap3A_112 = arith.constant 0 : i32
      %swap3A_113 = arith.index_cast %swap3A_112 : i32 to index
      %swap3A_114 = arith.index_cast %scan3A_90 : i32 to index
      %swap3A_115 = arith.constant 48 : index
      %swap3A_116 = tpu.vector_load %arg16[%swap3A_113, %swap3A_114, %swap3A_115] {strides = array<i32>} : memref<5x128x64xf32, #tpu.memory_space<vmem>>, vector<16xf32>,
      tpu.vector_store %arg16[%swap3A_113, %swap3A_114, %swap3A_115], %broadcast_in_dim3A_111 {strides = array<i32>} : memref<5x128x64xf32, #tpu.memory_space<vmem>>, vector<16xf32>,
    }
    %scan3A_19 = arith.constant 128 : i32
    %run_scoped3A = arith.constant 0 : i32
    "tpu.region"() ({
      %run_scoped3A_90 = tpu.sem_alloc : memref<!tpu.dma_semaphore, #tpu.memory_space<semaphore_mem>>
      %dma_start3A_91 = arith.constant 0 : i32
      %dma_start3A_92 = arith.constant 0 : i32
      %dma_start3A_93 = tpu.memref_slice %arg16[%run_scoped3A, %dma_start3A_91, %dma_start3A_92] : memref<5x128x64xf32, #tpu.memory_space<vmem>> -> memref<1x128x64xf32, #tpu.memory_space<vmem>>
      %dma_start3A_94 = tpu.memref_squeeze %dma_start3A_93 : memref<1x128x64xf32, #tpu.memory_space<vmem>> -> memref<128x64xf32, #tpu.memory_space<vmem>>
      %dma_start3A_95 = arith.constant 0 : i32
      %dma_start3A_96 = tpu.memref_slice %arg17[%mul3A_0, %dma_start3A_95] : memref<5120x64xf32, #tpu.memory_space<vmem_shared>> -> memref<128x64xf32, #tpu.memory_space<vmem_shared>>
      %dma_start3A_97 = arith.constant 0 : i32
      %dma_start3A_98 = tpu.memref_slice %arg17[%mul3A_0, %dma_start3A_97] : memref<5120x64xf32, #tpu.memory_space<vmem_shared>> -> memref<128x64xf32, #tpu.memory_space<vmem_shared>>
      %dma_start3A_99 = arith.constant 0 : i32
      %dma_start3A_100 = arith.constant 0 : i32
      %dma_start3A_101 = tpu.memref_slice %arg16[%run_scoped3A, %dma_start3A_99, %dma_start3A_100] : memref<5x128x64xf32, #tpu.memory_space<vmem>> -> memref<1x128x64xf32, #tpu.memory_space<vmem>>
      %dma_start3A_102 = tpu.memref_squeeze %dma_start3A_101 : memref<1x128x64xf32, #tpu.memory_space<vmem>> -> memref<128x64xf32, #tpu.memory_space<vmem>>
      tpu.enqueue_dma source(%dma_start3A_102 : memref<128x64xf32, #tpu.memory_space<vmem>>) target(%dma_start3A_98 : memref<128x64xf32, #tpu.memory_space<vmem_shared>>) target_semaphore(%run_scoped3A_90 : memref<!tpu.dma_semaphore, #tpu.memory_space<semaphore_mem>>)
      %dma_wait3A_103 = arith.constant 0 : i32
      %dma_wait3A_104 = arith.constant 0 : i32
      %dma_wait3A_105 = tpu.memref_slice %arg16[%run_scoped3A, %dma_wait3A_103, %dma_wait3A_104] : memref<5x128x64xf32, #tpu.memory_space<vmem>> -> memref<1x128x64xf32, #tpu.memory_space<vmem>>
      %dma_wait3A_106 = tpu.memref_squeeze %dma_wait3A_105 : memref<1x128x64xf32, #tpu.memory_space<vmem>> -> memref<128x64xf32, #tpu.memory_space<vmem>>
      %dma_wait3A_107 = arith.constant 0 : i32
      %dma_wait3A_108 = tpu.memref_slice %arg17[%mul3A_0, %dma_wait3A_107] : memref<5120x64xf32, #tpu.memory_space<vmem_shared>> -> memref<128x64xf32, #tpu.memory_space<vmem_shared>>
      %dma_wait3A_109 = arith.constant 0 : i32
      %dma_wait3A_110 = tpu.memref_slice %arg17[%mul3A_0, %dma_wait3A_109] : memref<5120x64xf32, #tpu.memory_space<vmem_shared>> -> memref<128x64xf32, #tpu.memory_space<vmem_shared>>
      %dma_wait3A_111 = arith.constant 0 : i32
      %dma_wait3A_112 = arith.constant 0 : i32
      %dma_wait3A_113 = tpu.memref_slice %arg16[%run_scoped3A, %dma_wait3A_111, %dma_wait3A_112] : memref<5x128x64xf32, #tpu.memory_space<vmem>> -> memref<1x128x64xf32, #tpu.memory_space<vmem>>
      %dma_wait3A_114 = tpu.memref_squeeze %dma_wait3A_113 : memref<1x128x64xf32, #tpu.memory_space<vmem>> -> memref<128x64xf32, #tpu.memory_space<vmem>>
      tpu.wait_dma2 semaphore(%run_scoped3A_90 : memref<!tpu.dma_semaphore, #tpu.memory_space<semaphore_mem>>) src(%dma_wait3A_114 : memref<128x64xf32, #tpu.memory_space<vmem>>) dst(%dma_wait3A_110 : memref<128x64xf32, #tpu.memory_space<vmem_shared>>)
      tpu.yield
    }) : () -> ()
    %add3A = arith.constant 128 : i32
    %add3A_20 = arith.addi %mul3A_0, %add3A : i32
    %run_scoped3A_21 = arith.constant 0 : i32
    "tpu.region"() ({
      %run_scoped3A_90 = tpu.sem_alloc : memref<!tpu.dma_semaphore, #tpu.memory_space<semaphore_mem>>
      %dma_start3A_91 = arith.constant 0 : i32
      %dma_start3A_92 = arith.constant 0 : i32
      %dma_start3A_93 = tpu.memref_slice %arg16[%run_scoped3A_21, %dma_start3A_91, %dma_start3A_92] : memref<5x128x64xf32, #tpu.memory_space<vmem>> -> memref<1x128x64xf32, #tpu.memory_space<vmem>>
      %dma_start3A_94 = tpu.memref_squeeze %dma_start3A_93 : memref<1x128x64xf32, #tpu.memory_space<vmem>> -> memref<128x64xf32, #tpu.memory_space<vmem>>
      %dma_start3A_95 = arith.constant 0 : i32
      %dma_start3A_96 = tpu.memref_slice %arg17[%add3A_20, %dma_start3A_95] : memref<5120x64xf32, #tpu.memory_space<vmem_shared>> -> memref<128x64xf32, #tpu.memory_space<vmem_shared>>
      %dma_start3A_97 = arith.constant 0 : i32
      %dma_start3A_98 = tpu.memref_slice %arg17[%add3A_20, %dma_start3A_97] : memref<5120x64xf32, #tpu.memory_space<vmem_shared>> -> memref<128x64xf32, #tpu.memory_space<vmem_shared>>
      %dma_start3A_99 = arith.constant 0 : i32
      %dma_start3A_100 = arith.constant 0 : i32
      %dma_start3A_101 = tpu.memref_slice %arg16[%run_scoped3A_21, %dma_start3A_99, %dma_start3A_100] : memref<5x128x64xf32, #tpu.memory_space<vmem>> -> memref<1x128x64xf32, #tpu.memory_space<vmem>>
      %dma_start3A_102 = tpu.memref_squeeze %dma_start3A_101 : memref<1x128x64xf32, #tpu.memory_space<vmem>> -> memref<128x64xf32, #tpu.memory_space<vmem>>
      tpu.enqueue_dma source(%dma_start3A_102 : memref<128x64xf32, #tpu.memory_space<vmem>>) target(%dma_start3A_98 : memref<128x64xf32, #tpu.memory_space<vmem_shared>>) target_semaphore(%run_scoped3A_90 : memref<!tpu.dma_semaphore, #tpu.memory_space<semaphore_mem>>)
      %dma_wait3A_103 = arith.constant 0 : i32
      %dma_wait3A_104 = arith.constant 0 : i32
      %dma_wait3A_105 = tpu.memref_slice %arg16[%run_scoped3A_21, %dma_wait3A_103, %dma_wait3A_104] : memref<5x128x64xf32, #tpu.memory_space<vmem>> -> memref<1x128x64xf32, #tpu.memory_space<vmem>>
      %dma_wait3A_106 = tpu.memref_squeeze %dma_wait3A_105 : memref<1x128x64xf32, #tpu.memory_space<vmem>> -> memref<128x64xf32, #tpu.memory_space<vmem>>
      %dma_wait3A_107 = arith.constant 0 : i32
      %dma_wait3A_108 = tpu.memref_slice %arg17[%add3A_20, %dma_wait3A_107] : memref<5120x64xf32, #tpu.memory_space<vmem_shared>> -> memref<128x64xf32, #tpu.memory_space<vmem_shared>>
      %dma_wait3A_109 = arith.constant 0 : i32
      %dma_wait3A_110 = tpu.memref_slice %arg17[%add3A_20, %dma_wait3A_109] : memref<5120x64xf32, #tpu.memory_space<vmem_shared>> -> memref<128x64xf32, #tpu.memory_space<vmem_shared>>
      %dma_wait3A_111 = arith.constant 0 : i32
      %dma_wait3A_112 = arith.constant 0 : i32
      %dma_wait3A_113 = tpu.memref_slice %arg16[%run_scoped3A_21, %dma_wait3A_111, %dma_wait3A_112] : memref<5x128x64xf32, #tpu.memory_space<vmem>> -> memref<1x128x64xf32, #tpu.memory_space<vmem>>
      %dma_wait3A_114 = tpu.memref_squeeze %dma_wait3A_113 : memref<1x128x64xf32, #tpu.memory_space<vmem>> -> memref<128x64xf32, #tpu.memory_space<vmem>>
      tpu.wait_dma2 semaphore(%run_scoped3A_90 : memref<!tpu.dma_semaphore, #tpu.memory_space<semaphore_mem>>) src(%dma_wait3A_114 : memref<128x64xf32, #tpu.memory_space<vmem>>) dst(%dma_wait3A_110 : memref<128x64xf32, #tpu.memory_space<vmem_shared>>)
      tpu.yield
    }) : () -> ()
    %add3A_22 = arith.constant 256 : i32
    %add3A_23 = arith.addi %mul3A_0, %add3A_22 : i32
    %run_scoped3A_24 = arith.constant 0 : i32
    "tpu.region"() ({
      %run_scoped3A_90 = tpu.sem_alloc : memref<!tpu.dma_semaphore, #tpu.memory_space<semaphore_mem>>
      %dma_start3A_91 = arith.constant 0 : i32
      %dma_start3A_92 = arith.constant 0 : i32
      %dma_start3A_93 = tpu.memref_slice %arg16[%run_scoped3A_24, %dma_start3A_91, %dma_start3A_92] : memref<5x128x64xf32, #tpu.memory_space<vmem>> -> memref<1x64x64xf32, #tpu.memory_space<vmem>>
      %dma_start3A_94 = tpu.memref_squeeze %dma_start3A_93 : memref<1x64x64xf32, #tpu.memory_space<vmem>> -> memref<64x64xf32, #tpu.memory_space<vmem>>
      %dma_start3A_95 = arith.constant 0 : i32
      %dma_start3A_96 = tpu.memref_slice %arg17[%add3A_23, %dma_start3A_95] : memref<5120x64xf32, #tpu.memory_space<vmem_shared>> -> memref<64x64xf32, #tpu.memory_space<vmem_shared>>
      %dma_start3A_97 = arith.constant 0 : i32
      %dma_start3A_98 = tpu.memref_slice %arg17[%add3A_23, %dma_start3A_97] : memref<5120x64xf32, #tpu.memory_space<vmem_shared>> -> memref<64x64xf32, #tpu.memory_space<vmem_shared>>
      %dma_start3A_99 = arith.constant 0 : i32
      %dma_start3A_100 = arith.constant 0 : i32
      %dma_start3A_101 = tpu.memref_slice %arg16[%run_scoped3A_24, %dma_start3A_99, %dma_start3A_100] : memref<5x128x64xf32, #tpu.memory_space<vmem>> -> memref<1x64x64xf32, #tpu.memory_space<vmem>>
      %dma_start3A_102 = tpu.memref_squeeze %dma_start3A_101 : memref<1x64x64xf32, #tpu.memory_space<vmem>> -> memref<64x64xf32, #tpu.memory_space<vmem>>
      tpu.enqueue_dma source(%dma_start3A_102 : memref<64x64xf32, #tpu.memory_space<vmem>>) target(%dma_start3A_98 : memref<64x64xf32, #tpu.memory_space<vmem_shared>>) target_semaphore(%run_scoped3A_90 : memref<!tpu.dma_semaphore, #tpu.memory_space<semaphore_mem>>)
      %dma_wait3A_103 = arith.constant 0 : i32
      %dma_wait3A_104 = arith.constant 0 : i32
      %dma_wait3A_105 = tpu.memref_slice %arg16[%run_scoped3A_24, %dma_wait3A_103, %dma_wait3A_104] : memref<5x128x64xf32, #tpu.memory_space<vmem>> -> memref<1x64x64xf32, #tpu.memory_space<vmem>>
      %dma_wait3A_106 = tpu.memref_squeeze %dma_wait3A_105 : memref<1x64x64xf32, #tpu.memory_space<vmem>> -> memref<64x64xf32, #tpu.memory_space<vmem>>
      %dma_wait3A_107 = arith.constant 0 : i32
      %dma_wait3A_108 = tpu.memref_slice %arg17[%add3A_23, %dma_wait3A_107] : memref<5120x64xf32, #tpu.memory_space<vmem_shared>> -> memref<64x64xf32, #tpu.memory_space<vmem_shared>>
      %dma_wait3A_109 = arith.constant 0 : i32
      %dma_wait3A_110 = tpu.memref_slice %arg17[%add3A_23, %dma_wait3A_109] : memref<5120x64xf32, #tpu.memory_space<vmem_shared>> -> memref<64x64xf32, #tpu.memory_space<vmem_shared>>
      %dma_wait3A_111 = arith.constant 0 : i32
      %dma_wait3A_112 = arith.constant 0 : i32
      %dma_wait3A_113 = tpu.memref_slice %arg16[%run_scoped3A_24, %dma_wait3A_111, %dma_wait3A_112] : memref<5x128x64xf32, #tpu.memory_space<vmem>> -> memref<1x64x64xf32, #tpu.memory_space<vmem>>
      %dma_wait3A_114 = tpu.memref_squeeze %dma_wait3A_113 : memref<1x64x64xf32, #tpu.memory_space<vmem>> -> memref<64x64xf32, #tpu.memory_space<vmem>>
      tpu.wait_dma2 semaphore(%run_scoped3A_90 : memref<!tpu.dma_semaphore, #tpu.memory_space<semaphore_mem>>) src(%dma_wait3A_114 : memref<64x64xf32, #tpu.memory_space<vmem>>) dst(%dma_wait3A_110 : memref<64x64xf32, #tpu.memory_space<vmem_shared>>)
      tpu.yield
    }) : () -> ()
    %barrier3A = arith.constant 0 : index
    tpu.barrier barrier_id(%barrier3A)
    %dma_start3A = arith.constant 0 : i32
    %dma_start3A_25 = arith.constant 0 : i32
    %dma_start3A_26 = arith.constant 0 : i32
    %dma_start3A_27 = arith.constant 0 : i32
    %dma_start3A_28 = tpu.memref_slice %arg16[%dma_start3A_25, %dma_start3A_26, %dma_start3A_27] : memref<5x128x64xf32, #tpu.memory_space<vmem>> -> memref<1x128x64xf32, #tpu.memory_space<vmem>>
    %dma_start3A_29 = tpu.memref_squeeze %dma_start3A_28 : memref<1x128x64xf32, #tpu.memory_space<vmem>> -> memref<128x64xf32, #tpu.memory_space<vmem>>
    %dma_start3A_30 = arith.constant 0 : i32
    %dma_start3A_31 = tpu.memref_slice %arg10[%dma_start3A, %dma_start3A_30] : memref<80x128xi32, #tpu.memory_space<vmem>> -> memref<1x128xi32, #tpu.memory_space<vmem>>
    %dma_start3A_32 = tpu.memref_squeeze %dma_start3A_31 : memref<1x128xi32, #tpu.memory_space<vmem>> -> memref<128xi32, #tpu.memory_space<vmem>>
    %dma_start3A_33 = arith.constant 0 : i32
    %dma_start3A_34 = arith.constant 0 : i32
    %dma_start3A_35 = tpu.memref_slice %arg18[%dma_start3A_33, %dma_start3A_34] : memref<5120x64xf32, #tpu.memory_space<vmem_shared>> -> memref<5120x64xf32, #tpu.memory_space<vmem_shared>>
    tpu.enqueue_indirect_dma source(%dma_start3A_35 : memref<5120x64xf32, #tpu.memory_space<vmem_shared>>) target(%dma_start3A_29 : memref<128x64xf32, #tpu.memory_space<vmem>>) offsets(%dma_start3A_32 : memref<128xi32, #tpu.memory_space<vmem>>) semaphore(%arg19 : memref<!tpu.dma_semaphore, #tpu.memory_space<semaphore_mem>>)
    %dma_start3A_36 = arith.constant 1 : i32
    %dma_start3A_37 = arith.constant 1 : i32
    %dma_start3A_38 = arith.constant 0 : i32
    %dma_start3A_39 = arith.constant 0 : i32
    %dma_start3A_40 = tpu.memref_slice %arg16[%dma_start3A_37, %dma_start3A_38, %dma_start3A_39] : memref<5x128x64xf32, #tpu.memory_space<vmem>> -> memref<1x128x64xf32, #tpu.memory_space<vmem>>
    %dma_start3A_41 = tpu.memref_squeeze %dma_start3A_40 : memref<1x128x64xf32, #tpu.memory_space<vmem>> -> memref<128x64xf32, #tpu.memory_space<vmem>>
    %dma_start3A_42 = arith.constant 0 : i32
    %dma_start3A_43 = tpu.memref_slice %arg10[%dma_start3A_36, %dma_start3A_42] : memref<80x128xi32, #tpu.memory_space<vmem>> -> memref<1x128xi32, #tpu.memory_space<vmem>>
    %dma_start3A_44 = tpu.memref_squeeze %dma_start3A_43 : memref<1x128xi32, #tpu.memory_space<vmem>> -> memref<128xi32, #tpu.memory_space<vmem>>
    %dma_start3A_45 = arith.constant 0 : i32
    %dma_start3A_46 = arith.constant 0 : i32
    %dma_start3A_47 = tpu.memref_slice %arg18[%dma_start3A_45, %dma_start3A_46] : memref<5120x64xf32, #tpu.memory_space<vmem_shared>> -> memref<5120x64xf32, #tpu.memory_space<vmem_shared>>
    tpu.enqueue_indirect_dma source(%dma_start3A_47 : memref<5120x64xf32, #tpu.memory_space<vmem_shared>>) target(%dma_start3A_41 : memref<128x64xf32, #tpu.memory_space<vmem>>) offsets(%dma_start3A_44 : memref<128xi32, #tpu.memory_space<vmem>>) semaphore(%arg20 : memref<!tpu.dma_semaphore, #tpu.memory_space<semaphore_mem>>)
    %dma_start3A_48 = arith.constant 2 : i32
    %dma_start3A_49 = arith.constant 2 : i32
    %dma_start3A_50 = arith.constant 0 : i32
    %dma_start3A_51 = arith.constant 0 : i32
    %dma_start3A_52 = tpu.memref_slice %arg16[%dma_start3A_49, %dma_start3A_50, %dma_start3A_51] : memref<5x128x64xf32, #tpu.memory_space<vmem>> -> memref<1x128x64xf32, #tpu.memory_space<vmem>>
    %dma_start3A_53 = tpu.memref_squeeze %dma_start3A_52 : memref<1x128x64xf32, #tpu.memory_space<vmem>> -> memref<128x64xf32, #tpu.memory_space<vmem>>
    %dma_start3A_54 = arith.constant 0 : i32
    %dma_start3A_55 = tpu.memref_slice %arg10[%dma_start3A_48, %dma_start3A_54] : memref<80x128xi32, #tpu.memory_space<vmem>> -> memref<1x128xi32, #tpu.memory_space<vmem>>
    %dma_start3A_56 = tpu.memref_squeeze %dma_start3A_55 : memref<1x128xi32, #tpu.memory_space<vmem>> -> memref<128xi32, #tpu.memory_space<vmem>>
    %dma_start3A_57 = arith.constant 0 : i32
    %dma_start3A_58 = arith.constant 0 : i32
    %dma_start3A_59 = tpu.memref_slice %arg18[%dma_start3A_57, %dma_start3A_58] : memref<5120x64xf32, #tpu.memory_space<vmem_shared>> -> memref<5120x64xf32, #tpu.memory_space<vmem_shared>>
    tpu.enqueue_indirect_dma source(%dma_start3A_59 : memref<5120x64xf32, #tpu.memory_space<vmem_shared>>) target(%dma_start3A_53 : memref<128x64xf32, #tpu.memory_space<vmem>>) offsets(%dma_start3A_56 : memref<128xi32, #tpu.memory_space<vmem>>) semaphore(%arg21 : memref<!tpu.dma_semaphore, #tpu.memory_space<semaphore_mem>>)
    %dma_start3A_60 = arith.constant 3 : i32
    %dma_start3A_61 = arith.constant 3 : i32
    %dma_start3A_62 = arith.constant 0 : i32
    %dma_start3A_63 = arith.constant 0 : i32
    %dma_start3A_64 = tpu.memref_slice %arg16[%dma_start3A_61, %dma_start3A_62, %dma_start3A_63] : memref<5x128x64xf32, #tpu.memory_space<vmem>> -> memref<1x128x64xf32, #tpu.memory_space<vmem>>
    %dma_start3A_65 = tpu.memref_squeeze %dma_start3A_64 : memref<1x128x64xf32, #tpu.memory_space<vmem>> -> memref<128x64xf32, #tpu.memory_space<vmem>>
    %dma_start3A_66 = arith.constant 0 : i32
    %dma_start3A_67 = tpu.memref_slice %arg10[%dma_start3A_60, %dma_start3A_66] : memref<80x128xi32, #tpu.memory_space<vmem>> -> memref<1x128xi32, #tpu.memory_space<vmem>>
    %dma_start3A_68 = tpu.memref_squeeze %dma_start3A_67 : memref<1x128xi32, #tpu.memory_space<vmem>> -> memref<128xi32, #tpu.memory_space<vmem>>
    %dma_start3A_69 = arith.constant 0 : i32
    %dma_start3A_70 = arith.constant 0 : i32
    %dma_start3A_71 = tpu.memref_slice %arg18[%dma_start3A_69, %dma_start3A_70] : memref<5120x64xf32, #tpu.memory_space<vmem_shared>> -> memref<5120x64xf32, #tpu.memory_space<vmem_shared>>
    tpu.enqueue_indirect_dma source(%dma_start3A_71 : memref<5120x64xf32, #tpu.memory_space<vmem_shared>>) target(%dma_start3A_65 : memref<128x64xf32, #tpu.memory_space<vmem>>) offsets(%dma_start3A_68 : memref<128xi32, #tpu.memory_space<vmem>>) semaphore(%arg22 : memref<!tpu.dma_semaphore, #tpu.memory_space<semaphore_mem>>)
    %scan3A_72 = arith.constant 0 : i32
    %scan3A_73 = arith.constant 0 : i32
    %scan3A_74 = arith.constant 16 : i32
    %scan3A_75 = arith.addi %scan3A_73, %scan3A_74 : i32
    %scan3A_76 = arith.constant 1 : i32
    scf.for %scan3A_90 = %scan3A_73 to %scan3A_75 step %scan3A_76  : i32 {
      %mul3A_91 = arith.constant 5 : i32
      %mul3A_92 = arith.muli %scan3A_90, %mul3A_91 : i32
      %add3A_93 = arith.constant 0 : i32
      %add3A_94 = arith.addi %mul3A_92, %add3A_93 : i32
      %dma_wait3A_95 = arith.constant 0 : i32
      %dma_wait3A_96 = arith.constant 0 : i32
      %dma_wait3A_97 = arith.constant 0 : i32
      %dma_wait3A_98 = tpu.memref_slice %arg16[%dma_wait3A_95, %dma_wait3A_96, %dma_wait3A_97] : memref<5x128x64xf32, #tpu.memory_space<vmem>> -> memref<1x128x64xf32, #tpu.memory_space<vmem>>
      %dma_wait3A_99 = tpu.memref_squeeze %dma_wait3A_98 : memref<1x128x64xf32, #tpu.memory_space<vmem>> -> memref<128x64xf32, #tpu.memory_space<vmem>>
      %dma_wait3A_100 = arith.constant 0 : i32
      %dma_wait3A_101 = tpu.memref_slice %arg10[%add3A_94, %dma_wait3A_100] : memref<80x128xi32, #tpu.memory_space<vmem>> -> memref<1x128xi32, #tpu.memory_space<vmem>>
      %dma_wait3A_102 = tpu.memref_squeeze %dma_wait3A_101 : memref<1x128xi32, #tpu.memory_space<vmem>> -> memref<128xi32, #tpu.memory_space<vmem>>
      %dma_wait3A_103 = arith.constant 0 : i32
      %dma_wait3A_104 = arith.constant 0 : i32
      %dma_wait3A_105 = tpu.memref_slice %arg18[%dma_wait3A_103, %dma_wait3A_104] : memref<5120x64xf32, #tpu.memory_space<vmem_shared>> -> memref<5120x64xf32, #tpu.memory_space<vmem_shared>>
      tpu.wait_indirect_dma semaphore(%arg19 : memref<!tpu.dma_semaphore, #tpu.memory_space<semaphore_mem>>) src(%dma_wait3A_105 : memref<5120x64xf32, #tpu.memory_space<vmem_shared>>) dst(%dma_wait3A_99 : memref<128x64xf32, #tpu.memory_space<vmem>>)
      %broadcast_in_dim3A = vector.broadcast %add3A_94 : i32 to vector<16xi32>
      %scan3A_106 = arith.constant 0 : i32
      %scan3A_107 = arith.constant 0 : i32
      %scan3A_108 = arith.constant 128 : i32
      %scan3A_109 = arith.addi %scan3A_107, %scan3A_108 : i32
      %scan3A_110 = arith.constant 4 : i32
      scf.for %scan3A_344 = %scan3A_107 to %scan3A_109 step %scan3A_110  : i32 {
        %broadcast_in_dim3A_345 = vector.broadcast %scan3A_344 : i32 to vector<16xi32>
        %gather3A = tpu.vector_load_idx %arg12[%broadcast_in_dim3A, %broadcast_in_dim3A_345] : memref<80x128xf32, #tpu.memory_space<vmem>>[vector<16xi32>, vector<16xi32>], vector<16xf32>,
        %get3A = arith.constant 0 : i32
        %get3A_346 = arith.index_cast %get3A : i32 to index
        %get3A_347 = arith.index_cast %scan3A_344 : i32 to index
        %get3A_348 = arith.constant 0 : index
        %get3A_349 = tpu.vector_load %arg16[%get3A_346, %get3A_347, %get3A_348] {strides = array<i32>} : memref<5x128x64xf32, #tpu.memory_space<vmem>>, vector<16xf32>,
        %mul3A_350 = arith.mulf %get3A_349, %gather3A : vector<16xf32>
        %swap3A = arith.constant 0 : i32
        %swap3A_351 = arith.index_cast %swap3A : i32 to index
        %swap3A_352 = arith.index_cast %scan3A_344 : i32 to index
        %swap3A_353 = arith.constant 0 : index
        %swap3A_354 = tpu.vector_load %arg16[%swap3A_351, %swap3A_352, %swap3A_353] {strides = array<i32>} : memref<5x128x64xf32, #tpu.memory_space<vmem>>, vector<16xf32>,
        tpu.vector_store %arg16[%swap3A_351, %swap3A_352, %swap3A_353], %mul3A_350 {strides = array<i32>} : memref<5x128x64xf32, #tpu.memory_space<vmem>>, vector<16xf32>,
        %get3A_355 = arith.constant 0 : i32
        %get3A_356 = arith.index_cast %get3A_355 : i32 to index
        %get3A_357 = arith.index_cast %scan3A_344 : i32 to index
        %get3A_358 = arith.constant 16 : index
        %get3A_359 = tpu.vector_load %arg16[%get3A_356, %get3A_357, %get3A_358] {strides = array<i32>} : memref<5x128x64xf32, #tpu.memory_space<vmem>>, vector<16xf32>,
        %mul3A_360 = arith.mulf %get3A_359, %gather3A : vector<16xf32>
        %swap3A_361 = arith.constant 0 : i32
        %swap3A_362 = arith.index_cast %swap3A_361 : i32 to index
        %swap3A_363 = arith.index_cast %scan3A_344 : i32 to index
        %swap3A_364 = arith.constant 16 : index
        %swap3A_365 = tpu.vector_load %arg16[%swap3A_362, %swap3A_363, %swap3A_364] {strides = array<i32>} : memref<5x128x64xf32, #tpu.memory_space<vmem>>, vector<16xf32>,
        tpu.vector_store %arg16[%swap3A_362, %swap3A_363, %swap3A_364], %mul3A_360 {strides = array<i32>} : memref<5x128x64xf32, #tpu.memory_space<vmem>>, vector<16xf32>,
        %get3A_366 = arith.constant 0 : i32
        %get3A_367 = arith.index_cast %get3A_366 : i32 to index
        %get3A_368 = arith.index_cast %scan3A_344 : i32 to index
        %get3A_369 = arith.constant 32 : index
        %get3A_370 = tpu.vector_load %arg16[%get3A_367, %get3A_368, %get3A_369] {strides = array<i32>} : memref<5x128x64xf32, #tpu.memory_space<vmem>>, vector<16xf32>,
        %mul3A_371 = arith.mulf %get3A_370, %gather3A : vector<16xf32>
        %swap3A_372 = arith.constant 0 : i32
        %swap3A_373 = arith.index_cast %swap3A_372 : i32 to index
        %swap3A_374 = arith.index_cast %scan3A_344 : i32 to index
        %swap3A_375 = arith.constant 32 : index
        %swap3A_376 = tpu.vector_load %arg16[%swap3A_373, %swap3A_374, %swap3A_375] {strides = array<i32>} : memref<5x128x64xf32, #tpu.memory_space<vmem>>, vector<16xf32>,
        tpu.vector_store %arg16[%swap3A_373, %swap3A_374, %swap3A_375], %mul3A_371 {strides = array<i32>} : memref<5x128x64xf32, #tpu.memory_space<vmem>>, vector<16xf32>,
        %get3A_377 = arith.constant 0 : i32
        %get3A_378 = arith.index_cast %get3A_377 : i32 to index
        %get3A_379 = arith.index_cast %scan3A_344 : i32 to index
        %get3A_380 = arith.constant 48 : index
        %get3A_381 = tpu.vector_load %arg16[%get3A_378, %get3A_379, %get3A_380] {strides = array<i32>} : memref<5x128x64xf32, #tpu.memory_space<vmem>>, vector<16xf32>,
        %mul3A_382 = arith.mulf %get3A_381, %gather3A : vector<16xf32>
        %swap3A_383 = arith.constant 0 : i32
        %swap3A_384 = arith.index_cast %swap3A_383 : i32 to index
        %swap3A_385 = arith.index_cast %scan3A_344 : i32 to index
        %swap3A_386 = arith.constant 48 : index
        %swap3A_387 = tpu.vector_load %arg16[%swap3A_384, %swap3A_385, %swap3A_386] {strides = array<i32>} : memref<5x128x64xf32, #tpu.memory_space<vmem>>, vector<16xf32>,
        tpu.vector_store %arg16[%swap3A_384, %swap3A_385, %swap3A_386], %mul3A_382 {strides = array<i32>} : memref<5x128x64xf32, #tpu.memory_space<vmem>>, vector<16xf32>,
        %scan3A_388 = arith.constant 1 : i32
        %scan3A_389 = arith.addi %scan3A_344, %scan3A_388 : i32
        %broadcast_in_dim3A_390 = vector.broadcast %scan3A_389 : i32 to vector<16xi32>
        %gather3A_391 = tpu.vector_load_idx %arg12[%broadcast_in_dim3A, %broadcast_in_dim3A_390] : memref<80x128xf32, #tpu.memory_space<vmem>>[vector<16xi32>, vector<16xi32>], vector<16xf32>,
        %get3A_392 = arith.constant 0 : i32
        %get3A_393 = arith.index_cast %get3A_392 : i32 to index
        %get3A_394 = arith.index_cast %scan3A_389 : i32 to index
        %get3A_395 = arith.constant 0 : index
        %get3A_396 = tpu.vector_load %arg16[%get3A_393, %get3A_394, %get3A_395] {strides = array<i32>} : memref<5x128x64xf32, #tpu.memory_space<vmem>>, vector<16xf32>,
        %mul3A_397 = arith.mulf %get3A_396, %gather3A_391 : vector<16xf32>
        %swap3A_398 = arith.constant 0 : i32
        %swap3A_399 = arith.index_cast %swap3A_398 : i32 to index
        %swap3A_400 = arith.index_cast %scan3A_389 : i32 to index
        %swap3A_401 = arith.constant 0 : index
        %swap3A_402 = tpu.vector_load %arg16[%swap3A_399, %swap3A_400, %swap3A_401] {strides = array<i32>} : memref<5x128x64xf32, #tpu.memory_space<vmem>>, vector<16xf32>,
        tpu.vector_store %arg16[%swap3A_399, %swap3A_400, %swap3A_401], %mul3A_397 {strides = array<i32>} : memref<5x128x64xf32, #tpu.memory_space<vmem>>, vector<16xf32>,
        %get3A_403 = arith.constant 0 : i32
        %get3A_404 = arith.index_cast %get3A_403 : i32 to index
        %get3A_405 = arith.index_cast %scan3A_389 : i32 to index
        %get3A_406 = arith.constant 16 : index
        %get3A_407 = tpu.vector_load %arg16[%get3A_404, %get3A_405, %get3A_406] {strides = array<i32>} : memref<5x128x64xf32, #tpu.memory_space<vmem>>, vector<16xf32>,
        %mul3A_408 = arith.mulf %get3A_407, %gather3A_391 : vector<16xf32>
        %swap3A_409 = arith.constant 0 : i32
        %swap3A_410 = arith.index_cast %swap3A_409 : i32 to index
        %swap3A_411 = arith.index_cast %scan3A_389 : i32 to index
        %swap3A_412 = arith.constant 16 : index
        %swap3A_413 = tpu.vector_load %arg16[%swap3A_410, %swap3A_411, %swap3A_412] {strides = array<i32>} : memref<5x128x64xf32, #tpu.memory_space<vmem>>, vector<16xf32>,
        tpu.vector_store %arg16[%swap3A_410, %swap3A_411, %swap3A_412], %mul3A_408 {strides = array<i32>} : memref<5x128x64xf32, #tpu.memory_space<vmem>>, vector<16xf32>,
        %get3A_414 = arith.constant 0 : i32
        %get3A_415 = arith.index_cast %get3A_414 : i32 to index
        %get3A_416 = arith.index_cast %scan3A_389 : i32 to index
        %get3A_417 = arith.constant 32 : index
        %get3A_418 = tpu.vector_load %arg16[%get3A_415, %get3A_416, %get3A_417] {strides = array<i32>} : memref<5x128x64xf32, #tpu.memory_space<vmem>>, vector<16xf32>,
        %mul3A_419 = arith.mulf %get3A_418, %gather3A_391 : vector<16xf32>
        %swap3A_420 = arith.constant 0 : i32
        %swap3A_421 = arith.index_cast %swap3A_420 : i32 to index
        %swap3A_422 = arith.index_cast %scan3A_389 : i32 to index
        %swap3A_423 = arith.constant 32 : index
        %swap3A_424 = tpu.vector_load %arg16[%swap3A_421, %swap3A_422, %swap3A_423] {strides = array<i32>} : memref<5x128x64xf32, #tpu.memory_space<vmem>>, vector<16xf32>,
        tpu.vector_store %arg16[%swap3A_421, %swap3A_422, %swap3A_423], %mul3A_419 {strides = array<i32>} : memref<5x128x64xf32, #tpu.memory_space<vmem>>, vector<16xf32>,
        %get3A_425 = arith.constant 0 : i32
        %get3A_426 = arith.index_cast %get3A_425 : i32 to index
        %get3A_427 = arith.index_cast %scan3A_389 : i32 to index
        %get3A_428 = arith.constant 48 : index
        %get3A_429 = tpu.vector_load %arg16[%get3A_426, %get3A_427, %get3A_428] {strides = array<i32>} : memref<5x128x64xf32, #tpu.memory_space<vmem>>, vector<16xf32>,
        %mul3A_430 = arith.mulf %get3A_429, %gather3A_391 : vector<16xf32>
        %swap3A_431 = arith.constant 0 : i32
        %swap3A_432 = arith.index_cast %swap3A_431 : i32 to index
        %swap3A_433 = arith.index_cast %scan3A_389 : i32 to index
        %swap3A_434 = arith.constant 48 : index
        %swap3A_435 = tpu.vector_load %arg16[%swap3A_432, %swap3A_433, %swap3A_434] {strides = array<i32>} : memref<5x128x64xf32, #tpu.memory_space<vmem>>, vector<16xf32>,
        tpu.vector_store %arg16[%swap3A_432, %swap3A_433, %swap3A_434], %mul3A_430 {strides = array<i32>} : memref<5x128x64xf32, #tpu.memory_space<vmem>>, vector<16xf32>,
        %scan3A_436 = arith.constant 2 : i32
        %scan3A_437 = arith.addi %scan3A_344, %scan3A_436 : i32
        %broadcast_in_dim3A_438 = vector.broadcast %scan3A_437 : i32 to vector<16xi32>
        %gather3A_439 = tpu.vector_load_idx %arg12[%broadcast_in_dim3A, %broadcast_in_dim3A_438] : memref<80x128xf32, #tpu.memory_space<vmem>>[vector<16xi32>, vector<16xi32>], vector<16xf32>,
        %get3A_440 = arith.constant 0 : i32
        %get3A_441 = arith.index_cast %get3A_440 : i32 to index
        %get3A_442 = arith.index_cast %scan3A_437 : i32 to index
        %get3A_443 = arith.constant 0 : index
        %get3A_444 = tpu.vector_load %arg16[%get3A_441, %get3A_442, %get3A_443] {strides = array<i32>} : memref<5x128x64xf32, #tpu.memory_space<vmem>>, vector<16xf32>,
        %mul3A_445 = arith.mulf %get3A_444, %gather3A_439 : vector<16xf32>
        %swap3A_446 = arith.constant 0 : i32
        %swap3A_447 = arith.index_cast %swap3A_446 : i32 to index
        %swap3A_448 = arith.index_cast %scan3A_437 : i32 to index
        %swap3A_449 = arith.constant 0 : index
        %swap3A_450 = tpu.vector_load %arg16[%swap3A_447, %swap3A_448, %swap3A_449] {strides = array<i32>} : memref<5x128x64xf32, #tpu.memory_space<vmem>>, vector<16xf32>,
        tpu.vector_store %arg16[%swap3A_447, %swap3A_448, %swap3A_449], %mul3A_445 {strides = array<i32>} : memref<5x128x64xf32, #tpu.memory_space<vmem>>, vector<16xf32>,
        %get3A_451 = arith.constant 0 : i32
        %get3A_452 = arith.index_cast %get3A_451 : i32 to index
        %get3A_453 = arith.index_cast %scan3A_437 : i32 to index
        %get3A_454 = arith.constant 16 : index
        %get3A_455 = tpu.vector_load %arg16[%get3A_452, %get3A_453, %get3A_454] {strides = array<i32>} : memref<5x128x64xf32, #tpu.memory_space<vmem>>, vector<16xf32>,
        %mul3A_456 = arith.mulf %get3A_455, %gather3A_439 : vector<16xf32>
        %swap3A_457 = arith.constant 0 : i32
        %swap3A_458 = arith.index_cast %swap3A_457 : i32 to index
        %swap3A_459 = arith.index_cast %scan3A_437 : i32 to index
        %swap3A_460 = arith.constant 16 : index
        %swap3A_461 = tpu.vector_load %arg16[%swap3A_458, %swap3A_459, %swap3A_460] {strides = array<i32>} : memref<5x128x64xf32, #tpu.memory_space<vmem>>, vector<16xf32>,
        tpu.vector_store %arg16[%swap3A_458, %swap3A_459, %swap3A_460], %mul3A_456 {strides = array<i32>} : memref<5x128x64xf32, #tpu.memory_space<vmem>>, vector<16xf32>,
        %get3A_462 = arith.constant 0 : i32
        %get3A_463 = arith.index_cast %get3A_462 : i32 to index
        %get3A_464 = arith.index_cast %scan3A_437 : i32 to index
        %get3A_465 = arith.constant 32 : index
        %get3A_466 = tpu.vector_load %arg16[%get3A_463, %get3A_464, %get3A_465] {strides = array<i32>} : memref<5x128x64xf32, #tpu.memory_space<vmem>>, vector<16xf32>,
        %mul3A_467 = arith.mulf %get3A_466, %gather3A_439 : vector<16xf32>
        %swap3A_468 = arith.constant 0 : i32
        %swap3A_469 = arith.index_cast %swap3A_468 : i32 to index
        %swap3A_470 = arith.index_cast %scan3A_437 : i32 to index
        %swap3A_471 = arith.constant 32 : index
        %swap3A_472 = tpu.vector_load %arg16[%swap3A_469, %swap3A_470, %swap3A_471] {strides = array<i32>} : memref<5x128x64xf32, #tpu.memory_space<vmem>>, vector<16xf32>,
        tpu.vector_store %arg16[%swap3A_469, %swap3A_470, %swap3A_471], %mul3A_467 {strides = array<i32>} : memref<5x128x64xf32, #tpu.memory_space<vmem>>, vector<16xf32>,
        %get3A_473 = arith.constant 0 : i32
        %get3A_474 = arith.index_cast %get3A_473 : i32 to index
        %get3A_475 = arith.index_cast %scan3A_437 : i32 to index
        %get3A_476 = arith.constant 48 : index
        %get3A_477 = tpu.vector_load %arg16[%get3A_474, %get3A_475, %get3A_476] {strides = array<i32>} : memref<5x128x64xf32, #tpu.memory_space<vmem>>, vector<16xf32>,
        %mul3A_478 = arith.mulf %get3A_477, %gather3A_439 : vector<16xf32>
        %swap3A_479 = arith.constant 0 : i32
        %swap3A_480 = arith.index_cast %swap3A_479 : i32 to index
        %swap3A_481 = arith.index_cast %scan3A_437 : i32 to index
        %swap3A_482 = arith.constant 48 : index
        %swap3A_483 = tpu.vector_load %arg16[%swap3A_480, %swap3A_481, %swap3A_482] {strides = array<i32>} : memref<5x128x64xf32, #tpu.memory_space<vmem>>, vector<16xf32>,
        tpu.vector_store %arg16[%swap3A_480, %swap3A_481, %swap3A_482], %mul3A_478 {strides = array<i32>} : memref<5x128x64xf32, #tpu.memory_space<vmem>>, vector<16xf32>,
        %scan3A_484 = arith.constant 3 : i32
        %scan3A_485 = arith.addi %scan3A_344, %scan3A_484 : i32
        %broadcast_in_dim3A_486 = vector.broadcast %scan3A_485 : i32 to vector<16xi32>
        %gather3A_487 = tpu.vector_load_idx %arg12[%broadcast_in_dim3A, %broadcast_in_dim3A_486] : memref<80x128xf32, #tpu.memory_space<vmem>>[vector<16xi32>, vector<16xi32>], vector<16xf32>,
        %get3A_488 = arith.constant 0 : i32
        %get3A_489 = arith.index_cast %get3A_488 : i32 to index
        %get3A_490 = arith.index_cast %scan3A_485 : i32 to index
        %get3A_491 = arith.constant 0 : index
        %get3A_492 = tpu.vector_load %arg16[%get3A_489, %get3A_490, %get3A_491] {strides = array<i32>} : memref<5x128x64xf32, #tpu.memory_space<vmem>>, vector<16xf32>,
        %mul3A_493 = arith.mulf %get3A_492, %gather3A_487 : vector<16xf32>
        %swap3A_494 = arith.constant 0 : i32
        %swap3A_495 = arith.index_cast %swap3A_494 : i32 to index
        %swap3A_496 = arith.index_cast %scan3A_485 : i32 to index
        %swap3A_497 = arith.constant 0 : index
        %swap3A_498 = tpu.vector_load %arg16[%swap3A_495, %swap3A_496, %swap3A_497] {strides = array<i32>} : memref<5x128x64xf32, #tpu.memory_space<vmem>>, vector<16xf32>,
        tpu.vector_store %arg16[%swap3A_495, %swap3A_496, %swap3A_497], %mul3A_493 {strides = array<i32>} : memref<5x128x64xf32, #tpu.memory_space<vmem>>, vector<16xf32>,
        %get3A_499 = arith.constant 0 : i32
        %get3A_500 = arith.index_cast %get3A_499 : i32 to index
        %get3A_501 = arith.index_cast %scan3A_485 : i32 to index
        %get3A_502 = arith.constant 16 : index
        %get3A_503 = tpu.vector_load %arg16[%get3A_500, %get3A_501, %get3A_502] {strides = array<i32>} : memref<5x128x64xf32, #tpu.memory_space<vmem>>, vector<16xf32>,
        %mul3A_504 = arith.mulf %get3A_503, %gather3A_487 : vector<16xf32>
        %swap3A_505 = arith.constant 0 : i32
        %swap3A_506 = arith.index_cast %swap3A_505 : i32 to index
        %swap3A_507 = arith.index_cast %scan3A_485 : i32 to index
        %swap3A_508 = arith.constant 16 : index
        %swap3A_509 = tpu.vector_load %arg16[%swap3A_506, %swap3A_507, %swap3A_508] {strides = array<i32>} : memref<5x128x64xf32, #tpu.memory_space<vmem>>, vector<16xf32>,
        tpu.vector_store %arg16[%swap3A_506, %swap3A_507, %swap3A_508], %mul3A_504 {strides = array<i32>} : memref<5x128x64xf32, #tpu.memory_space<vmem>>, vector<16xf32>,
        %get3A_510 = arith.constant 0 : i32
        %get3A_511 = arith.index_cast %get3A_510 : i32 to index
        %get3A_512 = arith.index_cast %scan3A_485 : i32 to index
        %get3A_513 = arith.constant 32 : index
        %get3A_514 = tpu.vector_load %arg16[%get3A_511, %get3A_512, %get3A_513] {strides = array<i32>} : memref<5x128x64xf32, #tpu.memory_space<vmem>>, vector<16xf32>,
        %mul3A_515 = arith.mulf %get3A_514, %gather3A_487 : vector<16xf32>
        %swap3A_516 = arith.constant 0 : i32
        %swap3A_517 = arith.index_cast %swap3A_516 : i32 to index
        %swap3A_518 = arith.index_cast %scan3A_485 : i32 to index
        %swap3A_519 = arith.constant 32 : index
        %swap3A_520 = tpu.vector_load %arg16[%swap3A_517, %swap3A_518, %swap3A_519] {strides = array<i32>} : memref<5x128x64xf32, #tpu.memory_space<vmem>>, vector<16xf32>,
        tpu.vector_store %arg16[%swap3A_517, %swap3A_518, %swap3A_519], %mul3A_515 {strides = array<i32>} : memref<5x128x64xf32, #tpu.memory_space<vmem>>, vector<16xf32>,
        %get3A_521 = arith.constant 0 : i32
        %get3A_522 = arith.index_cast %get3A_521 : i32 to index
        %get3A_523 = arith.index_cast %scan3A_485 : i32 to index
        %get3A_524 = arith.constant 48 : index
        %get3A_525 = tpu.vector_load %arg16[%get3A_522, %get3A_523, %get3A_524] {strides = array<i32>} : memref<5x128x64xf32, #tpu.memory_space<vmem>>, vector<16xf32>,
        %mul3A_526 = arith.mulf %get3A_525, %gather3A_487 : vector<16xf32>
        %swap3A_527 = arith.constant 0 : i32
        %swap3A_528 = arith.index_cast %swap3A_527 : i32 to index
        %swap3A_529 = arith.index_cast %scan3A_485 : i32 to index
        %swap3A_530 = arith.constant 48 : index
        %swap3A_531 = tpu.vector_load %arg16[%swap3A_528, %swap3A_529, %swap3A_530] {strides = array<i32>} : memref<5x128x64xf32, #tpu.memory_space<vmem>>, vector<16xf32>,
        tpu.vector_store %arg16[%swap3A_528, %swap3A_529, %swap3A_530], %mul3A_526 {strides = array<i32>} : memref<5x128x64xf32, #tpu.memory_space<vmem>>, vector<16xf32>,
      }
      %scan3A_111 = arith.constant 128 : i32
      %dma_start3A_112 = arith.constant 0 : i32
      %dma_start3A_113 = arith.constant 0 : i32
      %dma_start3A_114 = arith.constant 0 : i32
      %dma_start3A_115 = tpu.memref_slice %arg16[%dma_start3A_112, %dma_start3A_113, %dma_start3A_114] : memref<5x128x64xf32, #tpu.memory_space<vmem>> -> memref<1x128x64xf32, #tpu.memory_space<vmem>>
      %dma_start3A_116 = tpu.memref_squeeze %dma_start3A_115 : memref<1x128x64xf32, #tpu.memory_space<vmem>> -> memref<128x64xf32, #tpu.memory_space<vmem>>
      %dma_start3A_117 = arith.constant 0 : i32
      %dma_start3A_118 = tpu.memref_slice %arg11[%add3A_94, %dma_start3A_117] : memref<80x128xi32, #tpu.memory_space<vmem>> -> memref<1x128xi32, #tpu.memory_space<vmem>>
      %dma_start3A_119 = tpu.memref_squeeze %dma_start3A_118 : memref<1x128xi32, #tpu.memory_space<vmem>> -> memref<128xi32, #tpu.memory_space<vmem>>
      %dma_start3A_120 = arith.constant 0 : i32
      %dma_start3A_121 = arith.constant 0 : i32
      %dma_start3A_122 = tpu.memref_slice %arg17[%dma_start3A_120, %dma_start3A_121] : memref<5120x64xf32, #tpu.memory_space<vmem_shared>> -> memref<5120x64xf32, #tpu.memory_space<vmem_shared>>
      tpu.enqueue_indirect_dma source(%dma_start3A_116 : memref<128x64xf32, #tpu.memory_space<vmem>>) target(%dma_start3A_122 : memref<5120x64xf32, #tpu.memory_space<vmem_shared>>) offsets(%dma_start3A_119 : memref<128xi32, #tpu.memory_space<vmem>>) semaphore(%arg24 : memref<!tpu.dma_semaphore, #tpu.memory_space<semaphore_mem>>) {add = true}
      %gt3A = arith.constant 0 : i32
      %gt3A_123 = arith.cmpi sgt, %scan3A_90, %gt3A : i32
      %convert_element_type3A_124 = arith.extui %gt3A_123 : i1 to i32
      %cond3A_125 = arith.constant 0 : i32
      %cond3A_126 = arith.cmpi ne, %convert_element_type3A_124, %cond3A_125 : i32
      scf.if %cond3A_126 {
        %sub3A_344 = arith.constant 1 : i32
        %sub3A_345 = arith.subi %add3A_94, %sub3A_344 : i32
        %dma_wait3A_346 = arith.constant 4 : i32
        %dma_wait3A_347 = arith.constant 0 : i32
        %dma_wait3A_348 = arith.constant 0 : i32
        %dma_wait3A_349 = tpu.memref_slice %arg16[%dma_wait3A_346, %dma_wait3A_347, %dma_wait3A_348] : memref<5x128x64xf32, #tpu.memory_space<vmem>> -> memref<1x128x64xf32, #tpu.memory_space<vmem>>
        %dma_wait3A_350 = tpu.memref_squeeze %dma_wait3A_349 : memref<1x128x64xf32, #tpu.memory_space<vmem>> -> memref<128x64xf32, #tpu.memory_space<vmem>>
        %dma_wait3A_351 = arith.constant 0 : i32
        %dma_wait3A_352 = tpu.memref_slice %arg11[%sub3A_345, %dma_wait3A_351] : memref<80x128xi32, #tpu.memory_space<vmem>> -> memref<1x128xi32, #tpu.memory_space<vmem>>
        %dma_wait3A_353 = tpu.memref_squeeze %dma_wait3A_352 : memref<1x128xi32, #tpu.memory_space<vmem>> -> memref<128xi32, #tpu.memory_space<vmem>>
        %dma_wait3A_354 = arith.constant 0 : i32
        %dma_wait3A_355 = arith.constant 0 : i32
        %dma_wait3A_356 = tpu.memref_slice %arg17[%dma_wait3A_354, %dma_wait3A_355] : memref<5120x64xf32, #tpu.memory_space<vmem_shared>> -> memref<5120x64xf32, #tpu.memory_space<vmem_shared>>
        tpu.wait_indirect_dma semaphore(%arg28 : memref<!tpu.dma_semaphore, #tpu.memory_space<semaphore_mem>>) src(%dma_wait3A_350 : memref<128x64xf32, #tpu.memory_space<vmem>>) dst(%dma_wait3A_356 : memref<5120x64xf32, #tpu.memory_space<vmem_shared>>)
      } else {
      }
      %add3A_127 = arith.constant 5 : i32
      %add3A_128 = arith.addi %add3A_94, %add3A_127 : i32
      %sub3A = arith.constant 1 : i32
      %sub3A_129 = arith.subi %add3A_128, %sub3A : i32
      %dma_start3A_130 = arith.constant 4 : i32
      %dma_start3A_131 = arith.constant 0 : i32
      %dma_start3A_132 = arith.constant 0 : i32
      %dma_start3A_133 = tpu.memref_slice %arg16[%dma_start3A_130, %dma_start3A_131, %dma_start3A_132] : memref<5x128x64xf32, #tpu.memory_space<vmem>> -> memref<1x128x64xf32, #tpu.memory_space<vmem>>
      %dma_start3A_134 = tpu.memref_squeeze %dma_start3A_133 : memref<1x128x64xf32, #tpu.memory_space<vmem>> -> memref<128x64xf32, #tpu.memory_space<vmem>>
      %dma_start3A_135 = arith.constant 0 : i32
      %dma_start3A_136 = tpu.memref_slice %arg10[%sub3A_129, %dma_start3A_135] : memref<80x128xi32, #tpu.memory_space<vmem>> -> memref<1x128xi32, #tpu.memory_space<vmem>>
      %dma_start3A_137 = tpu.memref_squeeze %dma_start3A_136 : memref<1x128xi32, #tpu.memory_space<vmem>> -> memref<128xi32, #tpu.memory_space<vmem>>
      %dma_start3A_138 = arith.constant 0 : i32
      %dma_start3A_139 = arith.constant 0 : i32
      %dma_start3A_140 = tpu.memref_slice %arg18[%dma_start3A_138, %dma_start3A_139] : memref<5120x64xf32, #tpu.memory_space<vmem_shared>> -> memref<5120x64xf32, #tpu.memory_space<vmem_shared>>
      tpu.enqueue_indirect_dma source(%dma_start3A_140 : memref<5120x64xf32, #tpu.memory_space<vmem_shared>>) target(%dma_start3A_134 : memref<128x64xf32, #tpu.memory_space<vmem>>) offsets(%dma_start3A_137 : memref<128xi32, #tpu.memory_space<vmem>>) semaphore(%arg23 : memref<!tpu.dma_semaphore, #tpu.memory_space<semaphore_mem>>)
      %mul3A_141 = arith.constant 5 : i32
      %mul3A_142 = arith.muli %scan3A_90, %mul3A_141 : i32
      %add3A_143 = arith.constant 1 : i32
      %add3A_144 = arith.addi %mul3A_142, %add3A_143 : i32
      %dma_wait3A_145 = arith.constant 1 : i32
      %dma_wait3A_146 = arith.constant 0 : i32
      %dma_wait3A_147 = arith.constant 0 : i32
      %dma_wait3A_148 = tpu.memref_slice %arg16[%dma_wait3A_145, %dma_wait3A_146, %dma_wait3A_147] : memref<5x128x64xf32, #tpu.memory_space<vmem>> -> memref<1x128x64xf32, #tpu.memory_space<vmem>>
      %dma_wait3A_149 = tpu.memref_squeeze %dma_wait3A_148 : memref<1x128x64xf32, #tpu.memory_space<vmem>> -> memref<128x64xf32, #tpu.memory_space<vmem>>
      %dma_wait3A_150 = arith.constant 0 : i32
      %dma_wait3A_151 = tpu.memref_slice %arg10[%add3A_144, %dma_wait3A_150] : memref<80x128xi32, #tpu.memory_space<vmem>> -> memref<1x128xi32, #tpu.memory_space<vmem>>
      %dma_wait3A_152 = tpu.memref_squeeze %dma_wait3A_151 : memref<1x128xi32, #tpu.memory_space<vmem>> -> memref<128xi32, #tpu.memory_space<vmem>>
      %dma_wait3A_153 = arith.constant 0 : i32
      %dma_wait3A_154 = arith.constant 0 : i32
      %dma_wait3A_155 = tpu.memref_slice %arg18[%dma_wait3A_153, %dma_wait3A_154] : memref<5120x64xf32, #tpu.memory_space<vmem_shared>> -> memref<5120x64xf32, #tpu.memory_space<vmem_shared>>
      tpu.wait_indirect_dma semaphore(%arg20 : memref<!tpu.dma_semaphore, #tpu.memory_space<semaphore_mem>>) src(%dma_wait3A_155 : memref<5120x64xf32, #tpu.memory_space<vmem_shared>>) dst(%dma_wait3A_149 : memref<128x64xf32, #tpu.memory_space<vmem>>)
      %broadcast_in_dim3A_156 = vector.broadcast %add3A_144 : i32 to vector<16xi32>
      %scan3A_157 = arith.constant 0 : i32
      %scan3A_158 = arith.constant 0 : i32
      %scan3A_159 = arith.constant 128 : i32
      %scan3A_160 = arith.addi %scan3A_158, %scan3A_159 : i32
      %scan3A_161 = arith.constant 4 : i32
      scf.for %scan3A_344 = %scan3A_158 to %scan3A_160 step %scan3A_161  : i32 {
        %broadcast_in_dim3A_345 = vector.broadcast %scan3A_344 : i32 to vector<16xi32>
        %gather3A = tpu.vector_load_idx %arg12[%broadcast_in_dim3A_156, %broadcast_in_dim3A_345] : memref<80x128xf32, #tpu.memory_space<vmem>>[vector<16xi32>, vector<16xi32>], vector<16xf32>,
        %get3A = arith.constant 1 : i32
        %get3A_346 = arith.index_cast %get3A : i32 to index
        %get3A_347 = arith.index_cast %scan3A_344 : i32 to index
        %get3A_348 = arith.constant 0 : index
        %get3A_349 = tpu.vector_load %arg16[%get3A_346, %get3A_347, %get3A_348] {strides = array<i32>} : memref<5x128x64xf32, #tpu.memory_space<vmem>>, vector<16xf32>,
        %mul3A_350 = arith.mulf %get3A_349, %gather3A : vector<16xf32>
        %swap3A = arith.constant 1 : i32
        %swap3A_351 = arith.index_cast %swap3A : i32 to index
        %swap3A_352 = arith.index_cast %scan3A_344 : i32 to index
        %swap3A_353 = arith.constant 0 : index
        %swap3A_354 = tpu.vector_load %arg16[%swap3A_351, %swap3A_352, %swap3A_353] {strides = array<i32>} : memref<5x128x64xf32, #tpu.memory_space<vmem>>, vector<16xf32>,
        tpu.vector_store %arg16[%swap3A_351, %swap3A_352, %swap3A_353], %mul3A_350 {strides = array<i32>} : memref<5x128x64xf32, #tpu.memory_space<vmem>>, vector<16xf32>,
        %get3A_355 = arith.constant 1 : i32
        %get3A_356 = arith.index_cast %get3A_355 : i32 to index
        %get3A_357 = arith.index_cast %scan3A_344 : i32 to index
        %get3A_358 = arith.constant 16 : index
        %get3A_359 = tpu.vector_load %arg16[%get3A_356, %get3A_357, %get3A_358] {strides = array<i32>} : memref<5x128x64xf32, #tpu.memory_space<vmem>>, vector<16xf32>,
        %mul3A_360 = arith.mulf %get3A_359, %gather3A : vector<16xf32>
        %swap3A_361 = arith.constant 1 : i32
        %swap3A_362 = arith.index_cast %swap3A_361 : i32 to index
        %swap3A_363 = arith.index_cast %scan3A_344 : i32 to index
        %swap3A_364 = arith.constant 16 : index
        %swap3A_365 = tpu.vector_load %arg16[%swap3A_362, %swap3A_363, %swap3A_364] {strides = array<i32>} : memref<5x128x64xf32, #tpu.memory_space<vmem>>, vector<16xf32>,
        tpu.vector_store %arg16[%swap3A_362, %swap3A_363, %swap3A_364], %mul3A_360 {strides = array<i32>} : memref<5x128x64xf32, #tpu.memory_space<vmem>>, vector<16xf32>,
        %get3A_366 = arith.constant 1 : i32
        %get3A_367 = arith.index_cast %get3A_366 : i32 to index
        %get3A_368 = arith.index_cast %scan3A_344 : i32 to index
        %get3A_369 = arith.constant 32 : index
        %get3A_370 = tpu.vector_load %arg16[%get3A_367, %get3A_368, %get3A_369] {strides = array<i32>} : memref<5x128x64xf32, #tpu.memory_space<vmem>>, vector<16xf32>,
        %mul3A_371 = arith.mulf %get3A_370, %gather3A : vector<16xf32>
        %swap3A_372 = arith.constant 1 : i32
        %swap3A_373 = arith.index_cast %swap3A_372 : i32 to index
        %swap3A_374 = arith.index_cast %scan3A_344 : i32 to index
        %swap3A_375 = arith.constant 32 : index
        %swap3A_376 = tpu.vector_load %arg16[%swap3A_373, %swap3A_374, %swap3A_375] {strides = array<i32>} : memref<5x128x64xf32, #tpu.memory_space<vmem>>, vector<16xf32>,
        tpu.vector_store %arg16[%swap3A_373, %swap3A_374, %swap3A_375], %mul3A_371 {strides = array<i32>} : memref<5x128x64xf32, #tpu.memory_space<vmem>>, vector<16xf32>,
        %get3A_377 = arith.constant 1 : i32
        %get3A_378 = arith.index_cast %get3A_377 : i32 to index
        %get3A_379 = arith.index_cast %scan3A_344 : i32 to index
        %get3A_380 = arith.constant 48 : index
        %get3A_381 = tpu.vector_load %arg16[%get3A_378, %get3A_379, %get3A_380] {strides = array<i32>} : memref<5x128x64xf32, #tpu.memory_space<vmem>>, vector<16xf32>,
        %mul3A_382 = arith.mulf %get3A_381, %gather3A : vector<16xf32>
        %swap3A_383 = arith.constant 1 : i32
        %swap3A_384 = arith.index_cast %swap3A_383 : i32 to index
        %swap3A_385 = arith.index_cast %scan3A_344 : i32 to index
        %swap3A_386 = arith.constant 48 : index
        %swap3A_387 = tpu.vector_load %arg16[%swap3A_384, %swap3A_385, %swap3A_386] {strides = array<i32>} : memref<5x128x64xf32, #tpu.memory_space<vmem>>, vector<16xf32>,
        tpu.vector_store %arg16[%swap3A_384, %swap3A_385, %swap3A_386], %mul3A_382 {strides = array<i32>} : memref<5x128x64xf32, #tpu.memory_space<vmem>>, vector<16xf32>,
        %scan3A_388 = arith.constant 1 : i32
        %scan3A_389 = arith.addi %scan3A_344, %scan3A_388 : i32
        %broadcast_in_dim3A_390 = vector.broadcast %scan3A_389 : i32 to vector<16xi32>
        %gather3A_391 = tpu.vector_load_idx %arg12[%broadcast_in_dim3A_156, %broadcast_in_dim3A_390] : memref<80x128xf32, #tpu.memory_space<vmem>>[vector<16xi32>, vector<16xi32>], vector<16xf32>,
        %get3A_392 = arith.constant 1 : i32
        %get3A_393 = arith.index_cast %get3A_392 : i32 to index
        %get3A_394 = arith.index_cast %scan3A_389 : i32 to index
        %get3A_395 = arith.constant 0 : index
        %get3A_396 = tpu.vector_load %arg16[%get3A_393, %get3A_394, %get3A_395] {strides = array<i32>} : memref<5x128x64xf32, #tpu.memory_space<vmem>>, vector<16xf32>,
        %mul3A_397 = arith.mulf %get3A_396, %gather3A_391 : vector<16xf32>
        %swap3A_398 = arith.constant 1 : i32
        %swap3A_399 = arith.index_cast %swap3A_398 : i32 to index
        %swap3A_400 = arith.index_cast %scan3A_389 : i32 to index
        %swap3A_401 = arith.constant 0 : index
        %swap3A_402 = tpu.vector_load %arg16[%swap3A_399, %swap3A_400, %swap3A_401] {strides = array<i32>} : memref<5x128x64xf32, #tpu.memory_space<vmem>>, vector<16xf32>,
        tpu.vector_store %arg16[%swap3A_399, %swap3A_400, %swap3A_401], %mul3A_397 {strides = array<i32>} : memref<5x128x64xf32, #tpu.memory_space<vmem>>, vector<16xf32>,
        %get3A_403 = arith.constant 1 : i32
        %get3A_404 = arith.index_cast %get3A_403 : i32 to index
        %get3A_405 = arith.index_cast %scan3A_389 : i32 to index
        %get3A_406 = arith.constant 16 : index
        %get3A_407 = tpu.vector_load %arg16[%get3A_404, %get3A_405, %get3A_406] {strides = array<i32>} : memref<5x128x64xf32, #tpu.memory_space<vmem>>, vector<16xf32>,
        %mul3A_408 = arith.mulf %get3A_407, %gather3A_391 : vector<16xf32>
        %swap3A_409 = arith.constant 1 : i32
        %swap3A_410 = arith.index_cast %swap3A_409 : i32 to index
        %swap3A_411 = arith.index_cast %scan3A_389 : i32 to index
        %swap3A_412 = arith.constant 16 : index
        %swap3A_413 = tpu.vector_load %arg16[%swap3A_410, %swap3A_411, %swap3A_412] {strides = array<i32>} : memref<5x128x64xf32, #tpu.memory_space<vmem>>, vector<16xf32>,
        tpu.vector_store %arg16[%swap3A_410, %swap3A_411, %swap3A_412], %mul3A_408 {strides = array<i32>} : memref<5x128x64xf32, #tpu.memory_space<vmem>>, vector<16xf32>,
        %get3A_414 = arith.constant 1 : i32
        %get3A_415 = arith.index_cast %get3A_414 : i32 to index
        %get3A_416 = arith.index_cast %scan3A_389 : i32 to index
        %get3A_417 = arith.constant 32 : index
        %get3A_418 = tpu.vector_load %arg16[%get3A_415, %get3A_416, %get3A_417] {strides = array<i32>} : memref<5x128x64xf32, #tpu.memory_space<vmem>>, vector<16xf32>,
        %mul3A_419 = arith.mulf %get3A_418, %gather3A_391 : vector<16xf32>
        %swap3A_420 = arith.constant 1 : i32
        %swap3A_421 = arith.index_cast %swap3A_420 : i32 to index
        %swap3A_422 = arith.index_cast %scan3A_389 : i32 to index
        %swap3A_423 = arith.constant 32 : index
        %swap3A_424 = tpu.vector_load %arg16[%swap3A_421, %swap3A_422, %swap3A_423] {strides = array<i32>} : memref<5x128x64xf32, #tpu.memory_space<vmem>>, vector<16xf32>,
        tpu.vector_store %arg16[%swap3A_421, %swap3A_422, %swap3A_423], %mul3A_419 {strides = array<i32>} : memref<5x128x64xf32, #tpu.memory_space<vmem>>, vector<16xf32>,
        %get3A_425 = arith.constant 1 : i32
        %get3A_426 = arith.index_cast %get3A_425 : i32 to index
        %get3A_427 = arith.index_cast %scan3A_389 : i32 to index
        %get3A_428 = arith.constant 48 : index
        %get3A_429 = tpu.vector_load %arg16[%get3A_426, %get3A_427, %get3A_428] {strides = array<i32>} : memref<5x128x64xf32, #tpu.memory_space<vmem>>, vector<16xf32>,
        %mul3A_430 = arith.mulf %get3A_429, %gather3A_391 : vector<16xf32>
        %swap3A_431 = arith.constant 1 : i32
        %swap3A_432 = arith.index_cast %swap3A_431 : i32 to index
        %swap3A_433 = arith.index_cast %scan3A_389 : i32 to index
        %swap3A_434 = arith.constant 48 : index
        %swap3A_435 = tpu.vector_load %arg16[%swap3A_432, %swap3A_433, %swap3A_434] {strides = array<i32>} : memref<5x128x64xf32, #tpu.memory_space<vmem>>, vector<16xf32>,
        tpu.vector_store %arg16[%swap3A_432, %swap3A_433, %swap3A_434], %mul3A_430 {strides = array<i32>} : memref<5x128x64xf32, #tpu.memory_space<vmem>>, vector<16xf32>,
        %scan3A_436 = arith.constant 2 : i32
        %scan3A_437 = arith.addi %scan3A_344, %scan3A_436 : i32
        %broadcast_in_dim3A_438 = vector.broadcast %scan3A_437 : i32 to vector<16xi32>
        %gather3A_439 = tpu.vector_load_idx %arg12[%broadcast_in_dim3A_156, %broadcast_in_dim3A_438] : memref<80x128xf32, #tpu.memory_space<vmem>>[vector<16xi32>, vector<16xi32>], vector<16xf32>,
        %get3A_440 = arith.constant 1 : i32
        %get3A_441 = arith.index_cast %get3A_440 : i32 to index
        %get3A_442 = arith.index_cast %scan3A_437 : i32 to index
        %get3A_443 = arith.constant 0 : index
        %get3A_444 = tpu.vector_load %arg16[%get3A_441, %get3A_442, %get3A_443] {strides = array<i32>} : memref<5x128x64xf32, #tpu.memory_space<vmem>>, vector<16xf32>,
        %mul3A_445 = arith.mulf %get3A_444, %gather3A_439 : vector<16xf32>
        %swap3A_446 = arith.constant 1 : i32
        %swap3A_447 = arith.index_cast %swap3A_446 : i32 to index
        %swap3A_448 = arith.index_cast %scan3A_437 : i32 to index
        %swap3A_449 = arith.constant 0 : index
        %swap3A_450 = tpu.vector_load %arg16[%swap3A_447, %swap3A_448, %swap3A_449] {strides = array<i32>} : memref<5x128x64xf32, #tpu.memory_space<vmem>>, vector<16xf32>,
        tpu.vector_store %arg16[%swap3A_447, %swap3A_448, %swap3A_449], %mul3A_445 {strides = array<i32>} : memref<5x128x64xf32, #tpu.memory_space<vmem>>, vector<16xf32>,
        %get3A_451 = arith.constant 1 : i32
        %get3A_452 = arith.index_cast %get3A_451 : i32 to index
        %get3A_453 = arith.index_cast %scan3A_437 : i32 to index
        %get3A_454 = arith.constant 16 : index
        %get3A_455 = tpu.vector_load %arg16[%get3A_452, %get3A_453, %get3A_454] {strides = array<i32>} : memref<5x128x64xf32, #tpu.memory_space<vmem>>, vector<16xf32>,
        %mul3A_456 = arith.mulf %get3A_455, %gather3A_439 : vector<16xf32>
        %swap3A_457 = arith.constant 1 : i32
        %swap3A_458 = arith.index_cast %swap3A_457 : i32 to index
        %swap3A_459 = arith.index_cast %scan3A_437 : i32 to index
        %swap3A_460 = arith.constant 16 : index
        %swap3A_461 = tpu.vector_load %arg16[%swap3A_458, %swap3A_459, %swap3A_460] {strides = array<i32>} : memref<5x128x64xf32, #tpu.memory_space<vmem>>, vector<16xf32>,
        tpu.vector_store %arg16[%swap3A_458, %swap3A_459, %swap3A_460], %mul3A_456 {strides = array<i32>} : memref<5x128x64xf32, #tpu.memory_space<vmem>>, vector<16xf32>,
        %get3A_462 = arith.constant 1 : i32
        %get3A_463 = arith.index_cast %get3A_462 : i32 to index
        %get3A_464 = arith.index_cast %scan3A_437 : i32 to index
        %get3A_465 = arith.constant 32 : index
        %get3A_466 = tpu.vector_load %arg16[%get3A_463, %get3A_464, %get3A_465] {strides = array<i32>} : memref<5x128x64xf32, #tpu.memory_space<vmem>>, vector<16xf32>,
        %mul3A_467 = arith.mulf %get3A_466, %gather3A_439 : vector<16xf32>
        %swap3A_468 = arith.constant 1 : i32
        %swap3A_469 = arith.index_cast %swap3A_468 : i32 to index
        %swap3A_470 = arith.index_cast %scan3A_437 : i32 to index
        %swap3A_471 = arith.constant 32 : index
        %swap3A_472 = tpu.vector_load %arg16[%swap3A_469, %swap3A_470, %swap3A_471] {strides = array<i32>} : memref<5x128x64xf32, #tpu.memory_space<vmem>>, vector<16xf32>,
        tpu.vector_store %arg16[%swap3A_469, %swap3A_470, %swap3A_471], %mul3A_467 {strides = array<i32>} : memref<5x128x64xf32, #tpu.memory_space<vmem>>, vector<16xf32>,
        %get3A_473 = arith.constant 1 : i32
        %get3A_474 = arith.index_cast %get3A_473 : i32 to index
        %get3A_475 = arith.index_cast %scan3A_437 : i32 to index
        %get3A_476 = arith.constant 48 : index
        %get3A_477 = tpu.vector_load %arg16[%get3A_474, %get3A_475, %get3A_476] {strides = array<i32>} : memref<5x128x64xf32, #tpu.memory_space<vmem>>, vector<16xf32>,
        %mul3A_478 = arith.mulf %get3A_477, %gather3A_439 : vector<16xf32>
        %swap3A_479 = arith.constant 1 : i32
        %swap3A_480 = arith.index_cast %swap3A_479 : i32 to index
        %swap3A_481 = arith.index_cast %scan3A_437 : i32 to index
        %swap3A_482 = arith.constant 48 : index
        %swap3A_483 = tpu.vector_load %arg16[%swap3A_480, %swap3A_481, %swap3A_482] {strides = array<i32>} : memref<5x128x64xf32, #tpu.memory_space<vmem>>, vector<16xf32>,
        tpu.vector_store %arg16[%swap3A_480, %swap3A_481, %swap3A_482], %mul3A_478 {strides = array<i32>} : memref<5x128x64xf32, #tpu.memory_space<vmem>>, vector<16xf32>,
        %scan3A_484 = arith.constant 3 : i32
        %scan3A_485 = arith.addi %scan3A_344, %scan3A_484 : i32
        %broadcast_in_dim3A_486 = vector.broadcast %scan3A_485 : i32 to vector<16xi32>
        %gather3A_487 = tpu.vector_load_idx %arg12[%broadcast_in_dim3A_156, %broadcast_in_dim3A_486] : memref<80x128xf32, #tpu.memory_space<vmem>>[vector<16xi32>, vector<16xi32>], vector<16xf32>,
        %get3A_488 = arith.constant 1 : i32
        %get3A_489 = arith.index_cast %get3A_488 : i32 to index
        %get3A_490 = arith.index_cast %scan3A_485 : i32 to index
        %get3A_491 = arith.constant 0 : index
        %get3A_492 = tpu.vector_load %arg16[%get3A_489, %get3A_490, %get3A_491] {strides = array<i32>} : memref<5x128x64xf32, #tpu.memory_space<vmem>>, vector<16xf32>,
        %mul3A_493 = arith.mulf %get3A_492, %gather3A_487 : vector<16xf32>
        %swap3A_494 = arith.constant 1 : i32
        %swap3A_495 = arith.index_cast %swap3A_494 : i32 to index
        %swap3A_496 = arith.index_cast %scan3A_485 : i32 to index
        %swap3A_497 = arith.constant 0 : index
        %swap3A_498 = tpu.vector_load %arg16[%swap3A_495, %swap3A_496, %swap3A_497] {strides = array<i32>} : memref<5x128x64xf32, #tpu.memory_space<vmem>>, vector<16xf32>,
        tpu.vector_store %arg16[%swap3A_495, %swap3A_496, %swap3A_497], %mul3A_493 {strides = array<i32>} : memref<5x128x64xf32, #tpu.memory_space<vmem>>, vector<16xf32>,
        %get3A_499 = arith.constant 1 : i32
        %get3A_500 = arith.index_cast %get3A_499 : i32 to index
        %get3A_501 = arith.index_cast %scan3A_485 : i32 to index
        %get3A_502 = arith.constant 16 : index
        %get3A_503 = tpu.vector_load %arg16[%get3A_500, %get3A_501, %get3A_502] {strides = array<i32>} : memref<5x128x64xf32, #tpu.memory_space<vmem>>, vector<16xf32>,
        %mul3A_504 = arith.mulf %get3A_503, %gather3A_487 : vector<16xf32>
        %swap3A_505 = arith.constant 1 : i32
        %swap3A_506 = arith.index_cast %swap3A_505 : i32 to index
        %swap3A_507 = arith.index_cast %scan3A_485 : i32 to index
        %swap3A_508 = arith.constant 16 : index
        %swap3A_509 = tpu.vector_load %arg16[%swap3A_506, %swap3A_507, %swap3A_508] {strides = array<i32>} : memref<5x128x64xf32, #tpu.memory_space<vmem>>, vector<16xf32>,
        tpu.vector_store %arg16[%swap3A_506, %swap3A_507, %swap3A_508], %mul3A_504 {strides = array<i32>} : memref<5x128x64xf32, #tpu.memory_space<vmem>>, vector<16xf32>,
        %get3A_510 = arith.constant 1 : i32
        %get3A_511 = arith.index_cast %get3A_510 : i32 to index
        %get3A_512 = arith.index_cast %scan3A_485 : i32 to index
        %get3A_513 = arith.constant 32 : index
        %get3A_514 = tpu.vector_load %arg16[%get3A_511, %get3A_512, %get3A_513] {strides = array<i32>} : memref<5x128x64xf32, #tpu.memory_space<vmem>>, vector<16xf32>,
        %mul3A_515 = arith.mulf %get3A_514, %gather3A_487 : vector<16xf32>
        %swap3A_516 = arith.constant 1 : i32
        %swap3A_517 = arith.index_cast %swap3A_516 : i32 to index
        %swap3A_518 = arith.index_cast %scan3A_485 : i32 to index
        %swap3A_519 = arith.constant 32 : index
        %swap3A_520 = tpu.vector_load %arg16[%swap3A_517, %swap3A_518, %swap3A_519] {strides = array<i32>} : memref<5x128x64xf32, #tpu.memory_space<vmem>>, vector<16xf32>,
        tpu.vector_store %arg16[%swap3A_517, %swap3A_518, %swap3A_519], %mul3A_515 {strides = array<i32>} : memref<5x128x64xf32, #tpu.memory_space<vmem>>, vector<16xf32>,
        %get3A_521 = arith.constant 1 : i32
        %get3A_522 = arith.index_cast %get3A_521 : i32 to index
        %get3A_523 = arith.index_cast %scan3A_485 : i32 to index
        %get3A_524 = arith.constant 48 : index
        %get3A_525 = tpu.vector_load %arg16[%get3A_522, %get3A_523, %get3A_524] {strides = array<i32>} : memref<5x128x64xf32, #tpu.memory_space<vmem>>, vector<16xf32>,
        %mul3A_526 = arith.mulf %get3A_525, %gather3A_487 : vector<16xf32>
        %swap3A_527 = arith.constant 1 : i32
        %swap3A_528 = arith.index_cast %swap3A_527 : i32 to index
        %swap3A_529 = arith.index_cast %scan3A_485 : i32 to index
        %swap3A_530 = arith.constant 48 : index
        %swap3A_531 = tpu.vector_load %arg16[%swap3A_528, %swap3A_529, %swap3A_530] {strides = array<i32>} : memref<5x128x64xf32, #tpu.memory_space<vmem>>, vector<16xf32>,
        tpu.vector_store %arg16[%swap3A_528, %swap3A_529, %swap3A_530], %mul3A_526 {strides = array<i32>} : memref<5x128x64xf32, #tpu.memory_space<vmem>>, vector<16xf32>,
      }
      %scan3A_162 = arith.constant 128 : i32
      %dma_start3A_163 = arith.constant 1 : i32
      %dma_start3A_164 = arith.constant 0 : i32
      %dma_start3A_165 = arith.constant 0 : i32
      %dma_start3A_166 = tpu.memref_slice %arg16[%dma_start3A_163, %dma_start3A_164, %dma_start3A_165] : memref<5x128x64xf32, #tpu.memory_space<vmem>> -> memref<1x128x64xf32, #tpu.memory_space<vmem>>
      %dma_start3A_167 = tpu.memref_squeeze %dma_start3A_166 : memref<1x128x64xf32, #tpu.memory_space<vmem>> -> memref<128x64xf32, #tpu.memory_space<vmem>>
      %dma_start3A_168 = arith.constant 0 : i32
      %dma_start3A_169 = tpu.memref_slice %arg11[%add3A_144, %dma_start3A_168] : memref<80x128xi32, #tpu.memory_space<vmem>> -> memref<1x128xi32, #tpu.memory_space<vmem>>
      %dma_start3A_170 = tpu.memref_squeeze %dma_start3A_169 : memref<1x128xi32, #tpu.memory_space<vmem>> -> memref<128xi32, #tpu.memory_space<vmem>>
      %dma_start3A_171 = arith.constant 0 : i32
      %dma_start3A_172 = arith.constant 0 : i32
      %dma_start3A_173 = tpu.memref_slice %arg17[%dma_start3A_171, %dma_start3A_172] : memref<5120x64xf32, #tpu.memory_space<vmem_shared>> -> memref<5120x64xf32, #tpu.memory_space<vmem_shared>>
      tpu.enqueue_indirect_dma source(%dma_start3A_167 : memref<128x64xf32, #tpu.memory_space<vmem>>) target(%dma_start3A_173 : memref<5120x64xf32, #tpu.memory_space<vmem_shared>>) offsets(%dma_start3A_170 : memref<128xi32, #tpu.memory_space<vmem>>) semaphore(%arg25 : memref<!tpu.dma_semaphore, #tpu.memory_space<semaphore_mem>>) {add = true}
      %sub3A_174 = arith.constant 1 : i32
      %sub3A_175 = arith.subi %add3A_144, %sub3A_174 : i32
      %dma_wait3A_176 = arith.constant 0 : i32
      %dma_wait3A_177 = arith.constant 0 : i32
      %dma_wait3A_178 = arith.constant 0 : i32
      %dma_wait3A_179 = tpu.memref_slice %arg16[%dma_wait3A_176, %dma_wait3A_177, %dma_wait3A_178] : memref<5x128x64xf32, #tpu.memory_space<vmem>> -> memref<1x128x64xf32, #tpu.memory_space<vmem>>
      %dma_wait3A_180 = tpu.memref_squeeze %dma_wait3A_179 : memref<1x128x64xf32, #tpu.memory_space<vmem>> -> memref<128x64xf32, #tpu.memory_space<vmem>>
      %dma_wait3A_181 = arith.constant 0 : i32
      %dma_wait3A_182 = tpu.memref_slice %arg11[%sub3A_175, %dma_wait3A_181] : memref<80x128xi32, #tpu.memory_space<vmem>> -> memref<1x128xi32, #tpu.memory_space<vmem>>
      %dma_wait3A_183 = tpu.memref_squeeze %dma_wait3A_182 : memref<1x128xi32, #tpu.memory_space<vmem>> -> memref<128xi32, #tpu.memory_space<vmem>>
      %dma_wait3A_184 = arith.constant 0 : i32
      %dma_wait3A_185 = arith.constant 0 : i32
      %dma_wait3A_186 = tpu.memref_slice %arg17[%dma_wait3A_184, %dma_wait3A_185] : memref<5120x64xf32, #tpu.memory_space<vmem_shared>> -> memref<5120x64xf32, #tpu.memory_space<vmem_shared>>
      tpu.wait_indirect_dma semaphore(%arg24 : memref<!tpu.dma_semaphore, #tpu.memory_space<semaphore_mem>>) src(%dma_wait3A_180 : memref<128x64xf32, #tpu.memory_space<vmem>>) dst(%dma_wait3A_186 : memref<5120x64xf32, #tpu.memory_space<vmem_shared>>)
      %lt3A = arith.constant 15 : i32
      %lt3A_187 = arith.cmpi slt, %scan3A_90, %lt3A : i32
      %convert_element_type3A_188 = arith.extui %lt3A_187 : i1 to i32
      %cond3A_189 = arith.constant 0 : i32
      %cond3A_190 = arith.cmpi ne, %convert_element_type3A_188, %cond3A_189 : i32
      scf.if %cond3A_190 {
        %add3A_344 = arith.constant 5 : i32
        %add3A_345 = arith.addi %add3A_144, %add3A_344 : i32
        %sub3A_346 = arith.constant 1 : i32
        %sub3A_347 = arith.subi %add3A_345, %sub3A_346 : i32
        %dma_start3A_348 = arith.constant 0 : i32
        %dma_start3A_349 = arith.constant 0 : i32
        %dma_start3A_350 = arith.constant 0 : i32
        %dma_start3A_351 = tpu.memref_slice %arg16[%dma_start3A_348, %dma_start3A_349, %dma_start3A_350] : memref<5x128x64xf32, #tpu.memory_space<vmem>> -> memref<1x128x64xf32, #tpu.memory_space<vmem>>
        %dma_start3A_352 = tpu.memref_squeeze %dma_start3A_351 : memref<1x128x64xf32, #tpu.memory_space<vmem>> -> memref<128x64xf32, #tpu.memory_space<vmem>>
        %dma_start3A_353 = arith.constant 0 : i32
        %dma_start3A_354 = tpu.memref_slice %arg10[%sub3A_347, %dma_start3A_353] : memref<80x128xi32, #tpu.memory_space<vmem>> -> memref<1x128xi32, #tpu.memory_space<vmem>>
        %dma_start3A_355 = tpu.memref_squeeze %dma_start3A_354 : memref<1x128xi32, #tpu.memory_space<vmem>> -> memref<128xi32, #tpu.memory_space<vmem>>
        %dma_start3A_356 = arith.constant 0 : i32
        %dma_start3A_357 = arith.constant 0 : i32
        %dma_start3A_358 = tpu.memref_slice %arg18[%dma_start3A_356, %dma_start3A_357] : memref<5120x64xf32, #tpu.memory_space<vmem_shared>> -> memref<5120x64xf32, #tpu.memory_space<vmem_shared>>
        tpu.enqueue_indirect_dma source(%dma_start3A_358 : memref<5120x64xf32, #tpu.memory_space<vmem_shared>>) target(%dma_start3A_352 : memref<128x64xf32, #tpu.memory_space<vmem>>) offsets(%dma_start3A_355 : memref<128xi32, #tpu.memory_space<vmem>>) semaphore(%arg19 : memref<!tpu.dma_semaphore, #tpu.memory_space<semaphore_mem>>)
      } else {
      }
      %mul3A_191 = arith.constant 5 : i32
      %mul3A_192 = arith.muli %scan3A_90, %mul3A_191 : i32
      %add3A_193 = arith.constant 2 : i32
      %add3A_194 = arith.addi %mul3A_192, %add3A_193 : i32
      %dma_wait3A_195 = arith.constant 2 : i32
      %dma_wait3A_196 = arith.constant 0 : i32
      %dma_wait3A_197 = arith.constant 0 : i32
      %dma_wait3A_198 = tpu.memref_slice %arg16[%dma_wait3A_195, %dma_wait3A_196, %dma_wait3A_197] : memref<5x128x64xf32, #tpu.memory_space<vmem>> -> memref<1x128x64xf32, #tpu.memory_space<vmem>>
      %dma_wait3A_199 = tpu.memref_squeeze %dma_wait3A_198 : memref<1x128x64xf32, #tpu.memory_space<vmem>> -> memref<128x64xf32, #tpu.memory_space<vmem>>
      %dma_wait3A_200 = arith.constant 0 : i32
      %dma_wait3A_201 = tpu.memref_slice %arg10[%add3A_194, %dma_wait3A_200] : memref<80x128xi32, #tpu.memory_space<vmem>> -> memref<1x128xi32, #tpu.memory_space<vmem>>
      %dma_wait3A_202 = tpu.memref_squeeze %dma_wait3A_201 : memref<1x128xi32, #tpu.memory_space<vmem>> -> memref<128xi32, #tpu.memory_space<vmem>>
      %dma_wait3A_203 = arith.constant 0 : i32
      %dma_wait3A_204 = arith.constant 0 : i32
      %dma_wait3A_205 = tpu.memref_slice %arg18[%dma_wait3A_203, %dma_wait3A_204] : memref<5120x64xf32, #tpu.memory_space<vmem_shared>> -> memref<5120x64xf32, #tpu.memory_space<vmem_shared>>
      tpu.wait_indirect_dma semaphore(%arg21 : memref<!tpu.dma_semaphore, #tpu.memory_space<semaphore_mem>>) src(%dma_wait3A_205 : memref<5120x64xf32, #tpu.memory_space<vmem_shared>>) dst(%dma_wait3A_199 : memref<128x64xf32, #tpu.memory_space<vmem>>)
      %broadcast_in_dim3A_206 = vector.broadcast %add3A_194 : i32 to vector<16xi32>
      %scan3A_207 = arith.constant 0 : i32
      %scan3A_208 = arith.constant 0 : i32
      %scan3A_209 = arith.constant 128 : i32
      %scan3A_210 = arith.addi %scan3A_208, %scan3A_209 : i32
      %scan3A_211 = arith.constant 4 : i32
      scf.for %scan3A_344 = %scan3A_208 to %scan3A_210 step %scan3A_211  : i32 {
        %broadcast_in_dim3A_345 = vector.broadcast %scan3A_344 : i32 to vector<16xi32>
        %gather3A = tpu.vector_load_idx %arg12[%broadcast_in_dim3A_206, %broadcast_in_dim3A_345] : memref<80x128xf32, #tpu.memory_space<vmem>>[vector<16xi32>, vector<16xi32>], vector<16xf32>,
        %get3A = arith.constant 2 : i32
        %get3A_346 = arith.index_cast %get3A : i32 to index
        %get3A_347 = arith.index_cast %scan3A_344 : i32 to index
        %get3A_348 = arith.constant 0 : index
        %get3A_349 = tpu.vector_load %arg16[%get3A_346, %get3A_347, %get3A_348] {strides = array<i32>} : memref<5x128x64xf32, #tpu.memory_space<vmem>>, vector<16xf32>,
        %mul3A_350 = arith.mulf %get3A_349, %gather3A : vector<16xf32>
        %swap3A = arith.constant 2 : i32
        %swap3A_351 = arith.index_cast %swap3A : i32 to index
        %swap3A_352 = arith.index_cast %scan3A_344 : i32 to index
        %swap3A_353 = arith.constant 0 : index
        %swap3A_354 = tpu.vector_load %arg16[%swap3A_351, %swap3A_352, %swap3A_353] {strides = array<i32>} : memref<5x128x64xf32, #tpu.memory_space<vmem>>, vector<16xf32>,
        tpu.vector_store %arg16[%swap3A_351, %swap3A_352, %swap3A_353], %mul3A_350 {strides = array<i32>} : memref<5x128x64xf32, #tpu.memory_space<vmem>>, vector<16xf32>,
        %get3A_355 = arith.constant 2 : i32
        %get3A_356 = arith.index_cast %get3A_355 : i32 to index
        %get3A_357 = arith.index_cast %scan3A_344 : i32 to index
        %get3A_358 = arith.constant 16 : index
        %get3A_359 = tpu.vector_load %arg16[%get3A_356, %get3A_357, %get3A_358] {strides = array<i32>} : memref<5x128x64xf32, #tpu.memory_space<vmem>>, vector<16xf32>,
        %mul3A_360 = arith.mulf %get3A_359, %gather3A : vector<16xf32>
        %swap3A_361 = arith.constant 2 : i32
        %swap3A_362 = arith.index_cast %swap3A_361 : i32 to index
        %swap3A_363 = arith.index_cast %scan3A_344 : i32 to index
        %swap3A_364 = arith.constant 16 : index
        %swap3A_365 = tpu.vector_load %arg16[%swap3A_362, %swap3A_363, %swap3A_364] {strides = array<i32>} : memref<5x128x64xf32, #tpu.memory_space<vmem>>, vector<16xf32>,
        tpu.vector_store %arg16[%swap3A_362, %swap3A_363, %swap3A_364], %mul3A_360 {strides = array<i32>} : memref<5x128x64xf32, #tpu.memory_space<vmem>>, vector<16xf32>,
        %get3A_366 = arith.constant 2 : i32
        %get3A_367 = arith.index_cast %get3A_366 : i32 to index
        %get3A_368 = arith.index_cast %scan3A_344 : i32 to index
        %get3A_369 = arith.constant 32 : index
        %get3A_370 = tpu.vector_load %arg16[%get3A_367, %get3A_368, %get3A_369] {strides = array<i32>} : memref<5x128x64xf32, #tpu.memory_space<vmem>>, vector<16xf32>,
        %mul3A_371 = arith.mulf %get3A_370, %gather3A : vector<16xf32>
        %swap3A_372 = arith.constant 2 : i32
        %swap3A_373 = arith.index_cast %swap3A_372 : i32 to index
        %swap3A_374 = arith.index_cast %scan3A_344 : i32 to index
        %swap3A_375 = arith.constant 32 : index
        %swap3A_376 = tpu.vector_load %arg16[%swap3A_373, %swap3A_374, %swap3A_375] {strides = array<i32>} : memref<5x128x64xf32, #tpu.memory_space<vmem>>, vector<16xf32>,
        tpu.vector_store %arg16[%swap3A_373, %swap3A_374, %swap3A_375], %mul3A_371 {strides = array<i32>} : memref<5x128x64xf32, #tpu.memory_space<vmem>>, vector<16xf32>,
        %get3A_377 = arith.constant 2 : i32
        %get3A_378 = arith.index_cast %get3A_377 : i32 to index
        %get3A_379 = arith.index_cast %scan3A_344 : i32 to index
        %get3A_380 = arith.constant 48 : index
        %get3A_381 = tpu.vector_load %arg16[%get3A_378, %get3A_379, %get3A_380] {strides = array<i32>} : memref<5x128x64xf32, #tpu.memory_space<vmem>>, vector<16xf32>,
        %mul3A_382 = arith.mulf %get3A_381, %gather3A : vector<16xf32>
        %swap3A_383 = arith.constant 2 : i32
        %swap3A_384 = arith.index_cast %swap3A_383 : i32 to index
        %swap3A_385 = arith.index_cast %scan3A_344 : i32 to index
        %swap3A_386 = arith.constant 48 : index
        %swap3A_387 = tpu.vector_load %arg16[%swap3A_384, %swap3A_385, %swap3A_386] {strides = array<i32>} : memref<5x128x64xf32, #tpu.memory_space<vmem>>, vector<16xf32>,
        tpu.vector_store %arg16[%swap3A_384, %swap3A_385, %swap3A_386], %mul3A_382 {strides = array<i32>} : memref<5x128x64xf32, #tpu.memory_space<vmem>>, vector<16xf32>,
        %scan3A_388 = arith.constant 1 : i32
        %scan3A_389 = arith.addi %scan3A_344, %scan3A_388 : i32
        %broadcast_in_dim3A_390 = vector.broadcast %scan3A_389 : i32 to vector<16xi32>
        %gather3A_391 = tpu.vector_load_idx %arg12[%broadcast_in_dim3A_206, %broadcast_in_dim3A_390] : memref<80x128xf32, #tpu.memory_space<vmem>>[vector<16xi32>, vector<16xi32>], vector<16xf32>,
        %get3A_392 = arith.constant 2 : i32
        %get3A_393 = arith.index_cast %get3A_392 : i32 to index
        %get3A_394 = arith.index_cast %scan3A_389 : i32 to index
        %get3A_395 = arith.constant 0 : index
        %get3A_396 = tpu.vector_load %arg16[%get3A_393, %get3A_394, %get3A_395] {strides = array<i32>} : memref<5x128x64xf32, #tpu.memory_space<vmem>>, vector<16xf32>,
        %mul3A_397 = arith.mulf %get3A_396, %gather3A_391 : vector<16xf32>
        %swap3A_398 = arith.constant 2 : i32
        %swap3A_399 = arith.index_cast %swap3A_398 : i32 to index
        %swap3A_400 = arith.index_cast %scan3A_389 : i32 to index
        %swap3A_401 = arith.constant 0 : index
        %swap3A_402 = tpu.vector_load %arg16[%swap3A_399, %swap3A_400, %swap3A_401] {strides = array<i32>} : memref<5x128x64xf32, #tpu.memory_space<vmem>>, vector<16xf32>,
        tpu.vector_store %arg16[%swap3A_399, %swap3A_400, %swap3A_401], %mul3A_397 {strides = array<i32>} : memref<5x128x64xf32, #tpu.memory_space<vmem>>, vector<16xf32>,
        %get3A_403 = arith.constant 2 : i32
        %get3A_404 = arith.index_cast %get3A_403 : i32 to index
        %get3A_405 = arith.index_cast %scan3A_389 : i32 to index
        %get3A_406 = arith.constant 16 : index
        %get3A_407 = tpu.vector_load %arg16[%get3A_404, %get3A_405, %get3A_406] {strides = array<i32>} : memref<5x128x64xf32, #tpu.memory_space<vmem>>, vector<16xf32>,
        %mul3A_408 = arith.mulf %get3A_407, %gather3A_391 : vector<16xf32>
        %swap3A_409 = arith.constant 2 : i32
        %swap3A_410 = arith.index_cast %swap3A_409 : i32 to index
        %swap3A_411 = arith.index_cast %scan3A_389 : i32 to index
        %swap3A_412 = arith.constant 16 : index
        %swap3A_413 = tpu.vector_load %arg16[%swap3A_410, %swap3A_411, %swap3A_412] {strides = array<i32>} : memref<5x128x64xf32, #tpu.memory_space<vmem>>, vector<16xf32>,
        tpu.vector_store %arg16[%swap3A_410, %swap3A_411, %swap3A_412], %mul3A_408 {strides = array<i32>} : memref<5x128x64xf32, #tpu.memory_space<vmem>>, vector<16xf32>,
        %get3A_414 = arith.constant 2 : i32
        %get3A_415 = arith.index_cast %get3A_414 : i32 to index
        %get3A_416 = arith.index_cast %scan3A_389 : i32 to index
        %get3A_417 = arith.constant 32 : index
        %get3A_418 = tpu.vector_load %arg16[%get3A_415, %get3A_416, %get3A_417] {strides = array<i32>} : memref<5x128x64xf32, #tpu.memory_space<vmem>>, vector<16xf32>,
        %mul3A_419 = arith.mulf %get3A_418, %gather3A_391 : vector<16xf32>
        %swap3A_420 = arith.constant 2 : i32
        %swap3A_421 = arith.index_cast %swap3A_420 : i32 to index
        %swap3A_422 = arith.index_cast %scan3A_389 : i32 to index
        %swap3A_423 = arith.constant 32 : index
        %swap3A_424 = tpu.vector_load %arg16[%swap3A_421, %swap3A_422, %swap3A_423] {strides = array<i32>} : memref<5x128x64xf32, #tpu.memory_space<vmem>>, vector<16xf32>,
        tpu.vector_store %arg16[%swap3A_421, %swap3A_422, %swap3A_423], %mul3A_419 {strides = array<i32>} : memref<5x128x64xf32, #tpu.memory_space<vmem>>, vector<16xf32>,
        %get3A_425 = arith.constant 2 : i32
        %get3A_426 = arith.index_cast %get3A_425 : i32 to index
        %get3A_427 = arith.index_cast %scan3A_389 : i32 to index
        %get3A_428 = arith.constant 48 : index
        %get3A_429 = tpu.vector_load %arg16[%get3A_426, %get3A_427, %get3A_428] {strides = array<i32>} : memref<5x128x64xf32, #tpu.memory_space<vmem>>, vector<16xf32>,
        %mul3A_430 = arith.mulf %get3A_429, %gather3A_391 : vector<16xf32>
        %swap3A_431 = arith.constant 2 : i32
        %swap3A_432 = arith.index_cast %swap3A_431 : i32 to index
        %swap3A_433 = arith.index_cast %scan3A_389 : i32 to index
        %swap3A_434 = arith.constant 48 : index
        %swap3A_435 = tpu.vector_load %arg16[%swap3A_432, %swap3A_433, %swap3A_434] {strides = array<i32>} : memref<5x128x64xf32, #tpu.memory_space<vmem>>, vector<16xf32>,
        tpu.vector_store %arg16[%swap3A_432, %swap3A_433, %swap3A_434], %mul3A_430 {strides = array<i32>} : memref<5x128x64xf32, #tpu.memory_space<vmem>>, vector<16xf32>,
        %scan3A_436 = arith.constant 2 : i32
        %scan3A_437 = arith.addi %scan3A_344, %scan3A_436 : i32
        %broadcast_in_dim3A_438 = vector.broadcast %scan3A_437 : i32 to vector<16xi32>
        %gather3A_439 = tpu.vector_load_idx %arg12[%broadcast_in_dim3A_206, %broadcast_in_dim3A_438] : memref<80x128xf32, #tpu.memory_space<vmem>>[vector<16xi32>, vector<16xi32>], vector<16xf32>,
        %get3A_440 = arith.constant 2 : i32
        %get3A_441 = arith.index_cast %get3A_440 : i32 to index
        %get3A_442 = arith.index_cast %scan3A_437 : i32 to index
        %get3A_443 = arith.constant 0 : index
        %get3A_444 = tpu.vector_load %arg16[%get3A_441, %get3A_442, %get3A_443] {strides = array<i32>} : memref<5x128x64xf32, #tpu.memory_space<vmem>>, vector<16xf32>,
        %mul3A_445 = arith.mulf %get3A_444, %gather3A_439 : vector<16xf32>
        %swap3A_446 = arith.constant 2 : i32
        %swap3A_447 = arith.index_cast %swap3A_446 : i32 to index
        %swap3A_448 = arith.index_cast %scan3A_437 : i32 to index
        %swap3A_449 = arith.constant 0 : index
        %swap3A_450 = tpu.vector_load %arg16[%swap3A_447, %swap3A_448, %swap3A_449] {strides = array<i32>} : memref<5x128x64xf32, #tpu.memory_space<vmem>>, vector<16xf32>,
        tpu.vector_store %arg16[%swap3A_447, %swap3A_448, %swap3A_449], %mul3A_445 {strides = array<i32>} : memref<5x128x64xf32, #tpu.memory_space<vmem>>, vector<16xf32>,
        %get3A_451 = arith.constant 2 : i32
        %get3A_452 = arith.index_cast %get3A_451 : i32 to index
        %get3A_453 = arith.index_cast %scan3A_437 : i32 to index
        %get3A_454 = arith.constant 16 : index
        %get3A_455 = tpu.vector_load %arg16[%get3A_452, %get3A_453, %get3A_454] {strides = array<i32>} : memref<5x128x64xf32, #tpu.memory_space<vmem>>, vector<16xf32>,
        %mul3A_456 = arith.mulf %get3A_455, %gather3A_439 : vector<16xf32>
        %swap3A_457 = arith.constant 2 : i32
        %swap3A_458 = arith.index_cast %swap3A_457 : i32 to index
        %swap3A_459 = arith.index_cast %scan3A_437 : i32 to index
        %swap3A_460 = arith.constant 16 : index
        %swap3A_461 = tpu.vector_load %arg16[%swap3A_458, %swap3A_459, %swap3A_460] {strides = array<i32>} : memref<5x128x64xf32, #tpu.memory_space<vmem>>, vector<16xf32>,
        tpu.vector_store %arg16[%swap3A_458, %swap3A_459, %swap3A_460], %mul3A_456 {strides = array<i32>} : memref<5x128x64xf32, #tpu.memory_space<vmem>>, vector<16xf32>,
        %get3A_462 = arith.constant 2 : i32
        %get3A_463 = arith.index_cast %get3A_462 : i32 to index
        %get3A_464 = arith.index_cast %scan3A_437 : i32 to index
        %get3A_465 = arith.constant 32 : index
        %get3A_466 = tpu.vector_load %arg16[%get3A_463, %get3A_464, %get3A_465] {strides = array<i32>} : memref<5x128x64xf32, #tpu.memory_space<vmem>>, vector<16xf32>,
        %mul3A_467 = arith.mulf %get3A_466, %gather3A_439 : vector<16xf32>
        %swap3A_468 = arith.constant 2 : i32
        %swap3A_469 = arith.index_cast %swap3A_468 : i32 to index
        %swap3A_470 = arith.index_cast %scan3A_437 : i32 to index
        %swap3A_471 = arith.constant 32 : index
        %swap3A_472 = tpu.vector_load %arg16[%swap3A_469, %swap3A_470, %swap3A_471] {strides = array<i32>} : memref<5x128x64xf32, #tpu.memory_space<vmem>>, vector<16xf32>,
        tpu.vector_store %arg16[%swap3A_469, %swap3A_470, %swap3A_471], %mul3A_467 {strides = array<i32>} : memref<5x128x64xf32, #tpu.memory_space<vmem>>, vector<16xf32>,
        %get3A_473 = arith.constant 2 : i32
        %get3A_474 = arith.index_cast %get3A_473 : i32 to index
        %get3A_475 = arith.index_cast %scan3A_437 : i32 to index
        %get3A_476 = arith.constant 48 : index
        %get3A_477 = tpu.vector_load %arg16[%get3A_474, %get3A_475, %get3A_476] {strides = array<i32>} : memref<5x128x64xf32, #tpu.memory_space<vmem>>, vector<16xf32>,
        %mul3A_478 = arith.mulf %get3A_477, %gather3A_439 : vector<16xf32>
        %swap3A_479 = arith.constant 2 : i32
        %swap3A_480 = arith.index_cast %swap3A_479 : i32 to index
        %swap3A_481 = arith.index_cast %scan3A_437 : i32 to index
        %swap3A_482 = arith.constant 48 : index
        %swap3A_483 = tpu.vector_load %arg16[%swap3A_480, %swap3A_481, %swap3A_482] {strides = array<i32>} : memref<5x128x64xf32, #tpu.memory_space<vmem>>, vector<16xf32>,
        tpu.vector_store %arg16[%swap3A_480, %swap3A_481, %swap3A_482], %mul3A_478 {strides = array<i32>} : memref<5x128x64xf32, #tpu.memory_space<vmem>>, vector<16xf32>,
        %scan3A_484 = arith.constant 3 : i32
        %scan3A_485 = arith.addi %scan3A_344, %scan3A_484 : i32
        %broadcast_in_dim3A_486 = vector.broadcast %scan3A_485 : i32 to vector<16xi32>
        %gather3A_487 = tpu.vector_load_idx %arg12[%broadcast_in_dim3A_206, %broadcast_in_dim3A_486] : memref<80x128xf32, #tpu.memory_space<vmem>>[vector<16xi32>, vector<16xi32>], vector<16xf32>,
        %get3A_488 = arith.constant 2 : i32
        %get3A_489 = arith.index_cast %get3A_488 : i32 to index
        %get3A_490 = arith.index_cast %scan3A_485 : i32 to index
        %get3A_491 = arith.constant 0 : index
        %get3A_492 = tpu.vector_load %arg16[%get3A_489, %get3A_490, %get3A_491] {strides = array<i32>} : memref<5x128x64xf32, #tpu.memory_space<vmem>>, vector<16xf32>,
        %mul3A_493 = arith.mulf %get3A_492, %gather3A_487 : vector<16xf32>
        %swap3A_494 = arith.constant 2 : i32
        %swap3A_495 = arith.index_cast %swap3A_494 : i32 to index
        %swap3A_496 = arith.index_cast %scan3A_485 : i32 to index
        %swap3A_497 = arith.constant 0 : index
        %swap3A_498 = tpu.vector_load %arg16[%swap3A_495, %swap3A_496, %swap3A_497] {strides = array<i32>} : memref<5x128x64xf32, #tpu.memory_space<vmem>>, vector<16xf32>,
        tpu.vector_store %arg16[%swap3A_495, %swap3A_496, %swap3A_497], %mul3A_493 {strides = array<i32>} : memref<5x128x64xf32, #tpu.memory_space<vmem>>, vector<16xf32>,
        %get3A_499 = arith.constant 2 : i32
        %get3A_500 = arith.index_cast %get3A_499 : i32 to index
        %get3A_501 = arith.index_cast %scan3A_485 : i32 to index
        %get3A_502 = arith.constant 16 : index
        %get3A_503 = tpu.vector_load %arg16[%get3A_500, %get3A_501, %get3A_502] {strides = array<i32>} : memref<5x128x64xf32, #tpu.memory_space<vmem>>, vector<16xf32>,
        %mul3A_504 = arith.mulf %get3A_503, %gather3A_487 : vector<16xf32>
        %swap3A_505 = arith.constant 2 : i32
        %swap3A_506 = arith.index_cast %swap3A_505 : i32 to index
        %swap3A_507 = arith.index_cast %scan3A_485 : i32 to index
        %swap3A_508 = arith.constant 16 : index
        %swap3A_509 = tpu.vector_load %arg16[%swap3A_506, %swap3A_507, %swap3A_508] {strides = array<i32>} : memref<5x128x64xf32, #tpu.memory_space<vmem>>, vector<16xf32>,
        tpu.vector_store %arg16[%swap3A_506, %swap3A_507, %swap3A_508], %mul3A_504 {strides = array<i32>} : memref<5x128x64xf32, #tpu.memory_space<vmem>>, vector<16xf32>,
        %get3A_510 = arith.constant 2 : i32
        %get3A_511 = arith.index_cast %get3A_510 : i32 to index
        %get3A_512 = arith.index_cast %scan3A_485 : i32 to index
        %get3A_513 = arith.constant 32 : index
        %get3A_514 = tpu.vector_load %arg16[%get3A_511, %get3A_512, %get3A_513] {strides = array<i32>} : memref<5x128x64xf32, #tpu.memory_space<vmem>>, vector<16xf32>,
        %mul3A_515 = arith.mulf %get3A_514, %gather3A_487 : vector<16xf32>
        %swap3A_516 = arith.constant 2 : i32
        %swap3A_517 = arith.index_cast %swap3A_516 : i32 to index
        %swap3A_518 = arith.index_cast %scan3A_485 : i32 to index
        %swap3A_519 = arith.constant 32 : index
        %swap3A_520 = tpu.vector_load %arg16[%swap3A_517, %swap3A_518, %swap3A_519] {strides = array<i32>} : memref<5x128x64xf32, #tpu.memory_space<vmem>>, vector<16xf32>,
        tpu.vector_store %arg16[%swap3A_517, %swap3A_518, %swap3A_519], %mul3A_515 {strides = array<i32>} : memref<5x128x64xf32, #tpu.memory_space<vmem>>, vector<16xf32>,
        %get3A_521 = arith.constant 2 : i32
        %get3A_522 = arith.index_cast %get3A_521 : i32 to index
        %get3A_523 = arith.index_cast %scan3A_485 : i32 to index
        %get3A_524 = arith.constant 48 : index
        %get3A_525 = tpu.vector_load %arg16[%get3A_522, %get3A_523, %get3A_524] {strides = array<i32>} : memref<5x128x64xf32, #tpu.memory_space<vmem>>, vector<16xf32>,
        %mul3A_526 = arith.mulf %get3A_525, %gather3A_487 : vector<16xf32>
        %swap3A_527 = arith.constant 2 : i32
        %swap3A_528 = arith.index_cast %swap3A_527 : i32 to index
        %swap3A_529 = arith.index_cast %scan3A_485 : i32 to index
        %swap3A_530 = arith.constant 48 : index
        %swap3A_531 = tpu.vector_load %arg16[%swap3A_528, %swap3A_529, %swap3A_530] {strides = array<i32>} : memref<5x128x64xf32, #tpu.memory_space<vmem>>, vector<16xf32>,
        tpu.vector_store %arg16[%swap3A_528, %swap3A_529, %swap3A_530], %mul3A_526 {strides = array<i32>} : memref<5x128x64xf32, #tpu.memory_space<vmem>>, vector<16xf32>,
      }
      %scan3A_212 = arith.constant 128 : i32
      %dma_start3A_213 = arith.constant 2 : i32
      %dma_start3A_214 = arith.constant 0 : i32
      %dma_start3A_215 = arith.constant 0 : i32
      %dma_start3A_216 = tpu.memref_slice %arg16[%dma_start3A_213, %dma_start3A_214, %dma_start3A_215] : memref<5x128x64xf32, #tpu.memory_space<vmem>> -> memref<1x128x64xf32, #tpu.memory_space<vmem>>
      %dma_start3A_217 = tpu.memref_squeeze %dma_start3A_216 : memref<1x128x64xf32, #tpu.memory_space<vmem>> -> memref<128x64xf32, #tpu.memory_space<vmem>>
      %dma_start3A_218 = arith.constant 0 : i32
      %dma_start3A_219 = tpu.memref_slice %arg11[%add3A_194, %dma_start3A_218] : memref<80x128xi32, #tpu.memory_space<vmem>> -> memref<1x128xi32, #tpu.memory_space<vmem>>
      %dma_start3A_220 = tpu.memref_squeeze %dma_start3A_219 : memref<1x128xi32, #tpu.memory_space<vmem>> -> memref<128xi32, #tpu.memory_space<vmem>>
      %dma_start3A_221 = arith.constant 0 : i32
      %dma_start3A_222 = arith.constant 0 : i32
      %dma_start3A_223 = tpu.memref_slice %arg17[%dma_start3A_221, %dma_start3A_222] : memref<5120x64xf32, #tpu.memory_space<vmem_shared>> -> memref<5120x64xf32, #tpu.memory_space<vmem_shared>>
      tpu.enqueue_indirect_dma source(%dma_start3A_217 : memref<128x64xf32, #tpu.memory_space<vmem>>) target(%dma_start3A_223 : memref<5120x64xf32, #tpu.memory_space<vmem_shared>>) offsets(%dma_start3A_220 : memref<128xi32, #tpu.memory_space<vmem>>) semaphore(%arg26 : memref<!tpu.dma_semaphore, #tpu.memory_space<semaphore_mem>>) {add = true}
      %sub3A_224 = arith.constant 1 : i32
      %sub3A_225 = arith.subi %add3A_194, %sub3A_224 : i32
      %dma_wait3A_226 = arith.constant 1 : i32
      %dma_wait3A_227 = arith.constant 0 : i32
      %dma_wait3A_228 = arith.constant 0 : i32
      %dma_wait3A_229 = tpu.memref_slice %arg16[%dma_wait3A_226, %dma_wait3A_227, %dma_wait3A_228] : memref<5x128x64xf32, #tpu.memory_space<vmem>> -> memref<1x128x64xf32, #tpu.memory_space<vmem>>
      %dma_wait3A_230 = tpu.memref_squeeze %dma_wait3A_229 : memref<1x128x64xf32, #tpu.memory_space<vmem>> -> memref<128x64xf32, #tpu.memory_space<vmem>>
      %dma_wait3A_231 = arith.constant 0 : i32
      %dma_wait3A_232 = tpu.memref_slice %arg11[%sub3A_225, %dma_wait3A_231] : memref<80x128xi32, #tpu.memory_space<vmem>> -> memref<1x128xi32, #tpu.memory_space<vmem>>
      %dma_wait3A_233 = tpu.memref_squeeze %dma_wait3A_232 : memref<1x128xi32, #tpu.memory_space<vmem>> -> memref<128xi32, #tpu.memory_space<vmem>>
      %dma_wait3A_234 = arith.constant 0 : i32
      %dma_wait3A_235 = arith.constant 0 : i32
      %dma_wait3A_236 = tpu.memref_slice %arg17[%dma_wait3A_234, %dma_wait3A_235] : memref<5120x64xf32, #tpu.memory_space<vmem_shared>> -> memref<5120x64xf32, #tpu.memory_space<vmem_shared>>
      tpu.wait_indirect_dma semaphore(%arg25 : memref<!tpu.dma_semaphore, #tpu.memory_space<semaphore_mem>>) src(%dma_wait3A_230 : memref<128x64xf32, #tpu.memory_space<vmem>>) dst(%dma_wait3A_236 : memref<5120x64xf32, #tpu.memory_space<vmem_shared>>)
      %lt3A_237 = arith.constant 15 : i32
      %lt3A_238 = arith.cmpi slt, %scan3A_90, %lt3A_237 : i32
      %convert_element_type3A_239 = arith.extui %lt3A_238 : i1 to i32
      %cond3A_240 = arith.constant 0 : i32
      %cond3A_241 = arith.cmpi ne, %convert_element_type3A_239, %cond3A_240 : i32
      scf.if %cond3A_241 {
        %add3A_344 = arith.constant 5 : i32
        %add3A_345 = arith.addi %add3A_194, %add3A_344 : i32
        %sub3A_346 = arith.constant 1 : i32
        %sub3A_347 = arith.subi %add3A_345, %sub3A_346 : i32
        %dma_start3A_348 = arith.constant 1 : i32
        %dma_start3A_349 = arith.constant 0 : i32
        %dma_start3A_350 = arith.constant 0 : i32
        %dma_start3A_351 = tpu.memref_slice %arg16[%dma_start3A_348, %dma_start3A_349, %dma_start3A_350] : memref<5x128x64xf32, #tpu.memory_space<vmem>> -> memref<1x128x64xf32, #tpu.memory_space<vmem>>
        %dma_start3A_352 = tpu.memref_squeeze %dma_start3A_351 : memref<1x128x64xf32, #tpu.memory_space<vmem>> -> memref<128x64xf32, #tpu.memory_space<vmem>>
        %dma_start3A_353 = arith.constant 0 : i32
        %dma_start3A_354 = tpu.memref_slice %arg10[%sub3A_347, %dma_start3A_353] : memref<80x128xi32, #tpu.memory_space<vmem>> -> memref<1x128xi32, #tpu.memory_space<vmem>>
        %dma_start3A_355 = tpu.memref_squeeze %dma_start3A_354 : memref<1x128xi32, #tpu.memory_space<vmem>> -> memref<128xi32, #tpu.memory_space<vmem>>
        %dma_start3A_356 = arith.constant 0 : i32
        %dma_start3A_357 = arith.constant 0 : i32
        %dma_start3A_358 = tpu.memref_slice %arg18[%dma_start3A_356, %dma_start3A_357] : memref<5120x64xf32, #tpu.memory_space<vmem_shared>> -> memref<5120x64xf32, #tpu.memory_space<vmem_shared>>
        tpu.enqueue_indirect_dma source(%dma_start3A_358 : memref<5120x64xf32, #tpu.memory_space<vmem_shared>>) target(%dma_start3A_352 : memref<128x64xf32, #tpu.memory_space<vmem>>) offsets(%dma_start3A_355 : memref<128xi32, #tpu.memory_space<vmem>>) semaphore(%arg20 : memref<!tpu.dma_semaphore, #tpu.memory_space<semaphore_mem>>)
      } else {
      }
      %mul3A_242 = arith.constant 5 : i32
      %mul3A_243 = arith.muli %scan3A_90, %mul3A_242 : i32
      %add3A_244 = arith.constant 3 : i32
      %add3A_245 = arith.addi %mul3A_243, %add3A_244 : i32
      %dma_wait3A_246 = arith.constant 3 : i32
      %dma_wait3A_247 = arith.constant 0 : i32
      %dma_wait3A_248 = arith.constant 0 : i32
      %dma_wait3A_249 = tpu.memref_slice %arg16[%dma_wait3A_246, %dma_wait3A_247, %dma_wait3A_248] : memref<5x128x64xf32, #tpu.memory_space<vmem>> -> memref<1x128x64xf32, #tpu.memory_space<vmem>>
      %dma_wait3A_250 = tpu.memref_squeeze %dma_wait3A_249 : memref<1x128x64xf32, #tpu.memory_space<vmem>> -> memref<128x64xf32, #tpu.memory_space<vmem>>
      %dma_wait3A_251 = arith.constant 0 : i32
      %dma_wait3A_252 = tpu.memref_slice %arg10[%add3A_245, %dma_wait3A_251] : memref<80x128xi32, #tpu.memory_space<vmem>> -> memref<1x128xi32, #tpu.memory_space<vmem>>
      %dma_wait3A_253 = tpu.memref_squeeze %dma_wait3A_252 : memref<1x128xi32, #tpu.memory_space<vmem>> -> memref<128xi32, #tpu.memory_space<vmem>>
      %dma_wait3A_254 = arith.constant 0 : i32
      %dma_wait3A_255 = arith.constant 0 : i32
      %dma_wait3A_256 = tpu.memref_slice %arg18[%dma_wait3A_254, %dma_wait3A_255] : memref<5120x64xf32, #tpu.memory_space<vmem_shared>> -> memref<5120x64xf32, #tpu.memory_space<vmem_shared>>
      tpu.wait_indirect_dma semaphore(%arg22 : memref<!tpu.dma_semaphore, #tpu.memory_space<semaphore_mem>>) src(%dma_wait3A_256 : memref<5120x64xf32, #tpu.memory_space<vmem_shared>>) dst(%dma_wait3A_250 : memref<128x64xf32, #tpu.memory_space<vmem>>)
      %broadcast_in_dim3A_257 = vector.broadcast %add3A_245 : i32 to vector<16xi32>
      %scan3A_258 = arith.constant 0 : i32
      %scan3A_259 = arith.constant 0 : i32
      %scan3A_260 = arith.constant 128 : i32
      %scan3A_261 = arith.addi %scan3A_259, %scan3A_260 : i32
      %scan3A_262 = arith.constant 4 : i32
      scf.for %scan3A_344 = %scan3A_259 to %scan3A_261 step %scan3A_262  : i32 {
        %broadcast_in_dim3A_345 = vector.broadcast %scan3A_344 : i32 to vector<16xi32>
        %gather3A = tpu.vector_load_idx %arg12[%broadcast_in_dim3A_257, %broadcast_in_dim3A_345] : memref<80x128xf32, #tpu.memory_space<vmem>>[vector<16xi32>, vector<16xi32>], vector<16xf32>,
        %get3A = arith.constant 3 : i32
        %get3A_346 = arith.index_cast %get3A : i32 to index
        %get3A_347 = arith.index_cast %scan3A_344 : i32 to index
        %get3A_348 = arith.constant 0 : index
        %get3A_349 = tpu.vector_load %arg16[%get3A_346, %get3A_347, %get3A_348] {strides = array<i32>} : memref<5x128x64xf32, #tpu.memory_space<vmem>>, vector<16xf32>,
        %mul3A_350 = arith.mulf %get3A_349, %gather3A : vector<16xf32>
        %swap3A = arith.constant 3 : i32
        %swap3A_351 = arith.index_cast %swap3A : i32 to index
        %swap3A_352 = arith.index_cast %scan3A_344 : i32 to index
        %swap3A_353 = arith.constant 0 : index
        %swap3A_354 = tpu.vector_load %arg16[%swap3A_351, %swap3A_352, %swap3A_353] {strides = array<i32>} : memref<5x128x64xf32, #tpu.memory_space<vmem>>, vector<16xf32>,
        tpu.vector_store %arg16[%swap3A_351, %swap3A_352, %swap3A_353], %mul3A_350 {strides = array<i32>} : memref<5x128x64xf32, #tpu.memory_space<vmem>>, vector<16xf32>,
        %get3A_355 = arith.constant 3 : i32
        %get3A_356 = arith.index_cast %get3A_355 : i32 to index
        %get3A_357 = arith.index_cast %scan3A_344 : i32 to index
        %get3A_358 = arith.constant 16 : index
        %get3A_359 = tpu.vector_load %arg16[%get3A_356, %get3A_357, %get3A_358] {strides = array<i32>} : memref<5x128x64xf32, #tpu.memory_space<vmem>>, vector<16xf32>,
        %mul3A_360 = arith.mulf %get3A_359, %gather3A : vector<16xf32>
        %swap3A_361 = arith.constant 3 : i32
        %swap3A_362 = arith.index_cast %swap3A_361 : i32 to index
        %swap3A_363 = arith.index_cast %scan3A_344 : i32 to index
        %swap3A_364 = arith.constant 16 : index
        %swap3A_365 = tpu.vector_load %arg16[%swap3A_362, %swap3A_363, %swap3A_364] {strides = array<i32>} : memref<5x128x64xf32, #tpu.memory_space<vmem>>, vector<16xf32>,
        tpu.vector_store %arg16[%swap3A_362, %swap3A_363, %swap3A_364], %mul3A_360 {strides = array<i32>} : memref<5x128x64xf32, #tpu.memory_space<vmem>>, vector<16xf32>,
        %get3A_366 = arith.constant 3 : i32
        %get3A_367 = arith.index_cast %get3A_366 : i32 to index
        %get3A_368 = arith.index_cast %scan3A_344 : i32 to index
        %get3A_369 = arith.constant 32 : index
        %get3A_370 = tpu.vector_load %arg16[%get3A_367, %get3A_368, %get3A_369] {strides = array<i32>} : memref<5x128x64xf32, #tpu.memory_space<vmem>>, vector<16xf32>,
        %mul3A_371 = arith.mulf %get3A_370, %gather3A : vector<16xf32>
        %swap3A_372 = arith.constant 3 : i32
        %swap3A_373 = arith.index_cast %swap3A_372 : i32 to index
        %swap3A_374 = arith.index_cast %scan3A_344 : i32 to index
        %swap3A_375 = arith.constant 32 : index
        %swap3A_376 = tpu.vector_load %arg16[%swap3A_373, %swap3A_374, %swap3A_375] {strides = array<i32>} : memref<5x128x64xf32, #tpu.memory_space<vmem>>, vector<16xf32>,
        tpu.vector_store %arg16[%swap3A_373, %swap3A_374, %swap3A_375], %mul3A_371 {strides = array<i32>} : memref<5x128x64xf32, #tpu.memory_space<vmem>>, vector<16xf32>,
        %get3A_377 = arith.constant 3 : i32
        %get3A_378 = arith.index_cast %get3A_377 : i32 to index
        %get3A_379 = arith.index_cast %scan3A_344 : i32 to index
        %get3A_380 = arith.constant 48 : index
        %get3A_381 = tpu.vector_load %arg16[%get3A_378, %get3A_379, %get3A_380] {strides = array<i32>} : memref<5x128x64xf32, #tpu.memory_space<vmem>>, vector<16xf32>,
        %mul3A_382 = arith.mulf %get3A_381, %gather3A : vector<16xf32>
        %swap3A_383 = arith.constant 3 : i32
        %swap3A_384 = arith.index_cast %swap3A_383 : i32 to index
        %swap3A_385 = arith.index_cast %scan3A_344 : i32 to index
        %swap3A_386 = arith.constant 48 : index
        %swap3A_387 = tpu.vector_load %arg16[%swap3A_384, %swap3A_385, %swap3A_386] {strides = array<i32>} : memref<5x128x64xf32, #tpu.memory_space<vmem>>, vector<16xf32>,
        tpu.vector_store %arg16[%swap3A_384, %swap3A_385, %swap3A_386], %mul3A_382 {strides = array<i32>} : memref<5x128x64xf32, #tpu.memory_space<vmem>>, vector<16xf32>,
        %scan3A_388 = arith.constant 1 : i32
        %scan3A_389 = arith.addi %scan3A_344, %scan3A_388 : i32
        %broadcast_in_dim3A_390 = vector.broadcast %scan3A_389 : i32 to vector<16xi32>
        %gather3A_391 = tpu.vector_load_idx %arg12[%broadcast_in_dim3A_257, %broadcast_in_dim3A_390] : memref<80x128xf32, #tpu.memory_space<vmem>>[vector<16xi32>, vector<16xi32>], vector<16xf32>,
        %get3A_392 = arith.constant 3 : i32
        %get3A_393 = arith.index_cast %get3A_392 : i32 to index
        %get3A_394 = arith.index_cast %scan3A_389 : i32 to index
        %get3A_395 = arith.constant 0 : index
        %get3A_396 = tpu.vector_load %arg16[%get3A_393, %get3A_394, %get3A_395] {strides = array<i32>} : memref<5x128x64xf32, #tpu.memory_space<vmem>>, vector<16xf32>,
        %mul3A_397 = arith.mulf %get3A_396, %gather3A_391 : vector<16xf32>
        %swap3A_398 = arith.constant 3 : i32
        %swap3A_399 = arith.index_cast %swap3A_398 : i32 to index
        %swap3A_400 = arith.index_cast %scan3A_389 : i32 to index
        %swap3A_401 = arith.constant 0 : index
        %swap3A_402 = tpu.vector_load %arg16[%swap3A_399, %swap3A_400, %swap3A_401] {strides = array<i32>} : memref<5x128x64xf32, #tpu.memory_space<vmem>>, vector<16xf32>,
        tpu.vector_store %arg16[%swap3A_399, %swap3A_400, %swap3A_401], %mul3A_397 {strides = array<i32>} : memref<5x128x64xf32, #tpu.memory_space<vmem>>, vector<16xf32>,
        %get3A_403 = arith.constant 3 : i32
        %get3A_404 = arith.index_cast %get3A_403 : i32 to index
        %get3A_405 = arith.index_cast %scan3A_389 : i32 to index
        %get3A_406 = arith.constant 16 : index
        %get3A_407 = tpu.vector_load %arg16[%get3A_404, %get3A_405, %get3A_406] {strides = array<i32>} : memref<5x128x64xf32, #tpu.memory_space<vmem>>, vector<16xf32>,
        %mul3A_408 = arith.mulf %get3A_407, %gather3A_391 : vector<16xf32>
        %swap3A_409 = arith.constant 3 : i32
        %swap3A_410 = arith.index_cast %swap3A_409 : i32 to index
        %swap3A_411 = arith.index_cast %scan3A_389 : i32 to index
        %swap3A_412 = arith.constant 16 : index
        %swap3A_413 = tpu.vector_load %arg16[%swap3A_410, %swap3A_411, %swap3A_412] {strides = array<i32>} : memref<5x128x64xf32, #tpu.memory_space<vmem>>, vector<16xf32>,
        tpu.vector_store %arg16[%swap3A_410, %swap3A_411, %swap3A_412], %mul3A_408 {strides = array<i32>} : memref<5x128x64xf32, #tpu.memory_space<vmem>>, vector<16xf32>,
        %get3A_414 = arith.constant 3 : i32
        %get3A_415 = arith.index_cast %get3A_414 : i32 to index
        %get3A_416 = arith.index_cast %scan3A_389 : i32 to index
        %get3A_417 = arith.constant 32 : index
        %get3A_418 = tpu.vector_load %arg16[%get3A_415, %get3A_416, %get3A_417] {strides = array<i32>} : memref<5x128x64xf32, #tpu.memory_space<vmem>>, vector<16xf32>,
        %mul3A_419 = arith.mulf %get3A_418, %gather3A_391 : vector<16xf32>
        %swap3A_420 = arith.constant 3 : i32
        %swap3A_421 = arith.index_cast %swap3A_420 : i32 to index
        %swap3A_422 = arith.index_cast %scan3A_389 : i32 to index
        %swap3A_423 = arith.constant 32 : index
        %swap3A_424 = tpu.vector_load %arg16[%swap3A_421, %swap3A_422, %swap3A_423] {strides = array<i32>} : memref<5x128x64xf32, #tpu.memory_space<vmem>>, vector<16xf32>,
        tpu.vector_store %arg16[%swap3A_421, %swap3A_422, %swap3A_423], %mul3A_419 {strides = array<i32>} : memref<5x128x64xf32, #tpu.memory_space<vmem>>, vector<16xf32>,
        %get3A_425 = arith.constant 3 : i32
        %get3A_426 = arith.index_cast %get3A_425 : i32 to index
        %get3A_427 = arith.index_cast %scan3A_389 : i32 to index
        %get3A_428 = arith.constant 48 : index
        %get3A_429 = tpu.vector_load %arg16[%get3A_426, %get3A_427, %get3A_428] {strides = array<i32>} : memref<5x128x64xf32, #tpu.memory_space<vmem>>, vector<16xf32>,
        %mul3A_430 = arith.mulf %get3A_429, %gather3A_391 : vector<16xf32>
        %swap3A_431 = arith.constant 3 : i32
        %swap3A_432 = arith.index_cast %swap3A_431 : i32 to index
        %swap3A_433 = arith.index_cast %scan3A_389 : i32 to index
        %swap3A_434 = arith.constant 48 : index
        %swap3A_435 = tpu.vector_load %arg16[%swap3A_432, %swap3A_433, %swap3A_434] {strides = array<i32>} : memref<5x128x64xf32, #tpu.memory_space<vmem>>, vector<16xf32>,
        tpu.vector_store %arg16[%swap3A_432, %swap3A_433, %swap3A_434], %mul3A_430 {strides = array<i32>} : memref<5x128x64xf32, #tpu.memory_space<vmem>>, vector<16xf32>,
        %scan3A_436 = arith.constant 2 : i32
        %scan3A_437 = arith.addi %scan3A_344, %scan3A_436 : i32
        %broadcast_in_dim3A_438 = vector.broadcast %scan3A_437 : i32 to vector<16xi32>
        %gather3A_439 = tpu.vector_load_idx %arg12[%broadcast_in_dim3A_257, %broadcast_in_dim3A_438] : memref<80x128xf32, #tpu.memory_space<vmem>>[vector<16xi32>, vector<16xi32>], vector<16xf32>,
        %get3A_440 = arith.constant 3 : i32
        %get3A_441 = arith.index_cast %get3A_440 : i32 to index
        %get3A_442 = arith.index_cast %scan3A_437 : i32 to index
        %get3A_443 = arith.constant 0 : index
        %get3A_444 = tpu.vector_load %arg16[%get3A_441, %get3A_442, %get3A_443] {strides = array<i32>} : memref<5x128x64xf32, #tpu.memory_space<vmem>>, vector<16xf32>,
        %mul3A_445 = arith.mulf %get3A_444, %gather3A_439 : vector<16xf32>
        %swap3A_446 = arith.constant 3 : i32
        %swap3A_447 = arith.index_cast %swap3A_446 : i32 to index
        %swap3A_448 = arith.index_cast %scan3A_437 : i32 to index
        %swap3A_449 = arith.constant 0 : index
        %swap3A_450 = tpu.vector_load %arg16[%swap3A_447, %swap3A_448, %swap3A_449] {strides = array<i32>} : memref<5x128x64xf32, #tpu.memory_space<vmem>>, vector<16xf32>,
        tpu.vector_store %arg16[%swap3A_447, %swap3A_448, %swap3A_449], %mul3A_445 {strides = array<i32>} : memref<5x128x64xf32, #tpu.memory_space<vmem>>, vector<16xf32>,
        %get3A_451 = arith.constant 3 : i32
        %get3A_452 = arith.index_cast %get3A_451 : i32 to index
        %get3A_453 = arith.index_cast %scan3A_437 : i32 to index
        %get3A_454 = arith.constant 16 : index
        %get3A_455 = tpu.vector_load %arg16[%get3A_452, %get3A_453, %get3A_454] {strides = array<i32>} : memref<5x128x64xf32, #tpu.memory_space<vmem>>, vector<16xf32>,
        %mul3A_456 = arith.mulf %get3A_455, %gather3A_439 : vector<16xf32>
        %swap3A_457 = arith.constant 3 : i32
        %swap3A_458 = arith.index_cast %swap3A_457 : i32 to index
        %swap3A_459 = arith.index_cast %scan3A_437 : i32 to index
        %swap3A_460 = arith.constant 16 : index
        %swap3A_461 = tpu.vector_load %arg16[%swap3A_458, %swap3A_459, %swap3A_460] {strides = array<i32>} : memref<5x128x64xf32, #tpu.memory_space<vmem>>, vector<16xf32>,
        tpu.vector_store %arg16[%swap3A_458, %swap3A_459, %swap3A_460], %mul3A_456 {strides = array<i32>} : memref<5x128x64xf32, #tpu.memory_space<vmem>>, vector<16xf32>,
        %get3A_462 = arith.constant 3 : i32
        %get3A_463 = arith.index_cast %get3A_462 : i32 to index
        %get3A_464 = arith.index_cast %scan3A_437 : i32 to index
        %get3A_465 = arith.constant 32 : index
        %get3A_466 = tpu.vector_load %arg16[%get3A_463, %get3A_464, %get3A_465] {strides = array<i32>} : memref<5x128x64xf32, #tpu.memory_space<vmem>>, vector<16xf32>,
        %mul3A_467 = arith.mulf %get3A_466, %gather3A_439 : vector<16xf32>
        %swap3A_468 = arith.constant 3 : i32
        %swap3A_469 = arith.index_cast %swap3A_468 : i32 to index
        %swap3A_470 = arith.index_cast %scan3A_437 : i32 to index
        %swap3A_471 = arith.constant 32 : index
        %swap3A_472 = tpu.vector_load %arg16[%swap3A_469, %swap3A_470, %swap3A_471] {strides = array<i32>} : memref<5x128x64xf32, #tpu.memory_space<vmem>>, vector<16xf32>,
        tpu.vector_store %arg16[%swap3A_469, %swap3A_470, %swap3A_471], %mul3A_467 {strides = array<i32>} : memref<5x128x64xf32, #tpu.memory_space<vmem>>, vector<16xf32>,
        %get3A_473 = arith.constant 3 : i32
        %get3A_474 = arith.index_cast %get3A_473 : i32 to index
        %get3A_475 = arith.index_cast %scan3A_437 : i32 to index
        %get3A_476 = arith.constant 48 : index
        %get3A_477 = tpu.vector_load %arg16[%get3A_474, %get3A_475, %get3A_476] {strides = array<i32>} : memref<5x128x64xf32, #tpu.memory_space<vmem>>, vector<16xf32>,
        %mul3A_478 = arith.mulf %get3A_477, %gather3A_439 : vector<16xf32>
        %swap3A_479 = arith.constant 3 : i32
        %swap3A_480 = arith.index_cast %swap3A_479 : i32 to index
        %swap3A_481 = arith.index_cast %scan3A_437 : i32 to index
        %swap3A_482 = arith.constant 48 : index
        %swap3A_483 = tpu.vector_load %arg16[%swap3A_480, %swap3A_481, %swap3A_482] {strides = array<i32>} : memref<5x128x64xf32, #tpu.memory_space<vmem>>, vector<16xf32>,
        tpu.vector_store %arg16[%swap3A_480, %swap3A_481, %swap3A_482], %mul3A_478 {strides = array<i32>} : memref<5x128x64xf32, #tpu.memory_space<vmem>>, vector<16xf32>,
        %scan3A_484 = arith.constant 3 : i32
        %scan3A_485 = arith.addi %scan3A_344, %scan3A_484 : i32
        %broadcast_in_dim3A_486 = vector.broadcast %scan3A_485 : i32 to vector<16xi32>
        %gather3A_487 = tpu.vector_load_idx %arg12[%broadcast_in_dim3A_257, %broadcast_in_dim3A_486] : memref<80x128xf32, #tpu.memory_space<vmem>>[vector<16xi32>, vector<16xi32>], vector<16xf32>,
        %get3A_488 = arith.constant 3 : i32
        %get3A_489 = arith.index_cast %get3A_488 : i32 to index
        %get3A_490 = arith.index_cast %scan3A_485 : i32 to index
        %get3A_491 = arith.constant 0 : index
        %get3A_492 = tpu.vector_load %arg16[%get3A_489, %get3A_490, %get3A_491] {strides = array<i32>} : memref<5x128x64xf32, #tpu.memory_space<vmem>>, vector<16xf32>,
        %mul3A_493 = arith.mulf %get3A_492, %gather3A_487 : vector<16xf32>
        %swap3A_494 = arith.constant 3 : i32
        %swap3A_495 = arith.index_cast %swap3A_494 : i32 to index
        %swap3A_496 = arith.index_cast %scan3A_485 : i32 to index
        %swap3A_497 = arith.constant 0 : index
        %swap3A_498 = tpu.vector_load %arg16[%swap3A_495, %swap3A_496, %swap3A_497] {strides = array<i32>} : memref<5x128x64xf32, #tpu.memory_space<vmem>>, vector<16xf32>,
        tpu.vector_store %arg16[%swap3A_495, %swap3A_496, %swap3A_497], %mul3A_493 {strides = array<i32>} : memref<5x128x64xf32, #tpu.memory_space<vmem>>, vector<16xf32>,
        %get3A_499 = arith.constant 3 : i32
        %get3A_500 = arith.index_cast %get3A_499 : i32 to index
        %get3A_501 = arith.index_cast %scan3A_485 : i32 to index
        %get3A_502 = arith.constant 16 : index
        %get3A_503 = tpu.vector_load %arg16[%get3A_500, %get3A_501, %get3A_502] {strides = array<i32>} : memref<5x128x64xf32, #tpu.memory_space<vmem>>, vector<16xf32>,
        %mul3A_504 = arith.mulf %get3A_503, %gather3A_487 : vector<16xf32>
        %swap3A_505 = arith.constant 3 : i32
        %swap3A_506 = arith.index_cast %swap3A_505 : i32 to index
        %swap3A_507 = arith.index_cast %scan3A_485 : i32 to index
        %swap3A_508 = arith.constant 16 : index
        %swap3A_509 = tpu.vector_load %arg16[%swap3A_506, %swap3A_507, %swap3A_508] {strides = array<i32>} : memref<5x128x64xf32, #tpu.memory_space<vmem>>, vector<16xf32>,
        tpu.vector_store %arg16[%swap3A_506, %swap3A_507, %swap3A_508], %mul3A_504 {strides = array<i32>} : memref<5x128x64xf32, #tpu.memory_space<vmem>>, vector<16xf32>,
        %get3A_510 = arith.constant 3 : i32
        %get3A_511 = arith.index_cast %get3A_510 : i32 to index
        %get3A_512 = arith.index_cast %scan3A_485 : i32 to index
        %get3A_513 = arith.constant 32 : index
        %get3A_514 = tpu.vector_load %arg16[%get3A_511, %get3A_512, %get3A_513] {strides = array<i32>} : memref<5x128x64xf32, #tpu.memory_space<vmem>>, vector<16xf32>,
        %mul3A_515 = arith.mulf %get3A_514, %gather3A_487 : vector<16xf32>
        %swap3A_516 = arith.constant 3 : i32
        %swap3A_517 = arith.index_cast %swap3A_516 : i32 to index
        %swap3A_518 = arith.index_cast %scan3A_485 : i32 to index
        %swap3A_519 = arith.constant 32 : index
        %swap3A_520 = tpu.vector_load %arg16[%swap3A_517, %swap3A_518, %swap3A_519] {strides = array<i32>} : memref<5x128x64xf32, #tpu.memory_space<vmem>>, vector<16xf32>,
        tpu.vector_store %arg16[%swap3A_517, %swap3A_518, %swap3A_519], %mul3A_515 {strides = array<i32>} : memref<5x128x64xf32, #tpu.memory_space<vmem>>, vector<16xf32>,
        %get3A_521 = arith.constant 3 : i32
        %get3A_522 = arith.index_cast %get3A_521 : i32 to index
        %get3A_523 = arith.index_cast %scan3A_485 : i32 to index
        %get3A_524 = arith.constant 48 : index
        %get3A_525 = tpu.vector_load %arg16[%get3A_522, %get3A_523, %get3A_524] {strides = array<i32>} : memref<5x128x64xf32, #tpu.memory_space<vmem>>, vector<16xf32>,
        %mul3A_526 = arith.mulf %get3A_525, %gather3A_487 : vector<16xf32>
        %swap3A_527 = arith.constant 3 : i32
        %swap3A_528 = arith.index_cast %swap3A_527 : i32 to index
        %swap3A_529 = arith.index_cast %scan3A_485 : i32 to index
        %swap3A_530 = arith.constant 48 : index
        %swap3A_531 = tpu.vector_load %arg16[%swap3A_528, %swap3A_529, %swap3A_530] {strides = array<i32>} : memref<5x128x64xf32, #tpu.memory_space<vmem>>, vector<16xf32>,
        tpu.vector_store %arg16[%swap3A_528, %swap3A_529, %swap3A_530], %mul3A_526 {strides = array<i32>} : memref<5x128x64xf32, #tpu.memory_space<vmem>>, vector<16xf32>,
      }
      %scan3A_263 = arith.constant 128 : i32
      %dma_start3A_264 = arith.constant 3 : i32
      %dma_start3A_265 = arith.constant 0 : i32
      %dma_start3A_266 = arith.constant 0 : i32
      %dma_start3A_267 = tpu.memref_slice %arg16[%dma_start3A_264, %dma_start3A_265, %dma_start3A_266] : memref<5x128x64xf32, #tpu.memory_space<vmem>> -> memref<1x128x64xf32, #tpu.memory_space<vmem>>
      %dma_start3A_268 = tpu.memref_squeeze %dma_start3A_267 : memref<1x128x64xf32, #tpu.memory_space<vmem>> -> memref<128x64xf32, #tpu.memory_space<vmem>>
      %dma_start3A_269 = arith.constant 0 : i32
      %dma_start3A_270 = tpu.memref_slice %arg11[%add3A_245, %dma_start3A_269] : memref<80x128xi32, #tpu.memory_space<vmem>> -> memref<1x128xi32, #tpu.memory_space<vmem>>
      %dma_start3A_271 = tpu.memref_squeeze %dma_start3A_270 : memref<1x128xi32, #tpu.memory_space<vmem>> -> memref<128xi32, #tpu.memory_space<vmem>>
      %dma_start3A_272 = arith.constant 0 : i32
      %dma_start3A_273 = arith.constant 0 : i32
      %dma_start3A_274 = tpu.memref_slice %arg17[%dma_start3A_272, %dma_start3A_273] : memref<5120x64xf32, #tpu.memory_space<vmem_shared>> -> memref<5120x64xf32, #tpu.memory_space<vmem_shared>>
      tpu.enqueue_indirect_dma source(%dma_start3A_268 : memref<128x64xf32, #tpu.memory_space<vmem>>) target(%dma_start3A_274 : memref<5120x64xf32, #tpu.memory_space<vmem_shared>>) offsets(%dma_start3A_271 : memref<128xi32, #tpu.memory_space<vmem>>) semaphore(%arg27 : memref<!tpu.dma_semaphore, #tpu.memory_space<semaphore_mem>>) {add = true}
      %sub3A_275 = arith.constant 1 : i32
      %sub3A_276 = arith.subi %add3A_245, %sub3A_275 : i32
      %dma_wait3A_277 = arith.constant 2 : i32
      %dma_wait3A_278 = arith.constant 0 : i32
      %dma_wait3A_279 = arith.constant 0 : i32
      %dma_wait3A_280 = tpu.memref_slice %arg16[%dma_wait3A_277, %dma_wait3A_278, %dma_wait3A_279] : memref<5x128x64xf32, #tpu.memory_space<vmem>> -> memref<1x128x64xf32, #tpu.memory_space<vmem>>
      %dma_wait3A_281 = tpu.memref_squeeze %dma_wait3A_280 : memref<1x128x64xf32, #tpu.memory_space<vmem>> -> memref<128x64xf32, #tpu.memory_space<vmem>>
      %dma_wait3A_282 = arith.constant 0 : i32
      %dma_wait3A_283 = tpu.memref_slice %arg11[%sub3A_276, %dma_wait3A_282] : memref<80x128xi32, #tpu.memory_space<vmem>> -> memref<1x128xi32, #tpu.memory_space<vmem>>
      %dma_wait3A_284 = tpu.memref_squeeze %dma_wait3A_283 : memref<1x128xi32, #tpu.memory_space<vmem>> -> memref<128xi32, #tpu.memory_space<vmem>>
      %dma_wait3A_285 = arith.constant 0 : i32
      %dma_wait3A_286 = arith.constant 0 : i32
      %dma_wait3A_287 = tpu.memref_slice %arg17[%dma_wait3A_285, %dma_wait3A_286] : memref<5120x64xf32, #tpu.memory_space<vmem_shared>> -> memref<5120x64xf32, #tpu.memory_space<vmem_shared>>
      tpu.wait_indirect_dma semaphore(%arg26 : memref<!tpu.dma_semaphore, #tpu.memory_space<semaphore_mem>>) src(%dma_wait3A_281 : memref<128x64xf32, #tpu.memory_space<vmem>>) dst(%dma_wait3A_287 : memref<5120x64xf32, #tpu.memory_space<vmem_shared>>)
      %lt3A_288 = arith.constant 15 : i32
      %lt3A_289 = arith.cmpi slt, %scan3A_90, %lt3A_288 : i32
      %convert_element_type3A_290 = arith.extui %lt3A_289 : i1 to i32
      %cond3A_291 = arith.constant 0 : i32
      %cond3A_292 = arith.cmpi ne, %convert_element_type3A_290, %cond3A_291 : i32
      scf.if %cond3A_292 {
        %add3A_344 = arith.constant 5 : i32
        %add3A_345 = arith.addi %add3A_245, %add3A_344 : i32
        %sub3A_346 = arith.constant 1 : i32
        %sub3A_347 = arith.subi %add3A_345, %sub3A_346 : i32
        %dma_start3A_348 = arith.constant 2 : i32
        %dma_start3A_349 = arith.constant 0 : i32
        %dma_start3A_350 = arith.constant 0 : i32
        %dma_start3A_351 = tpu.memref_slice %arg16[%dma_start3A_348, %dma_start3A_349, %dma_start3A_350] : memref<5x128x64xf32, #tpu.memory_space<vmem>> -> memref<1x128x64xf32, #tpu.memory_space<vmem>>
        %dma_start3A_352 = tpu.memref_squeeze %dma_start3A_351 : memref<1x128x64xf32, #tpu.memory_space<vmem>> -> memref<128x64xf32, #tpu.memory_space<vmem>>
        %dma_start3A_353 = arith.constant 0 : i32
        %dma_start3A_354 = tpu.memref_slice %arg10[%sub3A_347, %dma_start3A_353] : memref<80x128xi32, #tpu.memory_space<vmem>> -> memref<1x128xi32, #tpu.memory_space<vmem>>
        %dma_start3A_355 = tpu.memref_squeeze %dma_start3A_354 : memref<1x128xi32, #tpu.memory_space<vmem>> -> memref<128xi32, #tpu.memory_space<vmem>>
        %dma_start3A_356 = arith.constant 0 : i32
        %dma_start3A_357 = arith.constant 0 : i32
        %dma_start3A_358 = tpu.memref_slice %arg18[%dma_start3A_356, %dma_start3A_357] : memref<5120x64xf32, #tpu.memory_space<vmem_shared>> -> memref<5120x64xf32, #tpu.memory_space<vmem_shared>>
        tpu.enqueue_indirect_dma source(%dma_start3A_358 : memref<5120x64xf32, #tpu.memory_space<vmem_shared>>) target(%dma_start3A_352 : memref<128x64xf32, #tpu.memory_space<vmem>>) offsets(%dma_start3A_355 : memref<128xi32, #tpu.memory_space<vmem>>) semaphore(%arg21 : memref<!tpu.dma_semaphore, #tpu.memory_space<semaphore_mem>>)
      } else {
      }
      %mul3A_293 = arith.constant 5 : i32
      %mul3A_294 = arith.muli %scan3A_90, %mul3A_293 : i32
      %add3A_295 = arith.constant 4 : i32
      %add3A_296 = arith.addi %mul3A_294, %add3A_295 : i32
      %dma_wait3A_297 = arith.constant 4 : i32
      %dma_wait3A_298 = arith.constant 0 : i32
      %dma_wait3A_299 = arith.constant 0 : i32
      %dma_wait3A_300 = tpu.memref_slice %arg16[%dma_wait3A_297, %dma_wait3A_298, %dma_wait3A_299] : memref<5x128x64xf32, #tpu.memory_space<vmem>> -> memref<1x128x64xf32, #tpu.memory_space<vmem>>
      %dma_wait3A_301 = tpu.memref_squeeze %dma_wait3A_300 : memref<1x128x64xf32, #tpu.memory_space<vmem>> -> memref<128x64xf32, #tpu.memory_space<vmem>>
      %dma_wait3A_302 = arith.constant 0 : i32
      %dma_wait3A_303 = tpu.memref_slice %arg10[%add3A_296, %dma_wait3A_302] : memref<80x128xi32, #tpu.memory_space<vmem>> -> memref<1x128xi32, #tpu.memory_space<vmem>>
      %dma_wait3A_304 = tpu.memref_squeeze %dma_wait3A_303 : memref<1x128xi32, #tpu.memory_space<vmem>> -> memref<128xi32, #tpu.memory_space<vmem>>
      %dma_wait3A_305 = arith.constant 0 : i32
      %dma_wait3A_306 = arith.constant 0 : i32
      %dma_wait3A_307 = tpu.memref_slice %arg18[%dma_wait3A_305, %dma_wait3A_306] : memref<5120x64xf32, #tpu.memory_space<vmem_shared>> -> memref<5120x64xf32, #tpu.memory_space<vmem_shared>>
      tpu.wait_indirect_dma semaphore(%arg23 : memref<!tpu.dma_semaphore, #tpu.memory_space<semaphore_mem>>) src(%dma_wait3A_307 : memref<5120x64xf32, #tpu.memory_space<vmem_shared>>) dst(%dma_wait3A_301 : memref<128x64xf32, #tpu.memory_space<vmem>>)
      %broadcast_in_dim3A_308 = vector.broadcast %add3A_296 : i32 to vector<16xi32>
      %scan3A_309 = arith.constant 0 : i32
      %scan3A_310 = arith.constant 0 : i32
      %scan3A_311 = arith.constant 128 : i32
      %scan3A_312 = arith.addi %scan3A_310, %scan3A_311 : i32
      %scan3A_313 = arith.constant 4 : i32
      scf.for %scan3A_344 = %scan3A_310 to %scan3A_312 step %scan3A_313  : i32 {
        %broadcast_in_dim3A_345 = vector.broadcast %scan3A_344 : i32 to vector<16xi32>
        %gather3A = tpu.vector_load_idx %arg12[%broadcast_in_dim3A_308, %broadcast_in_dim3A_345] : memref<80x128xf32, #tpu.memory_space<vmem>>[vector<16xi32>, vector<16xi32>], vector<16xf32>,
        %get3A = arith.constant 4 : i32
        %get3A_346 = arith.index_cast %get3A : i32 to index
        %get3A_347 = arith.index_cast %scan3A_344 : i32 to index
        %get3A_348 = arith.constant 0 : index
        %get3A_349 = tpu.vector_load %arg16[%get3A_346, %get3A_347, %get3A_348] {strides = array<i32>} : memref<5x128x64xf32, #tpu.memory_space<vmem>>, vector<16xf32>,
        %mul3A_350 = arith.mulf %get3A_349, %gather3A : vector<16xf32>
        %swap3A = arith.constant 4 : i32
        %swap3A_351 = arith.index_cast %swap3A : i32 to index
        %swap3A_352 = arith.index_cast %scan3A_344 : i32 to index
        %swap3A_353 = arith.constant 0 : index
        %swap3A_354 = tpu.vector_load %arg16[%swap3A_351, %swap3A_352, %swap3A_353] {strides = array<i32>} : memref<5x128x64xf32, #tpu.memory_space<vmem>>, vector<16xf32>,
        tpu.vector_store %arg16[%swap3A_351, %swap3A_352, %swap3A_353], %mul3A_350 {strides = array<i32>} : memref<5x128x64xf32, #tpu.memory_space<vmem>>, vector<16xf32>,
        %get3A_355 = arith.constant 4 : i32
        %get3A_356 = arith.index_cast %get3A_355 : i32 to index
        %get3A_357 = arith.index_cast %scan3A_344 : i32 to index
        %get3A_358 = arith.constant 16 : index
        %get3A_359 = tpu.vector_load %arg16[%get3A_356, %get3A_357, %get3A_358] {strides = array<i32>} : memref<5x128x64xf32, #tpu.memory_space<vmem>>, vector<16xf32>,
        %mul3A_360 = arith.mulf %get3A_359, %gather3A : vector<16xf32>
        %swap3A_361 = arith.constant 4 : i32
        %swap3A_362 = arith.index_cast %swap3A_361 : i32 to index
        %swap3A_363 = arith.index_cast %scan3A_344 : i32 to index
        %swap3A_364 = arith.constant 16 : index
        %swap3A_365 = tpu.vector_load %arg16[%swap3A_362, %swap3A_363, %swap3A_364] {strides = array<i32>} : memref<5x128x64xf32, #tpu.memory_space<vmem>>, vector<16xf32>,
        tpu.vector_store %arg16[%swap3A_362, %swap3A_363, %swap3A_364], %mul3A_360 {strides = array<i32>} : memref<5x128x64xf32, #tpu.memory_space<vmem>>, vector<16xf32>,
        %get3A_366 = arith.constant 4 : i32
        %get3A_367 = arith.index_cast %get3A_366 : i32 to index
        %get3A_368 = arith.index_cast %scan3A_344 : i32 to index
        %get3A_369 = arith.constant 32 : index
        %get3A_370 = tpu.vector_load %arg16[%get3A_367, %get3A_368, %get3A_369] {strides = array<i32>} : memref<5x128x64xf32, #tpu.memory_space<vmem>>, vector<16xf32>,
        %mul3A_371 = arith.mulf %get3A_370, %gather3A : vector<16xf32>
        %swap3A_372 = arith.constant 4 : i32
        %swap3A_373 = arith.index_cast %swap3A_372 : i32 to index
        %swap3A_374 = arith.index_cast %scan3A_344 : i32 to index
        %swap3A_375 = arith.constant 32 : index
        %swap3A_376 = tpu.vector_load %arg16[%swap3A_373, %swap3A_374, %swap3A_375] {strides = array<i32>} : memref<5x128x64xf32, #tpu.memory_space<vmem>>, vector<16xf32>,
        tpu.vector_store %arg16[%swap3A_373, %swap3A_374, %swap3A_375], %mul3A_371 {strides = array<i32>} : memref<5x128x64xf32, #tpu.memory_space<vmem>>, vector<16xf32>,
        %get3A_377 = arith.constant 4 : i32
        %get3A_378 = arith.index_cast %get3A_377 : i32 to index
        %get3A_379 = arith.index_cast %scan3A_344 : i32 to index
        %get3A_380 = arith.constant 48 : index
        %get3A_381 = tpu.vector_load %arg16[%get3A_378, %get3A_379, %get3A_380] {strides = array<i32>} : memref<5x128x64xf32, #tpu.memory_space<vmem>>, vector<16xf32>,
        %mul3A_382 = arith.mulf %get3A_381, %gather3A : vector<16xf32>
        %swap3A_383 = arith.constant 4 : i32
        %swap3A_384 = arith.index_cast %swap3A_383 : i32 to index
        %swap3A_385 = arith.index_cast %scan3A_344 : i32 to index
        %swap3A_386 = arith.constant 48 : index
        %swap3A_387 = tpu.vector_load %arg16[%swap3A_384, %swap3A_385, %swap3A_386] {strides = array<i32>} : memref<5x128x64xf32, #tpu.memory_space<vmem>>, vector<16xf32>,
        tpu.vector_store %arg16[%swap3A_384, %swap3A_385, %swap3A_386], %mul3A_382 {strides = array<i32>} : memref<5x128x64xf32, #tpu.memory_space<vmem>>, vector<16xf32>,
        %scan3A_388 = arith.constant 1 : i32
        %scan3A_389 = arith.addi %scan3A_344, %scan3A_388 : i32
        %broadcast_in_dim3A_390 = vector.broadcast %scan3A_389 : i32 to vector<16xi32>
        %gather3A_391 = tpu.vector_load_idx %arg12[%broadcast_in_dim3A_308, %broadcast_in_dim3A_390] : memref<80x128xf32, #tpu.memory_space<vmem>>[vector<16xi32>, vector<16xi32>], vector<16xf32>,
        %get3A_392 = arith.constant 4 : i32
        %get3A_393 = arith.index_cast %get3A_392 : i32 to index
        %get3A_394 = arith.index_cast %scan3A_389 : i32 to index
        %get3A_395 = arith.constant 0 : index
        %get3A_396 = tpu.vector_load %arg16[%get3A_393, %get3A_394, %get3A_395] {strides = array<i32>} : memref<5x128x64xf32, #tpu.memory_space<vmem>>, vector<16xf32>,
        %mul3A_397 = arith.mulf %get3A_396, %gather3A_391 : vector<16xf32>
        %swap3A_398 = arith.constant 4 : i32
        %swap3A_399 = arith.index_cast %swap3A_398 : i32 to index
        %swap3A_400 = arith.index_cast %scan3A_389 : i32 to index
        %swap3A_401 = arith.constant 0 : index
        %swap3A_402 = tpu.vector_load %arg16[%swap3A_399, %swap3A_400, %swap3A_401] {strides = array<i32>} : memref<5x128x64xf32, #tpu.memory_space<vmem>>, vector<16xf32>,
        tpu.vector_store %arg16[%swap3A_399, %swap3A_400, %swap3A_401], %mul3A_397 {strides = array<i32>} : memref<5x128x64xf32, #tpu.memory_space<vmem>>, vector<16xf32>,
        %get3A_403 = arith.constant 4 : i32
        %get3A_404 = arith.index_cast %get3A_403 : i32 to index
        %get3A_405 = arith.index_cast %scan3A_389 : i32 to index
        %get3A_406 = arith.constant 16 : index
        %get3A_407 = tpu.vector_load %arg16[%get3A_404, %get3A_405, %get3A_406] {strides = array<i32>} : memref<5x128x64xf32, #tpu.memory_space<vmem>>, vector<16xf32>,
        %mul3A_408 = arith.mulf %get3A_407, %gather3A_391 : vector<16xf32>
        %swap3A_409 = arith.constant 4 : i32
        %swap3A_410 = arith.index_cast %swap3A_409 : i32 to index
        %swap3A_411 = arith.index_cast %scan3A_389 : i32 to index
        %swap3A_412 = arith.constant 16 : index
        %swap3A_413 = tpu.vector_load %arg16[%swap3A_410, %swap3A_411, %swap3A_412] {strides = array<i32>} : memref<5x128x64xf32, #tpu.memory_space<vmem>>, vector<16xf32>,
        tpu.vector_store %arg16[%swap3A_410, %swap3A_411, %swap3A_412], %mul3A_408 {strides = array<i32>} : memref<5x128x64xf32, #tpu.memory_space<vmem>>, vector<16xf32>,
        %get3A_414 = arith.constant 4 : i32
        %get3A_415 = arith.index_cast %get3A_414 : i32 to index
        %get3A_416 = arith.index_cast %scan3A_389 : i32 to index
        %get3A_417 = arith.constant 32 : index
        %get3A_418 = tpu.vector_load %arg16[%get3A_415, %get3A_416, %get3A_417] {strides = array<i32>} : memref<5x128x64xf32, #tpu.memory_space<vmem>>, vector<16xf32>,
        %mul3A_419 = arith.mulf %get3A_418, %gather3A_391 : vector<16xf32>
        %swap3A_420 = arith.constant 4 : i32
        %swap3A_421 = arith.index_cast %swap3A_420 : i32 to index
        %swap3A_422 = arith.index_cast %scan3A_389 : i32 to index
        %swap3A_423 = arith.constant 32 : index
        %swap3A_424 = tpu.vector_load %arg16[%swap3A_421, %swap3A_422, %swap3A_423] {strides = array<i32>} : memref<5x128x64xf32, #tpu.memory_space<vmem>>, vector<16xf32>,
        tpu.vector_store %arg16[%swap3A_421, %swap3A_422, %swap3A_423], %mul3A_419 {strides = array<i32>} : memref<5x128x64xf32, #tpu.memory_space<vmem>>, vector<16xf32>,
        %get3A_425 = arith.constant 4 : i32
        %get3A_426 = arith.index_cast %get3A_425 : i32 to index
        %get3A_427 = arith.index_cast %scan3A_389 : i32 to index
        %get3A_428 = arith.constant 48 : index
        %get3A_429 = tpu.vector_load %arg16[%get3A_426, %get3A_427, %get3A_428] {strides = array<i32>} : memref<5x128x64xf32, #tpu.memory_space<vmem>>, vector<16xf32>,
        %mul3A_430 = arith.mulf %get3A_429, %gather3A_391 : vector<16xf32>
        %swap3A_431 = arith.constant 4 : i32
        %swap3A_432 = arith.index_cast %swap3A_431 : i32 to index
        %swap3A_433 = arith.index_cast %scan3A_389 : i32 to index
        %swap3A_434 = arith.constant 48 : index
        %swap3A_435 = tpu.vector_load %arg16[%swap3A_432, %swap3A_433, %swap3A_434] {strides = array<i32>} : memref<5x128x64xf32, #tpu.memory_space<vmem>>, vector<16xf32>,
        tpu.vector_store %arg16[%swap3A_432, %swap3A_433, %swap3A_434], %mul3A_430 {strides = array<i32>} : memref<5x128x64xf32, #tpu.memory_space<vmem>>, vector<16xf32>,
        %scan3A_436 = arith.constant 2 : i32
        %scan3A_437 = arith.addi %scan3A_344, %scan3A_436 : i32
        %broadcast_in_dim3A_438 = vector.broadcast %scan3A_437 : i32 to vector<16xi32>
        %gather3A_439 = tpu.vector_load_idx %arg12[%broadcast_in_dim3A_308, %broadcast_in_dim3A_438] : memref<80x128xf32, #tpu.memory_space<vmem>>[vector<16xi32>, vector<16xi32>], vector<16xf32>,
        %get3A_440 = arith.constant 4 : i32
        %get3A_441 = arith.index_cast %get3A_440 : i32 to index
        %get3A_442 = arith.index_cast %scan3A_437 : i32 to index
        %get3A_443 = arith.constant 0 : index
        %get3A_444 = tpu.vector_load %arg16[%get3A_441, %get3A_442, %get3A_443] {strides = array<i32>} : memref<5x128x64xf32, #tpu.memory_space<vmem>>, vector<16xf32>,
        %mul3A_445 = arith.mulf %get3A_444, %gather3A_439 : vector<16xf32>
        %swap3A_446 = arith.constant 4 : i32
        %swap3A_447 = arith.index_cast %swap3A_446 : i32 to index
        %swap3A_448 = arith.index_cast %scan3A_437 : i32 to index
        %swap3A_449 = arith.constant 0 : index
        %swap3A_450 = tpu.vector_load %arg16[%swap3A_447, %swap3A_448, %swap3A_449] {strides = array<i32>} : memref<5x128x64xf32, #tpu.memory_space<vmem>>, vector<16xf32>,
        tpu.vector_store %arg16[%swap3A_447, %swap3A_448, %swap3A_449], %mul3A_445 {strides = array<i32>} : memref<5x128x64xf32, #tpu.memory_space<vmem>>, vector<16xf32>,
        %get3A_451 = arith.constant 4 : i32
        %get3A_452 = arith.index_cast %get3A_451 : i32 to index
        %get3A_453 = arith.index_cast %scan3A_437 : i32 to index
        %get3A_454 = arith.constant 16 : index
        %get3A_455 = tpu.vector_load %arg16[%get3A_452, %get3A_453, %get3A_454] {strides = array<i32>} : memref<5x128x64xf32, #tpu.memory_space<vmem>>, vector<16xf32>,
        %mul3A_456 = arith.mulf %get3A_455, %gather3A_439 : vector<16xf32>
        %swap3A_457 = arith.constant 4 : i32
        %swap3A_458 = arith.index_cast %swap3A_457 : i32 to index
        %swap3A_459 = arith.index_cast %scan3A_437 : i32 to index
        %swap3A_460 = arith.constant 16 : index
        %swap3A_461 = tpu.vector_load %arg16[%swap3A_458, %swap3A_459, %swap3A_460] {strides = array<i32>} : memref<5x128x64xf32, #tpu.memory_space<vmem>>, vector<16xf32>,
        tpu.vector_store %arg16[%swap3A_458, %swap3A_459, %swap3A_460], %mul3A_456 {strides = array<i32>} : memref<5x128x64xf32, #tpu.memory_space<vmem>>, vector<16xf32>,
        %get3A_462 = arith.constant 4 : i32
        %get3A_463 = arith.index_cast %get3A_462 : i32 to index
        %get3A_464 = arith.index_cast %scan3A_437 : i32 to index
        %get3A_465 = arith.constant 32 : index
        %get3A_466 = tpu.vector_load %arg16[%get3A_463, %get3A_464, %get3A_465] {strides = array<i32>} : memref<5x128x64xf32, #tpu.memory_space<vmem>>, vector<16xf32>,
        %mul3A_467 = arith.mulf %get3A_466, %gather3A_439 : vector<16xf32>
        %swap3A_468 = arith.constant 4 : i32
        %swap3A_469 = arith.index_cast %swap3A_468 : i32 to index
        %swap3A_470 = arith.index_cast %scan3A_437 : i32 to index
        %swap3A_471 = arith.constant 32 : index
        %swap3A_472 = tpu.vector_load %arg16[%swap3A_469, %swap3A_470, %swap3A_471] {strides = array<i32>} : memref<5x128x64xf32, #tpu.memory_space<vmem>>, vector<16xf32>,
        tpu.vector_store %arg16[%swap3A_469, %swap3A_470, %swap3A_471], %mul3A_467 {strides = array<i32>} : memref<5x128x64xf32, #tpu.memory_space<vmem>>, vector<16xf32>,
        %get3A_473 = arith.constant 4 : i32
        %get3A_474 = arith.index_cast %get3A_473 : i32 to index
        %get3A_475 = arith.index_cast %scan3A_437 : i32 to index
        %get3A_476 = arith.constant 48 : index
        %get3A_477 = tpu.vector_load %arg16[%get3A_474, %get3A_475, %get3A_476] {strides = array<i32>} : memref<5x128x64xf32, #tpu.memory_space<vmem>>, vector<16xf32>,
        %mul3A_478 = arith.mulf %get3A_477, %gather3A_439 : vector<16xf32>
        %swap3A_479 = arith.constant 4 : i32
        %swap3A_480 = arith.index_cast %swap3A_479 : i32 to index
        %swap3A_481 = arith.index_cast %scan3A_437 : i32 to index
        %swap3A_482 = arith.constant 48 : index
        %swap3A_483 = tpu.vector_load %arg16[%swap3A_480, %swap3A_481, %swap3A_482] {strides = array<i32>} : memref<5x128x64xf32, #tpu.memory_space<vmem>>, vector<16xf32>,
        tpu.vector_store %arg16[%swap3A_480, %swap3A_481, %swap3A_482], %mul3A_478 {strides = array<i32>} : memref<5x128x64xf32, #tpu.memory_space<vmem>>, vector<16xf32>,
        %scan3A_484 = arith.constant 3 : i32
        %scan3A_485 = arith.addi %scan3A_344, %scan3A_484 : i32
        %broadcast_in_dim3A_486 = vector.broadcast %scan3A_485 : i32 to vector<16xi32>
        %gather3A_487 = tpu.vector_load_idx %arg12[%broadcast_in_dim3A_308, %broadcast_in_dim3A_486] : memref<80x128xf32, #tpu.memory_space<vmem>>[vector<16xi32>, vector<16xi32>], vector<16xf32>,
        %get3A_488 = arith.constant 4 : i32
        %get3A_489 = arith.index_cast %get3A_488 : i32 to index
        %get3A_490 = arith.index_cast %scan3A_485 : i32 to index
        %get3A_491 = arith.constant 0 : index
        %get3A_492 = tpu.vector_load %arg16[%get3A_489, %get3A_490, %get3A_491] {strides = array<i32>} : memref<5x128x64xf32, #tpu.memory_space<vmem>>, vector<16xf32>,
        %mul3A_493 = arith.mulf %get3A_492, %gather3A_487 : vector<16xf32>
        %swap3A_494 = arith.constant 4 : i32
        %swap3A_495 = arith.index_cast %swap3A_494 : i32 to index
        %swap3A_496 = arith.index_cast %scan3A_485 : i32 to index
        %swap3A_497 = arith.constant 0 : index
        %swap3A_498 = tpu.vector_load %arg16[%swap3A_495, %swap3A_496, %swap3A_497] {strides = array<i32>} : memref<5x128x64xf32, #tpu.memory_space<vmem>>, vector<16xf32>,
        tpu.vector_store %arg16[%swap3A_495, %swap3A_496, %swap3A_497], %mul3A_493 {strides = array<i32>} : memref<5x128x64xf32, #tpu.memory_space<vmem>>, vector<16xf32>,
        %get3A_499 = arith.constant 4 : i32
        %get3A_500 = arith.index_cast %get3A_499 : i32 to index
        %get3A_501 = arith.index_cast %scan3A_485 : i32 to index
        %get3A_502 = arith.constant 16 : index
        %get3A_503 = tpu.vector_load %arg16[%get3A_500, %get3A_501, %get3A_502] {strides = array<i32>} : memref<5x128x64xf32, #tpu.memory_space<vmem>>, vector<16xf32>,
        %mul3A_504 = arith.mulf %get3A_503, %gather3A_487 : vector<16xf32>
        %swap3A_505 = arith.constant 4 : i32
        %swap3A_506 = arith.index_cast %swap3A_505 : i32 to index
        %swap3A_507 = arith.index_cast %scan3A_485 : i32 to index
        %swap3A_508 = arith.constant 16 : index
        %swap3A_509 = tpu.vector_load %arg16[%swap3A_506, %swap3A_507, %swap3A_508] {strides = array<i32>} : memref<5x128x64xf32, #tpu.memory_space<vmem>>, vector<16xf32>,
        tpu.vector_store %arg16[%swap3A_506, %swap3A_507, %swap3A_508], %mul3A_504 {strides = array<i32>} : memref<5x128x64xf32, #tpu.memory_space<vmem>>, vector<16xf32>,
        %get3A_510 = arith.constant 4 : i32
        %get3A_511 = arith.index_cast %get3A_510 : i32 to index
        %get3A_512 = arith.index_cast %scan3A_485 : i32 to index
        %get3A_513 = arith.constant 32 : index
        %get3A_514 = tpu.vector_load %arg16[%get3A_511, %get3A_512, %get3A_513] {strides = array<i32>} : memref<5x128x64xf32, #tpu.memory_space<vmem>>, vector<16xf32>,
        %mul3A_515 = arith.mulf %get3A_514, %gather3A_487 : vector<16xf32>
        %swap3A_516 = arith.constant 4 : i32
        %swap3A_517 = arith.index_cast %swap3A_516 : i32 to index
        %swap3A_518 = arith.index_cast %scan3A_485 : i32 to index
        %swap3A_519 = arith.constant 32 : index
        %swap3A_520 = tpu.vector_load %arg16[%swap3A_517, %swap3A_518, %swap3A_519] {strides = array<i32>} : memref<5x128x64xf32, #tpu.memory_space<vmem>>, vector<16xf32>,
        tpu.vector_store %arg16[%swap3A_517, %swap3A_518, %swap3A_519], %mul3A_515 {strides = array<i32>} : memref<5x128x64xf32, #tpu.memory_space<vmem>>, vector<16xf32>,
        %get3A_521 = arith.constant 4 : i32
        %get3A_522 = arith.index_cast %get3A_521 : i32 to index
        %get3A_523 = arith.index_cast %scan3A_485 : i32 to index
        %get3A_524 = arith.constant 48 : index
        %get3A_525 = tpu.vector_load %arg16[%get3A_522, %get3A_523, %get3A_524] {strides = array<i32>} : memref<5x128x64xf32, #tpu.memory_space<vmem>>, vector<16xf32>,
        %mul3A_526 = arith.mulf %get3A_525, %gather3A_487 : vector<16xf32>
        %swap3A_527 = arith.constant 4 : i32
        %swap3A_528 = arith.index_cast %swap3A_527 : i32 to index
        %swap3A_529 = arith.index_cast %scan3A_485 : i32 to index
        %swap3A_530 = arith.constant 48 : index
        %swap3A_531 = tpu.vector_load %arg16[%swap3A_528, %swap3A_529, %swap3A_530] {strides = array<i32>} : memref<5x128x64xf32, #tpu.memory_space<vmem>>, vector<16xf32>,
        tpu.vector_store %arg16[%swap3A_528, %swap3A_529, %swap3A_530], %mul3A_526 {strides = array<i32>} : memref<5x128x64xf32, #tpu.memory_space<vmem>>, vector<16xf32>,
      }
      %scan3A_314 = arith.constant 128 : i32
      %dma_start3A_315 = arith.constant 4 : i32
      %dma_start3A_316 = arith.constant 0 : i32
      %dma_start3A_317 = arith.constant 0 : i32
      %dma_start3A_318 = tpu.memref_slice %arg16[%dma_start3A_315, %dma_start3A_316, %dma_start3A_317] : memref<5x128x64xf32, #tpu.memory_space<vmem>> -> memref<1x128x64xf32, #tpu.memory_space<vmem>>
      %dma_start3A_319 = tpu.memref_squeeze %dma_start3A_318 : memref<1x128x64xf32, #tpu.memory_space<vmem>> -> memref<128x64xf32, #tpu.memory_space<vmem>>
      %dma_start3A_320 = arith.constant 0 : i32
      %dma_start3A_321 = tpu.memref_slice %arg11[%add3A_296, %dma_start3A_320] : memref<80x128xi32, #tpu.memory_space<vmem>> -> memref<1x128xi32, #tpu.memory_space<vmem>>
      %dma_start3A_322 = tpu.memref_squeeze %dma_start3A_321 : memref<1x128xi32, #tpu.memory_space<vmem>> -> memref<128xi32, #tpu.memory_space<vmem>>
      %dma_start3A_323 = arith.constant 0 : i32
      %dma_start3A_324 = arith.constant 0 : i32
      %dma_start3A_325 = tpu.memref_slice %arg17[%dma_start3A_323, %dma_start3A_324] : memref<5120x64xf32, #tpu.memory_space<vmem_shared>> -> memref<5120x64xf32, #tpu.memory_space<vmem_shared>>
      tpu.enqueue_indirect_dma source(%dma_start3A_319 : memref<128x64xf32, #tpu.memory_space<vmem>>) target(%dma_start3A_325 : memref<5120x64xf32, #tpu.memory_space<vmem_shared>>) offsets(%dma_start3A_322 : memref<128xi32, #tpu.memory_space<vmem>>) semaphore(%arg28 : memref<!tpu.dma_semaphore, #tpu.memory_space<semaphore_mem>>) {add = true}
      %sub3A_326 = arith.constant 1 : i32
      %sub3A_327 = arith.subi %add3A_296, %sub3A_326 : i32
      %dma_wait3A_328 = arith.constant 3 : i32
      %dma_wait3A_329 = arith.constant 0 : i32
      %dma_wait3A_330 = arith.constant 0 : i32
      %dma_wait3A_331 = tpu.memref_slice %arg16[%dma_wait3A_328, %dma_wait3A_329, %dma_wait3A_330] : memref<5x128x64xf32, #tpu.memory_space<vmem>> -> memref<1x128x64xf32, #tpu.memory_space<vmem>>
      %dma_wait3A_332 = tpu.memref_squeeze %dma_wait3A_331 : memref<1x128x64xf32, #tpu.memory_space<vmem>> -> memref<128x64xf32, #tpu.memory_space<vmem>>
      %dma_wait3A_333 = arith.constant 0 : i32
      %dma_wait3A_334 = tpu.memref_slice %arg11[%sub3A_327, %dma_wait3A_333] : memref<80x128xi32, #tpu.memory_space<vmem>> -> memref<1x128xi32, #tpu.memory_space<vmem>>
      %dma_wait3A_335 = tpu.memref_squeeze %dma_wait3A_334 : memref<1x128xi32, #tpu.memory_space<vmem>> -> memref<128xi32, #tpu.memory_space<vmem>>
      %dma_wait3A_336 = arith.constant 0 : i32
      %dma_wait3A_337 = arith.constant 0 : i32
      %dma_wait3A_338 = tpu.memref_slice %arg17[%dma_wait3A_336, %dma_wait3A_337] : memref<5120x64xf32, #tpu.memory_space<vmem_shared>> -> memref<5120x64xf32, #tpu.memory_space<vmem_shared>>
      tpu.wait_indirect_dma semaphore(%arg27 : memref<!tpu.dma_semaphore, #tpu.memory_space<semaphore_mem>>) src(%dma_wait3A_332 : memref<128x64xf32, #tpu.memory_space<vmem>>) dst(%dma_wait3A_338 : memref<5120x64xf32, #tpu.memory_space<vmem_shared>>)
      %lt3A_339 = arith.constant 15 : i32
      %lt3A_340 = arith.cmpi slt, %scan3A_90, %lt3A_339 : i32
      %convert_element_type3A_341 = arith.extui %lt3A_340 : i1 to i32
      %cond3A_342 = arith.constant 0 : i32
      %cond3A_343 = arith.cmpi ne, %convert_element_type3A_341, %cond3A_342 : i32
      scf.if %cond3A_343 {
        %add3A_344 = arith.constant 5 : i32
        %add3A_345 = arith.addi %add3A_296, %add3A_344 : i32
        %sub3A_346 = arith.constant 1 : i32
        %sub3A_347 = arith.subi %add3A_345, %sub3A_346 : i32
        %dma_start3A_348 = arith.constant 3 : i32
        %dma_start3A_349 = arith.constant 0 : i32
        %dma_start3A_350 = arith.constant 0 : i32
        %dma_start3A_351 = tpu.memref_slice %arg16[%dma_start3A_348, %dma_start3A_349, %dma_start3A_350] : memref<5x128x64xf32, #tpu.memory_space<vmem>> -> memref<1x128x64xf32, #tpu.memory_space<vmem>>
        %dma_start3A_352 = tpu.memref_squeeze %dma_start3A_351 : memref<1x128x64xf32, #tpu.memory_space<vmem>> -> memref<128x64xf32, #tpu.memory_space<vmem>>
        %dma_start3A_353 = arith.constant 0 : i32
        %dma_start3A_354 = tpu.memref_slice %arg10[%sub3A_347, %dma_start3A_353] : memref<80x128xi32, #tpu.memory_space<vmem>> -> memref<1x128xi32, #tpu.memory_space<vmem>>
        %dma_start3A_355 = tpu.memref_squeeze %dma_start3A_354 : memref<1x128xi32, #tpu.memory_space<vmem>> -> memref<128xi32, #tpu.memory_space<vmem>>
        %dma_start3A_356 = arith.constant 0 : i32
        %dma_start3A_357 = arith.constant 0 : i32
        %dma_start3A_358 = tpu.memref_slice %arg18[%dma_start3A_356, %dma_start3A_357] : memref<5120x64xf32, #tpu.memory_space<vmem_shared>> -> memref<5120x64xf32, #tpu.memory_space<vmem_shared>>
        tpu.enqueue_indirect_dma source(%dma_start3A_358 : memref<5120x64xf32, #tpu.memory_space<vmem_shared>>) target(%dma_start3A_352 : memref<128x64xf32, #tpu.memory_space<vmem>>) offsets(%dma_start3A_355 : memref<128xi32, #tpu.memory_space<vmem>>) semaphore(%arg22 : memref<!tpu.dma_semaphore, #tpu.memory_space<semaphore_mem>>)
      } else {
      }
    }
    %scan3A_77 = arith.constant 16 : i32
    %dma_wait3A = arith.constant 4 : i32
    %dma_wait3A_78 = arith.constant 79 : i32
    %dma_wait3A_79 = arith.constant 0 : i32
    %dma_wait3A_80 = arith.constant 0 : i32
    %dma_wait3A_81 = tpu.memref_slice %arg16[%dma_wait3A, %dma_wait3A_79, %dma_wait3A_80] : memref<5x128x64xf32, #tpu.memory_space<vmem>> -> memref<1x128x64xf32, #tpu.memory_space<vmem>>
    %dma_wait3A_82 = tpu.memref_squeeze %dma_wait3A_81 : memref<1x128x64xf32, #tpu.memory_space<vmem>> -> memref<128x64xf32, #tpu.memory_space<vmem>>
    %dma_wait3A_83 = arith.constant 0 : i32
    %dma_wait3A_84 = tpu.memref_slice %arg11[%dma_wait3A_78, %dma_wait3A_83] : memref<80x128xi32, #tpu.memory_space<vmem>> -> memref<1x128xi32, #tpu.memory_space<vmem>>
    %dma_wait3A_85 = tpu.memref_squeeze %dma_wait3A_84 : memref<1x128xi32, #tpu.memory_space<vmem>> -> memref<128xi32, #tpu.memory_space<vmem>>
    %dma_wait3A_86 = arith.constant 0 : i32
    %dma_wait3A_87 = arith.constant 0 : i32
    %dma_wait3A_88 = tpu.memref_slice %arg17[%dma_wait3A_86, %dma_wait3A_87] : memref<5120x64xf32, #tpu.memory_space<vmem_shared>> -> memref<5120x64xf32, #tpu.memory_space<vmem_shared>>
    tpu.wait_indirect_dma semaphore(%arg28 : memref<!tpu.dma_semaphore, #tpu.memory_space<semaphore_mem>>) src(%dma_wait3A_82 : memref<128x64xf32, #tpu.memory_space<vmem>>) dst(%dma_wait3A_88 : memref<5120x64xf32, #tpu.memory_space<vmem_shared>>)
    %barrier3A_89 = arith.constant 0 : index
    tpu.barrier barrier_id(%barrier3A_89)
    "tpu.region"() ({
      %run_scoped3A_90 = tpu.sem_alloc : memref<!tpu.dma_semaphore, #tpu.memory_space<semaphore_mem>>
      %dma_start3A_91 = arith.constant 0 : i32
      %dma_start3A_92 = tpu.memref_slice %arg8[%arg0, %mul3A_0, %dma_start3A_91] : memref<2x5120x64xf32, #tpu.memory_space<hbm>> -> memref<1x320x64xf32, #tpu.memory_space<hbm>>
      %dma_start3A_93 = tpu.memref_squeeze %dma_start3A_92 : memref<1x320x64xf32, #tpu.memory_space<hbm>> -> memref<320x64xf32, #tpu.memory_space<hbm>>
      %dma_start3A_94 = arith.constant 0 : i32
      %dma_start3A_95 = tpu.memref_slice %arg17[%mul3A_0, %dma_start3A_94] : memref<5120x64xf32, #tpu.memory_space<vmem_shared>> -> memref<320x64xf32, #tpu.memory_space<vmem_shared>>
      tpu.enqueue_dma source(%dma_start3A_95 : memref<320x64xf32, #tpu.memory_space<vmem_shared>>) target(%dma_start3A_93 : memref<320x64xf32, #tpu.memory_space<hbm>>) target_semaphore(%run_scoped3A_90 : memref<!tpu.dma_semaphore, #tpu.memory_space<semaphore_mem>>)
      %dma_wait3A_96 = arith.constant 0 : i32
      %dma_wait3A_97 = tpu.memref_slice %arg8[%arg0, %mul3A_0, %dma_wait3A_96] : memref<2x5120x64xf32, #tpu.memory_space<hbm>> -> memref<1x320x64xf32, #tpu.memory_space<hbm>>
      %dma_wait3A_98 = tpu.memref_squeeze %dma_wait3A_97 : memref<1x320x64xf32, #tpu.memory_space<hbm>> -> memref<320x64xf32, #tpu.memory_space<hbm>>
      %dma_wait3A_99 = arith.constant 0 : i32
      %dma_wait3A_100 = tpu.memref_slice %arg17[%mul3A_0, %dma_wait3A_99] : memref<5120x64xf32, #tpu.memory_space<vmem_shared>> -> memref<320x64xf32, #tpu.memory_space<vmem_shared>>
      tpu.wait_dma2 semaphore(%run_scoped3A_90 : memref<!tpu.dma_semaphore, #tpu.memory_space<semaphore_mem>>) src(%dma_wait3A_100 : memref<320x64xf32, #tpu.memory_space<vmem_shared>>) dst(%dma_wait3A_98 : memref<320x64xf32, #tpu.memory_space<hbm>>)
      tpu.yield
    }) : () -> ()
    return
  }
}

module attributes {stable_mosaic.version = 14 : i64} {
  func.func @_layer_body(%arg0: memref<2x5120x64xf32, #tpu.memory_space<vmem>>, %arg1: memref<5120x1xf32, #tpu.memory_space<vmem>>, %arg2: memref<2x5120x64xf32, #tpu.memory_space<vmem>>, %arg3: memref<5120x1xf32, #tpu.memory_space<vmem>>, %arg4: memref<5120x1xf32, #tpu.memory_space<vmem>>, %arg5: memref<128x128xf32, #tpu.memory_space<vmem>>, %arg6: memref<128x1xf32, #tpu.memory_space<vmem>>, %arg7: memref<1x128xf32, #tpu.memory_space<vmem>>, %arg8: memref<1x1xf32, #tpu.memory_space<vmem>>, %arg9: memref<1x128xf32, #tpu.memory_space<vmem>>, %arg10: memref<1x1xf32, #tpu.memory_space<vmem>>, %arg11: memref<2x5120x64xf32, #tpu.memory_space<vmem>>, %arg12: memref<5120x1xf32, #tpu.memory_space<vmem>>) attributes {dimension_semantics = [], scalar_prefetch = 0 : i64, scratch_operands = 0 : i64, tpu.core_type = #tpu.core_type<tc>} {
    %get3A = arith.constant 0 : index
    %get3A_0 = arith.constant 0 : index
    %get3A_1 = vector.load %arg4[%get3A, %get3A_0] : memref<5120x1xf32, #tpu.memory_space<vmem>>, vector<5120x1xf32>
    %get3A_2 = arith.constant 0 : index
    %get3A_3 = arith.constant 0 : index
    %get3A_4 = arith.constant 0 : index
    %get3A_5 = vector.load %arg0[%get3A_2, %get3A_3, %get3A_4] : memref<2x5120x64xf32, #tpu.memory_space<vmem>>, vector<1x5120x64xf32>
    %get3A_6 = vector.shape_cast %get3A_5 : vector<1x5120x64xf32> to vector<5120x64xf32>
    %get3A_7 = arith.constant 1 : index
    %get3A_8 = arith.constant 0 : index
    %get3A_9 = arith.constant 0 : index
    %get3A_10 = vector.load %arg0[%get3A_7, %get3A_8, %get3A_9] : memref<2x5120x64xf32, #tpu.memory_space<vmem>>, vector<1x5120x64xf32>
    %get3A_11 = vector.shape_cast %get3A_10 : vector<1x5120x64xf32> to vector<5120x64xf32>
    %concatenate3A = tpu.concatenate %get3A_6, %get3A_11 in 1 : vector<5120x64xf32>, vector<5120x64xf32> -> vector<5120x128xf32>
    %get3A_12 = arith.constant 0 : index
    %get3A_13 = arith.constant 0 : index
    %get3A_14 = arith.constant 0 : index
    %get3A_15 = vector.load %arg2[%get3A_12, %get3A_13, %get3A_14] : memref<2x5120x64xf32, #tpu.memory_space<vmem>>, vector<1x5120x64xf32>
    %get3A_16 = vector.shape_cast %get3A_15 : vector<1x5120x64xf32> to vector<5120x64xf32>
    %get3A_17 = arith.constant 1 : index
    %get3A_18 = arith.constant 0 : index
    %get3A_19 = arith.constant 0 : index
    %get3A_20 = vector.load %arg2[%get3A_17, %get3A_18, %get3A_19] : memref<2x5120x64xf32, #tpu.memory_space<vmem>>, vector<1x5120x64xf32>
    %get3A_21 = vector.shape_cast %get3A_20 : vector<1x5120x64xf32> to vector<5120x64xf32>
    %concatenate3A_22 = tpu.concatenate %get3A_16, %get3A_21 in 1 : vector<5120x64xf32>, vector<5120x64xf32> -> vector<5120x128xf32>
    %mul3A = vector.broadcast %get3A_1 : vector<5120x1xf32> to vector<5120x128xf32>
    %mul3A_23 = arith.mulf %mul3A, %concatenate3A : vector<5120x128xf32>
    %mul3A_24 = arith.mulf %get3A_1, %get3A_1 : vector<5120x1xf32>
    %mul3A_25 = vector.broadcast %mul3A_24 : vector<5120x1xf32> to vector<5120x128xf32>
    %mul3A_26 = arith.mulf %mul3A_25, %concatenate3A_22 : vector<5120x128xf32>
    %add3A = arith.addf %mul3A_23, %mul3A_26 : vector<5120x128xf32>
    %get3A_27 = arith.constant 0 : index
    %get3A_28 = arith.constant 0 : index
    %get3A_29 = vector.load %arg1[%get3A_27, %get3A_28] : memref<5120x1xf32, #tpu.memory_space<vmem>>, vector<5120x1xf32>
    %mul3A_30 = arith.mulf %get3A_1, %get3A_29 : vector<5120x1xf32>
    %mul3A_31 = arith.mulf %get3A_1, %get3A_1 : vector<5120x1xf32>
    %get3A_32 = arith.constant 0 : index
    %get3A_33 = arith.constant 0 : index
    %get3A_34 = vector.load %arg3[%get3A_32, %get3A_33] : memref<5120x1xf32, #tpu.memory_space<vmem>>, vector<5120x1xf32>
    %mul3A_35 = arith.mulf %mul3A_31, %get3A_34 : vector<5120x1xf32>
    %add3A_36 = arith.addf %mul3A_30, %mul3A_35 : vector<5120x1xf32>
    %get3A_37 = arith.constant 0 : index
    %get3A_38 = arith.constant 0 : index
    %get3A_39 = vector.load %arg5[%get3A_37, %get3A_38] : memref<128x128xf32, #tpu.memory_space<vmem>>, vector<128x128xf32>
    %dot_general3A = arith.constant dense<0.000000e+00> : vector<5120x128xf32>
    %dot_general3A_40 = tpu.matmul %add3A, %get3A_39, %dot_general3A {dimension_numbers = #tpu.dot_dimension_numbers<[1], [0], [0], [1], [0, 0, 1, 1], [], []>, transpose_lhs_hint = false} : vector<5120x128xf32>, vector<128x128xf32>, vector<5120x128xf32> -> vector<5120x128xf32>
    %get3A_41 = arith.constant 0 : index
    %get3A_42 = arith.constant 0 : index
    %get3A_43 = vector.load %arg7[%get3A_41, %get3A_42] : memref<1x128xf32, #tpu.memory_space<vmem>>, vector<1x128xf32>
    %mul3A_44 = vector.broadcast %add3A_36 : vector<5120x1xf32> to vector<5120x128xf32>
    %mul3A_45 = vector.broadcast %get3A_43 : vector<1x128xf32> to vector<5120x128xf32>
    %mul3A_46 = arith.mulf %mul3A_44, %mul3A_45 : vector<5120x128xf32>
    %add3A_47 = arith.addf %dot_general3A_40, %mul3A_46 : vector<5120x128xf32>
    %get3A_48 = arith.constant 0 : index
    %get3A_49 = arith.constant 0 : index
    %get3A_50 = vector.load %arg9[%get3A_48, %get3A_49] : memref<1x128xf32, #tpu.memory_space<vmem>>, vector<1x128xf32>
    %add3A_51 = vector.broadcast %get3A_50 : vector<1x128xf32> to vector<5120x128xf32>
    %add3A_52 = arith.addf %add3A_47, %add3A_51 : vector<5120x128xf32>
    %get3A_53 = arith.constant 0 : index
    %get3A_54 = arith.constant 0 : index
    %get3A_55 = vector.load %arg6[%get3A_53, %get3A_54] : memref<128x1xf32, #tpu.memory_space<vmem>>, vector<128x1xf32>
    %dot_general3A_56 = arith.constant dense<0.000000e+00> : vector<5120x1xf32>
    %dot_general3A_57 = tpu.matmul %add3A, %get3A_55, %dot_general3A_56 {dimension_numbers = #tpu.dot_dimension_numbers<[1], [0], [0], [1], [0, 0, 1, 1], [], []>, transpose_lhs_hint = false} : vector<5120x128xf32>, vector<128x1xf32>, vector<5120x1xf32> -> vector<5120x1xf32>
    %get3A_58 = arith.constant 0 : index
    %get3A_59 = arith.constant 0 : index
    %get3A_60 = vector.load %arg8[%get3A_58, %get3A_59] : memref<1x1xf32, #tpu.memory_space<vmem>>, vector<1x1xf32>
    %mul3A_61 = vector.broadcast %get3A_60 : vector<1x1xf32> to vector<5120x1xf32>
    %mul3A_62 = arith.mulf %add3A_36, %mul3A_61 : vector<5120x1xf32>
    %add3A_63 = arith.addf %dot_general3A_57, %mul3A_62 : vector<5120x1xf32>
    %get3A_64 = arith.constant 0 : index
    %get3A_65 = arith.constant 0 : index
    %get3A_66 = vector.load %arg10[%get3A_64, %get3A_65] : memref<1x1xf32, #tpu.memory_space<vmem>>, vector<1x1xf32>
    %add3A_67 = vector.broadcast %get3A_66 : vector<1x1xf32> to vector<5120x1xf32>
    %add3A_68 = arith.addf %add3A_63, %add3A_67 : vector<5120x1xf32>
    %max3A = arith.constant 0.000000e+00 : f32
    %max3A_69 = vector.broadcast %max3A : f32 to vector<5120x128xf32>
    %max3A_70 = arith.maximumf %add3A_52, %max3A_69 : vector<5120x128xf32>
    %max3A_71 = arith.constant 0.000000e+00 : f32
    %max3A_72 = vector.broadcast %max3A_71 : f32 to vector<5120x1xf32>
    %max3A_73 = arith.maximumf %add3A_68, %max3A_72 : vector<5120x1xf32>
    %slice3A = vector.extract_strided_slice %max3A_70 {offsets = [0, 0], sizes = [5120, 64], strides = [1, 1]} : vector<5120x128xf32> to vector<5120x64xf32>
    %swap3A = arith.constant 0 : index
    %swap3A_74 = arith.constant 0 : index
    %swap3A_75 = arith.constant 0 : index
    %swap3A_76 = vector.load %arg11[%swap3A, %swap3A_74, %swap3A_75] : memref<2x5120x64xf32, #tpu.memory_space<vmem>>, vector<1x5120x64xf32>
    %swap3A_77 = vector.shape_cast %swap3A_76 : vector<1x5120x64xf32> to vector<5120x64xf32>
    %swap3A_78 = vector.shape_cast %slice3A : vector<5120x64xf32> to vector<1x5120x64xf32>
    tpu.vector_store %arg11[%swap3A, %swap3A_74, %swap3A_75], %swap3A_78 {strides = array<i32>} : memref<2x5120x64xf32, #tpu.memory_space<vmem>>, vector<1x5120x64xf32>,
    %slice3A_79 = vector.extract_strided_slice %max3A_70 {offsets = [0, 64], sizes = [5120, 64], strides = [1, 1]} : vector<5120x128xf32> to vector<5120x64xf32>
    %swap3A_80 = arith.constant 1 : index
    %swap3A_81 = arith.constant 0 : index
    %swap3A_82 = arith.constant 0 : index
    %swap3A_83 = vector.load %arg11[%swap3A_80, %swap3A_81, %swap3A_82] : memref<2x5120x64xf32, #tpu.memory_space<vmem>>, vector<1x5120x64xf32>
    %swap3A_84 = vector.shape_cast %swap3A_83 : vector<1x5120x64xf32> to vector<5120x64xf32>
    %swap3A_85 = vector.shape_cast %slice3A_79 : vector<5120x64xf32> to vector<1x5120x64xf32>
    tpu.vector_store %arg11[%swap3A_80, %swap3A_81, %swap3A_82], %swap3A_85 {strides = array<i32>} : memref<2x5120x64xf32, #tpu.memory_space<vmem>>, vector<1x5120x64xf32>,
    %swap3A_86 = arith.constant 0 : index
    %swap3A_87 = arith.constant 0 : index
    %swap3A_88 = vector.load %arg12[%swap3A_86, %swap3A_87] : memref<5120x1xf32, #tpu.memory_space<vmem>>, vector<5120x1xf32>
    tpu.vector_store %arg12[%swap3A_86, %swap3A_87], %max3A_73 {strides = array<i32>} : memref<5120x1xf32, #tpu.memory_space<vmem>>, vector<5120x1xf32>,
    return
  }
}

module attributes {stable_mosaic.version = 14 : i64} {
  func.func @_layer_body(%arg0: memref<2x5120x64xf32, #tpu.memory_space<vmem>>, %arg1: memref<5120x1xf32, #tpu.memory_space<vmem>>, %arg2: memref<2x5120x64xf32, #tpu.memory_space<vmem>>, %arg3: memref<5120x1xf32, #tpu.memory_space<vmem>>, %arg4: memref<5120x1xf32, #tpu.memory_space<vmem>>, %arg5: memref<128x128xf32, #tpu.memory_space<vmem>>, %arg6: memref<128x1xf32, #tpu.memory_space<vmem>>, %arg7: memref<1x128xf32, #tpu.memory_space<vmem>>, %arg8: memref<1x1xf32, #tpu.memory_space<vmem>>, %arg9: memref<1x128xf32, #tpu.memory_space<vmem>>, %arg10: memref<1x1xf32, #tpu.memory_space<vmem>>, %arg11: memref<2x5120x64xf32, #tpu.memory_space<vmem>>, %arg12: memref<5120x1xf32, #tpu.memory_space<vmem>>) attributes {dimension_semantics = [], scalar_prefetch = 0 : i64, scratch_operands = 0 : i64, tpu.core_type = #tpu.core_type<tc>} {
    %get3A = arith.constant 0 : index
    %get3A_0 = arith.constant 0 : index
    %get3A_1 = vector.load %arg4[%get3A, %get3A_0] : memref<5120x1xf32, #tpu.memory_space<vmem>>, vector<5120x1xf32>
    %get3A_2 = arith.constant 0 : index
    %get3A_3 = arith.constant 0 : index
    %get3A_4 = arith.constant 0 : index
    %get3A_5 = vector.load %arg0[%get3A_2, %get3A_3, %get3A_4] : memref<2x5120x64xf32, #tpu.memory_space<vmem>>, vector<1x5120x64xf32>
    %get3A_6 = vector.shape_cast %get3A_5 : vector<1x5120x64xf32> to vector<5120x64xf32>
    %get3A_7 = arith.constant 1 : index
    %get3A_8 = arith.constant 0 : index
    %get3A_9 = arith.constant 0 : index
    %get3A_10 = vector.load %arg0[%get3A_7, %get3A_8, %get3A_9] : memref<2x5120x64xf32, #tpu.memory_space<vmem>>, vector<1x5120x64xf32>
    %get3A_11 = vector.shape_cast %get3A_10 : vector<1x5120x64xf32> to vector<5120x64xf32>
    %concatenate3A = tpu.concatenate %get3A_6, %get3A_11 in 1 : vector<5120x64xf32>, vector<5120x64xf32> -> vector<5120x128xf32>
    %get3A_12 = arith.constant 0 : index
    %get3A_13 = arith.constant 0 : index
    %get3A_14 = arith.constant 0 : index
    %get3A_15 = vector.load %arg2[%get3A_12, %get3A_13, %get3A_14] : memref<2x5120x64xf32, #tpu.memory_space<vmem>>, vector<1x5120x64xf32>
    %get3A_16 = vector.shape_cast %get3A_15 : vector<1x5120x64xf32> to vector<5120x64xf32>
    %get3A_17 = arith.constant 1 : index
    %get3A_18 = arith.constant 0 : index
    %get3A_19 = arith.constant 0 : index
    %get3A_20 = vector.load %arg2[%get3A_17, %get3A_18, %get3A_19] : memref<2x5120x64xf32, #tpu.memory_space<vmem>>, vector<1x5120x64xf32>
    %get3A_21 = vector.shape_cast %get3A_20 : vector<1x5120x64xf32> to vector<5120x64xf32>
    %concatenate3A_22 = tpu.concatenate %get3A_16, %get3A_21 in 1 : vector<5120x64xf32>, vector<5120x64xf32> -> vector<5120x128xf32>
    %mul3A = vector.broadcast %get3A_1 : vector<5120x1xf32> to vector<5120x128xf32>
    %mul3A_23 = arith.mulf %mul3A, %concatenate3A : vector<5120x128xf32>
    %mul3A_24 = arith.mulf %get3A_1, %get3A_1 : vector<5120x1xf32>
    %mul3A_25 = vector.broadcast %mul3A_24 : vector<5120x1xf32> to vector<5120x128xf32>
    %mul3A_26 = arith.mulf %mul3A_25, %concatenate3A_22 : vector<5120x128xf32>
    %add3A = arith.addf %mul3A_23, %mul3A_26 : vector<5120x128xf32>
    %get3A_27 = arith.constant 0 : index
    %get3A_28 = arith.constant 0 : index
    %get3A_29 = vector.load %arg1[%get3A_27, %get3A_28] : memref<5120x1xf32, #tpu.memory_space<vmem>>, vector<5120x1xf32>
    %mul3A_30 = arith.mulf %get3A_1, %get3A_29 : vector<5120x1xf32>
    %mul3A_31 = arith.mulf %get3A_1, %get3A_1 : vector<5120x1xf32>
    %get3A_32 = arith.constant 0 : index
    %get3A_33 = arith.constant 0 : index
    %get3A_34 = vector.load %arg3[%get3A_32, %get3A_33] : memref<5120x1xf32, #tpu.memory_space<vmem>>, vector<5120x1xf32>
    %mul3A_35 = arith.mulf %mul3A_31, %get3A_34 : vector<5120x1xf32>
    %add3A_36 = arith.addf %mul3A_30, %mul3A_35 : vector<5120x1xf32>
    %get3A_37 = arith.constant 0 : index
    %get3A_38 = arith.constant 0 : index
    %get3A_39 = vector.load %arg5[%get3A_37, %get3A_38] : memref<128x128xf32, #tpu.memory_space<vmem>>, vector<128x128xf32>
    %dot_general3A = arith.constant dense<0.000000e+00> : vector<5120x128xf32>
    %dot_general3A_40 = tpu.matmul %add3A, %get3A_39, %dot_general3A {dimension_numbers = #tpu.dot_dimension_numbers<[1], [0], [0], [1], [0, 0, 1, 1], [], []>, transpose_lhs_hint = false} : vector<5120x128xf32>, vector<128x128xf32>, vector<5120x128xf32> -> vector<5120x128xf32>
    %get3A_41 = arith.constant 0 : index
    %get3A_42 = arith.constant 0 : index
    %get3A_43 = vector.load %arg7[%get3A_41, %get3A_42] : memref<1x128xf32, #tpu.memory_space<vmem>>, vector<1x128xf32>
    %mul3A_44 = vector.broadcast %add3A_36 : vector<5120x1xf32> to vector<5120x128xf32>
    %mul3A_45 = vector.broadcast %get3A_43 : vector<1x128xf32> to vector<5120x128xf32>
    %mul3A_46 = arith.mulf %mul3A_44, %mul3A_45 : vector<5120x128xf32>
    %add3A_47 = arith.addf %dot_general3A_40, %mul3A_46 : vector<5120x128xf32>
    %get3A_48 = arith.constant 0 : index
    %get3A_49 = arith.constant 0 : index
    %get3A_50 = vector.load %arg9[%get3A_48, %get3A_49] : memref<1x128xf32, #tpu.memory_space<vmem>>, vector<1x128xf32>
    %add3A_51 = vector.broadcast %get3A_50 : vector<1x128xf32> to vector<5120x128xf32>
    %add3A_52 = arith.addf %add3A_47, %add3A_51 : vector<5120x128xf32>
    %get3A_53 = arith.constant 0 : index
    %get3A_54 = arith.constant 0 : index
    %get3A_55 = vector.load %arg6[%get3A_53, %get3A_54] : memref<128x1xf32, #tpu.memory_space<vmem>>, vector<128x1xf32>
    %dot_general3A_56 = arith.constant dense<0.000000e+00> : vector<5120x1xf32>
    %dot_general3A_57 = tpu.matmul %add3A, %get3A_55, %dot_general3A_56 {dimension_numbers = #tpu.dot_dimension_numbers<[1], [0], [0], [1], [0, 0, 1, 1], [], []>, transpose_lhs_hint = false} : vector<5120x128xf32>, vector<128x1xf32>, vector<5120x1xf32> -> vector<5120x1xf32>
    %get3A_58 = arith.constant 0 : index
    %get3A_59 = arith.constant 0 : index
    %get3A_60 = vector.load %arg8[%get3A_58, %get3A_59] : memref<1x1xf32, #tpu.memory_space<vmem>>, vector<1x1xf32>
    %mul3A_61 = vector.broadcast %get3A_60 : vector<1x1xf32> to vector<5120x1xf32>
    %mul3A_62 = arith.mulf %add3A_36, %mul3A_61 : vector<5120x1xf32>
    %add3A_63 = arith.addf %dot_general3A_57, %mul3A_62 : vector<5120x1xf32>
    %get3A_64 = arith.constant 0 : index
    %get3A_65 = arith.constant 0 : index
    %get3A_66 = vector.load %arg10[%get3A_64, %get3A_65] : memref<1x1xf32, #tpu.memory_space<vmem>>, vector<1x1xf32>
    %add3A_67 = vector.broadcast %get3A_66 : vector<1x1xf32> to vector<5120x1xf32>
    %add3A_68 = arith.addf %add3A_63, %add3A_67 : vector<5120x1xf32>
    %slice3A = vector.extract_strided_slice %add3A_52 {offsets = [0, 0], sizes = [5120, 64], strides = [1, 1]} : vector<5120x128xf32> to vector<5120x64xf32>
    %swap3A = arith.constant 0 : index
    %swap3A_69 = arith.constant 0 : index
    %swap3A_70 = arith.constant 0 : index
    %swap3A_71 = vector.load %arg11[%swap3A, %swap3A_69, %swap3A_70] : memref<2x5120x64xf32, #tpu.memory_space<vmem>>, vector<1x5120x64xf32>
    %swap3A_72 = vector.shape_cast %swap3A_71 : vector<1x5120x64xf32> to vector<5120x64xf32>
    %swap3A_73 = vector.shape_cast %slice3A : vector<5120x64xf32> to vector<1x5120x64xf32>
    tpu.vector_store %arg11[%swap3A, %swap3A_69, %swap3A_70], %swap3A_73 {strides = array<i32>} : memref<2x5120x64xf32, #tpu.memory_space<vmem>>, vector<1x5120x64xf32>,
    %slice3A_74 = vector.extract_strided_slice %add3A_52 {offsets = [0, 64], sizes = [5120, 64], strides = [1, 1]} : vector<5120x128xf32> to vector<5120x64xf32>
    %swap3A_75 = arith.constant 1 : index
    %swap3A_76 = arith.constant 0 : index
    %swap3A_77 = arith.constant 0 : index
    %swap3A_78 = vector.load %arg11[%swap3A_75, %swap3A_76, %swap3A_77] : memref<2x5120x64xf32, #tpu.memory_space<vmem>>, vector<1x5120x64xf32>
    %swap3A_79 = vector.shape_cast %swap3A_78 : vector<1x5120x64xf32> to vector<5120x64xf32>
    %swap3A_80 = vector.shape_cast %slice3A_74 : vector<5120x64xf32> to vector<1x5120x64xf32>
    tpu.vector_store %arg11[%swap3A_75, %swap3A_76, %swap3A_77], %swap3A_80 {strides = array<i32>} : memref<2x5120x64xf32, #tpu.memory_space<vmem>>, vector<1x5120x64xf32>,
    %swap3A_81 = arith.constant 0 : index
    %swap3A_82 = arith.constant 0 : index
    %swap3A_83 = vector.load %arg12[%swap3A_81, %swap3A_82] : memref<5120x1xf32, #tpu.memory_space<vmem>>, vector<5120x1xf32>
    tpu.vector_store %arg12[%swap3A_81, %swap3A_82], %add3A_68 {strides = array<i32>} : memref<5120x1xf32, #tpu.memory_space<vmem>>, vector<5120x1xf32>,
    return
  }
}

module attributes {stable_mosaic.version = 14 : i64} {
  func.func @_final_body(%arg0: memref<2x5120x64xf32, #tpu.memory_space<vmem>>, %arg1: memref<5120x1xf32, #tpu.memory_space<vmem>>, %arg2: memref<1xi32, #tpu.memory_space<smem>>, %arg3: memref<128x128xf32, #tpu.memory_space<vmem>>, %arg4: memref<128x1xf32, #tpu.memory_space<vmem>>, %arg5: memref<1x128xf32, #tpu.memory_space<vmem>>, %arg6: memref<1x1xf32, #tpu.memory_space<vmem>>, %arg7: memref<1x128xf32, #tpu.memory_space<vmem>>, %arg8: memref<1x1xf32, #tpu.memory_space<vmem>>, %arg9: memref<128x128xf32, #tpu.memory_space<vmem>>, %arg10: memref<128x1xf32, #tpu.memory_space<vmem>>, %arg11: memref<1x128xf32, #tpu.memory_space<vmem>>, %arg12: memref<1x1xf32, #tpu.memory_space<vmem>>, %arg13: memref<1x128xf32, #tpu.memory_space<vmem>>, %arg14: memref<1x1xf32, #tpu.memory_space<vmem>>, %arg15: memref<128x64xf32, #tpu.memory_space<vmem>>, %arg16: memref<1x64xf32, #tpu.memory_space<vmem>>, %arg17: memref<1x64xf32, #tpu.memory_space<vmem>>, %arg18: memref<64x64xf32, #tpu.memory_space<vmem>>, %arg19: memref<1x64xf32, #tpu.memory_space<vmem>>, %arg20: memref<64x128xf32, #tpu.memory_space<vmem>>, %arg21: memref<1x128xf32, #tpu.memory_space<vmem>>, %arg22: memref<128x128xf32, #tpu.memory_space<vmem>>, %arg23: memref<1x128xf32, #tpu.memory_space<vmem>>, %arg24: memref<1x128xf32, #tpu.memory_space<vmem>>) attributes {dimension_semantics = [], scalar_prefetch = 0 : i64, scratch_operands = 0 : i64, tpu.core_type = #tpu.core_type<tc>} {
    %get3A = arith.constant 0 : index
    %get3A_0 = arith.constant 0 : index
    %get3A_1 = arith.constant 0 : index
    %get3A_2 = vector.load %arg0[%get3A, %get3A_0, %get3A_1] : memref<2x5120x64xf32, #tpu.memory_space<vmem>>, vector<1x5120x64xf32>
    %get3A_3 = vector.shape_cast %get3A_2 : vector<1x5120x64xf32> to vector<5120x64xf32>
    %get3A_4 = arith.constant 1 : index
    %get3A_5 = arith.constant 0 : index
    %get3A_6 = arith.constant 0 : index
    %get3A_7 = vector.load %arg0[%get3A_4, %get3A_5, %get3A_6] : memref<2x5120x64xf32, #tpu.memory_space<vmem>>, vector<1x5120x64xf32>
    %get3A_8 = vector.shape_cast %get3A_7 : vector<1x5120x64xf32> to vector<5120x64xf32>
    %concatenate3A = tpu.concatenate %get3A_3, %get3A_8 in 1 : vector<5120x64xf32>, vector<5120x64xf32> -> vector<5120x128xf32>
    %get3A_9 = arith.constant 0 : index
    %get3A_10 = arith.constant 0 : index
    %get3A_11 = vector.load %arg1[%get3A_9, %get3A_10] : memref<5120x1xf32, #tpu.memory_space<vmem>>, vector<5120x1xf32>
    %get3A_12 = arith.constant 0 : index
    %get3A_13 = memref.load %arg2[%get3A_12] : memref<1xi32, #tpu.memory_space<smem>>
    %iota3A = tpu.iota {dimensions = array<i32: 0>} : vector<5120x1xi32>
    %eq3A = vector.broadcast %get3A_13 : i32 to vector<5120x1xi32>
    %eq3A_14 = arith.cmpi eq, %iota3A, %eq3A : vector<5120x1xi32>
    %convert_element_type3A = arith.extui %eq3A_14 : vector<5120x1xi1> to vector<5120x1xi32>
    %convert_element_type3A_15 = arith.sitofp %convert_element_type3A : vector<5120x1xi32> to vector<5120x1xf32>
    %mul3A = vector.broadcast %convert_element_type3A_15 : vector<5120x1xf32> to vector<5120x128xf32>
    %mul3A_16 = arith.mulf %concatenate3A, %mul3A : vector<5120x128xf32>
    %reduce_sum3A = arith.constant dense<0.000000e+00> : vector<128xf32>
    %reduce_sum3A_17 = vector.multi_reduction <add>, %mul3A_16, %reduce_sum3A [0] : vector<5120x128xf32> to vector<128xf32>
    %broadcast_in_dim3A = vector.shape_cast %reduce_sum3A_17 : vector<128xf32> to vector<1x128xf32>
    %mul3A_18 = arith.mulf %get3A_11, %convert_element_type3A_15 : vector<5120x1xf32>
    %reduce_sum3A_19 = arith.constant dense<0.000000e+00> : vector<1xf32>
    %reduce_sum3A_20 = vector.multi_reduction <add>, %mul3A_18, %reduce_sum3A_19 [0] : vector<5120x1xf32> to vector<1xf32>
    %broadcast_in_dim3A_21 = vector.shape_cast %reduce_sum3A_20 : vector<1xf32> to vector<1x1xf32>
    %get3A_22 = arith.constant 0 : index
    %get3A_23 = arith.constant 0 : index
    %get3A_24 = vector.load %arg3[%get3A_22, %get3A_23] : memref<128x128xf32, #tpu.memory_space<vmem>>, vector<128x128xf32>
    %dot_general3A = arith.constant dense<0.000000e+00> : vector<1x128xf32>
    %dot_general3A_25 = tpu.matmul %broadcast_in_dim3A, %get3A_24, %dot_general3A {dimension_numbers = #tpu.dot_dimension_numbers<[1], [0], [0], [1], [0, 0, 1, 1], [], []>, transpose_lhs_hint = false} : vector<1x128xf32>, vector<128x128xf32>, vector<1x128xf32> -> vector<1x128xf32>
    %get3A_26 = arith.constant 0 : index
    %get3A_27 = arith.constant 0 : index
    %get3A_28 = vector.load %arg5[%get3A_26, %get3A_27] : memref<1x128xf32, #tpu.memory_space<vmem>>, vector<1x128xf32>
    %mul3A_29 = vector.broadcast %broadcast_in_dim3A_21 : vector<1x1xf32> to vector<1x128xf32>
    %mul3A_30 = arith.mulf %mul3A_29, %get3A_28 : vector<1x128xf32>
    %add3A = arith.addf %dot_general3A_25, %mul3A_30 : vector<1x128xf32>
    %get3A_31 = arith.constant 0 : index
    %get3A_32 = arith.constant 0 : index
    %get3A_33 = vector.load %arg7[%get3A_31, %get3A_32] : memref<1x128xf32, #tpu.memory_space<vmem>>, vector<1x128xf32>
    %add3A_34 = arith.addf %add3A, %get3A_33 : vector<1x128xf32>
    %get3A_35 = arith.constant 0 : index
    %get3A_36 = arith.constant 0 : index
    %get3A_37 = vector.load %arg4[%get3A_35, %get3A_36] : memref<128x1xf32, #tpu.memory_space<vmem>>, vector<128x1xf32>
    %dot_general3A_38 = arith.constant dense<0.000000e+00> : vector<1x1xf32>
    %dot_general3A_39 = tpu.matmul %broadcast_in_dim3A, %get3A_37, %dot_general3A_38 {dimension_numbers = #tpu.dot_dimension_numbers<[1], [0], [0], [1], [0, 0, 1, 1], [], []>, transpose_lhs_hint = false} : vector<1x128xf32>, vector<128x1xf32>, vector<1x1xf32> -> vector<1x1xf32>
    %get3A_40 = arith.constant 0 : index
    %get3A_41 = arith.constant 0 : index
    %get3A_42 = vector.load %arg6[%get3A_40, %get3A_41] : memref<1x1xf32, #tpu.memory_space<vmem>>, vector<1x1xf32>
    %mul3A_43 = arith.mulf %broadcast_in_dim3A_21, %get3A_42 : vector<1x1xf32>
    %add3A_44 = arith.addf %dot_general3A_39, %mul3A_43 : vector<1x1xf32>
    %get3A_45 = arith.constant 0 : index
    %get3A_46 = arith.constant 0 : index
    %get3A_47 = vector.load %arg8[%get3A_45, %get3A_46] : memref<1x1xf32, #tpu.memory_space<vmem>>, vector<1x1xf32>
    %add3A_48 = arith.addf %add3A_44, %get3A_47 : vector<1x1xf32>
    %get3A_49 = arith.constant 0 : index
    %get3A_50 = arith.constant 0 : index
    %get3A_51 = vector.load %arg9[%get3A_49, %get3A_50] : memref<128x128xf32, #tpu.memory_space<vmem>>, vector<128x128xf32>
    %dot_general3A_52 = arith.constant dense<0.000000e+00> : vector<5120x128xf32>
    %dot_general3A_53 = tpu.matmul %concatenate3A, %get3A_51, %dot_general3A_52 {dimension_numbers = #tpu.dot_dimension_numbers<[1], [0], [0], [1], [0, 0, 1, 1], [], []>, transpose_lhs_hint = false} : vector<5120x128xf32>, vector<128x128xf32>, vector<5120x128xf32> -> vector<5120x128xf32>
    %get3A_54 = arith.constant 0 : index
    %get3A_55 = arith.constant 0 : index
    %get3A_56 = vector.load %arg11[%get3A_54, %get3A_55] : memref<1x128xf32, #tpu.memory_space<vmem>>, vector<1x128xf32>
    %mul3A_57 = vector.broadcast %get3A_11 : vector<5120x1xf32> to vector<5120x128xf32>
    %mul3A_58 = vector.broadcast %get3A_56 : vector<1x128xf32> to vector<5120x128xf32>
    %mul3A_59 = arith.mulf %mul3A_57, %mul3A_58 : vector<5120x128xf32>
    %add3A_60 = arith.addf %dot_general3A_53, %mul3A_59 : vector<5120x128xf32>
    %get3A_61 = arith.constant 0 : index
    %get3A_62 = arith.constant 0 : index
    %get3A_63 = vector.load %arg13[%get3A_61, %get3A_62] : memref<1x128xf32, #tpu.memory_space<vmem>>, vector<1x128xf32>
    %add3A_64 = vector.broadcast %get3A_63 : vector<1x128xf32> to vector<5120x128xf32>
    %add3A_65 = arith.addf %add3A_60, %add3A_64 : vector<5120x128xf32>
    %get3A_66 = arith.constant 0 : index
    %get3A_67 = arith.constant 0 : index
    %get3A_68 = vector.load %arg10[%get3A_66, %get3A_67] : memref<128x1xf32, #tpu.memory_space<vmem>>, vector<128x1xf32>
    %dot_general3A_69 = arith.constant dense<0.000000e+00> : vector<5120x1xf32>
    %dot_general3A_70 = tpu.matmul %concatenate3A, %get3A_68, %dot_general3A_69 {dimension_numbers = #tpu.dot_dimension_numbers<[1], [0], [0], [1], [0, 0, 1, 1], [], []>, transpose_lhs_hint = false} : vector<5120x128xf32>, vector<128x1xf32>, vector<5120x1xf32> -> vector<5120x1xf32>
    %get3A_71 = arith.constant 0 : index
    %get3A_72 = arith.constant 0 : index
    %get3A_73 = vector.load %arg12[%get3A_71, %get3A_72] : memref<1x1xf32, #tpu.memory_space<vmem>>, vector<1x1xf32>
    %mul3A_74 = vector.broadcast %get3A_73 : vector<1x1xf32> to vector<5120x1xf32>
    %mul3A_75 = arith.mulf %get3A_11, %mul3A_74 : vector<5120x1xf32>
    %add3A_76 = arith.addf %dot_general3A_70, %mul3A_75 : vector<5120x1xf32>
    %get3A_77 = arith.constant 0 : index
    %get3A_78 = arith.constant 0 : index
    %get3A_79 = vector.load %arg14[%get3A_77, %get3A_78] : memref<1x1xf32, #tpu.memory_space<vmem>>, vector<1x1xf32>
    %add3A_80 = vector.broadcast %get3A_79 : vector<1x1xf32> to vector<5120x1xf32>
    %add3A_81 = arith.addf %add3A_76, %add3A_80 : vector<5120x1xf32>
    %mul3A_82 = vector.broadcast %add3A_34 : vector<1x128xf32> to vector<5120x128xf32>
    %mul3A_83 = arith.mulf %add3A_65, %mul3A_82 : vector<5120x128xf32>
    %reduce_sum3A_84 = arith.constant dense<0.000000e+00> : vector<5120xf32>
    %reduce_sum3A_85 = vector.multi_reduction <add>, %mul3A_83, %reduce_sum3A_84 [1] : vector<5120x128xf32> to vector<5120xf32>
    %broadcast_in_dim3A_86 = vector.shape_cast %reduce_sum3A_85 : vector<5120xf32> to vector<5120x1xf32>
    %mul3A_87 = vector.broadcast %add3A_48 : vector<1x1xf32> to vector<5120x1xf32>
    %mul3A_88 = arith.mulf %add3A_81, %mul3A_87 : vector<5120x1xf32>
    %add3A_89 = arith.addf %broadcast_in_dim3A_86, %mul3A_88 : vector<5120x1xf32>
    %mul3A_90 = arith.constant 0.0880450904 : f32
    %mul3A_91 = vector.broadcast %mul3A_90 : f32 to vector<5120x1xf32>
    %mul3A_92 = arith.mulf %add3A_89, %mul3A_91 : vector<5120x1xf32>
    %lt3A = arith.constant 5000 : i32
    %lt3A_93 = vector.broadcast %lt3A : i32 to vector<5120x1xi32>
    %lt3A_94 = arith.cmpi slt, %iota3A, %lt3A_93 : vector<5120x1xi32>
    %jit3A = arith.constant -1.000000e+30 : f32
    %broadcast_in_dim3A_95 = vector.broadcast %jit3A : f32 to vector<5120x1xf32>
    %select_n3A = arith.select %lt3A_94, %mul3A_92, %broadcast_in_dim3A_95 : vector<5120x1xi1>, vector<5120x1xf32>
    %reduce_max3A = vector.shape_cast %select_n3A : vector<5120x1xf32> to vector<1x5120x1xf32>
    %reduce_max3A_96 = arith.constant dense<0xFF800000> : vector<1xf32>
    %reduce_max3A_97 = vector.multi_reduction <maximumf>, %reduce_max3A, %reduce_max3A_96 [1, 2] : vector<1x5120x1xf32> to vector<1xf32>
    %reduce_max3A_98 = vector.shape_cast %reduce_max3A_97 : vector<1xf32> to vector<1x1x1xf32>
    %reduce_max3A_99 = vector.extract %reduce_max3A_98[0, 0, 0] : f32 from vector<1x1x1xf32>
    %sub3A = vector.broadcast %reduce_max3A_99 : f32 to vector<5120x1xf32>
    %sub3A_100 = arith.subf %select_n3A, %sub3A : vector<5120x1xf32>
    %exp3A = math.exp %sub3A_100 : vector<5120x1xf32>
    %jit3A_101 = arith.constant 0.000000e+00 : f32
    %broadcast_in_dim3A_102 = vector.broadcast %jit3A_101 : f32 to vector<5120x1xf32>
    %select_n3A_103 = arith.select %lt3A_94, %exp3A, %broadcast_in_dim3A_102 : vector<5120x1xi1>, vector<5120x1xf32>
    %reduce_sum3A_104 = vector.shape_cast %select_n3A_103 : vector<5120x1xf32> to vector<1x5120x1xf32>
    %reduce_sum3A_105 = arith.constant dense<0.000000e+00> : vector<1xf32>
    %reduce_sum3A_106 = vector.multi_reduction <add>, %reduce_sum3A_104, %reduce_sum3A_105 [1, 2] : vector<1x5120x1xf32> to vector<1xf32>
    %reduce_sum3A_107 = vector.shape_cast %reduce_sum3A_106 : vector<1xf32> to vector<1x1x1xf32>
    %reduce_sum3A_108 = vector.extract %reduce_sum3A_107[0, 0, 0] : f32 from vector<1x1x1xf32>
    %div3A = vector.broadcast %reduce_sum3A_108 : f32 to vector<5120x1xf32>
    %div3A_109 = arith.divf %select_n3A_103, %div3A : vector<5120x1xf32>
    %mul3A_110 = vector.broadcast %div3A_109 : vector<5120x1xf32> to vector<5120x128xf32>
    %mul3A_111 = arith.mulf %concatenate3A, %mul3A_110 : vector<5120x128xf32>
    %reduce_sum3A_112 = arith.constant dense<0.000000e+00> : vector<128xf32>
    %reduce_sum3A_113 = vector.multi_reduction <add>, %mul3A_111, %reduce_sum3A_112 [0] : vector<5120x128xf32> to vector<128xf32>
    %broadcast_in_dim3A_114 = vector.shape_cast %reduce_sum3A_113 : vector<128xf32> to vector<1x128xf32>
    %mul3A_115 = arith.mulf %get3A_11, %div3A_109 : vector<5120x1xf32>
    %reduce_sum3A_116 = arith.constant dense<0.000000e+00> : vector<1xf32>
    %reduce_sum3A_117 = vector.multi_reduction <add>, %mul3A_115, %reduce_sum3A_116 [0] : vector<5120x1xf32> to vector<1xf32>
    %broadcast_in_dim3A_118 = vector.shape_cast %reduce_sum3A_117 : vector<1xf32> to vector<1x1xf32>
    %get3A_119 = arith.constant 0 : index
    %get3A_120 = arith.constant 0 : index
    %get3A_121 = vector.load %arg15[%get3A_119, %get3A_120] : memref<128x64xf32, #tpu.memory_space<vmem>>, vector<128x64xf32>
    %dot_general3A_122 = arith.constant dense<0.000000e+00> : vector<1x64xf32>
    %dot_general3A_123 = tpu.matmul %broadcast_in_dim3A_114, %get3A_121, %dot_general3A_122 {dimension_numbers = #tpu.dot_dimension_numbers<[1], [0], [0], [1], [0, 0, 1, 1], [], []>, transpose_lhs_hint = false} : vector<1x128xf32>, vector<128x64xf32>, vector<1x64xf32> -> vector<1x64xf32>
    %get3A_124 = arith.constant 0 : index
    %get3A_125 = arith.constant 0 : index
    %get3A_126 = vector.load %arg16[%get3A_124, %get3A_125] : memref<1x64xf32, #tpu.memory_space<vmem>>, vector<1x64xf32>
    %mul3A_127 = vector.broadcast %broadcast_in_dim3A_118 : vector<1x1xf32> to vector<1x64xf32>
    %mul3A_128 = arith.mulf %mul3A_127, %get3A_126 : vector<1x64xf32>
    %add3A_129 = arith.addf %dot_general3A_123, %mul3A_128 : vector<1x64xf32>
    %get3A_130 = arith.constant 0 : index
    %get3A_131 = arith.constant 0 : index
    %get3A_132 = vector.load %arg17[%get3A_130, %get3A_131] : memref<1x64xf32, #tpu.memory_space<vmem>>, vector<1x64xf32>
    %add3A_133 = arith.addf %add3A_129, %get3A_132 : vector<1x64xf32>
    %max3A = arith.constant 0.000000e+00 : f32
    %max3A_134 = vector.broadcast %max3A : f32 to vector<1x64xf32>
    %max3A_135 = arith.maximumf %add3A_133, %max3A_134 : vector<1x64xf32>
    %get3A_136 = arith.constant 0 : index
    %get3A_137 = arith.constant 0 : index
    %get3A_138 = vector.load %arg18[%get3A_136, %get3A_137] : memref<64x64xf32, #tpu.memory_space<vmem>>, vector<64x64xf32>
    %dot_general3A_139 = arith.constant dense<0.000000e+00> : vector<1x64xf32>
    %dot_general3A_140 = tpu.matmul %max3A_135, %get3A_138, %dot_general3A_139 {dimension_numbers = #tpu.dot_dimension_numbers<[1], [0], [0], [1], [0, 0, 1, 1], [], []>, transpose_lhs_hint = false} : vector<1x64xf32>, vector<64x64xf32>, vector<1x64xf32> -> vector<1x64xf32>
    %get3A_141 = arith.constant 0 : index
    %get3A_142 = arith.constant 0 : index
    %get3A_143 = vector.load %arg19[%get3A_141, %get3A_142] : memref<1x64xf32, #tpu.memory_space<vmem>>, vector<1x64xf32>
    %add3A_144 = arith.addf %dot_general3A_140, %get3A_143 : vector<1x64xf32>
    %max3A_145 = arith.constant 0.000000e+00 : f32
    %max3A_146 = vector.broadcast %max3A_145 : f32 to vector<1x64xf32>
    %max3A_147 = arith.maximumf %add3A_144, %max3A_146 : vector<1x64xf32>
    %get3A_148 = arith.constant 0 : index
    %get3A_149 = arith.constant 0 : index
    %get3A_150 = vector.load %arg20[%get3A_148, %get3A_149] : memref<64x128xf32, #tpu.memory_space<vmem>>, vector<64x128xf32>
    %dot_general3A_151 = arith.constant dense<0.000000e+00> : vector<1x128xf32>
    %dot_general3A_152 = tpu.matmul %max3A_147, %get3A_150, %dot_general3A_151 {dimension_numbers = #tpu.dot_dimension_numbers<[1], [0], [0], [1], [0, 0, 1, 1], [], []>, transpose_lhs_hint = false} : vector<1x64xf32>, vector<64x128xf32>, vector<1x128xf32> -> vector<1x128xf32>
    %get3A_153 = arith.constant 0 : index
    %get3A_154 = arith.constant 0 : index
    %get3A_155 = vector.load %arg21[%get3A_153, %get3A_154] : memref<1x128xf32, #tpu.memory_space<vmem>>, vector<1x128xf32>
    %add3A_156 = arith.addf %dot_general3A_152, %get3A_155 : vector<1x128xf32>
    %max3A_157 = arith.constant 0.000000e+00 : f32
    %max3A_158 = vector.broadcast %max3A_157 : f32 to vector<1x128xf32>
    %max3A_159 = arith.maximumf %add3A_156, %max3A_158 : vector<1x128xf32>
    %get3A_160 = arith.constant 0 : index
    %get3A_161 = arith.constant 0 : index
    %get3A_162 = vector.load %arg22[%get3A_160, %get3A_161] : memref<128x128xf32, #tpu.memory_space<vmem>>, vector<128x128xf32>
    %dot_general3A_163 = arith.constant dense<0.000000e+00> : vector<1x128xf32>
    %dot_general3A_164 = tpu.matmul %max3A_159, %get3A_162, %dot_general3A_163 {dimension_numbers = #tpu.dot_dimension_numbers<[1], [0], [0], [1], [0, 0, 1, 1], [], []>, transpose_lhs_hint = false} : vector<1x128xf32>, vector<128x128xf32>, vector<1x128xf32> -> vector<1x128xf32>
    %get3A_165 = arith.constant 0 : index
    %get3A_166 = arith.constant 0 : index
    %get3A_167 = vector.load %arg23[%get3A_165, %get3A_166] : memref<1x128xf32, #tpu.memory_space<vmem>>, vector<1x128xf32>
    %add3A_168 = arith.addf %dot_general3A_164, %get3A_167 : vector<1x128xf32>
    %swap3A = arith.constant 0 : index
    %swap3A_169 = arith.constant 0 : index
    %swap3A_170 = vector.load %arg24[%swap3A, %swap3A_169] : memref<1x128xf32, #tpu.memory_space<vmem>>, vector<1x128xf32>
    tpu.vector_store %arg24[%swap3A, %swap3A_169], %add3A_168 {strides = array<i32>} : memref<1x128xf32, #tpu.memory_space<vmem>>, vector<1x128xf32>,
    return
  }
}

</mosaic_0001>

<sc_bundles>
// kernel: kernel.11.cloned.1.call-start
scs
__scs_entry_jumppad:
0x0: {  	(pc) =	sbr.rel $0x88, $3  }
0x1: {  	(tag) =	ssettag $0x0;
	lr =	simm.s32 $0x1  }
0x2: {  	[smem:$0x3F8F] =	sst lr;
	_ =	strace $0xD0000000  }
0x3: {  	_ = 	snop  }
0x4: {  	_ = 	snop  }
0x5: {  	_ = 	snop  }
0x6: {  	_ = 	snop  }
0x7: {  	_ = 	snop  }
__scs_overlays_trampoline_lowered:
0x8: {  	[smem:$0x3F9E] =	sst s0  }
0x9: {  	[smem:$0x3F9F] =	sst s1  }
0xa: {  	[smem:$0x3FA0] =	sst s2  }
0xb: {  	[smem:$0x3FA1] =	sst s3  }
0xc: {  	[smem:$0x3FA2] =	sst s4  }
0xd: {  	[smem:$0x3FA3] =	sst s5  }
0xe: {  	[smem:$0x3FA4] =	sst s6  }
0xf: {  	[smem:$0x3FA5] =	sst s7  }
0x10: {  	[smem:$0x3FA6] =	sst s8  }
0x11: {  	[smem:$0x3FA7] =	sst s9;
	s0 =	simm.s32 @!p0 $0x0  }
0x12: {  	s1 =	sld [smem:$0x3F8D];
	s0 =	simm.s32 @p0 $0x1  }
0x13: {  	[smem:$0x3FA8] =	sst s0;
	s0 =	simm.s32 @!p1 $0x0  }
0x14: {  	s2 =	sld [smem:$0x3F8C];
	s0 =	simm.s32 @p1 $0x1  }
0x15: {  	[smem:$0x3FA9] =	sst s0;
	s0 =	simm.s32 @!p2 $0x0  }
0x16: {  	s3 =	sld [smem:$0x3FDB];
	s0 =	simm.s32 @p2 $0x1  }
0x17: {  	s4 =	simm.s32 $0x1BF5;
	[smem:$0x3FAB] =	sst s0  }
0x18: {  	s0 =	sld [smem:$0x3F8E];
	_ =	swait.ge [sflag:s4], $0x0  }
0x19: {  	s7 =	sld [smem:$0x3F8F]  }
0x1a: {  	s8 =	sadd.s32 $0xFFFFE003, lr  }
0x1b: {  	s9 =	sadd.s32 $0xFFFFFEF7, lr;
	s5 =	simm.s32 $0xFFFFFFFF;
	p2 =	slt.u32 s8, $0xFFFFF086  }
0x1c: {  	p1 =	slt.u32 s9, $0xF7A;
	s5 =	simm.s32 @!p2 $0x0  }
0x1d: {  	s5 =	simm.s32 @p1 $0x1;
	p0 =	seq.s32 s7, s2  }
0x1e: {  	s7 =	smul.u32 @!p0 $0xF7A, s2;
	p2 =	seq.s32 @!p0 s5, $0x0  }
0x1f: {  	s9 =	smul.u32 $0xF7A, s1;
	s8 =	simm.s32 @!p0 $0x1BF5;
	p2 =	por !p2, p0  }
0x20: {  	[sflag:s8] =	ssyncset.s32 @!p0 $0xFFFFF086;
	s6 =	sadd.s32 @!p0 s3, s7;
	s7 =	simm.s32 @!p0 $0x108  }
0x21: {  	s3 =	sadd.s32 s3, s9;
	s6 =	sadd.s32 @!p0 $0x88, s6;
	s7 =	simm.s32 @p2 $0x1082  }
0x22: {  	[simem:s7], [sflag:s8] =	dma.local @!p0 [hbm:s6], $0xF7A  }
0x23: {  	s9 =	sor.u32 $0xD0000000, s2;
	s6 =	simm.s32 $0x108;
	_ =	swait.ge @!p0 [sflag:s8], $0x0  }
0x24: {  	s3 =	sadd.s32 $0x88, s3;
	s6 =	simm.s32 @!p1 $0x1082;
	[sflag:s4] =	ssyncset.s32 $0xFFFFF086  }
0x25: {  	[simem:s6], [sflag:s4] =	dma.local [hbm:s3], $0xF7A  }
0x26: {  	[smem:$0x3F8F] =	sst s1;
	(tag) =	ssettag s2;
	_ =	strace s9  }
0x27: {  	s1 =	sld [smem:$0x3F9F]  }
0x28: {  	s2 =	sld [smem:$0x3FA0]  }
0x29: {  	s4 =	sld [smem:$0x3FA2]  }
0x2a: {  	p0 =	seq.s32 s5, $0x0;
	s5 =	sld [smem:$0x3FA3]  }
0x2b: {  	s6 =	sld [smem:$0x3FA4]  }
0x2c: {  	s7 =	sld [smem:$0x3FA5]  }
0x2d: {  	s3 =	simm.s32 $0x108;
	s8 =	sld [smem:$0x3FA6]  }
0x2e: {  	s3 =	simm.s32 @!p0 $0x1082;
	s9 =	sld [smem:$0x3FA7]  }
0x2f: {  	lr =	sadd.s32 s0, s3;
	s0 =	sld [smem:$0x3F9E]  }
0x30: {  	s3 =	sld [smem:$0x3FA1]  }
0x31: {  	[smem:$0x3FAA] =	sst s10  }
0x32: {  	s10 =	sld [smem:$0x3FA8];
	_ =	sdelay $0x3  }
0x33: {  	p0 =	seq.s32 s10, $0x1;
	s10 =	sld [smem:$0x3FAA];
	_ =	sdelay $0x3  }
0x34: {  	[smem:$0x3FAA] =	sst s10  }
0x35: {  	s10 =	sld [smem:$0x3FA9];
	_ =	sdelay $0x3  }
0x36: {  	p1 =	seq.s32 s10, $0x1;
	s10 =	sld [smem:$0x3FAA];
	_ =	sdelay $0x3  }
0x37: {  	[smem:$0x3FAA] =	sst s10  }
0x38: {  	s10 =	sld [smem:$0x3FAB]  }
0x39: {  	_ = 	snop;
	(pc) =	sbr.ind lr, $3  }
0x3a: {  	_ = 	snop  }
0x3b: {  	_ = 	snop  }
0x3c: {  	p2 =	seq.s32 s10, $0x1;
	s10 =	sld [smem:$0x3FAA]  }
0x3d: {  	_ =	shalt  }
0x3e: {  	_ =	shalt  }
0x3f: {  	_ =	shalt  }
0x40: {  	_ =	shalt  }
0x41: {  	_ =	shalt  }
0x42: {  	_ =	shalt  }
0x43: {  	_ =	shalt  }
0x44: {  	_ =	shalt  }
0x45: {  	_ =	shalt  }
0x46: {  	_ =	shalt  }
0x47: {  	_ =	shalt  }
0x48: {  	_ =	shalt  }
0x49: {  	_ =	shalt  }
0x4a: {  	_ =	shalt  }
0x4b: {  	_ =	shalt  }
0x4c: {  	_ =	shalt  }
0x4d: {  	_ =	shalt  }
0x4e: {  	_ =	shalt  }
0x4f: {  	_ =	shalt  }
0x50: {  	_ =	shalt  }
0x51: {  	_ =	shalt  }
0x52: {  	_ =	shalt  }
0x53: {  	_ =	shalt  }
0x54: {  	_ =	shalt  }
0x55: {  	_ =	shalt  }
0x56: {  	_ =	shalt  }
0x57: {  	_ =	shalt  }
0x58: {  	_ =	shalt  }
0x59: {  	_ =	shalt  }
0x5a: {  	_ =	shalt  }
0x5b: {  	_ =	shalt  }
0x5c: {  	_ =	shalt  }
0x5d: {  	_ =	shalt  }
0x5e: {  	_ =	shalt  }
0x5f: {  	_ =	shalt  }
0x60: {  	_ =	shalt  }
0x61: {  	_ =	shalt  }
0x62: {  	_ =	shalt  }
0x63: {  	_ =	shalt  }
0x64: {  	_ =	shalt  }
0x65: {  	_ =	shalt  }
0x66: {  	_ =	shalt  }
0x67: {  	_ =	shalt  }
0x68: {  	_ =	shalt  }
0x69: {  	_ =	shalt  }
0x6a: {  	_ =	shalt  }
0x6b: {  	_ =	shalt  }
0x6c: {  	_ =	shalt  }
0x6d: {  	_ =	shalt  }
0x6e: {  	_ =	shalt  }
0x6f: {  	_ =	shalt  }
0x70: {  	_ =	shalt  }
0x71: {  	_ =	shalt  }
0x72: {  	_ =	shalt  }
0x73: {  	_ =	shalt  }
0x74: {  	_ =	shalt  }
0x75: {  	_ =	shalt  }
0x76: {  	_ =	shalt  }
0x77: {  	_ =	shalt  }
0x78: {  	_ =	shalt  }
0x79: {  	_ =	shalt  }
0x7a: {  	_ =	shalt  }
0x7b: {  	_ =	shalt  }
0x7c: {  	_ =	shalt  }
0x7d: {  	_ =	shalt  }
0x7e: {  	_ =	shalt  }
0x7f: {  	_ =	shalt  }
0x80: {  	_ =	shalt  }
0x81: {  	_ =	shalt  }
0x82: {  	_ =	shalt  }
0x83: {  	_ =	shalt  }
0x84: {  	_ =	shalt  }
0x85: {  	_ =	shalt  }
0x86: {  	_ =	shalt  }
0x87: {  	_ =	shalt  }
.Lfunc_end0:
.L_simem_size_0:
called_computation.1_lowered:
.L_overlay_start_0:
0x88: {  	s2 =	sld [smem:$0x3FD9]  }
0x89: {  	s3 =	sld [smem:$0x3FFE];
	_ =	sdelay $0x1  }
0x8a: {  	s1 =	srdreg.scid  }
0x8b: {  	s0 =	sand.u32 $0x1, s1  }
0x8c: {  	s16 =	sshll.u32 s0, $0xA;
	s2 =	sadd.s32 s3, s2  }
0x8d: {  	s2 =	sadd.s32 s2, s16  }
0x8e: {  	[smem:$0x3FB6] =	sst s2  }
0x8f: {  	_ = 	snop  }
0x90: {  	(tm) =	ssettm $0x1  }
0x91: {  	s17 =	sld [smem:$0x3FFB];
	_ =	sdelay $0x3  }
0x92: {  	_ =	strace s17  }
0x93: {  	s2 =	sld [smem:$0x3FFC];
	_ =	sdelay $0x3  }
0x94: {  	_ =	strace s2  }
0x95: {  	s2 =	sld [smem:$0x3FFD];
	_ =	sdelay $0x3  }
0x96: {  	_ =	strace s2  }
0x97: {  	_ =	strace $0x8FFFFFFF  }
0x98: {  	s18 =	sld [smem:$0x3FDB];
	_ =	sdelay $0x1  }
0x99: {  	s19 =	simm.s32 $_scs_section_size  }
0x9a: {  	s4 =	simm.s32 $_size__tile_overlayer_lowered;
	s5 =	simm.s32 $_tile_overlayer_lowered  }
0x9b: {  	s22 =	simm.s32 $0x1BFF;
	s21 =	sshll.u32 s5, $0x1;
	s2 =	sadd.s32 s19, s18  }
0x9c: {  	s6 =	simm.s32 $0x0;
	s20 =	sshll.u32 s4, $0x1;
	s4 =	sadd.s32 s21, s2  }
0x9d: {  	[timem:s6], [sflag:s22] =	dma.local [hbm:s4], s20  }
0x9e: {  	_ =	swait.ge [sflag:s22], s20  }
0x9f: {  	s3 =	ssub.s32 $0x0, s20;
	[sflag:s22] =	ssyncset.done $0x0  }
0xa0: {  	[sflag:s22] =	ssyncadd.s32 s3;
	_ =	sdelay $0x1  }
0xa1: {  	s23 =	simm.s32 $0x1B8B  }
0xa2: {  	_ =	swait.ge [sflag:s23], $0x1  }
0xa3: {  	[sflag:s23] =	ssyncset.done $0x0  }
0xa4: {  	s25 =	simm.s32 $0x1B8E;
	s24 =	sld [smem:$0x3FFE];
	[sflag:s23] =	ssyncadd.s32 $0xFFFFFFFF  }
0xa5: {  	s26 =	simm.s32 $execute0_lowered;
	[smem:$0x3FD2] =	sst s25  }
0xa6: {  	s4 =	sshll.u32 s26, $0x1;
	_ =	strace $0x80000049;
	[dreg:$0x1] =	wrdreg $0xFFFFFFFF  }
0xa7: {  	s28 =	simm.s32 $_size_execute0_lowered;
	s2 =	sadd.s32 s2, s4;
	[dreg:$0x0] =	wrdreg $0x0  }
0xa8: {  	s4 =	sshll.u32 s28, $0x1;
	[dreg:$0x2] =	wrdreg s2  }
0xa9: {  	[dreg:$0x3] =	wrdreg s4  }
0xaa: {  	[dreg:$0x4] =	wrdreg $0xC0  }
0xab: {  	_ =	task [dreg:s6], $0x5FFFF  }
0xac: {  	[dreg:$0x1] =	wrdreg $0xFFFFFFFF  }
0xad: {  	[dreg:$0x0] =	wrdreg $0x60  }
0xae: {  	[dreg:$0x2] =	wrdreg s24  }
0xaf: {  	[dreg:$0x3] =	wrdreg $0x1A4000  }
0xb0: {  	[dreg:$0x4] =	wrdreg $0x154000  }
0xb1: {  	[dreg:$0x5] =	wrdreg $0x9  }
0xb2: {  	_ =	task.clear_ibuf [dreg:s6], $0x6FFFF;
	_ =	strace $0x90000049  }
0xb3: {  	s29 =	simm.s32 $0x9;
	_ =	strace $0x8000004B  }
0xb4: {  	_ =	swait.ge [sflag:s29], $0x1  }
0xb5: {  	[sflag:s29] =	ssyncadd.s32 $0xFFFFFFFF  }
0xb6: {  	_ =	strace $0x9000004B  }
0xb7: {  	_ =	sfence  }
0xb8: {  	s30 =	sld [smem:$0x0];
	_ =	sdelay $0x2  }
0xb9: {  	s31 =	sshll.u32 s1, $0xD;
	s1 =	sshrl.u32 s1, $0x2  }
0xba: {  	s3 =	sand.u32 $0x4000, s31;
	s1 =	sadd.s32 s1, s30  }
0xbb: {  	s0 =	sor.u32 s3, s0;
	s1 =	sshll.u32 s1, $0x11  }
0xbc: {  	s0 =	sor.u32 s1, s0  }
0xbd: {  	s0 =	sadd.s32 $0x8F2B, s0  }
0xbe: {  	[sflag:s0] =	ssyncadd.remote.s32 $0x1  }
0xbf: {  	_ =	sfence.sel $0xFFFF  }
0xc0: {  	[dreg:$0x0] =	wrdreg $0xFFFFFFFF;
	(pc) =	sbr.abs _section_cstart, $3  }
0xc1: {  	[dreg:$0x1] =	wrdreg $0xFFFFFFFF  }
0xc2: {  	_ =	task.clear_ibuf [dreg:s6], $0x2FFFF;
	_ =	strace $0x9FFFFFFF  }
0xc3: {  	(tm) =	ssettm $0x7FFFFFFF  }
tec
execute0_lowered:
.L_overlay_start_1:
0x0: {  	(tag) =	ssettag $0x1  }
0x1: {  	s0 =	rddreg [dreg:$0x0]  }
0x2: {  	s2 =	rddreg [dreg:$0x1]  }
0x3: {  	s3 =	rddreg [dreg:$0x2]  }
0x4: {  	s10 =	stileid.u32;
	s4 =	srdreg.scid;
	s6 =	simm.s32 $0x0  }
0x5: {  	s14 =	simm.s32 $0xB;
	s29 =	simm.s32 $0x2;
	s1 =	smul.u32 $0x500, s10  }
0x6: {  	s31 =	simm.s32 $0x6;
	s4 =	sand.u32 $0x1, s4;
	s5 =	smul.u32 $0x5000, s10  }
0x7: {  	[smem:$0x7FF] =	sst s6;
	s7 =	sadd.s32 $0x52000, s0;
	s16 =	smul.u32 $0x280, s10  }
0x8: {  	s9 =	sadd.s32 $0xBE00, s0;
	s19 =	smul.u32 $0x14000, s10;
	s10 =	sshll.u32 s10, $0x6  }
0x9: {  	s15 =	smul.u32 $0x50000, s4;
	_ =	strace $0x8000004A;
	[dreg:$0x4] =	wrdreg s7  }
0xa: {  	s8 =	ssub.s32 $0x2, s4;
	[dreg:$0x5] =	wrdreg s9;
	s12 =	sor.u32 $0x1C0B, s10  }
0xb: {  	p0 =	sne.s32 s4, $0x0;
	s7 =	simm.s32 $0x4;
	s9 =	simm.s32 $0x8  }
0xc: {  	s10 =	simm.s32 $0x5;
	s1 =	sadd.s32 s1, s0;
	s17 =	sshrl.u32 s8, $0x1  }
0xd: {  	s20 =	sadd.s32 s5, s2;
	s13 =	sadd.s32 s5, s3;
	[dreg:$0x7] =	wrdreg s12  }
0xe: {  	s6 =	sadd.s32 s5, s15;
	s18 =	ssub.s32 s8, s17;
	s21 =	sadd.s32 $0x4D000, s1  }
0xf: {  	s8 =	sshrl.u32 s19, $0x2;
	s22 =	sadd.s32 $0x1E00, s1;
	[dreg:$0xc] =	wrdreg s13  }
0x10: {  	s1 =	sadd.s32 $0x6E00, s1;
	s30 =	sshrl.u32 s20, $0x3;
	[dreg:$0x8] =	wrdreg s21  }
0x11: {  	s20 =	simm.s32 $0x7800;
	s5 =	simm.s32 $0x3;
	[dreg:$0x9] =	wrdreg s22  }
0x12: {  	s6 =	sshrl.u32 s6, $0x3;
	[dreg:$0xa] =	wrdreg s1;
	s23 =	sadd.s32 s8, s3  }
0x13: {  	s28 =	smax.u32 s18, $0x1;
	[dreg:$0x11] =	wrdreg s30;
	s21 =	simm.s32 $0x8C00  }
0x14: {  	s1 =	simm.s32 $0x1;
	s22 =	simm.s32 $0x13400;
	s8 =	simm.s32 $0x0  }
0x15: {  	s6 =	sadd.s32 s6, s0;
	s24 =	sadd.s32 $0x2000, s23;
	[dreg:$0x10] =	wrdreg s28  }
0x16: {  	s0 =	sadd.s32 s16, s0;
	s25 =	sadd.s32 $0x4000, s23;
	[dreg:$0xd] =	wrdreg s24  }
.Ltmp0:
0x17: {  	s11 =	sadd.s32 $0x39000, s6;
	[dreg:$0xe] =	wrdreg s25;
	(pc) =	sbr.rel .LBB2_1-.Ltmp0, $4  }
0x18: {  	s23 =	simm.s32 $0x5000;
	s0 =	sadd.s32 $0xC200, s0;
	[dreg:$0x6] =	wrdreg s11  }
0x19: {  	s26 =	sadd.s32 $0x52400, s6;
	s24 =	simm.s32 $0xA000;
	[dreg:$0xb] =	wrdreg s0  }
0x1a: {  	s25 =	simm.s32 $0xB400;
	s6 =	simm.s32 $0x7;
	[dreg:$0xf] =	wrdreg s26  }
0x1b: {  	v0 =	vimm.f32 $0.0e+00;
	s26 =	simm.s32 $0x80;
	s0 =	simm.s32 $0x11400;
	s11 =	simm.s32 $0x9  }
.LBB2_20:
0x1c: {  	s4 =	simm.s32 $0xA  }
0x1d: {  	_ =	swait.ge [sflag:s4], $0x2000  }
0x1e: {  	[sflag:s4] =	ssyncset.done $0x0  }
0x1f: {  	[sflag:s4] =	ssyncadd.s32 $0xFFFFE000  }
0x20: {  	[bflag:$0x0] =	sbarrier.arrive $0xFFFF  }
0x21: {  	s13 =	rddreg [dreg:$0xc]  }
0x22: {  	s12 =	rddreg [dreg:$0x7]  }
0x23: {  	s14 =	simm.s32 $0xB;
	s8 =	rddreg [dreg:$0xf];
	s19 =	sshrl.u32 s13, $0x3  }
0x24: {  	[hbm:s8], [sflag:s12] =	dma.local [spmem:s19], $0xA00  }
0x25: {  	_ =	swait.ge [sflag:s14], $0xA00  }
0x26: {  	s28 =	rddreg [dreg:$0x12]  }
0x27: {  	s30 =	rddreg [dreg:$0x10];
	s8 =	sadd.s32 $0x1, s28  }
0x28: {  	p1 =	sne.s32 s8, s30  }
.Ltmp1:
0x29: {  	_ = 	snop;
	(pc) =	sbr.rel @!p1 .LBB2_21-.Ltmp1, $3  }
0x2a: {  	_ =	sdelay $0x1  }
0x2b: {  	[sflag:s14] =	ssyncset.done $0x0  }
0x2c: {  	[sflag:s14] =	ssyncadd.s32 $0xFFFFF600  }
.LBB2_1:
0x2d: {  	[dreg:$0x12] =	wrdreg s8  }
0x2e: {  	s4 =	rddreg [dreg:$0x6]  }
0x2f: {  	s15 =	rddreg [dreg:$0x11]  }
0x30: {  	[spmem:s15], [sflag:s12] =	dma.local [hbm:s4], $0xA00  }
0x31: {  	_ =	swait.ge [sflag:s14], $0xA00  }
0x32: {  	[sflag:s14] =	ssyncset.done $0x0  }
0x33: {  	s16 =	simm.s32 $0x0;
	s17 =	rddreg [dreg:$0x5];
	[sflag:s14] =	ssyncadd.s32 $0xFFFFF600  }
0x34: {  	[tilespmem:s20], [sflag:$0xB] =	stream.linear.gather [hbm4b:s17+s16], $0x1400, $0x38;
	[tilespmem:$0x1F400] =	vst v63  }
0x35: {  	_ =	swait.ge [sflag:s14], $0x1400  }
0x36: {  	[sflag:s14] =	ssyncset.done $0x0  }
0x37: {  	s18 =	rddreg [dreg:$0x4];
	[sflag:s14] =	ssyncadd.s32 $0xFFFFEC00  }
0x38: {  	[tilespmem:s21], [sflag:$0xB] =	stream.linear.gather [hbm4b:s18+s16], $0x1400, $0x38;
	[tilespmem:$0x1F400] =	vst v63  }
0x39: {  	_ =	swait.ge [sflag:s14], $0x1400  }
0x3a: {  	[sflag:s14] =	ssyncset.done $0x0  }
0x3b: {  	s19 =	rddreg [dreg:$0x8];
	[sflag:s14] =	ssyncadd.s32 $0xFFFFEC00  }
0x3c: {  	[tilespmem:s16], [sflag:$0xB] =	stream.linear.gather [hbm4b:s19+s16], $0x2800, $0x38;
	[tilespmem:$0x1F400] =	vst v63  }
0x3d: {  	_ =	swait.ge [sflag:s14], $0x2800  }
0x3e: {  	[sflag:s14] =	ssyncset.done $0x0  }
0x3f: {  	s15 =	simm.s32 $0x2800;
	s28 =	rddreg [dreg:$0x9];
	[sflag:s14] =	ssyncadd.s32 $0xFFFFD800  }
0x40: {  	[tilespmem:s15], [sflag:$0xB] =	stream.linear.gather [hbm4b:s28+s16], $0x2800, $0x38;
	[tilespmem:$0x1F400] =	vst v63  }
0x41: {  	_ =	swait.ge [sflag:s14], $0x2800  }
0x42: {  	[sflag:s14] =	ssyncset.done $0x0  }
0x43: {  	s30 =	rddreg [dreg:$0xa];
	[sflag:s14] =	ssyncadd.s32 $0xFFFFD800  }
0x44: {  	[tilespmem:s23], [sflag:$0xB] =	stream.linear.gather [hbm4b:s30+s16], $0x2800, $0x38;
	[tilespmem:$0x1F400] =	vst v63  }
0x45: {  	_ =	swait.ge [sflag:s14], $0x2800  }
0x46: {  	[sflag:s14] =	ssyncset.done $0x0  }
0x47: {  	s4 =	simm.s32 $0x0;
	[sflag:s14] =	ssyncadd.s32 $0xFFFFD800  }
.LBB2_2:
0x48: {  	p1 =	sne.s32 s4, $0x4FC0  }
.Ltmp2:
0x49: {  	_ = 	snop;
	(pc) =	sbr.rel @p1 .LBB2_2-.Ltmp2, $3  }
0x4a: {  	_ =	sdelay $0x1  }
0x4b: {  	s8 =	sshra.s32 s4, $0x2  }
0x4c: {  	s4 =	sadd.s32 $0x40, s4;
	[tilespmem:s8+$0xA000] =	vst v0  }
0x4d: {  	s4 =	simm.s32 $0x0  }
.LBB2_4:
0x4e: {  	s8 =	sshra.s32 s4, $0x2  }
0x4f: {  	v1 =	vld [tilespmem:s8+$0x0];
	_ =	sdelay $0x6  }
0x50: {  	v2 =	vld [tilespmem:s8+$0x5000]  }
0x51: {  	v3 =	vld.idx.msk [tilespmem:v1+s20+$0x0], $0xffff;
	_ =	sdelay $0x4  }
0x52: {  	v2 =	vmul.f32 v3, v2;
	_ =	sdelay $0x1  }
0x53: {  	v3 =	vld [tilespmem:s8+$0x2800];
	[tilespmem:s8+$0x5000] =	vst v2  }
0x54: {  	v1 =	vld.idx.msk [tilespmem:v1+s21+$0x0], $0xffff;
	_ =	sdelay $0x4  }
0x55: {  	v1 =	vmul.f32 v1, v2;
	_ =	sdelay $0x1  }
0x56: {  	[tilespmem:v3+s24+$0x0] =	vst.idx.add.f32.msk $0xffff, v1  }
0x57: {  	v1 =	vld [tilespmem:s8+$0x10];
	_ =	sdelay $0x6  }
0x58: {  	v2 =	vld [tilespmem:s8+$0x5010]  }
0x59: {  	v3 =	vld.idx.msk [tilespmem:v1+s20+$0x0], $0xffff;
	_ =	sdelay $0x4  }
0x5a: {  	v2 =	vmul.f32 v3, v2;
	_ =	sdelay $0x1  }
0x5b: {  	v3 =	vld [tilespmem:s8+$0x2810];
	[tilespmem:s8+$0x5010] =	vst v2  }
0x5c: {  	v1 =	vld.idx.msk [tilespmem:v1+s21+$0x0], $0xffff;
	_ =	sdelay $0x4  }
0x5d: {  	v1 =	vmul.f32 v1, v2;
	_ =	sdelay $0x1  }
0x5e: {  	[tilespmem:v3+s24+$0x0] =	vst.idx.add.f32.msk $0xffff, v1  }
0x5f: {  	v1 =	vld [tilespmem:s8+$0x20];
	_ =	sdelay $0x6  }
0x60: {  	v2 =	vld [tilespmem:s8+$0x5020]  }
0x61: {  	v3 =	vld.idx.msk [tilespmem:v1+s20+$0x0], $0xffff;
	_ =	sdelay $0x4  }
0x62: {  	v2 =	vmul.f32 v3, v2;
	_ =	sdelay $0x1  }
0x63: {  	v3 =	vld [tilespmem:s8+$0x2820];
	[tilespmem:s8+$0x5020] =	vst v2  }
0x64: {  	v1 =	vld.idx.msk [tilespmem:v1+s21+$0x0], $0xffff;
	_ =	sdelay $0x4  }
0x65: {  	v1 =	vmul.f32 v1, v2;
	_ =	sdelay $0x1  }
0x66: {  	[tilespmem:v3+s24+$0x0] =	vst.idx.add.f32.msk $0xffff, v1  }
0x67: {  	v1 =	vld [tilespmem:s8+$0x30];
	_ =	sdelay $0x6  }
0x68: {  	v2 =	vld [tilespmem:s8+$0x5030]  }
0x69: {  	v3 =	vld.idx.msk [tilespmem:v1+s20+$0x0], $0xffff;
	_ =	sdelay $0x4  }
0x6a: {  	v2 =	vmul.f32 v3, v2;
	_ =	sdelay $0x1  }
0x6b: {  	v3 =	vld [tilespmem:s8+$0x2830];
	[tilespmem:s8+$0x5030] =	vst v2  }
0x6c: {  	v1 =	vld.idx.msk [tilespmem:v1+s21+$0x0], $0xffff;
	_ =	sdelay $0x4  }
0x6d: {  	v1 =	vmul.f32 v1, v2;
	_ =	sdelay $0x1  }
0x6e: {  	[tilespmem:v3+s24+$0x0] =	vst.idx.add.f32.msk $0xffff, v1  }
0x6f: {  	v1 =	vld [tilespmem:s8+$0x40];
	_ =	sdelay $0x6  }
0x70: {  	v2 =	vld [tilespmem:s8+$0x5040]  }
0x71: {  	v3 =	vld.idx.msk [tilespmem:v1+s20+$0x0], $0xffff;
	_ =	sdelay $0x4  }
0x72: {  	v2 =	vmul.f32 v3, v2;
	_ =	sdelay $0x1  }
0x73: {  	v3 =	vld [tilespmem:s8+$0x2840];
	[tilespmem:s8+$0x5040] =	vst v2  }
0x74: {  	v1 =	vld.idx.msk [tilespmem:v1+s21+$0x0], $0xffff;
	_ =	sdelay $0x4  }
0x75: {  	v1 =	vmul.f32 v1, v2;
	_ =	sdelay $0x1  }
0x76: {  	[tilespmem:v3+s24+$0x0] =	vst.idx.add.f32.msk $0xffff, v1  }
0x77: {  	v1 =	vld [tilespmem:s8+$0x50];
	_ =	sdelay $0x6  }
0x78: {  	v2 =	vld [tilespmem:s8+$0x5050]  }
0x79: {  	v3 =	vld.idx.msk [tilespmem:v1+s20+$0x0], $0xffff;
	_ =	sdelay $0x4  }
0x7a: {  	v2 =	vmul.f32 v3, v2;
	_ =	sdelay $0x1  }
0x7b: {  	v3 =	vld [tilespmem:s8+$0x2850];
	[tilespmem:s8+$0x5050] =	vst v2  }
0x7c: {  	v1 =	vld.idx.msk [tilespmem:v1+s21+$0x0], $0xffff;
	_ =	sdelay $0x4  }
0x7d: {  	v1 =	vmul.f32 v1, v2;
	_ =	sdelay $0x1  }
0x7e: {  	[tilespmem:v3+s24+$0x0] =	vst.idx.add.f32.msk $0xffff, v1  }
0x7f: {  	v1 =	vld [tilespmem:s8+$0x60];
	_ =	sdelay $0x6  }
0x80: {  	v2 =	vld [tilespmem:s8+$0x5060]  }
0x81: {  	v3 =	vld.idx.msk [tilespmem:v1+s20+$0x0], $0xffff;
	_ =	sdelay $0x4  }
0x82: {  	v2 =	vmul.f32 v3, v2;
	_ =	sdelay $0x1  }
0x83: {  	v3 =	vld [tilespmem:s8+$0x2860];
	[tilespmem:s8+$0x5060] =	vst v2  }
0x84: {  	v1 =	vld.idx.msk [tilespmem:v1+s21+$0x0], $0xffff;
	_ =	sdelay $0x4  }
0x85: {  	v1 =	vmul.f32 v1, v2;
	_ =	sdelay $0x1  }
0x86: {  	[tilespmem:v3+s24+$0x0] =	vst.idx.add.f32.msk $0xffff, v1  }
0x87: {  	v1 =	vld [tilespmem:s8+$0x70];
	_ =	sdelay $0x6  }
0x88: {  	v2 =	vld [tilespmem:s8+$0x5070]  }
0x89: {  	v3 =	vld.idx.msk [tilespmem:v1+s20+$0x0], $0xffff;
	_ =	sdelay $0x4  }
0x8a: {  	v2 =	vmul.f32 v3, v2;
	_ =	sdelay $0x1  }
0x8b: {  	v3 =	vld [tilespmem:s8+$0x2870];
	[tilespmem:s8+$0x5070] =	vst v2  }
0x8c: {  	v1 =	vld.idx.msk [tilespmem:v1+s21+$0x0], $0xffff;
	_ =	sdelay $0x1  }
0x8d: {  	p1 =	sne.s32 s4, $0x9E00  }
.Ltmp3:
0x8e: {  	_ = 	snop;
	(pc) =	sbr.rel @p1 .LBB2_4-.Ltmp3, $3  }
0x8f: {  	_ = 	snop  }
0x90: {  	v1 =	vmul.f32 v1, v2;
	_ =	sdelay $0x1  }
0x91: {  	s4 =	sadd.s32 $0x200, s4;
	[tilespmem:v3+s24+$0x0] =	vst.idx.add.f32.msk $0xffff, v1  }
0x92: {  	s4 =	simm.s32 @!p0 $0x0;
	s8 =	simm.s32 @!p0 $0xA000;
	s12 =	rddreg [dreg:$0xb]  }
0x93: {  	[hbm4b:s12+s4] =	stream.linear.scatter @!p0 [tilespmem:s8], [sflag:$0xB], $0x1400, $0x38;
	[tilespmem:$0x1F400] =	vst v63  }
0x94: {  	s4 =	simm.s32 @!p0 $0xB  }
0x95: {  	_ =	swait.ge @!p0 [sflag:s4], $0x1400  }
0x96: {  	[sflag:s4] =	ssyncset.done @!p0 $0x0  }
0x97: {  	s8 =	simm.s32 $0x100;
	[sflag:s4] =	ssyncadd.s32 @!p0 $0xFFFFEC00;
	s4 =	simm.s32 $0x0  }
.LBB2_6:
0x98: {  	p1 =	sne.s32 s8, $0x7F00;
	[tilespmem:s4+$0xB430] =	vst v0;
	s12 =	smov.u32 s8;
	s8 =	sadd.s32 $0x100, s8  }
.Ltmp4:
0x99: {  	[tilespmem:s4+$0xB420] =	vst v0;
	(pc) =	sbr.rel @p1 .LBB2_6-.Ltmp4, $3  }
0x9a: {  	[tilespmem:s4+$0xB400] =	vst v0  }
0x9b: {  	[tilespmem:s4+$0xB410] =	vst v0;
	_ =	sdelay $0x1  }
0x9c: {  	s4 =	sshra.s32 s12, $0x2  }
0x9d: {  	[tilespmem:s4+$0xB430] =	vst v0  }
0x9e: {  	[tilespmem:s4+$0xB420] =	vst v0  }
0x9f: {  	[tilespmem:s4+$0xB400] =	vst v0  }
0xa0: {  	[tilespmem:s4+$0xB410] =	vst v0  }
0xa1: {  	[spmem:s13] =	stream.linear.scatter [tilespmem:s25], [sflag:$0xB], $0x2000, $0x38;
	[tilespmem:$0x1F400] =	vst v63  }
0xa2: {  	_ =	swait.ge [sflag:s14], $0x2000  }
0xa3: {  	[sflag:s14] =	ssyncset.done $0x0  }
0xa4: {  	s17 =	rddreg [dreg:$0xd];
	[sflag:s14] =	ssyncadd.s32 $0xFFFFE000  }
0xa5: {  	[spmem:s17] =	stream.linear.scatter [tilespmem:s25], [sflag:$0xB], $0x2000, $0x38;
	[tilespmem:$0x1F400] =	vst v63  }
0xa6: {  	_ =	swait.ge [sflag:s14], $0x2000  }
0xa7: {  	[sflag:s14] =	ssyncset.done $0x0  }
0xa8: {  	s18 =	rddreg [dreg:$0xe];
	[sflag:s14] =	ssyncadd.s32 $0xFFFFE000  }
0xa9: {  	[spmem:s18] =	stream.linear.scatter [tilespmem:s25], [sflag:$0xB], $0x1000, $0x38;
	[tilespmem:$0x1F400] =	vst v63  }
0xaa: {  	_ =	swait.ge [sflag:s14], $0x1000  }
0xab: {  	[sflag:s14] =	ssyncset.done $0x0  }
0xac: {  	[sflag:s14] =	ssyncadd.s32 $0xFFFFF000  }
0xad: {  	s15 =	simm.s32 $0x0;
	[bflag:$0x0] =	sbarrier.arrive $0xFFFF  }
0xae: {  	[tilespmem:s25], [sflag:$0x1] =	stream.indirect.gather [spmem:s2], $0x40, s15, s26, $0xb8;
	[tilespmem:$0x1F400] =	vst v63  }
0xaf: {  	s19 =	simm.s32 $0xD400  }
0xb0: {  	[tilespmem:s19], [sflag:$0x2] =	stream.indirect.gather [spmem:s2], $0x40, s26, s26, $0xb8;
	[tilespmem:$0x1F400] =	vst v63  }
0xb1: {  	s28 =	simm.s32 $0x100;
	s8 =	simm.s32 $0xF400  }
0xb2: {  	[tilespmem:s8], [sflag:$0x3] =	stream.indirect.gather [spmem:s2], $0x40, s28, s26, $0xb8;
	[tilespmem:$0x1F400] =	vst v63  }
0xb3: {  	s30 =	simm.s32 $0x180;
	s16 =	simm.s32 $0x0  }
0xb4: {  	[tilespmem:s0], [sflag:$0x4] =	stream.indirect.gather [spmem:s2], $0x40, s30, s26, $0xb8;
	[tilespmem:$0x1F400] =	vst v63  }
.LBB2_8:
0xb5: {  	s12 =	smul.u32 $0x5, s16;
	_ =	sdelay $0x1  }
0xb6: {  	v2 =	vmov s15;
	s4 =	sshll.u32 s12, $0x7  }
0xb7: {  	v2 =	vand.u32 $0x7C, v2;
	v1 =	vmov s4  }
0xb8: {  	v2 =	vor.u32 v1, v2  }
0xb9: {  	v2 =	vbroadcast v2, $0x0;
	_ =	sdelay $0x1  }
0xba: {  	_ =	swait.ge [sflag:s1], $0x2000  }
0xbb: {  	[sflag:s1] =	ssyncset.done $0x0  }
0xbc: {  	s8 =	simm.s32 $0xB480;
	[sflag:s1] =	ssyncadd.s32 $0xFFFFE000  }
0xbd: {  	v3 =	vld [tilespmem:s8+$0xFFFFFF80]  }
0xbe: {  	v2 =	vld.idx.msk [tilespmem:v2+s23+$0x0], $0xffff  }
0xbf: {  	s19 =	simm.s32 $0x1;
	v4 =	vld [tilespmem:s8+$0xFFFFFF90]  }
0xc0: {  	v6 =	vmov s19;
	v5 =	vld [tilespmem:s8+$0xFFFFFFB0]  }
0xc1: {  	v6 =	vand.u32 $0x7D, v6;
	v7 =	vld [tilespmem:s8+$0xFFFFFFA0]  }
0xc2: {  	v6 =	vor.u32 v1, v6  }
0xc3: {  	v6 =	vbroadcast v6, $0x0;
	v3 =	vmul.f32 v3, v2  }
0xc4: {  	v4 =	vmul.f32 v4, v2  }
0xc5: {  	v5 =	vmul.f32 v5, v2;
	[tilespmem:s8+$0xFFFFFF80] =	vst v3  }
0xc6: {  	v2 =	vmul.f32 v7, v2;
	[tilespmem:s8+$0xFFFFFF90] =	vst v4  }
0xc7: {  	[tilespmem:s8+$0xFFFFFFB0] =	vst v5  }
0xc8: {  	[tilespmem:s8+$0xFFFFFFA0] =	vst v2;
	v3 =	vld [tilespmem:s8+$0xFFFFFFC0]  }
0xc9: {  	v2 =	vld.idx.msk [tilespmem:v6+s23+$0x0], $0xffff  }
0xca: {  	s28 =	simm.s32 $0x2;
	v4 =	vld [tilespmem:s8+$0xFFFFFFD0]  }
0xcb: {  	v5 =	vld [tilespmem:s8+$0xFFFFFFE0];
	v6 =	vmov s28  }
0xcc: {  	v7 =	vld [tilespmem:s8+$0xFFFFFFF0];
	v6 =	vand.u32 $0x7E, v6  }
0xcd: {  	v6 =	vor.u32 v1, v6  }
0xce: {  	v6 =	vbroadcast v6, $0x0;
	v3 =	vmul.f32 v3, v2  }
0xcf: {  	v4 =	vmul.f32 v4, v2  }
0xd0: {  	v5 =	vmul.f32 v5, v2;
	[tilespmem:s8+$0xFFFFFFC0] =	vst v3  }
0xd1: {  	v2 =	vmul.f32 v7, v2;
	[tilespmem:s8+$0xFFFFFFD0] =	vst v4  }
0xd2: {  	[tilespmem:s8+$0xFFFFFFE0] =	vst v5  }
0xd3: {  	v3 =	vld [tilespmem:s8+$0x0];
	[tilespmem:s8+$0xFFFFFFF0] =	vst v2  }
0xd4: {  	v2 =	vld.idx.msk [tilespmem:v6+s23+$0x0], $0xffff  }
0xd5: {  	s30 =	simm.s32 $0x3;
	v4 =	vld [tilespmem:s8+$0x20]  }
0xd6: {  	v5 =	vmov s30;
	v6 =	vld [tilespmem:s8+$0x10]  }
0xd7: {  	v5 =	vand.u32 $0x7F, v5  }
0xd8: {  	v8 =	vor.u32 v1, v5;
	v5 =	vld [tilespmem:s8+$0x30]  }
0xd9: {  	s13 =	simm.s32 $0x4;
	s4 =	simm.s32 $0xB480;
	v7 =	vmul.f32 v3, v2;
	v3 =	vbroadcast v8, $0x0  }
.LBB2_9:
0xda: {  	p1 =	slt.u32 s13, $0x7C  }
0xdb: {  	v6 =	vmul.f32 v6, v2;
	v4 =	vmul.f32 v4, v2;
	s8 =	sadd.s32 $0x100, s8;
	s14 =	smov.u32 s13;
	s13 =	sadd.s32 $0x4, s13  }
0xdc: {  	[tilespmem:s4+$0x0] =	vst v7  }
0xdd: {  	v2 =	vmul.f32 v5, v2;
	[tilespmem:s4+$0x10] =	vst v6  }
0xde: {  	[tilespmem:s4+$0x20] =	vst v4;
	v4 =	vld [tilespmem:s4+$0x70]  }
0xdf: {  	v5 =	vmov s14;
	[tilespmem:s4+$0x30] =	vst v2;
	v2 =	vld [tilespmem:s4+$0x40]  }
0xe0: {  	v5 =	vand.u32 $0x7C, v5;
	v3 =	vld.idx.msk [tilespmem:v3+s23+$0x0], $0xffff  }
0xe1: {  	v5 =	vor.u32 v1, v5;
	v6 =	vld [tilespmem:s4+$0x50]  }
0xe2: {  	v5 =	vbroadcast v5, $0x0;
	v7 =	vld [tilespmem:s4+$0x60];
	_ =	sdelay $0x3  }
0xe3: {  	v2 =	vmul.f32 v2, v3;
	v8 =	vld [tilespmem:s8+$0xFFFFFFA0];
	v6 =	vmul.f32 v6, v3  }
0xe4: {  	v9 =	vld [tilespmem:s8+$0xFFFFFFB0];
	v7 =	vmul.f32 v7, v3;
	v3 =	vmul.f32 v4, v3  }
0xe5: {  	[tilespmem:s4+$0x40] =	vst v2  }
0xe6: {  	[tilespmem:s4+$0x70] =	vst v3  }
0xe7: {  	s17 =	sadd.s32 $0x1, s14;
	[tilespmem:s4+$0x60] =	vst v7  }
0xe8: {  	v2 =	vmov s17;
	[tilespmem:s4+$0x50] =	vst v6;
	s4 =	smov.u32 s8  }
0xe9: {  	v2 =	vand.u32 $0x7D, v2;
	v3 =	vld.idx.msk [tilespmem:v5+s23+$0x0], $0xffff  }
0xea: {  	v2 =	vor.u32 v1, v2;
	v4 =	vld [tilespmem:s8+$0xFFFFFF80]  }
0xeb: {  	v2 =	vbroadcast v2, $0x0;
	v5 =	vld [tilespmem:s8+$0xFFFFFF90];
	_ =	sdelay $0x3  }
0xec: {  	v6 =	vmul.f32 v9, v3;
	v4 =	vmul.f32 v4, v3  }
0xed: {  	v5 =	vmul.f32 v5, v3;
	v3 =	vmul.f32 v8, v3  }
0xee: {  	[tilespmem:s8+$0xFFFFFF80] =	vst v4  }
0xef: {  	[tilespmem:s8+$0xFFFFFF90] =	vst v5  }
0xf0: {  	[tilespmem:s8+$0xFFFFFFB0] =	vst v6  }
0xf1: {  	[tilespmem:s8+$0xFFFFFFA0] =	vst v3;
	v3 =	vld [tilespmem:s8+$0xFFFFFFE0]  }
0xf2: {  	v2 =	vld.idx.msk [tilespmem:v2+s23+$0x0], $0xffff  }
0xf3: {  	v4 =	vld [tilespmem:s8+$0xFFFFFFC0]  }
0xf4: {  	s17 =	sadd.s32 $0x2, s14;
	v5 =	vld [tilespmem:s8+$0xFFFFFFD0]  }
0xf5: {  	v6 =	vmov s17  }
0xf6: {  	v6 =	vand.u32 $0x7E, v6;
	v7 =	vld [tilespmem:s8+$0xFFFFFFF0]  }
0xf7: {  	v6 =	vor.u32 v1, v6  }
0xf8: {  	v6 =	vbroadcast v6, $0x0;
	v4 =	vmul.f32 v4, v2  }
0xf9: {  	v3 =	vmul.f32 v3, v2;
	v5 =	vmul.f32 v5, v2  }
0xfa: {  	[tilespmem:s8+$0xFFFFFFC0] =	vst v4  }
0xfb: {  	[tilespmem:s8+$0xFFFFFFD0] =	vst v5;
	v2 =	vmul.f32 v7, v2  }
0xfc: {  	[tilespmem:s8+$0xFFFFFFE0] =	vst v3;
	v3 =	vld [tilespmem:s8+$0x0]  }
0xfd: {  	[tilespmem:s8+$0xFFFFFFF0] =	vst v2;
	v4 =	vld [tilespmem:s8+$0x20]  }
0xfe: {  	v2 =	vld.idx.msk [tilespmem:v6+s23+$0x0], $0xffff  }
0xff: {  	v6 =	vld [tilespmem:s8+$0x10]  }
.Ltmp5:
0x100: {  	s14 =	sadd.s32 $0x3, s14;
	v5 =	vld [tilespmem:s8+$0x30];
	(pc) =	sbr.rel @p1 .LBB2_9-.Ltmp5, $4  }
0x101: {  	v7 =	vmov s14  }
0x102: {  	v7 =	vand.u32 $0x7F, v7  }
0x103: {  	v8 =	vor.u32 v1, v7  }
0x104: {  	v7 =	vmul.f32 v3, v2;
	v3 =	vbroadcast v8, $0x0  }
0x105: {  	v1 =	vmul.f32 v6, v2  }
0x106: {  	v4 =	vmul.f32 v4, v2;
	[tilespmem:s4+$0x0] =	vst v7  }
0x107: {  	[tilespmem:s4+$0x10] =	vst v1;
	v1 =	vmul.f32 v5, v2  }
0x108: {  	[tilespmem:s4+$0x20] =	vst v4  }
0x109: {  	[tilespmem:s4+$0x30] =	vst v1;
	v1 =	vld [tilespmem:s4+$0x40]  }
0x10a: {  	v2 =	vld.idx.msk [tilespmem:v3+s23+$0x0], $0xffff  }
0x10b: {  	v3 =	vld [tilespmem:s4+$0x70]  }
0x10c: {  	v4 =	vld [tilespmem:s4+$0x60]  }
0x10d: {  	v5 =	vld [tilespmem:s4+$0x50];
	_ =	sdelay $0x1  }
0x10e: {  	v1 =	vmul.f32 v1, v2  }
0x10f: {  	v3 =	vmul.f32 v3, v2  }
0x110: {  	s8 =	smul.u32 $0xA00, s16;
	v4 =	vmul.f32 v4, v2;
	[tilespmem:s4+$0x40] =	vst v1  }
0x111: {  	s13 =	sadd.s32 $0x1, s12;
	v1 =	vmul.f32 v5, v2;
	[tilespmem:s4+$0x70] =	vst v3  }
0x112: {  	s14 =	simm.s32 $0x0;
	p1 =	seq.s32 s16, $0x0;
	s17 =	sshra.s32 s8, $0x2;
	[tilespmem:s4+$0x60] =	vst v4  }
0x113: {  	s13 =	sshll.u32 s13, $0x7;
	s30 =	sadd.s32 $0x2800, s17;
	v2 =	vmov s14;
	[tilespmem:s4+$0x50] =	vst v1;
	s4 =	simm.s32 @!p1 $0xA  }
0x114: {  	v2 =	vand.u32 $0x7C, v2;
	v1 =	vmov s13;
	[spmem:s3] =	stream.indirect.scatter.add.f32 [tilespmem:s25], [sflag:$0x6], $0x40, s30, s26, $0xb8;
	[tilespmem:$0x1F400] =	vst v63  }
0x115: {  	v2 =	vor.u32 v1, v2;
	_ =	swait.ge @!p1 [sflag:s4], $0x2000  }
0x116: {  	s18 =	sadd.s32 $0x4, s12;
	v2 =	vbroadcast v2, $0x0;
	[sflag:s4] =	ssyncset.done @!p1 $0x0  }
0x117: {  	s18 =	sshll.u32 s18, $0x7;
	[sflag:s4] =	ssyncadd.s32 @!p1 $0xFFFFE000  }
0x118: {  	[tilespmem:s22], [sflag:$0x5] =	stream.indirect.gather [spmem:s2], $0x40, s18, s26, $0xb8;
	[tilespmem:$0x1F400] =	vst v63  }
0x119: {  	_ =	swait.ge [sflag:s29], $0x2000  }
0x11a: {  	[sflag:s29] =	ssyncset.done $0x0  }
0x11b: {  	[sflag:s29] =	ssyncadd.s32 $0xFFFFE000  }
0x11c: {  	s4 =	simm.s32 $0xD4F0;
	v2 =	vld.idx.msk [tilespmem:v2+s23+$0x0], $0xffff  }
0x11d: {  	v3 =	vld [tilespmem:s4+$0xFFFFFF10]  }
0x11e: {  	s19 =	simm.s32 $0x1;
	v4 =	vld [tilespmem:s4+$0xFFFFFF20]  }
0x11f: {  	v6 =	vmov s19;
	v5 =	vld [tilespmem:s4+$0xFFFFFF40]  }
0x120: {  	v6 =	vand.u32 $0x7D, v6;
	v7 =	vld [tilespmem:s4+$0xFFFFFF30]  }
0x121: {  	v6 =	vor.u32 v1, v6  }
0x122: {  	v6 =	vbroadcast v6, $0x0;
	v3 =	vmul.f32 v3, v2  }
0x123: {  	v4 =	vmul.f32 v4, v2  }
0x124: {  	v5 =	vmul.f32 v5, v2;
	[tilespmem:s4+$0xFFFFFF10] =	vst v3  }
0x125: {  	v2 =	vmul.f32 v7, v2;
	[tilespmem:s4+$0xFFFFFF20] =	vst v4  }
0x126: {  	[tilespmem:s4+$0xFFFFFF40] =	vst v5  }
0x127: {  	[tilespmem:s4+$0xFFFFFF30] =	vst v2;
	v3 =	vld [tilespmem:s4+$0xFFFFFF50]  }
0x128: {  	v2 =	vld.idx.msk [tilespmem:v6+s23+$0x0], $0xffff  }
0x129: {  	s28 =	simm.s32 $0x2;
	v4 =	vld [tilespmem:s4+$0xFFFFFF60]  }
0x12a: {  	v5 =	vld [tilespmem:s4+$0xFFFFFF70];
	v6 =	vmov s28  }
0x12b: {  	v7 =	vld [tilespmem:s4+$0xFFFFFF80];
	v6 =	vand.u32 $0x7E, v6  }
0x12c: {  	v6 =	vor.u32 v1, v6  }
0x12d: {  	v6 =	vbroadcast v6, $0x0;
	v3 =	vmul.f32 v3, v2  }
0x12e: {  	v4 =	vmul.f32 v4, v2  }
0x12f: {  	v5 =	vmul.f32 v5, v2;
	[tilespmem:s4+$0xFFFFFF50] =	vst v3  }
0x130: {  	v2 =	vmul.f32 v7, v2;
	[tilespmem:s4+$0xFFFFFF60] =	vst v4  }
0x131: {  	[tilespmem:s4+$0xFFFFFF70] =	vst v5  }
0x132: {  	v3 =	vld [tilespmem:s4+$0xFFFFFF90];
	[tilespmem:s4+$0xFFFFFF80] =	vst v2  }
0x133: {  	v2 =	vld.idx.msk [tilespmem:v6+s23+$0x0], $0xffff  }
0x134: {  	s30 =	simm.s32 $0x3;
	v4 =	vld [tilespmem:s4+$0xFFFFFFB0]  }
0x135: {  	v5 =	vmov s30;
	v6 =	vld [tilespmem:s4+$0xFFFFFFA0]  }
0x136: {  	v5 =	vand.u32 $0x7F, v5  }
0x137: {  	v8 =	vor.u32 v1, v5;
	v5 =	vld [tilespmem:s4+$0xFFFFFFC0]  }
0x138: {  	s19 =	simm.s32 $0x4;
	s14 =	simm.s32 $0xD4F0;
	v7 =	vmul.f32 v3, v2;
	v3 =	vbroadcast v8, $0x0  }
.LBB2_11:
0x139: {  	p1 =	slt.u32 s19, $0x7C  }
0x13a: {  	v6 =	vmul.f32 v6, v2;
	v4 =	vmul.f32 v4, v2;
	s4 =	sadd.s32 $0x100, s4;
	s28 =	smov.u32 s19;
	s19 =	sadd.s32 $0x4, s19  }
0x13b: {  	[tilespmem:s14+$0xFFFFFF90] =	vst v7  }
0x13c: {  	v2 =	vmul.f32 v5, v2;
	[tilespmem:s14+$0xFFFFFFA0] =	vst v6  }
0x13d: {  	[tilespmem:s14+$0xFFFFFFB0] =	vst v4;
	v4 =	vld [tilespmem:s14+$0xFFFFFFF0]  }
0x13e: {  	v5 =	vmov s28;
	[tilespmem:s14+$0xFFFFFFC0] =	vst v2;
	v2 =	vld [tilespmem:s14+$0xFFFFFFD0]  }
0x13f: {  	v5 =	vand.u32 $0x7C, v5;
	v3 =	vld.idx.msk [tilespmem:v3+s23+$0x0], $0xffff  }
0x140: {  	v5 =	vor.u32 v1, v5;
	v6 =	vld [tilespmem:s14+$0xFFFFFFE0]  }
0x141: {  	v5 =	vbroadcast v5, $0x0;
	v7 =	vld [tilespmem:s14+$0x0];
	_ =	sdelay $0x3  }
0x142: {  	v2 =	vmul.f32 v2, v3;
	v8 =	vld [tilespmem:s4+$0xFFFFFF30];
	v6 =	vmul.f32 v6, v3  }
0x143: {  	v4 =	vmul.f32 v4, v3;
	v9 =	vld [tilespmem:s4+$0xFFFFFF40];
	v3 =	vmul.f32 v7, v3  }
0x144: {  	[tilespmem:s14+$0xFFFFFFD0] =	vst v2  }
0x145: {  	[tilespmem:s14+$0x0] =	vst v3  }
0x146: {  	s30 =	sadd.s32 $0x1, s28;
	[tilespmem:s14+$0xFFFFFFF0] =	vst v4  }
0x147: {  	v2 =	vmov s30;
	[tilespmem:s14+$0xFFFFFFE0] =	vst v6;
	s14 =	smov.u32 s4  }
0x148: {  	v2 =	vand.u32 $0x7D, v2;
	v3 =	vld.idx.msk [tilespmem:v5+s23+$0x0], $0xffff  }
0x149: {  	v2 =	vor.u32 v1, v2;
	v4 =	vld [tilespmem:s4+$0xFFFFFF10]  }
0x14a: {  	v2 =	vbroadcast v2, $0x0;
	v5 =	vld [tilespmem:s4+$0xFFFFFF20];
	_ =	sdelay $0x3  }
0x14b: {  	v6 =	vmul.f32 v9, v3;
	v4 =	vmul.f32 v4, v3  }
0x14c: {  	v5 =	vmul.f32 v5, v3;
	v3 =	vmul.f32 v8, v3  }
0x14d: {  	[tilespmem:s4+$0xFFFFFF10] =	vst v4  }
0x14e: {  	[tilespmem:s4+$0xFFFFFF20] =	vst v5  }
0x14f: {  	[tilespmem:s4+$0xFFFFFF40] =	vst v6  }
0x150: {  	[tilespmem:s4+$0xFFFFFF30] =	vst v3;
	v3 =	vld [tilespmem:s4+$0xFFFFFF70]  }
0x151: {  	v2 =	vld.idx.msk [tilespmem:v2+s23+$0x0], $0xffff  }
0x152: {  	v4 =	vld [tilespmem:s4+$0xFFFFFF50]  }
0x153: {  	s30 =	sadd.s32 $0x2, s28;
	v5 =	vld [tilespmem:s4+$0xFFFFFF60]  }
0x154: {  	v6 =	vmov s30  }
0x155: {  	v6 =	vand.u32 $0x7E, v6;
	v7 =	vld [tilespmem:s4+$0xFFFFFF80]  }
0x156: {  	v6 =	vor.u32 v1, v6  }
0x157: {  	v6 =	vbroadcast v6, $0x0;
	v4 =	vmul.f32 v4, v2  }
0x158: {  	v3 =	vmul.f32 v3, v2;
	v5 =	vmul.f32 v5, v2  }
0x159: {  	[tilespmem:s4+$0xFFFFFF50] =	vst v4  }
0x15a: {  	[tilespmem:s4+$0xFFFFFF60] =	vst v5;
	v2 =	vmul.f32 v7, v2  }
0x15b: {  	[tilespmem:s4+$0xFFFFFF70] =	vst v3;
	v3 =	vld [tilespmem:s4+$0xFFFFFF90]  }
0x15c: {  	[tilespmem:s4+$0xFFFFFF80] =	vst v2;
	v4 =	vld [tilespmem:s4+$0xFFFFFFB0]  }
0x15d: {  	v2 =	vld.idx.msk [tilespmem:v6+s23+$0x0], $0xffff  }
0x15e: {  	v6 =	vld [tilespmem:s4+$0xFFFFFFA0]  }
.Ltmp6:
0x15f: {  	s28 =	sadd.s32 $0x3, s28;
	v5 =	vld [tilespmem:s4+$0xFFFFFFC0];
	(pc) =	sbr.rel @p1 .LBB2_11-.Ltmp6, $4  }
0x160: {  	v7 =	vmov s28  }
0x161: {  	v7 =	vand.u32 $0x7F, v7  }
0x162: {  	v8 =	vor.u32 v1, v7  }
0x163: {  	v7 =	vmul.f32 v3, v2;
	v3 =	vbroadcast v8, $0x0  }
0x164: {  	v1 =	vmul.f32 v6, v2  }
0x165: {  	v4 =	vmul.f32 v4, v2;
	[tilespmem:s14+$0xFFFFFF90] =	vst v7  }
0x166: {  	[tilespmem:s14+$0xFFFFFFA0] =	vst v1;
	v1 =	vmul.f32 v5, v2  }
0x167: {  	[tilespmem:s14+$0xFFFFFFB0] =	vst v4  }
0x168: {  	[tilespmem:s14+$0xFFFFFFC0] =	vst v1;
	v1 =	vld [tilespmem:s14+$0xFFFFFFD0]  }
0x169: {  	v3 =	vld.idx.msk [tilespmem:v3+s23+$0x0], $0xffff  }
0x16a: {  	v4 =	vld [tilespmem:s14+$0x0]  }
0x16b: {  	v2 =	vld [tilespmem:s14+$0xFFFFFFF0]  }
0x16c: {  	v5 =	vld [tilespmem:s14+$0xFFFFFFE0];
	_ =	sdelay $0x1  }
0x16d: {  	v1 =	vmul.f32 v1, v3  }
0x16e: {  	v4 =	vmul.f32 v4, v3  }
0x16f: {  	v2 =	vmul.f32 v2, v3;
	[tilespmem:s14+$0xFFFFFFD0] =	vst v1  }
0x170: {  	v1 =	vmul.f32 v5, v3;
	[tilespmem:s14+$0x0] =	vst v4  }
0x171: {  	s4 =	sand.u32 $0x3FFFFF80, s13;
	s28 =	sadd.s32 $0x2, s12;
	s30 =	simm.s32 $0x0;
	[tilespmem:s14+$0xFFFFFFF0] =	vst v2  }
0x172: {  	s19 =	simm.s32 $0xD400;
	s4 =	sadd.s32 $0x2800, s4;
	s13 =	sshll.u32 s28, $0x7;
	v2 =	vmov s30;
	[tilespmem:s14+$0xFFFFFFE0] =	vst v1  }
0x173: {  	v2 =	vand.u32 $0x7C, v2;
	v1 =	vmov s13;
	[spmem:s3] =	stream.indirect.scatter.add.f32 [tilespmem:s19], [sflag:$0x7], $0x40, s4, s26, $0xb8;
	[tilespmem:$0x1F400] =	vst v63  }
0x174: {  	p1 =	seq.s32 s16, $0xF;
	v2 =	vor.u32 v1, v2;
	_ =	swait.ge [sflag:s31], $0x2000  }
0x175: {  	s8 =	sshra.s32 @!p1 s8, $0x2;
	s14 =	simm.s32 @!p1 $0x80;
	v2 =	vbroadcast v2, $0x0;
	[sflag:s31] =	ssyncset.done $0x0  }
0x176: {  	s4 =	sadd.s32 @!p1 $0x280, s8;
	s19 =	simm.s32 @!p1 $0xB400;
	[sflag:s31] =	ssyncadd.s32 $0xFFFFE000  }
0x177: {  	[tilespmem:s19], [sflag:$0x1] =	stream.indirect.gather @!p1 [spmem:s2], $0x40, s4, s14, $0xb8;
	[tilespmem:$0x1F400] =	vst v63  }
0x178: {  	_ =	swait.ge [sflag:s5], $0x2000  }
0x179: {  	[sflag:s5] =	ssyncset.done $0x0  }
0x17a: {  	[sflag:s5] =	ssyncadd.s32 $0xFFFFE000  }
0x17b: {  	s4 =	simm.s32 $0xF4F0;
	v2 =	vld.idx.msk [tilespmem:v2+s23+$0x0], $0xffff  }
0x17c: {  	v3 =	vld [tilespmem:s4+$0xFFFFFF10]  }
0x17d: {  	s19 =	simm.s32 $0x1;
	v4 =	vld [tilespmem:s4+$0xFFFFFF20]  }
0x17e: {  	v6 =	vmov s19;
	v5 =	vld [tilespmem:s4+$0xFFFFFF40]  }
0x17f: {  	v6 =	vand.u32 $0x7D, v6;
	v7 =	vld [tilespmem:s4+$0xFFFFFF30]  }
0x180: {  	v6 =	vor.u32 v1, v6  }
0x181: {  	v6 =	vbroadcast v6, $0x0;
	v3 =	vmul.f32 v3, v2  }
0x182: {  	v4 =	vmul.f32 v4, v2  }
0x183: {  	v5 =	vmul.f32 v5, v2;
	[tilespmem:s4+$0xFFFFFF10] =	vst v3  }
0x184: {  	v2 =	vmul.f32 v7, v2;
	[tilespmem:s4+$0xFFFFFF20] =	vst v4  }
0x185: {  	[tilespmem:s4+$0xFFFFFF40] =	vst v5  }
0x186: {  	[tilespmem:s4+$0xFFFFFF30] =	vst v2;
	v3 =	vld [tilespmem:s4+$0xFFFFFF50]  }
0x187: {  	v2 =	vld.idx.msk [tilespmem:v6+s23+$0x0], $0xffff  }
0x188: {  	s28 =	simm.s32 $0x2;
	v4 =	vld [tilespmem:s4+$0xFFFFFF60]  }
0x189: {  	v5 =	vld [tilespmem:s4+$0xFFFFFF70];
	v6 =	vmov s28  }
0x18a: {  	v7 =	vld [tilespmem:s4+$0xFFFFFF80];
	v6 =	vand.u32 $0x7E, v6  }
0x18b: {  	v6 =	vor.u32 v1, v6  }
0x18c: {  	v6 =	vbroadcast v6, $0x0;
	v3 =	vmul.f32 v3, v2  }
0x18d: {  	v4 =	vmul.f32 v4, v2  }
0x18e: {  	v5 =	vmul.f32 v5, v2;
	[tilespmem:s4+$0xFFFFFF50] =	vst v3  }
0x18f: {  	v2 =	vmul.f32 v7, v2;
	[tilespmem:s4+$0xFFFFFF60] =	vst v4  }
0x190: {  	[tilespmem:s4+$0xFFFFFF70] =	vst v5  }
0x191: {  	v3 =	vld [tilespmem:s4+$0xFFFFFF90];
	[tilespmem:s4+$0xFFFFFF80] =	vst v2  }
0x192: {  	v2 =	vld.idx.msk [tilespmem:v6+s23+$0x0], $0xffff  }
0x193: {  	s30 =	simm.s32 $0x3;
	v4 =	vld [tilespmem:s4+$0xFFFFFFB0]  }
0x194: {  	v5 =	vmov s30;
	v6 =	vld [tilespmem:s4+$0xFFFFFFA0]  }
0x195: {  	v5 =	vand.u32 $0x7F, v5  }
0x196: {  	v8 =	vor.u32 v1, v5;
	v5 =	vld [tilespmem:s4+$0xFFFFFFC0]  }
0x197: {  	s14 =	simm.s32 $0xF4F0;
	s19 =	simm.s32 $0x4;
	v7 =	vmul.f32 v3, v2;
	v3 =	vbroadcast v8, $0x0  }
.LBB2_13:
0x198: {  	p2 =	slt.u32 s19, $0x7C  }
0x199: {  	v6 =	vmul.f32 v6, v2;
	v4 =	vmul.f32 v4, v2;
	s4 =	sadd.s32 $0x100, s4;
	s28 =	smov.u32 s19;
	s19 =	sadd.s32 $0x4, s19  }
0x19a: {  	[tilespmem:s14+$0xFFFFFF90] =	vst v7  }
0x19b: {  	v2 =	vmul.f32 v5, v2;
	[tilespmem:s14+$0xFFFFFFA0] =	vst v6  }
0x19c: {  	[tilespmem:s14+$0xFFFFFFB0] =	vst v4;
	v4 =	vld [tilespmem:s14+$0xFFFFFFF0]  }
0x19d: {  	v5 =	vmov s28;
	[tilespmem:s14+$0xFFFFFFC0] =	vst v2;
	v2 =	vld [tilespmem:s14+$0xFFFFFFD0]  }
0x19e: {  	v5 =	vand.u32 $0x7C, v5;
	v3 =	vld.idx.msk [tilespmem:v3+s23+$0x0], $0xffff  }
0x19f: {  	v5 =	vor.u32 v1, v5;
	v6 =	vld [tilespmem:s14+$0xFFFFFFE0]  }
0x1a0: {  	v5 =	vbroadcast v5, $0x0;
	v7 =	vld [tilespmem:s14+$0x0];
	_ =	sdelay $0x3  }
0x1a1: {  	v2 =	vmul.f32 v2, v3;
	v8 =	vld [tilespmem:s4+$0xFFFFFF30];
	v6 =	vmul.f32 v6, v3  }
0x1a2: {  	v4 =	vmul.f32 v4, v3;
	v9 =	vld [tilespmem:s4+$0xFFFFFF40];
	v3 =	vmul.f32 v7, v3  }
0x1a3: {  	[tilespmem:s14+$0xFFFFFFD0] =	vst v2  }
0x1a4: {  	[tilespmem:s14+$0x0] =	vst v3  }
0x1a5: {  	s30 =	sadd.s32 $0x1, s28;
	[tilespmem:s14+$0xFFFFFFF0] =	vst v4  }
0x1a6: {  	v2 =	vmov s30;
	[tilespmem:s14+$0xFFFFFFE0] =	vst v6;
	s14 =	smov.u32 s4  }
0x1a7: {  	v2 =	vand.u32 $0x7D, v2;
	v3 =	vld.idx.msk [tilespmem:v5+s23+$0x0], $0xffff  }
0x1a8: {  	v2 =	vor.u32 v1, v2;
	v4 =	vld [tilespmem:s4+$0xFFFFFF10]  }
0x1a9: {  	v2 =	vbroadcast v2, $0x0;
	v5 =	vld [tilespmem:s4+$0xFFFFFF20];
	_ =	sdelay $0x3  }
0x1aa: {  	v6 =	vmul.f32 v9, v3;
	v4 =	vmul.f32 v4, v3  }
0x1ab: {  	v5 =	vmul.f32 v5, v3;
	v3 =	vmul.f32 v8, v3  }
0x1ac: {  	[tilespmem:s4+$0xFFFFFF10] =	vst v4  }
0x1ad: {  	[tilespmem:s4+$0xFFFFFF20] =	vst v5  }
0x1ae: {  	[tilespmem:s4+$0xFFFFFF40] =	vst v6  }
0x1af: {  	[tilespmem:s4+$0xFFFFFF30] =	vst v3;
	v3 =	vld [tilespmem:s4+$0xFFFFFF70]  }
0x1b0: {  	v2 =	vld.idx.msk [tilespmem:v2+s23+$0x0], $0xffff  }
0x1b1: {  	v4 =	vld [tilespmem:s4+$0xFFFFFF50]  }
0x1b2: {  	s30 =	sadd.s32 $0x2, s28;
	v5 =	vld [tilespmem:s4+$0xFFFFFF60]  }
0x1b3: {  	v6 =	vmov s30  }
0x1b4: {  	v6 =	vand.u32 $0x7E, v6;
	v7 =	vld [tilespmem:s4+$0xFFFFFF80]  }
0x1b5: {  	v6 =	vor.u32 v1, v6  }
0x1b6: {  	v6 =	vbroadcast v6, $0x0;
	v4 =	vmul.f32 v4, v2  }
0x1b7: {  	v3 =	vmul.f32 v3, v2;
	v5 =	vmul.f32 v5, v2  }
0x1b8: {  	[tilespmem:s4+$0xFFFFFF50] =	vst v4  }
0x1b9: {  	[tilespmem:s4+$0xFFFFFF60] =	vst v5;
	v2 =	vmul.f32 v7, v2  }
0x1ba: {  	[tilespmem:s4+$0xFFFFFF70] =	vst v3;
	v3 =	vld [tilespmem:s4+$0xFFFFFF90]  }
0x1bb: {  	[tilespmem:s4+$0xFFFFFF80] =	vst v2;
	v4 =	vld [tilespmem:s4+$0xFFFFFFB0]  }
0x1bc: {  	v2 =	vld.idx.msk [tilespmem:v6+s23+$0x0], $0xffff  }
0x1bd: {  	v6 =	vld [tilespmem:s4+$0xFFFFFFA0]  }
.Ltmp7:
0x1be: {  	s28 =	sadd.s32 $0x3, s28;
	v5 =	vld [tilespmem:s4+$0xFFFFFFC0];
	(pc) =	sbr.rel @p2 .LBB2_13-.Ltmp7, $4  }
0x1bf: {  	v7 =	vmov s28  }
0x1c0: {  	v7 =	vand.u32 $0x7F, v7  }
0x1c1: {  	v8 =	vor.u32 v1, v7  }
0x1c2: {  	v7 =	vmul.f32 v3, v2;
	v3 =	vbroadcast v8, $0x0  }
0x1c3: {  	v1 =	vmul.f32 v6, v2  }
0x1c4: {  	v4 =	vmul.f32 v4, v2;
	[tilespmem:s14+$0xFFFFFF90] =	vst v7  }
0x1c5: {  	[tilespmem:s14+$0xFFFFFFA0] =	vst v1;
	v1 =	vmul.f32 v5, v2  }
0x1c6: {  	[tilespmem:s14+$0xFFFFFFB0] =	vst v4  }
0x1c7: {  	[tilespmem:s14+$0xFFFFFFC0] =	vst v1;
	v1 =	vld [tilespmem:s14+$0xFFFFFFD0]  }
0x1c8: {  	v3 =	vld.idx.msk [tilespmem:v3+s23+$0x0], $0xffff  }
0x1c9: {  	v4 =	vld [tilespmem:s14+$0x0]  }
0x1ca: {  	v2 =	vld [tilespmem:s14+$0xFFFFFFF0]  }
0x1cb: {  	v5 =	vld [tilespmem:s14+$0xFFFFFFE0];
	_ =	sdelay $0x1  }
0x1cc: {  	v1 =	vmul.f32 v1, v3  }
0x1cd: {  	v4 =	vmul.f32 v4, v3  }
0x1ce: {  	v2 =	vmul.f32 v2, v3;
	[tilespmem:s14+$0xFFFFFFD0] =	vst v1  }
0x1cf: {  	v1 =	vmul.f32 v5, v3;
	[tilespmem:s14+$0x0] =	vst v4  }
0x1d0: {  	s4 =	sand.u32 $0x3FFFFF80, s13;
	s30 =	simm.s32 $0xF400;
	s13 =	sadd.s32 $0x3, s12;
	[tilespmem:s14+$0xFFFFFFF0] =	vst v2  }
0x1d1: {  	s4 =	sadd.s32 $0x2800, s4;
	s12 =	sshll.u32 s13, $0x7;
	[tilespmem:s14+$0xFFFFFFE0] =	vst v1;
	s14 =	simm.s32 $0x0  }
0x1d2: {  	[spmem:s3] =	stream.indirect.scatter.add.f32 [tilespmem:s30], [sflag:$0x8], $0x40, s4, s26, $0xb8;
	v2 =	vmov s14;
	[tilespmem:$0x1F400] =	vst v63  }
0x1d3: {  	v1 =	vmov s12;
	_ =	swait.ge [sflag:s6], $0x2000;
	v2 =	vand.u32 $0x7C, v2  }
0x1d4: {  	s13 =	simm.s32 @!p1 $0x80;
	[sflag:s6] =	ssyncset.done $0x0;
	v2 =	vor.u32 v1, v2  }
0x1d5: {  	s4 =	sadd.s32 @!p1 $0x300, s8;
	s14 =	simm.s32 @!p1 $0xD400;
	[sflag:s6] =	ssyncadd.s32 $0xFFFFE000;
	v2 =	vbroadcast v2, $0x0  }
0x1d6: {  	[tilespmem:s14], [sflag:$0x2] =	stream.indirect.gather @!p1 [spmem:s2], $0x40, s4, s13, $0xb8;
	[tilespmem:$0x1F400] =	vst v63  }
0x1d7: {  	_ =	swait.ge [sflag:s7], $0x2000  }
0x1d8: {  	[sflag:s7] =	ssyncset.done $0x0  }
0x1d9: {  	s4 =	simm.s32 $0x114F0;
	[sflag:s7] =	ssyncadd.s32 $0xFFFFE000  }
0x1da: {  	v3 =	vld [tilespmem:s4+$0xFFFFFF10]  }
0x1db: {  	v2 =	vld.idx.msk [tilespmem:v2+s23+$0x0], $0xffff  }
0x1dc: {  	s19 =	simm.s32 $0x1;
	v4 =	vld [tilespmem:s4+$0xFFFFFF20]  }
0x1dd: {  	v6 =	vmov s19;
	v5 =	vld [tilespmem:s4+$0xFFFFFF40]  }
0x1de: {  	v6 =	vand.u32 $0x7D, v6;
	v7 =	vld [tilespmem:s4+$0xFFFFFF30]  }
0x1df: {  	v6 =	vor.u32 v1, v6  }
0x1e0: {  	v6 =	vbroadcast v6, $0x0;
	v3 =	vmul.f32 v3, v2  }
0x1e1: {  	v4 =	vmul.f32 v4, v2  }
0x1e2: {  	v5 =	vmul.f32 v5, v2;
	[tilespmem:s4+$0xFFFFFF10] =	vst v3  }
0x1e3: {  	v2 =	vmul.f32 v7, v2;
	[tilespmem:s4+$0xFFFFFF20] =	vst v4  }
0x1e4: {  	[tilespmem:s4+$0xFFFFFF40] =	vst v5  }
0x1e5: {  	[tilespmem:s4+$0xFFFFFF30] =	vst v2;
	v3 =	vld [tilespmem:s4+$0xFFFFFF50]  }
0x1e6: {  	v2 =	vld.idx.msk [tilespmem:v6+s23+$0x0], $0xffff  }
0x1e7: {  	s28 =	simm.s32 $0x2;
	v4 =	vld [tilespmem:s4+$0xFFFFFF60]  }
0x1e8: {  	v5 =	vld [tilespmem:s4+$0xFFFFFF70];
	v6 =	vmov s28  }
0x1e9: {  	v7 =	vld [tilespmem:s4+$0xFFFFFF80];
	v6 =	vand.u32 $0x7E, v6  }
0x1ea: {  	v6 =	vor.u32 v1, v6  }
0x1eb: {  	v6 =	vbroadcast v6, $0x0;
	v3 =	vmul.f32 v3, v2  }
0x1ec: {  	v4 =	vmul.f32 v4, v2  }
0x1ed: {  	v5 =	vmul.f32 v5, v2;
	[tilespmem:s4+$0xFFFFFF50] =	vst v3  }
0x1ee: {  	v2 =	vmul.f32 v7, v2;
	[tilespmem:s4+$0xFFFFFF60] =	vst v4  }
0x1ef: {  	[tilespmem:s4+$0xFFFFFF70] =	vst v5  }
0x1f0: {  	v3 =	vld [tilespmem:s4+$0xFFFFFF90];
	[tilespmem:s4+$0xFFFFFF80] =	vst v2  }
0x1f1: {  	v2 =	vld.idx.msk [tilespmem:v6+s23+$0x0], $0xffff  }
0x1f2: {  	s30 =	simm.s32 $0x3;
	v4 =	vld [tilespmem:s4+$0xFFFFFFB0]  }
0x1f3: {  	v5 =	vmov s30;
	v6 =	vld [tilespmem:s4+$0xFFFFFFA0]  }
0x1f4: {  	v5 =	vand.u32 $0x7F, v5  }
0x1f5: {  	v8 =	vor.u32 v1, v5;
	v5 =	vld [tilespmem:s4+$0xFFFFFFC0]  }
0x1f6: {  	s14 =	simm.s32 $0x4;
	s13 =	simm.s32 $0x114F0;
	v7 =	vmul.f32 v3, v2;
	v3 =	vbroadcast v8, $0x0  }
.LBB2_15:
0x1f7: {  	p2 =	slt.u32 s14, $0x7C  }
0x1f8: {  	v6 =	vmul.f32 v6, v2;
	v4 =	vmul.f32 v4, v2;
	s4 =	sadd.s32 $0x100, s4;
	s19 =	smov.u32 s14;
	s14 =	sadd.s32 $0x4, s14  }
0x1f9: {  	[tilespmem:s13+$0xFFFFFF90] =	vst v7  }
0x1fa: {  	v2 =	vmul.f32 v5, v2;
	[tilespmem:s13+$0xFFFFFFA0] =	vst v6  }
0x1fb: {  	[tilespmem:s13+$0xFFFFFFB0] =	vst v4;
	v4 =	vld [tilespmem:s13+$0xFFFFFFF0]  }
0x1fc: {  	v5 =	vmov s19;
	[tilespmem:s13+$0xFFFFFFC0] =	vst v2;
	v2 =	vld [tilespmem:s13+$0xFFFFFFD0]  }
0x1fd: {  	v5 =	vand.u32 $0x7C, v5;
	v3 =	vld.idx.msk [tilespmem:v3+s23+$0x0], $0xffff  }
0x1fe: {  	v5 =	vor.u32 v1, v5;
	v6 =	vld [tilespmem:s13+$0xFFFFFFE0]  }
0x1ff: {  	v5 =	vbroadcast v5, $0x0;
	v7 =	vld [tilespmem:s13+$0x0];
	_ =	sdelay $0x3  }
0x200: {  	v2 =	vmul.f32 v2, v3;
	v8 =	vld [tilespmem:s4+$0xFFFFFF30];
	v6 =	vmul.f32 v6, v3  }
0x201: {  	v4 =	vmul.f32 v4, v3;
	v9 =	vld [tilespmem:s4+$0xFFFFFF40];
	v3 =	vmul.f32 v7, v3  }
0x202: {  	[tilespmem:s13+$0xFFFFFFD0] =	vst v2  }
0x203: {  	[tilespmem:s13+$0x0] =	vst v3  }
0x204: {  	s28 =	sadd.s32 $0x1, s19;
	[tilespmem:s13+$0xFFFFFFF0] =	vst v4  }
0x205: {  	v2 =	vmov s28;
	[tilespmem:s13+$0xFFFFFFE0] =	vst v6;
	s13 =	smov.u32 s4  }
0x206: {  	v2 =	vand.u32 $0x7D, v2;
	v3 =	vld.idx.msk [tilespmem:v5+s23+$0x0], $0xffff  }
0x207: {  	v2 =	vor.u32 v1, v2;
	v4 =	vld [tilespmem:s4+$0xFFFFFF10]  }
0x208: {  	v2 =	vbroadcast v2, $0x0;
	v5 =	vld [tilespmem:s4+$0xFFFFFF20];
	_ =	sdelay $0x3  }
0x209: {  	v6 =	vmul.f32 v9, v3;
	v4 =	vmul.f32 v4, v3  }
0x20a: {  	v5 =	vmul.f32 v5, v3;
	v3 =	vmul.f32 v8, v3  }
0x20b: {  	[tilespmem:s4+$0xFFFFFF10] =	vst v4  }
0x20c: {  	[tilespmem:s4+$0xFFFFFF20] =	vst v5  }
0x20d: {  	[tilespmem:s4+$0xFFFFFF40] =	vst v6  }
0x20e: {  	[tilespmem:s4+$0xFFFFFF30] =	vst v3;
	v3 =	vld [tilespmem:s4+$0xFFFFFF70]  }
0x20f: {  	v2 =	vld.idx.msk [tilespmem:v2+s23+$0x0], $0xffff  }
0x210: {  	v4 =	vld [tilespmem:s4+$0xFFFFFF50]  }
0x211: {  	s28 =	sadd.s32 $0x2, s19;
	v5 =	vld [tilespmem:s4+$0xFFFFFF60]  }
0x212: {  	v6 =	vmov s28  }
0x213: {  	v6 =	vand.u32 $0x7E, v6;
	v7 =	vld [tilespmem:s4+$0xFFFFFF80]  }
0x214: {  	v6 =	vor.u32 v1, v6  }
0x215: {  	v6 =	vbroadcast v6, $0x0;
	v4 =	vmul.f32 v4, v2  }
0x216: {  	v3 =	vmul.f32 v3, v2;
	v5 =	vmul.f32 v5, v2  }
0x217: {  	[tilespmem:s4+$0xFFFFFF50] =	vst v4  }
0x218: {  	[tilespmem:s4+$0xFFFFFF60] =	vst v5;
	v2 =	vmul.f32 v7, v2  }
0x219: {  	[tilespmem:s4+$0xFFFFFF70] =	vst v3;
	v3 =	vld [tilespmem:s4+$0xFFFFFF90]  }
0x21a: {  	[tilespmem:s4+$0xFFFFFF80] =	vst v2;
	v4 =	vld [tilespmem:s4+$0xFFFFFFB0]  }
0x21b: {  	v2 =	vld.idx.msk [tilespmem:v6+s23+$0x0], $0xffff  }
0x21c: {  	v6 =	vld [tilespmem:s4+$0xFFFFFFA0]  }
.Ltmp8:
0x21d: {  	s19 =	sadd.s32 $0x3, s19;
	v5 =	vld [tilespmem:s4+$0xFFFFFFC0];
	(pc) =	sbr.rel @p2 .LBB2_15-.Ltmp8, $4  }
0x21e: {  	v7 =	vmov s19  }
0x21f: {  	v7 =	vand.u32 $0x7F, v7  }
0x220: {  	v8 =	vor.u32 v1, v7  }
0x221: {  	v7 =	vmul.f32 v3, v2;
	v3 =	vbroadcast v8, $0x0  }
0x222: {  	v1 =	vmul.f32 v6, v2  }
0x223: {  	v4 =	vmul.f32 v4, v2;
	[tilespmem:s13+$0xFFFFFF90] =	vst v7  }
0x224: {  	[tilespmem:s13+$0xFFFFFFA0] =	vst v1;
	v1 =	vmul.f32 v5, v2  }
0x225: {  	[tilespmem:s13+$0xFFFFFFB0] =	vst v4  }
0x226: {  	[tilespmem:s13+$0xFFFFFFC0] =	vst v1;
	v1 =	vld [tilespmem:s13+$0xFFFFFFD0]  }
0x227: {  	v3 =	vld.idx.msk [tilespmem:v3+s23+$0x0], $0xffff  }
0x228: {  	v4 =	vld [tilespmem:s13+$0x0]  }
0x229: {  	v2 =	vld [tilespmem:s13+$0xFFFFFFF0]  }
0x22a: {  	v5 =	vld [tilespmem:s13+$0xFFFFFFE0];
	_ =	sdelay $0x1  }
0x22b: {  	v1 =	vmul.f32 v1, v3  }
0x22c: {  	v4 =	vmul.f32 v4, v3  }
0x22d: {  	v2 =	vmul.f32 v2, v3;
	[tilespmem:s13+$0xFFFFFFD0] =	vst v1  }
0x22e: {  	v1 =	vmul.f32 v5, v3;
	[tilespmem:s13+$0x0] =	vst v4  }
0x22f: {  	s4 =	sand.u32 $0x3FFFFF80, s12;
	s14 =	simm.s32 $0x0;
	[tilespmem:s13+$0xFFFFFFF0] =	vst v2  }
0x230: {  	s4 =	sadd.s32 $0x2800, s4;
	v2 =	vmov s14;
	[tilespmem:s13+$0xFFFFFFE0] =	vst v1  }
0x231: {  	v2 =	vand.u32 $0x7C, v2;
	v1 =	vmov s18;
	[spmem:s3] =	stream.indirect.scatter.add.f32 [tilespmem:s0], [sflag:$0x9], $0x40, s4, s26, $0xb8;
	[tilespmem:$0x1F400] =	vst v63  }
0x232: {  	v2 =	vor.u32 v1, v2;
	_ =	swait.ge [sflag:s9], $0x2000  }
0x233: {  	s12 =	simm.s32 @!p1 $0xF400;
	v2 =	vbroadcast v2, $0x0;
	[sflag:s9] =	ssyncset.done $0x0  }
0x234: {  	s4 =	sadd.s32 @!p1 $0x380, s8;
	s8 =	simm.s32 @!p1 $0x80;
	[sflag:s9] =	ssyncadd.s32 $0xFFFFE000  }
0x235: {  	[tilespmem:s12], [sflag:$0x3] =	stream.indirect.gather @!p1 [spmem:s2], $0x40, s4, s8, $0xb8;
	[tilespmem:$0x1F400] =	vst v63  }
0x236: {  	_ =	swait.ge [sflag:s10], $0x2000  }
0x237: {  	[sflag:s10] =	ssyncset.done $0x0  }
0x238: {  	[sflag:s10] =	ssyncadd.s32 $0xFFFFE000  }
0x239: {  	s4 =	simm.s32 $0x134F0;
	v2 =	vld.idx.msk [tilespmem:v2+s23+$0x0], $0xffff  }
0x23a: {  	v3 =	vld [tilespmem:s4+$0xFFFFFF10]  }
0x23b: {  	s19 =	simm.s32 $0x1;
	v4 =	vld [tilespmem:s4+$0xFFFFFF20]  }
0x23c: {  	v6 =	vmov s19;
	v5 =	vld [tilespmem:s4+$0xFFFFFF40]  }
0x23d: {  	v6 =	vand.u32 $0x7D, v6;
	v7 =	vld [tilespmem:s4+$0xFFFFFF30]  }
0x23e: {  	v6 =	vor.u32 v1, v6  }
0x23f: {  	v6 =	vbroadcast v6, $0x0;
	v3 =	vmul.f32 v3, v2  }
0x240: {  	v4 =	vmul.f32 v4, v2  }
0x241: {  	v5 =	vmul.f32 v5, v2;
	[tilespmem:s4+$0xFFFFFF10] =	vst v3  }
0x242: {  	v2 =	vmul.f32 v7, v2;
	[tilespmem:s4+$0xFFFFFF20] =	vst v4  }
0x243: {  	[tilespmem:s4+$0xFFFFFF40] =	vst v5  }
0x244: {  	[tilespmem:s4+$0xFFFFFF30] =	vst v2;
	v3 =	vld [tilespmem:s4+$0xFFFFFF50]  }
0x245: {  	v2 =	vld.idx.msk [tilespmem:v6+s23+$0x0], $0xffff  }
0x246: {  	s28 =	simm.s32 $0x2;
	v4 =	vld [tilespmem:s4+$0xFFFFFF60]  }
0x247: {  	v5 =	vld [tilespmem:s4+$0xFFFFFF70];
	v6 =	vmov s28  }
0x248: {  	v7 =	vld [tilespmem:s4+$0xFFFFFF80];
	v6 =	vand.u32 $0x7E, v6  }
0x249: {  	v6 =	vor.u32 v1, v6  }
0x24a: {  	v6 =	vbroadcast v6, $0x0;
	v3 =	vmul.f32 v3, v2  }
0x24b: {  	v4 =	vmul.f32 v4, v2  }
0x24c: {  	v5 =	vmul.f32 v5, v2;
	[tilespmem:s4+$0xFFFFFF50] =	vst v3  }
0x24d: {  	v2 =	vmul.f32 v7, v2;
	[tilespmem:s4+$0xFFFFFF60] =	vst v4  }
0x24e: {  	[tilespmem:s4+$0xFFFFFF70] =	vst v5  }
0x24f: {  	v3 =	vld [tilespmem:s4+$0xFFFFFF90];
	[tilespmem:s4+$0xFFFFFF80] =	vst v2  }
0x250: {  	v2 =	vld.idx.msk [tilespmem:v6+s23+$0x0], $0xffff  }
0x251: {  	s30 =	simm.s32 $0x3;
	v4 =	vld [tilespmem:s4+$0xFFFFFFB0]  }
0x252: {  	v5 =	vmov s30;
	v6 =	vld [tilespmem:s4+$0xFFFFFFA0]  }
0x253: {  	v5 =	vand.u32 $0x7F, v5  }
0x254: {  	v8 =	vor.u32 v1, v5;
	v5 =	vld [tilespmem:s4+$0xFFFFFFC0]  }
0x255: {  	s12 =	simm.s32 $0x4;
	s8 =	simm.s32 $0x134F0;
	v7 =	vmul.f32 v3, v2;
	v3 =	vbroadcast v8, $0x0  }
.LBB2_17:
0x256: {  	p2 =	slt.u32 s12, $0x7C  }
0x257: {  	v6 =	vmul.f32 v6, v2;
	v4 =	vmul.f32 v4, v2;
	s4 =	sadd.s32 $0x100, s4;
	s13 =	smov.u32 s12;
	s12 =	sadd.s32 $0x4, s12  }
0x258: {  	[tilespmem:s8+$0xFFFFFF90] =	vst v7  }
0x259: {  	v2 =	vmul.f32 v5, v2;
	[tilespmem:s8+$0xFFFFFFA0] =	vst v6  }
0x25a: {  	[tilespmem:s8+$0xFFFFFFB0] =	vst v4;
	v4 =	vld [tilespmem:s8+$0xFFFFFFF0]  }
0x25b: {  	v5 =	vmov s13;
	[tilespmem:s8+$0xFFFFFFC0] =	vst v2;
	v2 =	vld [tilespmem:s8+$0xFFFFFFD0]  }
0x25c: {  	v5 =	vand.u32 $0x7C, v5;
	v3 =	vld.idx.msk [tilespmem:v3+s23+$0x0], $0xffff  }
0x25d: {  	v5 =	vor.u32 v1, v5;
	v6 =	vld [tilespmem:s8+$0xFFFFFFE0]  }
0x25e: {  	v5 =	vbroadcast v5, $0x0;
	v7 =	vld [tilespmem:s8+$0x0];
	_ =	sdelay $0x3  }
0x25f: {  	v2 =	vmul.f32 v2, v3;
	v8 =	vld [tilespmem:s4+$0xFFFFFF30];
	v6 =	vmul.f32 v6, v3  }
0x260: {  	v4 =	vmul.f32 v4, v3;
	v9 =	vld [tilespmem:s4+$0xFFFFFF40];
	v3 =	vmul.f32 v7, v3  }
0x261: {  	[tilespmem:s8+$0xFFFFFFD0] =	vst v2  }
0x262: {  	[tilespmem:s8+$0x0] =	vst v3  }
0x263: {  	s14 =	sadd.s32 $0x1, s13;
	[tilespmem:s8+$0xFFFFFFF0] =	vst v4  }
0x264: {  	v2 =	vmov s14;
	[tilespmem:s8+$0xFFFFFFE0] =	vst v6;
	s8 =	smov.u32 s4  }
0x265: {  	v2 =	vand.u32 $0x7D, v2;
	v3 =	vld.idx.msk [tilespmem:v5+s23+$0x0], $0xffff  }
0x266: {  	v2 =	vor.u32 v1, v2;
	v4 =	vld [tilespmem:s4+$0xFFFFFF10]  }
0x267: {  	v2 =	vbroadcast v2, $0x0;
	v5 =	vld [tilespmem:s4+$0xFFFFFF20];
	_ =	sdelay $0x3  }
0x268: {  	v6 =	vmul.f32 v9, v3;
	v4 =	vmul.f32 v4, v3  }
0x269: {  	v5 =	vmul.f32 v5, v3;
	v3 =	vmul.f32 v8, v3  }
0x26a: {  	[tilespmem:s4+$0xFFFFFF10] =	vst v4  }
0x26b: {  	[tilespmem:s4+$0xFFFFFF20] =	vst v5  }
0x26c: {  	[tilespmem:s4+$0xFFFFFF40] =	vst v6  }
0x26d: {  	[tilespmem:s4+$0xFFFFFF30] =	vst v3;
	v3 =	vld [tilespmem:s4+$0xFFFFFF70]  }
0x26e: {  	v2 =	vld.idx.msk [tilespmem:v2+s23+$0x0], $0xffff  }
0x26f: {  	v4 =	vld [tilespmem:s4+$0xFFFFFF50]  }
0x270: {  	s14 =	sadd.s32 $0x2, s13;
	v5 =	vld [tilespmem:s4+$0xFFFFFF60]  }
0x271: {  	v6 =	vmov s14  }
0x272: {  	v6 =	vand.u32 $0x7E, v6;
	v7 =	vld [tilespmem:s4+$0xFFFFFF80]  }
0x273: {  	v6 =	vor.u32 v1, v6  }
0x274: {  	v6 =	vbroadcast v6, $0x0;
	v4 =	vmul.f32 v4, v2  }
0x275: {  	v3 =	vmul.f32 v3, v2;
	v5 =	vmul.f32 v5, v2  }
0x276: {  	[tilespmem:s4+$0xFFFFFF50] =	vst v4  }
0x277: {  	[tilespmem:s4+$0xFFFFFF60] =	vst v5;
	v2 =	vmul.f32 v7, v2  }
0x278: {  	[tilespmem:s4+$0xFFFFFF70] =	vst v3;
	v3 =	vld [tilespmem:s4+$0xFFFFFF90]  }
0x279: {  	[tilespmem:s4+$0xFFFFFF80] =	vst v2;
	v4 =	vld [tilespmem:s4+$0xFFFFFFB0]  }
0x27a: {  	v2 =	vld.idx.msk [tilespmem:v6+s23+$0x0], $0xffff  }
0x27b: {  	v6 =	vld [tilespmem:s4+$0xFFFFFFA0]  }
.Ltmp9:
0x27c: {  	s13 =	sadd.s32 $0x3, s13;
	v5 =	vld [tilespmem:s4+$0xFFFFFFC0];
	(pc) =	sbr.rel @p2 .LBB2_17-.Ltmp9, $4  }
0x27d: {  	v7 =	vmov s13  }
0x27e: {  	v7 =	vand.u32 $0x7F, v7  }
0x27f: {  	v8 =	vor.u32 v1, v7  }
0x280: {  	v7 =	vmul.f32 v3, v2;
	v3 =	vbroadcast v8, $0x0  }
0x281: {  	v1 =	vmul.f32 v6, v2  }
0x282: {  	v4 =	vmul.f32 v4, v2;
	[tilespmem:s8+$0xFFFFFF90] =	vst v7  }
0x283: {  	[tilespmem:s8+$0xFFFFFFA0] =	vst v1;
	v1 =	vmul.f32 v5, v2  }
0x284: {  	[tilespmem:s8+$0xFFFFFFB0] =	vst v4  }
0x285: {  	[tilespmem:s8+$0xFFFFFFC0] =	vst v1;
	v1 =	vld [tilespmem:s8+$0xFFFFFFD0]  }
0x286: {  	v3 =	vld.idx.msk [tilespmem:v3+s23+$0x0], $0xffff  }
0x287: {  	v62 =	vld [tilespmem:s8+$0x0]  }
0x288: {  	v2 =	vld [tilespmem:s8+$0xFFFFFFF0]  }
0x289: {  	v63 =	vld [tilespmem:s8+$0xFFFFFFE0];
	_ =	sdelay $0x1  }
0x28a: {  	v1 =	vmul.f32 v1, v3  }
0x28b: {  	v4 =	vmul.f32 v62, v3  }
0x28c: {  	v2 =	vmul.f32 v2, v3;
	[tilespmem:s8+$0xFFFFFFD0] =	vst v1  }
0x28d: {  	v1 =	vmul.f32 v63, v3;
	[tilespmem:s8+$0x0] =	vst v4  }
0x28e: {  	[tilespmem:s8+$0xFFFFFFF0] =	vst v2  }
.Ltmp10:
0x28f: {  	s4 =	sadd.s32 $0x2800, s18;
	[tilespmem:s8+$0xFFFFFFE0] =	vst v1;
	(pc) =	sbr.rel @p1 .LBB2_20-.Ltmp10, $4  }
0x290: {  	[spmem:s3] =	stream.indirect.scatter.add.f32 [tilespmem:s22], [sflag:$0xA], $0x40, s4, s26, $0xb8;
	[tilespmem:$0x1F400] =	vst v63  }
0x291: {  	_ =	swait.ge [sflag:s11], $0x2000  }
0x292: {  	[sflag:s11] =	ssyncset.done $0x0  }
0x293: {  	[sflag:s11] =	ssyncadd.s32 $0xFFFFE000  }
.Ltmp11:
0x294: {  	(pc) =	sbr.rel .LBB2_8-.Ltmp11, $3  }
0x295: {  	_ =	sdelay $0x1  }
0x296: {  	s4 =	sadd.s32 $0x400, s17;
	s16 =	sadd.s32 $0x1, s16  }
0x297: {  	[tilespmem:s0], [sflag:$0x4] =	stream.indirect.gather [spmem:s2], $0x40, s4, s26, $0xb8;
	[tilespmem:$0x1F400] =	vst v63  }
.LBB2_21:
0x298: {  	_ =	sfence.sel $0x180000  }
0x299: {  	[bflag:$0x0] =	sbarrier.arrive $0xFFFF  }
0x29a: {  	_ =	strace $0x9000004A  }
0x29b: {  	s0 =	stileid.u32;
	[bflag:$0x2] =	sbarrier.arrive $0xFFFF  }
0x29c: {  	p0 =	sne.s32 s0, $0x0;
	s0 =	rddreg [dreg:$0x3]  }
0x29d: {  	s0 =	sadd.s32 @!p0 $0x100000, s0  }
0x29e: {  	[sflag:s0] =	ssyncadd.tile.s32 @!p0 $0x1;
	_ =	shalt  }
.Lfunc_end2:
_tile_overlayer_lowered:
.L_overlay_start_2:
0x29f: {  	(tag) =	ssettag $0x2  }
0x2a0: {  	s0 =	rddreg [dreg:$0x0];
	s2 =	stileid.u32  }
0x2a1: {  	s1 =	rddreg [dreg:$0x1];
	p0 =	sne.s32 s2, $0x0  }
0x2a2: {  	s3 =	rddreg [dreg:$0x2];
	[bflag:$0x3] =	sbarrier.arrive $0xFFFF;
	s2 =	simm.s32 @!p0 $0x1C0B  }
0x2a3: {  	[timem:s3], [sflag:s2] =	dma.local @!p0 [hbm:s0], s1  }
0x2a4: {  	s0 =	simm.s32 @!p0 $0xB  }
0x2a5: {  	_ =	swait.ge @!p0 [sflag:s0], s1  }
0x2a6: {  	s1 =	ssub.s32 @!p0 $0x0, s1;
	[sflag:s0] =	ssyncset.done @!p0 $0x0  }
0x2a7: {  	[sflag:s0] =	ssyncadd.s32 @!p0 s1  }
0x2a8: {  	[bflag:$0x3] =	sbarrier.arrive $0xFFFF  }
0x2a9: {  	_ =	shalt  }

// kernel: kernel.14.cloned.1.call-start
scs
__scs_entry_jumppad:
0x0: {  	(pc) =	sbr.rel $0x88, $3  }
0x1: {  	(tag) =	ssettag $0x0;
	lr =	simm.s32 $0x1  }
0x2: {  	[smem:$0x3F8F] =	sst lr;
	_ =	strace $0xD0000000  }
0x3: {  	_ = 	snop  }
0x4: {  	_ = 	snop  }
0x5: {  	_ = 	snop  }
0x6: {  	_ = 	snop  }
0x7: {  	_ = 	snop  }
__scs_overlays_trampoline_lowered:
0x8: {  	[smem:$0x3F9E] =	sst s0  }
0x9: {  	[smem:$0x3F9F] =	sst s1  }
0xa: {  	[smem:$0x3FA0] =	sst s2  }
0xb: {  	[smem:$0x3FA1] =	sst s3  }
0xc: {  	[smem:$0x3FA2] =	sst s4  }
0xd: {  	[smem:$0x3FA3] =	sst s5  }
0xe: {  	[smem:$0x3FA4] =	sst s6  }
0xf: {  	[smem:$0x3FA5] =	sst s7  }
0x10: {  	[smem:$0x3FA6] =	sst s8  }
0x11: {  	[smem:$0x3FA7] =	sst s9;
	s0 =	simm.s32 @!p0 $0x0  }
0x12: {  	s1 =	sld [smem:$0x3F8D];
	s0 =	simm.s32 @p0 $0x1  }
0x13: {  	[smem:$0x3FA8] =	sst s0;
	s0 =	simm.s32 @!p1 $0x0  }
0x14: {  	s2 =	sld [smem:$0x3F8C];
	s0 =	simm.s32 @p1 $0x1  }
0x15: {  	[smem:$0x3FA9] =	sst s0;
	s0 =	simm.s32 @!p2 $0x0  }
0x16: {  	s3 =	sld [smem:$0x3FDB];
	s0 =	simm.s32 @p2 $0x1  }
0x17: {  	s4 =	simm.s32 $0x1BF5;
	[smem:$0x3FAB] =	sst s0  }
0x18: {  	s0 =	sld [smem:$0x3F8E];
	_ =	swait.ge [sflag:s4], $0x0  }
0x19: {  	s7 =	sld [smem:$0x3F8F]  }
0x1a: {  	s8 =	sadd.s32 $0xFFFFE003, lr  }
0x1b: {  	s9 =	sadd.s32 $0xFFFFFEF7, lr;
	s5 =	simm.s32 $0xFFFFFFFF;
	p2 =	slt.u32 s8, $0xFFFFF086  }
0x1c: {  	p1 =	slt.u32 s9, $0xF7A;
	s5 =	simm.s32 @!p2 $0x0  }
0x1d: {  	s5 =	simm.s32 @p1 $0x1;
	p0 =	seq.s32 s7, s2  }
0x1e: {  	s7 =	smul.u32 @!p0 $0xF7A, s2;
	p2 =	seq.s32 @!p0 s5, $0x0  }
0x1f: {  	s9 =	smul.u32 $0xF7A, s1;
	s8 =	simm.s32 @!p0 $0x1BF5;
	p2 =	por !p2, p0  }
0x20: {  	[sflag:s8] =	ssyncset.s32 @!p0 $0xFFFFF086;
	s6 =	sadd.s32 @!p0 s3, s7;
	s7 =	simm.s32 @!p0 $0x108  }
0x21: {  	s3 =	sadd.s32 s3, s9;
	s6 =	sadd.s32 @!p0 $0x88, s6;
	s7 =	simm.s32 @p2 $0x1082  }
0x22: {  	[simem:s7], [sflag:s8] =	dma.local @!p0 [hbm:s6], $0xF7A  }
0x23: {  	s9 =	sor.u32 $0xD0000000, s2;
	s6 =	simm.s32 $0x108;
	_ =	swait.ge @!p0 [sflag:s8], $0x0  }
0x24: {  	s3 =	sadd.s32 $0x88, s3;
	s6 =	simm.s32 @!p1 $0x1082;
	[sflag:s4] =	ssyncset.s32 $0xFFFFF086  }
0x25: {  	[simem:s6], [sflag:s4] =	dma.local [hbm:s3], $0xF7A  }
0x26: {  	[smem:$0x3F8F] =	sst s1;
	(tag) =	ssettag s2;
	_ =	strace s9  }
0x27: {  	s1 =	sld [smem:$0x3F9F]  }
0x28: {  	s2 =	sld [smem:$0x3FA0]  }
0x29: {  	s4 =	sld [smem:$0x3FA2]  }
0x2a: {  	p0 =	seq.s32 s5, $0x0;
	s5 =	sld [smem:$0x3FA3]  }
0x2b: {  	s6 =	sld [smem:$0x3FA4]  }
0x2c: {  	s7 =	sld [smem:$0x3FA5]  }
0x2d: {  	s3 =	simm.s32 $0x108;
	s8 =	sld [smem:$0x3FA6]  }
0x2e: {  	s3 =	simm.s32 @!p0 $0x1082;
	s9 =	sld [smem:$0x3FA7]  }
0x2f: {  	lr =	sadd.s32 s0, s3;
	s0 =	sld [smem:$0x3F9E]  }
0x30: {  	s3 =	sld [smem:$0x3FA1]  }
0x31: {  	[smem:$0x3FAA] =	sst s10  }
0x32: {  	s10 =	sld [smem:$0x3FA8];
	_ =	sdelay $0x3  }
0x33: {  	p0 =	seq.s32 s10, $0x1;
	s10 =	sld [smem:$0x3FAA];
	_ =	sdelay $0x3  }
0x34: {  	[smem:$0x3FAA] =	sst s10  }
0x35: {  	s10 =	sld [smem:$0x3FA9];
	_ =	sdelay $0x3  }
0x36: {  	p1 =	seq.s32 s10, $0x1;
	s10 =	sld [smem:$0x3FAA];
	_ =	sdelay $0x3  }
0x37: {  	[smem:$0x3FAA] =	sst s10  }
0x38: {  	s10 =	sld [smem:$0x3FAB]  }
0x39: {  	_ = 	snop;
	(pc) =	sbr.ind lr, $3  }
0x3a: {  	_ = 	snop  }
0x3b: {  	_ = 	snop  }
0x3c: {  	p2 =	seq.s32 s10, $0x1;
	s10 =	sld [smem:$0x3FAA]  }
0x3d: {  	_ =	shalt  }
0x3e: {  	_ =	shalt  }
0x3f: {  	_ =	shalt  }
0x40: {  	_ =	shalt  }
0x41: {  	_ =	shalt  }
0x42: {  	_ =	shalt  }
0x43: {  	_ =	shalt  }
0x44: {  	_ =	shalt  }
0x45: {  	_ =	shalt  }
0x46: {  	_ =	shalt  }
0x47: {  	_ =	shalt  }
0x48: {  	_ =	shalt  }
0x49: {  	_ =	shalt  }
0x4a: {  	_ =	shalt  }
0x4b: {  	_ =	shalt  }
0x4c: {  	_ =	shalt  }
0x4d: {  	_ =	shalt  }
0x4e: {  	_ =	shalt  }
0x4f: {  	_ =	shalt  }
0x50: {  	_ =	shalt  }
0x51: {  	_ =	shalt  }
0x52: {  	_ =	shalt  }
0x53: {  	_ =	shalt  }
0x54: {  	_ =	shalt  }
0x55: {  	_ =	shalt  }
0x56: {  	_ =	shalt  }
0x57: {  	_ =	shalt  }
0x58: {  	_ =	shalt  }
0x59: {  	_ =	shalt  }
0x5a: {  	_ =	shalt  }
0x5b: {  	_ =	shalt  }
0x5c: {  	_ =	shalt  }
0x5d: {  	_ =	shalt  }
0x5e: {  	_ =	shalt  }
0x5f: {  	_ =	shalt  }
0x60: {  	_ =	shalt  }
0x61: {  	_ =	shalt  }
0x62: {  	_ =	shalt  }
0x63: {  	_ =	shalt  }
0x64: {  	_ =	shalt  }
0x65: {  	_ =	shalt  }
0x66: {  	_ =	shalt  }
0x67: {  	_ =	shalt  }
0x68: {  	_ =	shalt  }
0x69: {  	_ =	shalt  }
0x6a: {  	_ =	shalt  }
0x6b: {  	_ =	shalt  }
0x6c: {  	_ =	shalt  }
0x6d: {  	_ =	shalt  }
0x6e: {  	_ =	shalt  }
0x6f: {  	_ =	shalt  }
0x70: {  	_ =	shalt  }
0x71: {  	_ =	shalt  }
0x72: {  	_ =	shalt  }
0x73: {  	_ =	shalt  }
0x74: {  	_ =	shalt  }
0x75: {  	_ =	shalt  }
0x76: {  	_ =	shalt  }
0x77: {  	_ =	shalt  }
0x78: {  	_ =	shalt  }
0x79: {  	_ =	shalt  }
0x7a: {  	_ =	shalt  }
0x7b: {  	_ =	shalt  }
0x7c: {  	_ =	shalt  }
0x7d: {  	_ =	shalt  }
0x7e: {  	_ =	shalt  }
0x7f: {  	_ =	shalt  }
0x80: {  	_ =	shalt  }
0x81: {  	_ =	shalt  }
0x82: {  	_ =	shalt  }
0x83: {  	_ =	shalt  }
0x84: {  	_ =	shalt  }
0x85: {  	_ =	shalt  }
0x86: {  	_ =	shalt  }
0x87: {  	_ =	shalt  }
.Lfunc_end0:
.L_simem_size_0:
called_computation.2_lowered:
.L_overlay_start_0:
0x88: {  	s2 =	sld [smem:$0x3FD9]  }
0x89: {  	s3 =	sld [smem:$0x3FFE];
	_ =	sdelay $0x1  }
0x8a: {  	s1 =	srdreg.scid  }
0x8b: {  	s0 =	sand.u32 $0x1, s1  }
0x8c: {  	s16 =	sshll.u32 s0, $0xA;
	s2 =	sadd.s32 s3, s2  }
0x8d: {  	s2 =	sadd.s32 s2, s16  }
0x8e: {  	[smem:$0x3FB6] =	sst s2  }
0x8f: {  	_ = 	snop  }
0x90: {  	(tm) =	ssettm $0x1  }
0x91: {  	s17 =	sld [smem:$0x3FFB];
	_ =	sdelay $0x3  }
0x92: {  	_ =	strace s17  }
0x93: {  	s2 =	sld [smem:$0x3FFC];
	_ =	sdelay $0x3  }
0x94: {  	_ =	strace s2  }
0x95: {  	s2 =	sld [smem:$0x3FFD];
	_ =	sdelay $0x3  }
0x96: {  	_ =	strace s2  }
0x97: {  	_ =	strace $0x8FFFFFFF  }
0x98: {  	s18 =	sld [smem:$0x3FDB];
	_ =	sdelay $0x1  }
0x99: {  	s19 =	simm.s32 $_scs_section_size  }
0x9a: {  	s4 =	simm.s32 $_size__tile_overlayer_lowered;
	s5 =	simm.s32 $_tile_overlayer_lowered  }
0x9b: {  	s22 =	simm.s32 $0x1BFF;
	s21 =	sshll.u32 s5, $0x1;
	s2 =	sadd.s32 s19, s18  }
0x9c: {  	s6 =	simm.s32 $0x0;
	s20 =	sshll.u32 s4, $0x1;
	s4 =	sadd.s32 s21, s2  }
0x9d: {  	[timem:s6], [sflag:s22] =	dma.local [hbm:s4], s20  }
0x9e: {  	_ =	swait.ge [sflag:s22], s20  }
0x9f: {  	s3 =	ssub.s32 $0x0, s20;
	[sflag:s22] =	ssyncset.done $0x0  }
0xa0: {  	[sflag:s22] =	ssyncadd.s32 s3;
	_ =	sdelay $0x1  }
0xa1: {  	s23 =	simm.s32 $0x1B8B  }
0xa2: {  	_ =	swait.ge [sflag:s23], $0x1  }
0xa3: {  	[sflag:s23] =	ssyncset.done $0x0  }
0xa4: {  	s25 =	simm.s32 $0x1B8E;
	s24 =	sld [smem:$0x3FFE];
	[sflag:s23] =	ssyncadd.s32 $0xFFFFFFFF  }
0xa5: {  	s26 =	simm.s32 $execute0_lowered;
	[smem:$0x3FD2] =	sst s25  }
0xa6: {  	s4 =	sshll.u32 s26, $0x1;
	_ =	strace $0x8000004C;
	[dreg:$0x1] =	wrdreg $0xFFFFFFFF  }
0xa7: {  	s28 =	simm.s32 $_size_execute0_lowered;
	s2 =	sadd.s32 s2, s4;
	[dreg:$0x0] =	wrdreg $0x0  }
0xa8: {  	s4 =	sshll.u32 s28, $0x1;
	[dreg:$0x2] =	wrdreg s2  }
0xa9: {  	[dreg:$0x3] =	wrdreg s4  }
0xaa: {  	[dreg:$0x4] =	wrdreg $0xC0  }
0xab: {  	_ =	task [dreg:s6], $0x5FFFF  }
0xac: {  	[dreg:$0x1] =	wrdreg $0xFFFFFFFF  }
0xad: {  	[dreg:$0x0] =	wrdreg $0x60  }
0xae: {  	[dreg:$0x2] =	wrdreg s24  }
0xaf: {  	[dreg:$0x3] =	wrdreg $0x1A4000  }
0xb0: {  	[dreg:$0x4] =	wrdreg $0x154000  }
0xb1: {  	[dreg:$0x5] =	wrdreg $0x9  }
0xb2: {  	_ =	task.clear_ibuf [dreg:s6], $0x6FFFF;
	_ =	strace $0x9000004C  }
0xb3: {  	s29 =	simm.s32 $0x9;
	_ =	strace $0x8000004E  }
0xb4: {  	_ =	swait.ge [sflag:s29], $0x1  }
0xb5: {  	[sflag:s29] =	ssyncadd.s32 $0xFFFFFFFF  }
0xb6: {  	_ =	strace $0x9000004E  }
0xb7: {  	_ =	sfence  }
0xb8: {  	s30 =	sld [smem:$0x0];
	_ =	sdelay $0x2  }
0xb9: {  	s31 =	sshll.u32 s1, $0xD;
	s1 =	sshrl.u32 s1, $0x2  }
0xba: {  	s3 =	sand.u32 $0x4000, s31;
	s1 =	sadd.s32 s1, s30  }
0xbb: {  	s0 =	sor.u32 s3, s0;
	s1 =	sshll.u32 s1, $0x11  }
0xbc: {  	s0 =	sor.u32 s1, s0  }
0xbd: {  	s0 =	sadd.s32 $0x8F2B, s0  }
0xbe: {  	[sflag:s0] =	ssyncadd.remote.s32 $0x1  }
0xbf: {  	_ =	sfence.sel $0xFFFF  }
0xc0: {  	[dreg:$0x0] =	wrdreg $0xFFFFFFFF;
	(pc) =	sbr.abs _section_cstart, $3  }
0xc1: {  	[dreg:$0x1] =	wrdreg $0xFFFFFFFF  }
0xc2: {  	_ =	task.clear_ibuf [dreg:s6], $0x2FFFF;
	_ =	strace $0x9FFFFFFF  }
0xc3: {  	(tm) =	ssettm $0x7FFFFFFF  }
tec
execute0_lowered:
.L_overlay_start_1:
0x0: {  	(tag) =	ssettag $0x1  }
0x1: {  	s0 =	rddreg [dreg:$0x0]  }
0x2: {  	s2 =	rddreg [dreg:$0x1]  }
0x3: {  	s3 =	rddreg [dreg:$0x2]  }
0x4: {  	s10 =	stileid.u32;
	s4 =	srdreg.scid;
	s6 =	simm.s32 $0x0  }
0x5: {  	s14 =	simm.s32 $0xB;
	s29 =	simm.s32 $0x2;
	s1 =	smul.u32 $0x500, s10  }
0x6: {  	s31 =	simm.s32 $0x6;
	s4 =	sand.u32 $0x1, s4;
	s5 =	smul.u32 $0x5000, s10  }
0x7: {  	[smem:$0x7FF] =	sst s6;
	s7 =	sadd.s32 $0xC200, s0;
	s16 =	smul.u32 $0x280, s10  }
0x8: {  	s9 =	sadd.s32 $0xBE00, s0;
	s19 =	smul.u32 $0x14000, s10;
	s10 =	sshll.u32 s10, $0x6  }
0x9: {  	s15 =	smul.u32 $0x50000, s4;
	_ =	strace $0x8000004D;
	[dreg:$0x4] =	wrdreg s7  }
0xa: {  	s8 =	ssub.s32 $0x2, s4;
	[dreg:$0x5] =	wrdreg s9;
	s12 =	sor.u32 $0x1C0B, s10  }
0xb: {  	p0 =	sne.s32 s4, $0x0;
	s7 =	simm.s32 $0x4;
	s9 =	simm.s32 $0x8  }
0xc: {  	s10 =	simm.s32 $0x5;
	s1 =	sadd.s32 s1, s0;
	s17 =	sshrl.u32 s8, $0x1  }
0xd: {  	s20 =	sadd.s32 s5, s2;
	s13 =	sadd.s32 s5, s3;
	[dreg:$0x7] =	wrdreg s12  }
0xe: {  	s6 =	sadd.s32 s5, s15;
	s18 =	ssub.s32 s8, s17;
	s21 =	sadd.s32 $0x4D000, s1  }
0xf: {  	s8 =	sshrl.u32 s19, $0x2;
	s22 =	sadd.s32 $0x1E00, s1;
	[dreg:$0xc] =	wrdreg s13  }
0x10: {  	s1 =	sadd.s32 $0x6E00, s1;
	s30 =	sshrl.u32 s20, $0x3;
	[dreg:$0x8] =	wrdreg s21  }
0x11: {  	s20 =	simm.s32 $0x7800;
	s5 =	simm.s32 $0x3;
	[dreg:$0x9] =	wrdreg s22  }
0x12: {  	s6 =	sshrl.u32 s6, $0x3;
	[dreg:$0xa] =	wrdreg s1;
	s23 =	sadd.s32 s8, s3  }
0x13: {  	s28 =	smax.u32 s18, $0x1;
	[dreg:$0x11] =	wrdreg s30;
	s21 =	simm.s32 $0x8C00  }
0x14: {  	s1 =	simm.s32 $0x1;
	s22 =	simm.s32 $0x13400;
	s8 =	simm.s32 $0x0  }
0x15: {  	s6 =	sadd.s32 s6, s0;
	s24 =	sadd.s32 $0x2000, s23;
	[dreg:$0x10] =	wrdreg s28  }
0x16: {  	s0 =	sadd.s32 s16, s0;
	s25 =	sadd.s32 $0x4000, s23;
	[dreg:$0xd] =	wrdreg s24  }
.Ltmp0:
0x17: {  	s11 =	sadd.s32 $0x39000, s6;
	[dreg:$0xe] =	wrdreg s25;
	(pc) =	sbr.rel .LBB2_1-.Ltmp0, $4  }
0x18: {  	s23 =	simm.s32 $0x5000;
	s0 =	sadd.s32 $0xC600, s0;
	[dreg:$0x6] =	wrdreg s11  }
0x19: {  	s26 =	sadd.s32 $0x52000, s6;
	s24 =	simm.s32 $0xA000;
	[dreg:$0xb] =	wrdreg s0  }
0x1a: {  	s25 =	simm.s32 $0xB400;
	s6 =	simm.s32 $0x7;
	[dreg:$0xf] =	wrdreg s26  }
0x1b: {  	v0 =	vimm.f32 $0.0e+00;
	s26 =	simm.s32 $0x80;
	s0 =	simm.s32 $0x11400;
	s11 =	simm.s32 $0x9  }
.LBB2_20:
0x1c: {  	s4 =	simm.s32 $0xA  }
0x1d: {  	_ =	swait.ge [sflag:s4], $0x2000  }
0x1e: {  	[sflag:s4] =	ssyncset.done $0x0  }
0x1f: {  	[sflag:s4] =	ssyncadd.s32 $0xFFFFE000  }
0x20: {  	[bflag:$0x0] =	sbarrier.arrive $0xFFFF  }
0x21: {  	s13 =	rddreg [dreg:$0xc]  }
0x22: {  	s12 =	rddreg [dreg:$0x7]  }
0x23: {  	s14 =	simm.s32 $0xB;
	s8 =	rddreg [dreg:$0xf];
	s19 =	sshrl.u32 s13, $0x3  }
0x24: {  	[hbm:s8], [sflag:s12] =	dma.local [spmem:s19], $0xA00  }
0x25: {  	_ =	swait.ge [sflag:s14], $0xA00  }
0x26: {  	s28 =	rddreg [dreg:$0x12]  }
0x27: {  	s30 =	rddreg [dreg:$0x10];
	s8 =	sadd.s32 $0x1, s28  }
0x28: {  	p1 =	sne.s32 s8, s30  }
.Ltmp1:
0x29: {  	_ = 	snop;
	(pc) =	sbr.rel @!p1 .LBB2_21-.Ltmp1, $3  }
0x2a: {  	_ =	sdelay $0x1  }
0x2b: {  	[sflag:s14] =	ssyncset.done $0x0  }
0x2c: {  	[sflag:s14] =	ssyncadd.s32 $0xFFFFF600  }
.LBB2_1:
0x2d: {  	[dreg:$0x12] =	wrdreg s8  }
0x2e: {  	s4 =	rddreg [dreg:$0x6]  }
0x2f: {  	s15 =	rddreg [dreg:$0x11]  }
0x30: {  	[spmem:s15], [sflag:s12] =	dma.local [hbm:s4], $0xA00  }
0x31: {  	_ =	swait.ge [sflag:s14], $0xA00  }
0x32: {  	[sflag:s14] =	ssyncset.done $0x0  }
0x33: {  	s16 =	simm.s32 $0x0;
	s17 =	rddreg [dreg:$0x5];
	[sflag:s14] =	ssyncadd.s32 $0xFFFFF600  }
0x34: {  	[tilespmem:s20], [sflag:$0xB] =	stream.linear.gather [hbm4b:s17+s16], $0x1400, $0x38;
	[tilespmem:$0x1F400] =	vst v63  }
0x35: {  	_ =	swait.ge [sflag:s14], $0x1400  }
0x36: {  	[sflag:s14] =	ssyncset.done $0x0  }
0x37: {  	s18 =	rddreg [dreg:$0x4];
	[sflag:s14] =	ssyncadd.s32 $0xFFFFEC00  }
0x38: {  	[tilespmem:s21], [sflag:$0xB] =	stream.linear.gather [hbm4b:s18+s16], $0x1400, $0x38;
	[tilespmem:$0x1F400] =	vst v63  }
0x39: {  	_ =	swait.ge [sflag:s14], $0x1400  }
0x3a: {  	[sflag:s14] =	ssyncset.done $0x0  }
0x3b: {  	s19 =	rddreg [dreg:$0x8];
	[sflag:s14] =	ssyncadd.s32 $0xFFFFEC00  }
0x3c: {  	[tilespmem:s16], [sflag:$0xB] =	stream.linear.gather [hbm4b:s19+s16], $0x2800, $0x38;
	[tilespmem:$0x1F400] =	vst v63  }
0x3d: {  	_ =	swait.ge [sflag:s14], $0x2800  }
0x3e: {  	[sflag:s14] =	ssyncset.done $0x0  }
0x3f: {  	s15 =	simm.s32 $0x2800;
	s28 =	rddreg [dreg:$0x9];
	[sflag:s14] =	ssyncadd.s32 $0xFFFFD800  }
0x40: {  	[tilespmem:s15], [sflag:$0xB] =	stream.linear.gather [hbm4b:s28+s16], $0x2800, $0x38;
	[tilespmem:$0x1F400] =	vst v63  }
0x41: {  	_ =	swait.ge [sflag:s14], $0x2800  }
0x42: {  	[sflag:s14] =	ssyncset.done $0x0  }
0x43: {  	s30 =	rddreg [dreg:$0xa];
	[sflag:s14] =	ssyncadd.s32 $0xFFFFD800  }
0x44: {  	[tilespmem:s23], [sflag:$0xB] =	stream.linear.gather [hbm4b:s30+s16], $0x2800, $0x38;
	[tilespmem:$0x1F400] =	vst v63  }
0x45: {  	_ =	swait.ge [sflag:s14], $0x2800  }
0x46: {  	[sflag:s14] =	ssyncset.done $0x0  }
0x47: {  	s4 =	simm.s32 $0x0;
	[sflag:s14] =	ssyncadd.s32 $0xFFFFD800  }
.LBB2_2:
0x48: {  	p1 =	sne.s32 s4, $0x4FC0  }
.Ltmp2:
0x49: {  	_ = 	snop;
	(pc) =	sbr.rel @p1 .LBB2_2-.Ltmp2, $3  }
0x4a: {  	_ =	sdelay $0x1  }
0x4b: {  	s8 =	sshra.s32 s4, $0x2  }
0x4c: {  	s4 =	sadd.s32 $0x40, s4;
	[tilespmem:s8+$0xA000] =	vst v0  }
0x4d: {  	s4 =	simm.s32 $0x0  }
.LBB2_4:
0x4e: {  	s8 =	sshra.s32 s4, $0x2  }
0x4f: {  	v1 =	vld [tilespmem:s8+$0x0];
	_ =	sdelay $0x6  }
0x50: {  	v2 =	vld [tilespmem:s8+$0x5000]  }
0x51: {  	v3 =	vld.idx.msk [tilespmem:v1+s20+$0x0], $0xffff;
	_ =	sdelay $0x4  }
0x52: {  	v2 =	vmul.f32 v3, v2;
	_ =	sdelay $0x1  }
0x53: {  	v3 =	vld [tilespmem:s8+$0x2800];
	[tilespmem:s8+$0x5000] =	vst v2  }
0x54: {  	v1 =	vld.idx.msk [tilespmem:v1+s21+$0x0], $0xffff;
	_ =	sdelay $0x4  }
0x55: {  	v1 =	vmul.f32 v1, v2;
	_ =	sdelay $0x1  }
0x56: {  	[tilespmem:v3+s24+$0x0] =	vst.idx.add.f32.msk $0xffff, v1  }
0x57: {  	v1 =	vld [tilespmem:s8+$0x10];
	_ =	sdelay $0x6  }
0x58: {  	v2 =	vld [tilespmem:s8+$0x5010]  }
0x59: {  	v3 =	vld.idx.msk [tilespmem:v1+s20+$0x0], $0xffff;
	_ =	sdelay $0x4  }
0x5a: {  	v2 =	vmul.f32 v3, v2;
	_ =	sdelay $0x1  }
0x5b: {  	v3 =	vld [tilespmem:s8+$0x2810];
	[tilespmem:s8+$0x5010] =	vst v2  }
0x5c: {  	v1 =	vld.idx.msk [tilespmem:v1+s21+$0x0], $0xffff;
	_ =	sdelay $0x4  }
0x5d: {  	v1 =	vmul.f32 v1, v2;
	_ =	sdelay $0x1  }
0x5e: {  	[tilespmem:v3+s24+$0x0] =	vst.idx.add.f32.msk $0xffff, v1  }
0x5f: {  	v1 =	vld [tilespmem:s8+$0x20];
	_ =	sdelay $0x6  }
0x60: {  	v2 =	vld [tilespmem:s8+$0x5020]  }
0x61: {  	v3 =	vld.idx.msk [tilespmem:v1+s20+$0x0], $0xffff;
	_ =	sdelay $0x4  }
0x62: {  	v2 =	vmul.f32 v3, v2;
	_ =	sdelay $0x1  }
0x63: {  	v3 =	vld [tilespmem:s8+$0x2820];
	[tilespmem:s8+$0x5020] =	vst v2  }
0x64: {  	v1 =	vld.idx.msk [tilespmem:v1+s21+$0x0], $0xffff;
	_ =	sdelay $0x4  }
0x65: {  	v1 =	vmul.f32 v1, v2;
	_ =	sdelay $0x1  }
0x66: {  	[tilespmem:v3+s24+$0x0] =	vst.idx.add.f32.msk $0xffff, v1  }
0x67: {  	v1 =	vld [tilespmem:s8+$0x30];
	_ =	sdelay $0x6  }
0x68: {  	v2 =	vld [tilespmem:s8+$0x5030]  }
0x69: {  	v3 =	vld.idx.msk [tilespmem:v1+s20+$0x0], $0xffff;
	_ =	sdelay $0x4  }
0x6a: {  	v2 =	vmul.f32 v3, v2;
	_ =	sdelay $0x1  }
0x6b: {  	v3 =	vld [tilespmem:s8+$0x2830];
	[tilespmem:s8+$0x5030] =	vst v2  }
0x6c: {  	v1 =	vld.idx.msk [tilespmem:v1+s21+$0x0], $0xffff;
	_ =	sdelay $0x4  }
0x6d: {  	v1 =	vmul.f32 v1, v2;
	_ =	sdelay $0x1  }
0x6e: {  	[tilespmem:v3+s24+$0x0] =	vst.idx.add.f32.msk $0xffff, v1  }
0x6f: {  	v1 =	vld [tilespmem:s8+$0x40];
	_ =	sdelay $0x6  }
0x70: {  	v2 =	vld [tilespmem:s8+$0x5040]  }
0x71: {  	v3 =	vld.idx.msk [tilespmem:v1+s20+$0x0], $0xffff;
	_ =	sdelay $0x4  }
0x72: {  	v2 =	vmul.f32 v3, v2;
	_ =	sdelay $0x1  }
0x73: {  	v3 =	vld [tilespmem:s8+$0x2840];
	[tilespmem:s8+$0x5040] =	vst v2  }
0x74: {  	v1 =	vld.idx.msk [tilespmem:v1+s21+$0x0], $0xffff;
	_ =	sdelay $0x4  }
0x75: {  	v1 =	vmul.f32 v1, v2;
	_ =	sdelay $0x1  }
0x76: {  	[tilespmem:v3+s24+$0x0] =	vst.idx.add.f32.msk $0xffff, v1  }
0x77: {  	v1 =	vld [tilespmem:s8+$0x50];
	_ =	sdelay $0x6  }
0x78: {  	v2 =	vld [tilespmem:s8+$0x5050]  }
0x79: {  	v3 =	vld.idx.msk [tilespmem:v1+s20+$0x0], $0xffff;
	_ =	sdelay $0x4  }
0x7a: {  	v2 =	vmul.f32 v3, v2;
	_ =	sdelay $0x1  }
0x7b: {  	v3 =	vld [tilespmem:s8+$0x2850];
	[tilespmem:s8+$0x5050] =	vst v2  }
0x7c: {  	v1 =	vld.idx.msk [tilespmem:v1+s21+$0x0], $0xffff;
	_ =	sdelay $0x4  }
0x7d: {  	v1 =	vmul.f32 v1, v2;
	_ =	sdelay $0x1  }
0x7e: {  	[tilespmem:v3+s24+$0x0] =	vst.idx.add.f32.msk $0xffff, v1  }
0x7f: {  	v1 =	vld [tilespmem:s8+$0x60];
	_ =	sdelay $0x6  }
0x80: {  	v2 =	vld [tilespmem:s8+$0x5060]  }
0x81: {  	v3 =	vld.idx.msk [tilespmem:v1+s20+$0x0], $0xffff;
	_ =	sdelay $0x4  }
0x82: {  	v2 =	vmul.f32 v3, v2;
	_ =	sdelay $0x1  }
0x83: {  	v3 =	vld [tilespmem:s8+$0x2860];
	[tilespmem:s8+$0x5060] =	vst v2  }
0x84: {  	v1 =	vld.idx.msk [tilespmem:v1+s21+$0x0], $0xffff;
	_ =	sdelay $0x4  }
0x85: {  	v1 =	vmul.f32 v1, v2;
	_ =	sdelay $0x1  }
0x86: {  	[tilespmem:v3+s24+$0x0] =	vst.idx.add.f32.msk $0xffff, v1  }
0x87: {  	v1 =	vld [tilespmem:s8+$0x70];
	_ =	sdelay $0x6  }
0x88: {  	v2 =	vld [tilespmem:s8+$0x5070]  }
0x89: {  	v3 =	vld.idx.msk [tilespmem:v1+s20+$0x0], $0xffff;
	_ =	sdelay $0x4  }
0x8a: {  	v2 =	vmul.f32 v3, v2;
	_ =	sdelay $0x1  }
0x8b: {  	v3 =	vld [tilespmem:s8+$0x2870];
	[tilespmem:s8+$0x5070] =	vst v2  }
0x8c: {  	v1 =	vld.idx.msk [tilespmem:v1+s21+$0x0], $0xffff;
	_ =	sdelay $0x1  }
0x8d: {  	p1 =	sne.s32 s4, $0x9E00  }
.Ltmp3:
0x8e: {  	_ = 	snop;
	(pc) =	sbr.rel @p1 .LBB2_4-.Ltmp3, $3  }
0x8f: {  	_ = 	snop  }
0x90: {  	v1 =	vmul.f32 v1, v2;
	_ =	sdelay $0x1  }
0x91: {  	s4 =	sadd.s32 $0x200, s4;
	[tilespmem:v3+s24+$0x0] =	vst.idx.add.f32.msk $0xffff, v1  }
0x92: {  	s4 =	simm.s32 @!p0 $0x0;
	s8 =	simm.s32 @!p0 $0xA000;
	s12 =	rddreg [dreg:$0xb]  }
0x93: {  	[hbm4b:s12+s4] =	stream.linear.scatter @!p0 [tilespmem:s8], [sflag:$0xB], $0x1400, $0x38;
	[tilespmem:$0x1F400] =	vst v63  }
0x94: {  	s4 =	simm.s32 @!p0 $0xB  }
0x95: {  	_ =	swait.ge @!p0 [sflag:s4], $0x1400  }
0x96: {  	[sflag:s4] =	ssyncset.done @!p0 $0x0  }
0x97: {  	s8 =	simm.s32 $0x100;
	[sflag:s4] =	ssyncadd.s32 @!p0 $0xFFFFEC00;
	s4 =	simm.s32 $0x0  }
.LBB2_6:
0x98: {  	p1 =	sne.s32 s8, $0x7F00;
	[tilespmem:s4+$0xB430] =	vst v0;
	s12 =	smov.u32 s8;
	s8 =	sadd.s32 $0x100, s8  }
.Ltmp4:
0x99: {  	[tilespmem:s4+$0xB420] =	vst v0;
	(pc) =	sbr.rel @p1 .LBB2_6-.Ltmp4, $3  }
0x9a: {  	[tilespmem:s4+$0xB400] =	vst v0  }
0x9b: {  	[tilespmem:s4+$0xB410] =	vst v0;
	_ =	sdelay $0x1  }
0x9c: {  	s4 =	sshra.s32 s12, $0x2  }
0x9d: {  	[tilespmem:s4+$0xB430] =	vst v0  }
0x9e: {  	[tilespmem:s4+$0xB420] =	vst v0  }
0x9f: {  	[tilespmem:s4+$0xB400] =	vst v0  }
0xa0: {  	[tilespmem:s4+$0xB410] =	vst v0  }
0xa1: {  	[spmem:s13] =	stream.linear.scatter [tilespmem:s25], [sflag:$0xB], $0x2000, $0x38;
	[tilespmem:$0x1F400] =	vst v63  }
0xa2: {  	_ =	swait.ge [sflag:s14], $0x2000  }
0xa3: {  	[sflag:s14] =	ssyncset.done $0x0  }
0xa4: {  	s17 =	rddreg [dreg:$0xd];
	[sflag:s14] =	ssyncadd.s32 $0xFFFFE000  }
0xa5: {  	[spmem:s17] =	stream.linear.scatter [tilespmem:s25], [sflag:$0xB], $0x2000, $0x38;
	[tilespmem:$0x1F400] =	vst v63  }
0xa6: {  	_ =	swait.ge [sflag:s14], $0x2000  }
0xa7: {  	[sflag:s14] =	ssyncset.done $0x0  }
0xa8: {  	s18 =	rddreg [dreg:$0xe];
	[sflag:s14] =	ssyncadd.s32 $0xFFFFE000  }
0xa9: {  	[spmem:s18] =	stream.linear.scatter [tilespmem:s25], [sflag:$0xB], $0x1000, $0x38;
	[tilespmem:$0x1F400] =	vst v63  }
0xaa: {  	_ =	swait.ge [sflag:s14], $0x1000  }
0xab: {  	[sflag:s14] =	ssyncset.done $0x0  }
0xac: {  	[sflag:s14] =	ssyncadd.s32 $0xFFFFF000  }
0xad: {  	s15 =	simm.s32 $0x0;
	[bflag:$0x0] =	sbarrier.arrive $0xFFFF  }
0xae: {  	[tilespmem:s25], [sflag:$0x1] =	stream.indirect.gather [spmem:s2], $0x40, s15, s26, $0xb8;
	[tilespmem:$0x1F400] =	vst v63  }
0xaf: {  	s19 =	simm.s32 $0xD400  }
0xb0: {  	[tilespmem:s19], [sflag:$0x2] =	stream.indirect.gather [spmem:s2], $0x40, s26, s26, $0xb8;
	[tilespmem:$0x1F400] =	vst v63  }
0xb1: {  	s28 =	simm.s32 $0x100;
	s8 =	simm.s32 $0xF400  }
0xb2: {  	[tilespmem:s8], [sflag:$0x3] =	stream.indirect.gather [spmem:s2], $0x40, s28, s26, $0xb8;
	[tilespmem:$0x1F400] =	vst v63  }
0xb3: {  	s30 =	simm.s32 $0x180;
	s16 =	simm.s32 $0x0  }
0xb4: {  	[tilespmem:s0], [sflag:$0x4] =	stream.indirect.gather [spmem:s2], $0x40, s30, s26, $0xb8;
	[tilespmem:$0x1F400] =	vst v63  }
.LBB2_8:
0xb5: {  	s12 =	smul.u32 $0x5, s16;
	_ =	sdelay $0x1  }
0xb6: {  	v2 =	vmov s15;
	s4 =	sshll.u32 s12, $0x7  }
0xb7: {  	v2 =	vand.u32 $0x7C, v2;
	v1 =	vmov s4  }
0xb8: {  	v2 =	vor.u32 v1, v2  }
0xb9: {  	v2 =	vbroadcast v2, $0x0;
	_ =	sdelay $0x1  }
0xba: {  	_ =	swait.ge [sflag:s1], $0x2000  }
0xbb: {  	[sflag:s1] =	ssyncset.done $0x0  }
0xbc: {  	s8 =	simm.s32 $0xB480;
	[sflag:s1] =	ssyncadd.s32 $0xFFFFE000  }
0xbd: {  	v3 =	vld [tilespmem:s8+$0xFFFFFF80]  }
0xbe: {  	v2 =	vld.idx.msk [tilespmem:v2+s23+$0x0], $0xffff  }
0xbf: {  	s19 =	simm.s32 $0x1;
	v4 =	vld [tilespmem:s8+$0xFFFFFF90]  }
0xc0: {  	v6 =	vmov s19;
	v5 =	vld [tilespmem:s8+$0xFFFFFFB0]  }
0xc1: {  	v6 =	vand.u32 $0x7D, v6;
	v7 =	vld [tilespmem:s8+$0xFFFFFFA0]  }
0xc2: {  	v6 =	vor.u32 v1, v6  }
0xc3: {  	v6 =	vbroadcast v6, $0x0;
	v3 =	vmul.f32 v3, v2  }
0xc4: {  	v4 =	vmul.f32 v4, v2  }
0xc5: {  	v5 =	vmul.f32 v5, v2;
	[tilespmem:s8+$0xFFFFFF80] =	vst v3  }
0xc6: {  	v2 =	vmul.f32 v7, v2;
	[tilespmem:s8+$0xFFFFFF90] =	vst v4  }
0xc7: {  	[tilespmem:s8+$0xFFFFFFB0] =	vst v5  }
0xc8: {  	[tilespmem:s8+$0xFFFFFFA0] =	vst v2;
	v3 =	vld [tilespmem:s8+$0xFFFFFFC0]  }
0xc9: {  	v2 =	vld.idx.msk [tilespmem:v6+s23+$0x0], $0xffff  }
0xca: {  	s28 =	simm.s32 $0x2;
	v4 =	vld [tilespmem:s8+$0xFFFFFFD0]  }
0xcb: {  	v5 =	vld [tilespmem:s8+$0xFFFFFFE0];
	v6 =	vmov s28  }
0xcc: {  	v7 =	vld [tilespmem:s8+$0xFFFFFFF0];
	v6 =	vand.u32 $0x7E, v6  }
0xcd: {  	v6 =	vor.u32 v1, v6  }
0xce: {  	v6 =	vbroadcast v6, $0x0;
	v3 =	vmul.f32 v3, v2  }
0xcf: {  	v4 =	vmul.f32 v4, v2  }
0xd0: {  	v5 =	vmul.f32 v5, v2;
	[tilespmem:s8+$0xFFFFFFC0] =	vst v3  }
0xd1: {  	v2 =	vmul.f32 v7, v2;
	[tilespmem:s8+$0xFFFFFFD0] =	vst v4  }
0xd2: {  	[tilespmem:s8+$0xFFFFFFE0] =	vst v5  }
0xd3: {  	v3 =	vld [tilespmem:s8+$0x0];
	[tilespmem:s8+$0xFFFFFFF0] =	vst v2  }
0xd4: {  	v2 =	vld.idx.msk [tilespmem:v6+s23+$0x0], $0xffff  }
0xd5: {  	s30 =	simm.s32 $0x3;
	v4 =	vld [tilespmem:s8+$0x20]  }
0xd6: {  	v5 =	vmov s30;
	v6 =	vld [tilespmem:s8+$0x10]  }
0xd7: {  	v5 =	vand.u32 $0x7F, v5  }
0xd8: {  	v8 =	vor.u32 v1, v5;
	v5 =	vld [tilespmem:s8+$0x30]  }
0xd9: {  	s13 =	simm.s32 $0x4;
	s4 =	simm.s32 $0xB480;
	v7 =	vmul.f32 v3, v2;
	v3 =	vbroadcast v8, $0x0  }
.LBB2_9:
0xda: {  	p1 =	slt.u32 s13, $0x7C  }
0xdb: {  	v6 =	vmul.f32 v6, v2;
	v4 =	vmul.f32 v4, v2;
	s8 =	sadd.s32 $0x100, s8;
	s14 =	smov.u32 s13;
	s13 =	sadd.s32 $0x4, s13  }
0xdc: {  	[tilespmem:s4+$0x0] =	vst v7  }
0xdd: {  	v2 =	vmul.f32 v5, v2;
	[tilespmem:s4+$0x10] =	vst v6  }
0xde: {  	[tilespmem:s4+$0x20] =	vst v4;
	v4 =	vld [tilespmem:s4+$0x70]  }
0xdf: {  	v5 =	vmov s14;
	[tilespmem:s4+$0x30] =	vst v2;
	v2 =	vld [tilespmem:s4+$0x40]  }
0xe0: {  	v5 =	vand.u32 $0x7C, v5;
	v3 =	vld.idx.msk [tilespmem:v3+s23+$0x0], $0xffff  }
0xe1: {  	v5 =	vor.u32 v1, v5;
	v6 =	vld [tilespmem:s4+$0x50]  }
0xe2: {  	v5 =	vbroadcast v5, $0x0;
	v7 =	vld [tilespmem:s4+$0x60];
	_ =	sdelay $0x3  }
0xe3: {  	v2 =	vmul.f32 v2, v3;
	v8 =	vld [tilespmem:s8+$0xFFFFFFA0];
	v6 =	vmul.f32 v6, v3  }
0xe4: {  	v9 =	vld [tilespmem:s8+$0xFFFFFFB0];
	v7 =	vmul.f32 v7, v3;
	v3 =	vmul.f32 v4, v3  }
0xe5: {  	[tilespmem:s4+$0x40] =	vst v2  }
0xe6: {  	[tilespmem:s4+$0x70] =	vst v3  }
0xe7: {  	s17 =	sadd.s32 $0x1, s14;
	[tilespmem:s4+$0x60] =	vst v7  }
0xe8: {  	v2 =	vmov s17;
	[tilespmem:s4+$0x50] =	vst v6;
	s4 =	smov.u32 s8  }
0xe9: {  	v2 =	vand.u32 $0x7D, v2;
	v3 =	vld.idx.msk [tilespmem:v5+s23+$0x0], $0xffff  }
0xea: {  	v2 =	vor.u32 v1, v2;
	v4 =	vld [tilespmem:s8+$0xFFFFFF80]  }
0xeb: {  	v2 =	vbroadcast v2, $0x0;
	v5 =	vld [tilespmem:s8+$0xFFFFFF90];
	_ =	sdelay $0x3  }
0xec: {  	v6 =	vmul.f32 v9, v3;
	v4 =	vmul.f32 v4, v3  }
0xed: {  	v5 =	vmul.f32 v5, v3;
	v3 =	vmul.f32 v8, v3  }
0xee: {  	[tilespmem:s8+$0xFFFFFF80] =	vst v4  }
0xef: {  	[tilespmem:s8+$0xFFFFFF90] =	vst v5  }
0xf0: {  	[tilespmem:s8+$0xFFFFFFB0] =	vst v6  }
0xf1: {  	[tilespmem:s8+$0xFFFFFFA0] =	vst v3;
	v3 =	vld [tilespmem:s8+$0xFFFFFFE0]  }
0xf2: {  	v2 =	vld.idx.msk [tilespmem:v2+s23+$0x0], $0xffff  }
0xf3: {  	v4 =	vld [tilespmem:s8+$0xFFFFFFC0]  }
0xf4: {  	s17 =	sadd.s32 $0x2, s14;
	v5 =	vld [tilespmem:s8+$0xFFFFFFD0]  }
0xf5: {  	v6 =	vmov s17  }
0xf6: {  	v6 =	vand.u32 $0x7E, v6;
	v7 =	vld [tilespmem:s8+$0xFFFFFFF0]  }
0xf7: {  	v6 =	vor.u32 v1, v6  }
0xf8: {  	v6 =	vbroadcast v6, $0x0;
	v4 =	vmul.f32 v4, v2  }
0xf9: {  	v3 =	vmul.f32 v3, v2;
	v5 =	vmul.f32 v5, v2  }
0xfa: {  	[tilespmem:s8+$0xFFFFFFC0] =	vst v4  }
0xfb: {  	[tilespmem:s8+$0xFFFFFFD0] =	vst v5;
	v2 =	vmul.f32 v7, v2  }
0xfc: {  	[tilespmem:s8+$0xFFFFFFE0] =	vst v3;
	v3 =	vld [tilespmem:s8+$0x0]  }
0xfd: {  	[tilespmem:s8+$0xFFFFFFF0] =	vst v2;
	v4 =	vld [tilespmem:s8+$0x20]  }
0xfe: {  	v2 =	vld.idx.msk [tilespmem:v6+s23+$0x0], $0xffff  }
0xff: {  	v6 =	vld [tilespmem:s8+$0x10]  }
.Ltmp5:
0x100: {  	s14 =	sadd.s32 $0x3, s14;
	v5 =	vld [tilespmem:s8+$0x30];
	(pc) =	sbr.rel @p1 .LBB2_9-.Ltmp5, $4  }
0x101: {  	v7 =	vmov s14  }
0x102: {  	v7 =	vand.u32 $0x7F, v7  }
0x103: {  	v8 =	vor.u32 v1, v7  }
0x104: {  	v7 =	vmul.f32 v3, v2;
	v3 =	vbroadcast v8, $0x0  }
0x105: {  	v1 =	vmul.f32 v6, v2  }
0x106: {  	v4 =	vmul.f32 v4, v2;
	[tilespmem:s4+$0x0] =	vst v7  }
0x107: {  	[tilespmem:s4+$0x10] =	vst v1;
	v1 =	vmul.f32 v5, v2  }
0x108: {  	[tilespmem:s4+$0x20] =	vst v4  }
0x109: {  	[tilespmem:s4+$0x30] =	vst v1;
	v1 =	vld [tilespmem:s4+$0x40]  }
0x10a: {  	v2 =	vld.idx.msk [tilespmem:v3+s23+$0x0], $0xffff  }
0x10b: {  	v3 =	vld [tilespmem:s4+$0x70]  }
0x10c: {  	v4 =	vld [tilespmem:s4+$0x60]  }
0x10d: {  	v5 =	vld [tilespmem:s4+$0x50];
	_ =	sdelay $0x1  }
0x10e: {  	v1 =	vmul.f32 v1, v2  }
0x10f: {  	v3 =	vmul.f32 v3, v2  }
0x110: {  	s8 =	smul.u32 $0xA00, s16;
	v4 =	vmul.f32 v4, v2;
	[tilespmem:s4+$0x40] =	vst v1  }
0x111: {  	s13 =	sadd.s32 $0x1, s12;
	v1 =	vmul.f32 v5, v2;
	[tilespmem:s4+$0x70] =	vst v3  }
0x112: {  	s14 =	simm.s32 $0x0;
	p1 =	seq.s32 s16, $0x0;
	s17 =	sshra.s32 s8, $0x2;
	[tilespmem:s4+$0x60] =	vst v4  }
0x113: {  	s13 =	sshll.u32 s13, $0x7;
	s30 =	sadd.s32 $0x2800, s17;
	v2 =	vmov s14;
	[tilespmem:s4+$0x50] =	vst v1;
	s4 =	simm.s32 @!p1 $0xA  }
0x114: {  	v2 =	vand.u32 $0x7C, v2;
	v1 =	vmov s13;
	[spmem:s3] =	stream.indirect.scatter.add.f32 [tilespmem:s25], [sflag:$0x6], $0x40, s30, s26, $0xb8;
	[tilespmem:$0x1F400] =	vst v63  }
0x115: {  	v2 =	vor.u32 v1, v2;
	_ =	swait.ge @!p1 [sflag:s4], $0x2000  }
0x116: {  	s18 =	sadd.s32 $0x4, s12;
	v2 =	vbroadcast v2, $0x0;
	[sflag:s4] =	ssyncset.done @!p1 $0x0  }
0x117: {  	s18 =	sshll.u32 s18, $0x7;
	[sflag:s4] =	ssyncadd.s32 @!p1 $0xFFFFE000  }
0x118: {  	[tilespmem:s22], [sflag:$0x5] =	stream.indirect.gather [spmem:s2], $0x40, s18, s26, $0xb8;
	[tilespmem:$0x1F400] =	vst v63  }
0x119: {  	_ =	swait.ge [sflag:s29], $0x2000  }
0x11a: {  	[sflag:s29] =	ssyncset.done $0x0  }
0x11b: {  	[sflag:s29] =	ssyncadd.s32 $0xFFFFE000  }
0x11c: {  	s4 =	simm.s32 $0xD4F0;
	v2 =	vld.idx.msk [tilespmem:v2+s23+$0x0], $0xffff  }
0x11d: {  	v3 =	vld [tilespmem:s4+$0xFFFFFF10]  }
0x11e: {  	s19 =	simm.s32 $0x1;
	v4 =	vld [tilespmem:s4+$0xFFFFFF20]  }
0x11f: {  	v6 =	vmov s19;
	v5 =	vld [tilespmem:s4+$0xFFFFFF40]  }
0x120: {  	v6 =	vand.u32 $0x7D, v6;
	v7 =	vld [tilespmem:s4+$0xFFFFFF30]  }
0x121: {  	v6 =	vor.u32 v1, v6  }
0x122: {  	v6 =	vbroadcast v6, $0x0;
	v3 =	vmul.f32 v3, v2  }
0x123: {  	v4 =	vmul.f32 v4, v2  }
0x124: {  	v5 =	vmul.f32 v5, v2;
	[tilespmem:s4+$0xFFFFFF10] =	vst v3  }
0x125: {  	v2 =	vmul.f32 v7, v2;
	[tilespmem:s4+$0xFFFFFF20] =	vst v4  }
0x126: {  	[tilespmem:s4+$0xFFFFFF40] =	vst v5  }
0x127: {  	[tilespmem:s4+$0xFFFFFF30] =	vst v2;
	v3 =	vld [tilespmem:s4+$0xFFFFFF50]  }
0x128: {  	v2 =	vld.idx.msk [tilespmem:v6+s23+$0x0], $0xffff  }
0x129: {  	s28 =	simm.s32 $0x2;
	v4 =	vld [tilespmem:s4+$0xFFFFFF60]  }
0x12a: {  	v5 =	vld [tilespmem:s4+$0xFFFFFF70];
	v6 =	vmov s28  }
0x12b: {  	v7 =	vld [tilespmem:s4+$0xFFFFFF80];
	v6 =	vand.u32 $0x7E, v6  }
0x12c: {  	v6 =	vor.u32 v1, v6  }
0x12d: {  	v6 =	vbroadcast v6, $0x0;
	v3 =	vmul.f32 v3, v2  }
0x12e: {  	v4 =	vmul.f32 v4, v2  }
0x12f: {  	v5 =	vmul.f32 v5, v2;
	[tilespmem:s4+$0xFFFFFF50] =	vst v3  }
0x130: {  	v2 =	vmul.f32 v7, v2;
	[tilespmem:s4+$0xFFFFFF60] =	vst v4  }
0x131: {  	[tilespmem:s4+$0xFFFFFF70] =	vst v5  }
0x132: {  	v3 =	vld [tilespmem:s4+$0xFFFFFF90];
	[tilespmem:s4+$0xFFFFFF80] =	vst v2  }
0x133: {  	v2 =	vld.idx.msk [tilespmem:v6+s23+$0x0], $0xffff  }
0x134: {  	s30 =	simm.s32 $0x3;
	v4 =	vld [tilespmem:s4+$0xFFFFFFB0]  }
0x135: {  	v5 =	vmov s30;
	v6 =	vld [tilespmem:s4+$0xFFFFFFA0]  }
0x136: {  	v5 =	vand.u32 $0x7F, v5  }
0x137: {  	v8 =	vor.u32 v1, v5;
	v5 =	vld [tilespmem:s4+$0xFFFFFFC0]  }
0x138: {  	s19 =	simm.s32 $0x4;
	s14 =	simm.s32 $0xD4F0;
	v7 =	vmul.f32 v3, v2;
	v3 =	vbroadcast v8, $0x0  }
.LBB2_11:
0x139: {  	p1 =	slt.u32 s19, $0x7C  }
0x13a: {  	v6 =	vmul.f32 v6, v2;
	v4 =	vmul.f32 v4, v2;
	s4 =	sadd.s32 $0x100, s4;
	s28 =	smov.u32 s19;
	s19 =	sadd.s32 $0x4, s19  }
0x13b: {  	[tilespmem:s14+$0xFFFFFF90] =	vst v7  }
0x13c: {  	v2 =	vmul.f32 v5, v2;
	[tilespmem:s14+$0xFFFFFFA0] =	vst v6  }
0x13d: {  	[tilespmem:s14+$0xFFFFFFB0] =	vst v4;
	v4 =	vld [tilespmem:s14+$0xFFFFFFF0]  }
0x13e: {  	v5 =	vmov s28;
	[tilespmem:s14+$0xFFFFFFC0] =	vst v2;
	v2 =	vld [tilespmem:s14+$0xFFFFFFD0]  }
0x13f: {  	v5 =	vand.u32 $0x7C, v5;
	v3 =	vld.idx.msk [tilespmem:v3+s23+$0x0], $0xffff  }
0x140: {  	v5 =	vor.u32 v1, v5;
	v6 =	vld [tilespmem:s14+$0xFFFFFFE0]  }
0x141: {  	v5 =	vbroadcast v5, $0x0;
	v7 =	vld [tilespmem:s14+$0x0];
	_ =	sdelay $0x3  }
0x142: {  	v2 =	vmul.f32 v2, v3;
	v8 =	vld [tilespmem:s4+$0xFFFFFF30];
	v6 =	vmul.f32 v6, v3  }
0x143: {  	v4 =	vmul.f32 v4, v3;
	v9 =	vld [tilespmem:s4+$0xFFFFFF40];
	v3 =	vmul.f32 v7, v3  }
0x144: {  	[tilespmem:s14+$0xFFFFFFD0] =	vst v2  }
0x145: {  	[tilespmem:s14+$0x0] =	vst v3  }
0x146: {  	s30 =	sadd.s32 $0x1, s28;
	[tilespmem:s14+$0xFFFFFFF0] =	vst v4  }
0x147: {  	v2 =	vmov s30;
	[tilespmem:s14+$0xFFFFFFE0] =	vst v6;
	s14 =	smov.u32 s4  }
0x148: {  	v2 =	vand.u32 $0x7D, v2;
	v3 =	vld.idx.msk [tilespmem:v5+s23+$0x0], $0xffff  }
0x149: {  	v2 =	vor.u32 v1, v2;
	v4 =	vld [tilespmem:s4+$0xFFFFFF10]  }
0x14a: {  	v2 =	vbroadcast v2, $0x0;
	v5 =	vld [tilespmem:s4+$0xFFFFFF20];
	_ =	sdelay $0x3  }
0x14b: {  	v6 =	vmul.f32 v9, v3;
	v4 =	vmul.f32 v4, v3  }
0x14c: {  	v5 =	vmul.f32 v5, v3;
	v3 =	vmul.f32 v8, v3  }
0x14d: {  	[tilespmem:s4+$0xFFFFFF10] =	vst v4  }
0x14e: {  	[tilespmem:s4+$0xFFFFFF20] =	vst v5  }
0x14f: {  	[tilespmem:s4+$0xFFFFFF40] =	vst v6  }
0x150: {  	[tilespmem:s4+$0xFFFFFF30] =	vst v3;
	v3 =	vld [tilespmem:s4+$0xFFFFFF70]  }
0x151: {  	v2 =	vld.idx.msk [tilespmem:v2+s23+$0x0], $0xffff  }
0x152: {  	v4 =	vld [tilespmem:s4+$0xFFFFFF50]  }
0x153: {  	s30 =	sadd.s32 $0x2, s28;
	v5 =	vld [tilespmem:s4+$0xFFFFFF60]  }
0x154: {  	v6 =	vmov s30  }
0x155: {  	v6 =	vand.u32 $0x7E, v6;
	v7 =	vld [tilespmem:s4+$0xFFFFFF80]  }
0x156: {  	v6 =	vor.u32 v1, v6  }
0x157: {  	v6 =	vbroadcast v6, $0x0;
	v4 =	vmul.f32 v4, v2  }
0x158: {  	v3 =	vmul.f32 v3, v2;
	v5 =	vmul.f32 v5, v2  }
0x159: {  	[tilespmem:s4+$0xFFFFFF50] =	vst v4  }
0x15a: {  	[tilespmem:s4+$0xFFFFFF60] =	vst v5;
	v2 =	vmul.f32 v7, v2  }
0x15b: {  	[tilespmem:s4+$0xFFFFFF70] =	vst v3;
	v3 =	vld [tilespmem:s4+$0xFFFFFF90]  }
0x15c: {  	[tilespmem:s4+$0xFFFFFF80] =	vst v2;
	v4 =	vld [tilespmem:s4+$0xFFFFFFB0]  }
0x15d: {  	v2 =	vld.idx.msk [tilespmem:v6+s23+$0x0], $0xffff  }
0x15e: {  	v6 =	vld [tilespmem:s4+$0xFFFFFFA0]  }
.Ltmp6:
0x15f: {  	s28 =	sadd.s32 $0x3, s28;
	v5 =	vld [tilespmem:s4+$0xFFFFFFC0];
	(pc) =	sbr.rel @p1 .LBB2_11-.Ltmp6, $4  }
0x160: {  	v7 =	vmov s28  }
0x161: {  	v7 =	vand.u32 $0x7F, v7  }
0x162: {  	v8 =	vor.u32 v1, v7  }
0x163: {  	v7 =	vmul.f32 v3, v2;
	v3 =	vbroadcast v8, $0x0  }
0x164: {  	v1 =	vmul.f32 v6, v2  }
0x165: {  	v4 =	vmul.f32 v4, v2;
	[tilespmem:s14+$0xFFFFFF90] =	vst v7  }
0x166: {  	[tilespmem:s14+$0xFFFFFFA0] =	vst v1;
	v1 =	vmul.f32 v5, v2  }
0x167: {  	[tilespmem:s14+$0xFFFFFFB0] =	vst v4  }
0x168: {  	[tilespmem:s14+$0xFFFFFFC0] =	vst v1;
	v1 =	vld [tilespmem:s14+$0xFFFFFFD0]  }
0x169: {  	v3 =	vld.idx.msk [tilespmem:v3+s23+$0x0], $0xffff  }
0x16a: {  	v4 =	vld [tilespmem:s14+$0x0]  }
0x16b: {  	v2 =	vld [tilespmem:s14+$0xFFFFFFF0]  }
0x16c: {  	v5 =	vld [tilespmem:s14+$0xFFFFFFE0];
	_ =	sdelay $0x1  }
0x16d: {  	v1 =	vmul.f32 v1, v3  }
0x16e: {  	v4 =	vmul.f32 v4, v3  }
0x16f: {  	v2 =	vmul.f32 v2, v3;
	[tilespmem:s14+$0xFFFFFFD0] =	vst v1  }
0x170: {  	v1 =	vmul.f32 v5, v3;
	[tilespmem:s14+$0x0] =	vst v4  }
0x171: {  	s4 =	sand.u32 $0x3FFFFF80, s13;
	s28 =	sadd.s32 $0x2, s12;
	s30 =	simm.s32 $0x0;
	[tilespmem:s14+$0xFFFFFFF0] =	vst v2  }
0x172: {  	s19 =	simm.s32 $0xD400;
	s4 =	sadd.s32 $0x2800, s4;
	s13 =	sshll.u32 s28, $0x7;
	v2 =	vmov s30;
	[tilespmem:s14+$0xFFFFFFE0] =	vst v1  }
0x173: {  	v2 =	vand.u32 $0x7C, v2;
	v1 =	vmov s13;
	[spmem:s3] =	stream.indirect.scatter.add.f32 [tilespmem:s19], [sflag:$0x7], $0x40, s4, s26, $0xb8;
	[tilespmem:$0x1F400] =	vst v63  }
0x174: {  	p1 =	seq.s32 s16, $0xF;
	v2 =	vor.u32 v1, v2;
	_ =	swait.ge [sflag:s31], $0x2000  }
0x175: {  	s8 =	sshra.s32 @!p1 s8, $0x2;
	s14 =	simm.s32 @!p1 $0x80;
	v2 =	vbroadcast v2, $0x0;
	[sflag:s31] =	ssyncset.done $0x0  }
0x176: {  	s4 =	sadd.s32 @!p1 $0x280, s8;
	s19 =	simm.s32 @!p1 $0xB400;
	[sflag:s31] =	ssyncadd.s32 $0xFFFFE000  }
0x177: {  	[tilespmem:s19], [sflag:$0x1] =	stream.indirect.gather @!p1 [spmem:s2], $0x40, s4, s14, $0xb8;
	[tilespmem:$0x1F400] =	vst v63  }
0x178: {  	_ =	swait.ge [sflag:s5], $0x2000  }
0x179: {  	[sflag:s5] =	ssyncset.done $0x0  }
0x17a: {  	[sflag:s5] =	ssyncadd.s32 $0xFFFFE000  }
0x17b: {  	s4 =	simm.s32 $0xF4F0;
	v2 =	vld.idx.msk [tilespmem:v2+s23+$0x0], $0xffff  }
0x17c: {  	v3 =	vld [tilespmem:s4+$0xFFFFFF10]  }
0x17d: {  	s19 =	simm.s32 $0x1;
	v4 =	vld [tilespmem:s4+$0xFFFFFF20]  }
0x17e: {  	v6 =	vmov s19;
	v5 =	vld [tilespmem:s4+$0xFFFFFF40]  }
0x17f: {  	v6 =	vand.u32 $0x7D, v6;
	v7 =	vld [tilespmem:s4+$0xFFFFFF30]  }
0x180: {  	v6 =	vor.u32 v1, v6  }
0x181: {  	v6 =	vbroadcast v6, $0x0;
	v3 =	vmul.f32 v3, v2  }
0x182: {  	v4 =	vmul.f32 v4, v2  }
0x183: {  	v5 =	vmul.f32 v5, v2;
	[tilespmem:s4+$0xFFFFFF10] =	vst v3  }
0x184: {  	v2 =	vmul.f32 v7, v2;
	[tilespmem:s4+$0xFFFFFF20] =	vst v4  }
0x185: {  	[tilespmem:s4+$0xFFFFFF40] =	vst v5  }
0x186: {  	[tilespmem:s4+$0xFFFFFF30] =	vst v2;
	v3 =	vld [tilespmem:s4+$0xFFFFFF50]  }
0x187: {  	v2 =	vld.idx.msk [tilespmem:v6+s23+$0x0], $0xffff  }
0x188: {  	s28 =	simm.s32 $0x2;
	v4 =	vld [tilespmem:s4+$0xFFFFFF60]  }
0x189: {  	v5 =	vld [tilespmem:s4+$0xFFFFFF70];
	v6 =	vmov s28  }
0x18a: {  	v7 =	vld [tilespmem:s4+$0xFFFFFF80];
	v6 =	vand.u32 $0x7E, v6  }
0x18b: {  	v6 =	vor.u32 v1, v6  }
0x18c: {  	v6 =	vbroadcast v6, $0x0;
	v3 =	vmul.f32 v3, v2  }
0x18d: {  	v4 =	vmul.f32 v4, v2  }
0x18e: {  	v5 =	vmul.f32 v5, v2;
	[tilespmem:s4+$0xFFFFFF50] =	vst v3  }
0x18f: {  	v2 =	vmul.f32 v7, v2;
	[tilespmem:s4+$0xFFFFFF60] =	vst v4  }
0x190: {  	[tilespmem:s4+$0xFFFFFF70] =	vst v5  }
0x191: {  	v3 =	vld [tilespmem:s4+$0xFFFFFF90];
	[tilespmem:s4+$0xFFFFFF80] =	vst v2  }
0x192: {  	v2 =	vld.idx.msk [tilespmem:v6+s23+$0x0], $0xffff  }
0x193: {  	s30 =	simm.s32 $0x3;
	v4 =	vld [tilespmem:s4+$0xFFFFFFB0]  }
0x194: {  	v5 =	vmov s30;
	v6 =	vld [tilespmem:s4+$0xFFFFFFA0]  }
0x195: {  	v5 =	vand.u32 $0x7F, v5  }
0x196: {  	v8 =	vor.u32 v1, v5;
	v5 =	vld [tilespmem:s4+$0xFFFFFFC0]  }
0x197: {  	s14 =	simm.s32 $0xF4F0;
	s19 =	simm.s32 $0x4;
	v7 =	vmul.f32 v3, v2;
	v3 =	vbroadcast v8, $0x0  }
.LBB2_13:
0x198: {  	p2 =	slt.u32 s19, $0x7C  }
0x199: {  	v6 =	vmul.f32 v6, v2;
	v4 =	vmul.f32 v4, v2;
	s4 =	sadd.s32 $0x100, s4;
	s28 =	smov.u32 s19;
	s19 =	sadd.s32 $0x4, s19  }
0x19a: {  	[tilespmem:s14+$0xFFFFFF90] =	vst v7  }
0x19b: {  	v2 =	vmul.f32 v5, v2;
	[tilespmem:s14+$0xFFFFFFA0] =	vst v6  }
0x19c: {  	[tilespmem:s14+$0xFFFFFFB0] =	vst v4;
	v4 =	vld [tilespmem:s14+$0xFFFFFFF0]  }
0x19d: {  	v5 =	vmov s28;
	[tilespmem:s14+$0xFFFFFFC0] =	vst v2;
	v2 =	vld [tilespmem:s14+$0xFFFFFFD0]  }
0x19e: {  	v5 =	vand.u32 $0x7C, v5;
	v3 =	vld.idx.msk [tilespmem:v3+s23+$0x0], $0xffff  }
0x19f: {  	v5 =	vor.u32 v1, v5;
	v6 =	vld [tilespmem:s14+$0xFFFFFFE0]  }
0x1a0: {  	v5 =	vbroadcast v5, $0x0;
	v7 =	vld [tilespmem:s14+$0x0];
	_ =	sdelay $0x3  }
0x1a1: {  	v2 =	vmul.f32 v2, v3;
	v8 =	vld [tilespmem:s4+$0xFFFFFF30];
	v6 =	vmul.f32 v6, v3  }
0x1a2: {  	v4 =	vmul.f32 v4, v3;
	v9 =	vld [tilespmem:s4+$0xFFFFFF40];
	v3 =	vmul.f32 v7, v3  }
0x1a3: {  	[tilespmem:s14+$0xFFFFFFD0] =	vst v2  }
0x1a4: {  	[tilespmem:s14+$0x0] =	vst v3  }
0x1a5: {  	s30 =	sadd.s32 $0x1, s28;
	[tilespmem:s14+$0xFFFFFFF0] =	vst v4  }
0x1a6: {  	v2 =	vmov s30;
	[tilespmem:s14+$0xFFFFFFE0] =	vst v6;
	s14 =	smov.u32 s4  }
0x1a7: {  	v2 =	vand.u32 $0x7D, v2;
	v3 =	vld.idx.msk [tilespmem:v5+s23+$0x0], $0xffff  }
0x1a8: {  	v2 =	vor.u32 v1, v2;
	v4 =	vld [tilespmem:s4+$0xFFFFFF10]  }
0x1a9: {  	v2 =	vbroadcast v2, $0x0;
	v5 =	vld [tilespmem:s4+$0xFFFFFF20];
	_ =	sdelay $0x3  }
0x1aa: {  	v6 =	vmul.f32 v9, v3;
	v4 =	vmul.f32 v4, v3  }
0x1ab: {  	v5 =	vmul.f32 v5, v3;
	v3 =	vmul.f32 v8, v3  }
0x1ac: {  	[tilespmem:s4+$0xFFFFFF10] =	vst v4  }
0x1ad: {  	[tilespmem:s4+$0xFFFFFF20] =	vst v5  }
0x1ae: {  	[tilespmem:s4+$0xFFFFFF40] =	vst v6  }
0x1af: {  	[tilespmem:s4+$0xFFFFFF30] =	vst v3;
	v3 =	vld [tilespmem:s4+$0xFFFFFF70]  }
0x1b0: {  	v2 =	vld.idx.msk [tilespmem:v2+s23+$0x0], $0xffff  }
0x1b1: {  	v4 =	vld [tilespmem:s4+$0xFFFFFF50]  }
0x1b2: {  	s30 =	sadd.s32 $0x2, s28;
	v5 =	vld [tilespmem:s4+$0xFFFFFF60]  }
0x1b3: {  	v6 =	vmov s30  }
0x1b4: {  	v6 =	vand.u32 $0x7E, v6;
	v7 =	vld [tilespmem:s4+$0xFFFFFF80]  }
0x1b5: {  	v6 =	vor.u32 v1, v6  }
0x1b6: {  	v6 =	vbroadcast v6, $0x0;
	v4 =	vmul.f32 v4, v2  }
0x1b7: {  	v3 =	vmul.f32 v3, v2;
	v5 =	vmul.f32 v5, v2  }
0x1b8: {  	[tilespmem:s4+$0xFFFFFF50] =	vst v4  }
0x1b9: {  	[tilespmem:s4+$0xFFFFFF60] =	vst v5;
	v2 =	vmul.f32 v7, v2  }
0x1ba: {  	[tilespmem:s4+$0xFFFFFF70] =	vst v3;
	v3 =	vld [tilespmem:s4+$0xFFFFFF90]  }
0x1bb: {  	[tilespmem:s4+$0xFFFFFF80] =	vst v2;
	v4 =	vld [tilespmem:s4+$0xFFFFFFB0]  }
0x1bc: {  	v2 =	vld.idx.msk [tilespmem:v6+s23+$0x0], $0xffff  }
0x1bd: {  	v6 =	vld [tilespmem:s4+$0xFFFFFFA0]  }
.Ltmp7:
0x1be: {  	s28 =	sadd.s32 $0x3, s28;
	v5 =	vld [tilespmem:s4+$0xFFFFFFC0];
	(pc) =	sbr.rel @p2 .LBB2_13-.Ltmp7, $4  }
0x1bf: {  	v7 =	vmov s28  }
0x1c0: {  	v7 =	vand.u32 $0x7F, v7  }
0x1c1: {  	v8 =	vor.u32 v1, v7  }
0x1c2: {  	v7 =	vmul.f32 v3, v2;
	v3 =	vbroadcast v8, $0x0  }
0x1c3: {  	v1 =	vmul.f32 v6, v2  }
0x1c4: {  	v4 =	vmul.f32 v4, v2;
	[tilespmem:s14+$0xFFFFFF90] =	vst v7  }
0x1c5: {  	[tilespmem:s14+$0xFFFFFFA0] =	vst v1;
	v1 =	vmul.f32 v5, v2  }
0x1c6: {  	[tilespmem:s14+$0xFFFFFFB0] =	vst v4  }
0x1c7: {  	[tilespmem:s14+$0xFFFFFFC0] =	vst v1;
	v1 =	vld [tilespmem:s14+$0xFFFFFFD0]  }
0x1c8: {  	v3 =	vld.idx.msk [tilespmem:v3+s23+$0x0], $0xffff  }
0x1c9: {  	v4 =	vld [tilespmem:s14+$0x0]  }
0x1ca: {  	v2 =	vld [tilespmem:s14+$0xFFFFFFF0]  }
0x1cb: {  	v5 =	vld [tilespmem:s14+$0xFFFFFFE0];
	_ =	sdelay $0x1  }
0x1cc: {  	v1 =	vmul.f32 v1, v3  }
0x1cd: {  	v4 =	vmul.f32 v4, v3  }
0x1ce: {  	v2 =	vmul.f32 v2, v3;
	[tilespmem:s14+$0xFFFFFFD0] =	vst v1  }
0x1cf: {  	v1 =	vmul.f32 v5, v3;
	[tilespmem:s14+$0x0] =	vst v4  }
0x1d0: {  	s4 =	sand.u32 $0x3FFFFF80, s13;
	s30 =	simm.s32 $0xF400;
	s13 =	sadd.s32 $0x3, s12;
	[tilespmem:s14+$0xFFFFFFF0] =	vst v2  }
0x1d1: {  	s4 =	sadd.s32 $0x2800, s4;
	s12 =	sshll.u32 s13, $0x7;
	[tilespmem:s14+$0xFFFFFFE0] =	vst v1;
	s14 =	simm.s32 $0x0  }
0x1d2: {  	[spmem:s3] =	stream.indirect.scatter.add.f32 [tilespmem:s30], [sflag:$0x8], $0x40, s4, s26, $0xb8;
	v2 =	vmov s14;
	[tilespmem:$0x1F400] =	vst v63  }
0x1d3: {  	v1 =	vmov s12;
	_ =	swait.ge [sflag:s6], $0x2000;
	v2 =	vand.u32 $0x7C, v2  }
0x1d4: {  	s13 =	simm.s32 @!p1 $0x80;
	[sflag:s6] =	ssyncset.done $0x0;
	v2 =	vor.u32 v1, v2  }
0x1d5: {  	s4 =	sadd.s32 @!p1 $0x300, s8;
	s14 =	simm.s32 @!p1 $0xD400;
	[sflag:s6] =	ssyncadd.s32 $0xFFFFE000;
	v2 =	vbroadcast v2, $0x0  }
0x1d6: {  	[tilespmem:s14], [sflag:$0x2] =	stream.indirect.gather @!p1 [spmem:s2], $0x40, s4, s13, $0xb8;
	[tilespmem:$0x1F400] =	vst v63  }
0x1d7: {  	_ =	swait.ge [sflag:s7], $0x2000  }
0x1d8: {  	[sflag:s7] =	ssyncset.done $0x0  }
0x1d9: {  	s4 =	simm.s32 $0x114F0;
	[sflag:s7] =	ssyncadd.s32 $0xFFFFE000  }
0x1da: {  	v3 =	vld [tilespmem:s4+$0xFFFFFF10]  }
0x1db: {  	v2 =	vld.idx.msk [tilespmem:v2+s23+$0x0], $0xffff  }
0x1dc: {  	s19 =	simm.s32 $0x1;
	v4 =	vld [tilespmem:s4+$0xFFFFFF20]  }
0x1dd: {  	v6 =	vmov s19;
	v5 =	vld [tilespmem:s4+$0xFFFFFF40]  }
0x1de: {  	v6 =	vand.u32 $0x7D, v6;
	v7 =	vld [tilespmem:s4+$0xFFFFFF30]  }
0x1df: {  	v6 =	vor.u32 v1, v6  }
0x1e0: {  	v6 =	vbroadcast v6, $0x0;
	v3 =	vmul.f32 v3, v2  }
0x1e1: {  	v4 =	vmul.f32 v4, v2  }
0x1e2: {  	v5 =	vmul.f32 v5, v2;
	[tilespmem:s4+$0xFFFFFF10] =	vst v3  }
0x1e3: {  	v2 =	vmul.f32 v7, v2;
	[tilespmem:s4+$0xFFFFFF20] =	vst v4  }
0x1e4: {  	[tilespmem:s4+$0xFFFFFF40] =	vst v5  }
0x1e5: {  	[tilespmem:s4+$0xFFFFFF30] =	vst v2;
	v3 =	vld [tilespmem:s4+$0xFFFFFF50]  }
0x1e6: {  	v2 =	vld.idx.msk [tilespmem:v6+s23+$0x0], $0xffff  }
0x1e7: {  	s28 =	simm.s32 $0x2;
	v4 =	vld [tilespmem:s4+$0xFFFFFF60]  }
0x1e8: {  	v5 =	vld [tilespmem:s4+$0xFFFFFF70];
	v6 =	vmov s28  }
0x1e9: {  	v7 =	vld [tilespmem:s4+$0xFFFFFF80];
	v6 =	vand.u32 $0x7E, v6  }
0x1ea: {  	v6 =	vor.u32 v1, v6  }
0x1eb: {  	v6 =	vbroadcast v6, $0x0;
	v3 =	vmul.f32 v3, v2  }
0x1ec: {  	v4 =	vmul.f32 v4, v2  }
0x1ed: {  	v5 =	vmul.f32 v5, v2;
	[tilespmem:s4+$0xFFFFFF50] =	vst v3  }
0x1ee: {  	v2 =	vmul.f32 v7, v2;
	[tilespmem:s4+$0xFFFFFF60] =	vst v4  }
0x1ef: {  	[tilespmem:s4+$0xFFFFFF70] =	vst v5  }
0x1f0: {  	v3 =	vld [tilespmem:s4+$0xFFFFFF90];
	[tilespmem:s4+$0xFFFFFF80] =	vst v2  }
0x1f1: {  	v2 =	vld.idx.msk [tilespmem:v6+s23+$0x0], $0xffff  }
0x1f2: {  	s30 =	simm.s32 $0x3;
	v4 =	vld [tilespmem:s4+$0xFFFFFFB0]  }
0x1f3: {  	v5 =	vmov s30;
	v6 =	vld [tilespmem:s4+$0xFFFFFFA0]  }
0x1f4: {  	v5 =	vand.u32 $0x7F, v5  }
0x1f5: {  	v8 =	vor.u32 v1, v5;
	v5 =	vld [tilespmem:s4+$0xFFFFFFC0]  }
0x1f6: {  	s14 =	simm.s32 $0x4;
	s13 =	simm.s32 $0x114F0;
	v7 =	vmul.f32 v3, v2;
	v3 =	vbroadcast v8, $0x0  }
.LBB2_15:
0x1f7: {  	p2 =	slt.u32 s14, $0x7C  }
0x1f8: {  	v6 =	vmul.f32 v6, v2;
	v4 =	vmul.f32 v4, v2;
	s4 =	sadd.s32 $0x100, s4;
	s19 =	smov.u32 s14;
	s14 =	sadd.s32 $0x4, s14  }
0x1f9: {  	[tilespmem:s13+$0xFFFFFF90] =	vst v7  }
0x1fa: {  	v2 =	vmul.f32 v5, v2;
	[tilespmem:s13+$0xFFFFFFA0] =	vst v6  }
0x1fb: {  	[tilespmem:s13+$0xFFFFFFB0] =	vst v4;
	v4 =	vld [tilespmem:s13+$0xFFFFFFF0]  }
0x1fc: {  	v5 =	vmov s19;
	[tilespmem:s13+$0xFFFFFFC0] =	vst v2;
	v2 =	vld [tilespmem:s13+$0xFFFFFFD0]  }
0x1fd: {  	v5 =	vand.u32 $0x7C, v5;
	v3 =	vld.idx.msk [tilespmem:v3+s23+$0x0], $0xffff  }
0x1fe: {  	v5 =	vor.u32 v1, v5;
	v6 =	vld [tilespmem:s13+$0xFFFFFFE0]  }
0x1ff: {  	v5 =	vbroadcast v5, $0x0;
	v7 =	vld [tilespmem:s13+$0x0];
	_ =	sdelay $0x3  }
0x200: {  	v2 =	vmul.f32 v2, v3;
	v8 =	vld [tilespmem:s4+$0xFFFFFF30];
	v6 =	vmul.f32 v6, v3  }
0x201: {  	v4 =	vmul.f32 v4, v3;
	v9 =	vld [tilespmem:s4+$0xFFFFFF40];
	v3 =	vmul.f32 v7, v3  }
0x202: {  	[tilespmem:s13+$0xFFFFFFD0] =	vst v2  }
0x203: {  	[tilespmem:s13+$0x0] =	vst v3  }
0x204: {  	s28 =	sadd.s32 $0x1, s19;
	[tilespmem:s13+$0xFFFFFFF0] =	vst v4  }
0x205: {  	v2 =	vmov s28;
	[tilespmem:s13+$0xFFFFFFE0] =	vst v6;
	s13 =	smov.u32 s4  }
0x206: {  	v2 =	vand.u32 $0x7D, v2;
	v3 =	vld.idx.msk [tilespmem:v5+s23+$0x0], $0xffff  }
0x207: {  	v2 =	vor.u32 v1, v2;
	v4 =	vld [tilespmem:s4+$0xFFFFFF10]  }
0x208: {  	v2 =	vbroadcast v2, $0x0;
	v5 =	vld [tilespmem:s4+$0xFFFFFF20];
	_ =	sdelay $0x3  }
0x209: {  	v6 =	vmul.f32 v9, v3;
	v4 =	vmul.f32 v4, v3  }
0x20a: {  	v5 =	vmul.f32 v5, v3;
	v3 =	vmul.f32 v8, v3  }
0x20b: {  	[tilespmem:s4+$0xFFFFFF10] =	vst v4  }
0x20c: {  	[tilespmem:s4+$0xFFFFFF20] =	vst v5  }
0x20d: {  	[tilespmem:s4+$0xFFFFFF40] =	vst v6  }
0x20e: {  	[tilespmem:s4+$0xFFFFFF30] =	vst v3;
	v3 =	vld [tilespmem:s4+$0xFFFFFF70]  }
0x20f: {  	v2 =	vld.idx.msk [tilespmem:v2+s23+$0x0], $0xffff  }
0x210: {  	v4 =	vld [tilespmem:s4+$0xFFFFFF50]  }
0x211: {  	s28 =	sadd.s32 $0x2, s19;
	v5 =	vld [tilespmem:s4+$0xFFFFFF60]  }
0x212: {  	v6 =	vmov s28  }
0x213: {  	v6 =	vand.u32 $0x7E, v6;
	v7 =	vld [tilespmem:s4+$0xFFFFFF80]  }
0x214: {  	v6 =	vor.u32 v1, v6  }
0x215: {  	v6 =	vbroadcast v6, $0x0;
	v4 =	vmul.f32 v4, v2  }
0x216: {  	v3 =	vmul.f32 v3, v2;
	v5 =	vmul.f32 v5, v2  }
0x217: {  	[tilespmem:s4+$0xFFFFFF50] =	vst v4  }
0x218: {  	[tilespmem:s4+$0xFFFFFF60] =	vst v5;
	v2 =	vmul.f32 v7, v2  }
0x219: {  	[tilespmem:s4+$0xFFFFFF70] =	vst v3;
	v3 =	vld [tilespmem:s4+$0xFFFFFF90]  }
0x21a: {  	[tilespmem:s4+$0xFFFFFF80] =	vst v2;
	v4 =	vld [tilespmem:s4+$0xFFFFFFB0]  }
0x21b: {  	v2 =	vld.idx.msk [tilespmem:v6+s23+$0x0], $0xffff  }
0x21c: {  	v6 =	vld [tilespmem:s4+$0xFFFFFFA0]  }
.Ltmp8:
0x21d: {  	s19 =	sadd.s32 $0x3, s19;
	v5 =	vld [tilespmem:s4+$0xFFFFFFC0];
	(pc) =	sbr.rel @p2 .LBB2_15-.Ltmp8, $4  }
0x21e: {  	v7 =	vmov s19  }
0x21f: {  	v7 =	vand.u32 $0x7F, v7  }
0x220: {  	v8 =	vor.u32 v1, v7  }
0x221: {  	v7 =	vmul.f32 v3, v2;
	v3 =	vbroadcast v8, $0x0  }
0x222: {  	v1 =	vmul.f32 v6, v2  }
0x223: {  	v4 =	vmul.f32 v4, v2;
	[tilespmem:s13+$0xFFFFFF90] =	vst v7  }
0x224: {  	[tilespmem:s13+$0xFFFFFFA0] =	vst v1;
	v1 =	vmul.f32 v5, v2  }
0x225: {  	[tilespmem:s13+$0xFFFFFFB0] =	vst v4  }
0x226: {  	[tilespmem:s13+$0xFFFFFFC0] =	vst v1;
	v1 =	vld [tilespmem:s13+$0xFFFFFFD0]  }
0x227: {  	v3 =	vld.idx.msk [tilespmem:v3+s23+$0x0], $0xffff  }
0x228: {  	v4 =	vld [tilespmem:s13+$0x0]  }
0x229: {  	v2 =	vld [tilespmem:s13+$0xFFFFFFF0]  }
0x22a: {  	v5 =	vld [tilespmem:s13+$0xFFFFFFE0];
	_ =	sdelay $0x1  }
0x22b: {  	v1 =	vmul.f32 v1, v3  }
0x22c: {  	v4 =	vmul.f32 v4, v3  }
0x22d: {  	v2 =	vmul.f32 v2, v3;
	[tilespmem:s13+$0xFFFFFFD0] =	vst v1  }
0x22e: {  	v1 =	vmul.f32 v5, v3;
	[tilespmem:s13+$0x0] =	vst v4  }
0x22f: {  	s4 =	sand.u32 $0x3FFFFF80, s12;
	s14 =	simm.s32 $0x0;
	[tilespmem:s13+$0xFFFFFFF0] =	vst v2  }
0x230: {  	s4 =	sadd.s32 $0x2800, s4;
	v2 =	vmov s14;
	[tilespmem:s13+$0xFFFFFFE0] =	vst v1  }
0x231: {  	v2 =	vand.u32 $0x7C, v2;
	v1 =	vmov s18;
	[spmem:s3] =	stream.indirect.scatter.add.f32 [tilespmem:s0], [sflag:$0x9], $0x40, s4, s26, $0xb8;
	[tilespmem:$0x1F400] =	vst v63  }
0x232: {  	v2 =	vor.u32 v1, v2;
	_ =	swait.ge [sflag:s9], $0x2000  }
0x233: {  	s12 =	simm.s32 @!p1 $0xF400;
	v2 =	vbroadcast v2, $0x0;
	[sflag:s9] =	ssyncset.done $0x0  }
0x234: {  	s4 =	sadd.s32 @!p1 $0x380, s8;
	s8 =	simm.s32 @!p1 $0x80;
	[sflag:s9] =	ssyncadd.s32 $0xFFFFE000  }
0x235: {  	[tilespmem:s12], [sflag:$0x3] =	stream.indirect.gather @!p1 [spmem:s2], $0x40, s4, s8, $0xb8;
	[tilespmem:$0x1F400] =	vst v63  }
0x236: {  	_ =	swait.ge [sflag:s10], $0x2000  }
0x237: {  	[sflag:s10] =	ssyncset.done $0x0  }
0x238: {  	[sflag:s10] =	ssyncadd.s32 $0xFFFFE000  }
0x239: {  	s4 =	simm.s32 $0x134F0;
	v2 =	vld.idx.msk [tilespmem:v2+s23+$0x0], $0xffff  }
0x23a: {  	v3 =	vld [tilespmem:s4+$0xFFFFFF10]  }
0x23b: {  	s19 =	simm.s32 $0x1;
	v4 =	vld [tilespmem:s4+$0xFFFFFF20]  }
0x23c: {  	v6 =	vmov s19;
	v5 =	vld [tilespmem:s4+$0xFFFFFF40]  }
0x23d: {  	v6 =	vand.u32 $0x7D, v6;
	v7 =	vld [tilespmem:s4+$0xFFFFFF30]  }
0x23e: {  	v6 =	vor.u32 v1, v6  }
0x23f: {  	v6 =	vbroadcast v6, $0x0;
	v3 =	vmul.f32 v3, v2  }
0x240: {  	v4 =	vmul.f32 v4, v2  }
0x241: {  	v5 =	vmul.f32 v5, v2;
	[tilespmem:s4+$0xFFFFFF10] =	vst v3  }
0x242: {  	v2 =	vmul.f32 v7, v2;
	[tilespmem:s4+$0xFFFFFF20] =	vst v4  }
0x243: {  	[tilespmem:s4+$0xFFFFFF40] =	vst v5  }
0x244: {  	[tilespmem:s4+$0xFFFFFF30] =	vst v2;
	v3 =	vld [tilespmem:s4+$0xFFFFFF50]  }
0x245: {  	v2 =	vld.idx.msk [tilespmem:v6+s23+$0x0], $0xffff  }
0x246: {  	s28 =	simm.s32 $0x2;
	v4 =	vld [tilespmem:s4+$0xFFFFFF60]  }
0x247: {  	v5 =	vld [tilespmem:s4+$0xFFFFFF70];
	v6 =	vmov s28  }
0x248: {  	v7 =	vld [tilespmem:s4+$0xFFFFFF80];
	v6 =	vand.u32 $0x7E, v6  }
0x249: {  	v6 =	vor.u32 v1, v6  }
0x24a: {  	v6 =	vbroadcast v6, $0x0;
	v3 =	vmul.f32 v3, v2  }
0x24b: {  	v4 =	vmul.f32 v4, v2  }
0x24c: {  	v5 =	vmul.f32 v5, v2;
	[tilespmem:s4+$0xFFFFFF50] =	vst v3  }
0x24d: {  	v2 =	vmul.f32 v7, v2;
	[tilespmem:s4+$0xFFFFFF60] =	vst v4  }
0x24e: {  	[tilespmem:s4+$0xFFFFFF70] =	vst v5  }
0x24f: {  	v3 =	vld [tilespmem:s4+$0xFFFFFF90];
	[tilespmem:s4+$0xFFFFFF80] =	vst v2  }
0x250: {  	v2 =	vld.idx.msk [tilespmem:v6+s23+$0x0], $0xffff  }
0x251: {  	s30 =	simm.s32 $0x3;
	v4 =	vld [tilespmem:s4+$0xFFFFFFB0]  }
0x252: {  	v5 =	vmov s30;
	v6 =	vld [tilespmem:s4+$0xFFFFFFA0]  }
0x253: {  	v5 =	vand.u32 $0x7F, v5  }
0x254: {  	v8 =	vor.u32 v1, v5;
	v5 =	vld [tilespmem:s4+$0xFFFFFFC0]  }
0x255: {  	s12 =	simm.s32 $0x4;
	s8 =	simm.s32 $0x134F0;
	v7 =	vmul.f32 v3, v2;
	v3 =	vbroadcast v8, $0x0  }
.LBB2_17:
0x256: {  	p2 =	slt.u32 s12, $0x7C  }
0x257: {  	v6 =	vmul.f32 v6, v2;
	v4 =	vmul.f32 v4, v2;
	s4 =	sadd.s32 $0x100, s4;
	s13 =	smov.u32 s12;
	s12 =	sadd.s32 $0x4, s12  }
0x258: {  	[tilespmem:s8+$0xFFFFFF90] =	vst v7  }
0x259: {  	v2 =	vmul.f32 v5, v2;
	[tilespmem:s8+$0xFFFFFFA0] =	vst v6  }
0x25a: {  	[tilespmem:s8+$0xFFFFFFB0] =	vst v4;
	v4 =	vld [tilespmem:s8+$0xFFFFFFF0]  }
0x25b: {  	v5 =	vmov s13;
	[tilespmem:s8+$0xFFFFFFC0] =	vst v2;
	v2 =	vld [tilespmem:s8+$0xFFFFFFD0]  }
0x25c: {  	v5 =	vand.u32 $0x7C, v5;
	v3 =	vld.idx.msk [tilespmem:v3+s23+$0x0], $0xffff  }
0x25d: {  	v5 =	vor.u32 v1, v5;
	v6 =	vld [tilespmem:s8+$0xFFFFFFE0]  }
0x25e: {  	v5 =	vbroadcast v5, $0x0;
	v7 =	vld [tilespmem:s8+$0x0];
	_ =	sdelay $0x3  }
0x25f: {  	v2 =	vmul.f32 v2, v3;
	v8 =	vld [tilespmem:s4+$0xFFFFFF30];
	v6 =	vmul.f32 v6, v3  }
0x260: {  	v4 =	vmul.f32 v4, v3;
	v9 =	vld [tilespmem:s4+$0xFFFFFF40];
	v3 =	vmul.f32 v7, v3  }
0x261: {  	[tilespmem:s8+$0xFFFFFFD0] =	vst v2  }
0x262: {  	[tilespmem:s8+$0x0] =	vst v3  }
0x263: {  	s14 =	sadd.s32 $0x1, s13;
	[tilespmem:s8+$0xFFFFFFF0] =	vst v4  }
0x264: {  	v2 =	vmov s14;
	[tilespmem:s8+$0xFFFFFFE0] =	vst v6;
	s8 =	smov.u32 s4  }
0x265: {  	v2 =	vand.u32 $0x7D, v2;
	v3 =	vld.idx.msk [tilespmem:v5+s23+$0x0], $0xffff  }
0x266: {  	v2 =	vor.u32 v1, v2;
	v4 =	vld [tilespmem:s4+$0xFFFFFF10]  }
0x267: {  	v2 =	vbroadcast v2, $0x0;
	v5 =	vld [tilespmem:s4+$0xFFFFFF20];
	_ =	sdelay $0x3  }
0x268: {  	v6 =	vmul.f32 v9, v3;
	v4 =	vmul.f32 v4, v3  }
0x269: {  	v5 =	vmul.f32 v5, v3;
	v3 =	vmul.f32 v8, v3  }
0x26a: {  	[tilespmem:s4+$0xFFFFFF10] =	vst v4  }
0x26b: {  	[tilespmem:s4+$0xFFFFFF20] =	vst v5  }
0x26c: {  	[tilespmem:s4+$0xFFFFFF40] =	vst v6  }
0x26d: {  	[tilespmem:s4+$0xFFFFFF30] =	vst v3;
	v3 =	vld [tilespmem:s4+$0xFFFFFF70]  }
0x26e: {  	v2 =	vld.idx.msk [tilespmem:v2+s23+$0x0], $0xffff  }
0x26f: {  	v4 =	vld [tilespmem:s4+$0xFFFFFF50]  }
0x270: {  	s14 =	sadd.s32 $0x2, s13;
	v5 =	vld [tilespmem:s4+$0xFFFFFF60]  }
0x271: {  	v6 =	vmov s14  }
0x272: {  	v6 =	vand.u32 $0x7E, v6;
	v7 =	vld [tilespmem:s4+$0xFFFFFF80]  }
0x273: {  	v6 =	vor.u32 v1, v6  }
0x274: {  	v6 =	vbroadcast v6, $0x0;
	v4 =	vmul.f32 v4, v2  }
0x275: {  	v3 =	vmul.f32 v3, v2;
	v5 =	vmul.f32 v5, v2  }
0x276: {  	[tilespmem:s4+$0xFFFFFF50] =	vst v4  }
0x277: {  	[tilespmem:s4+$0xFFFFFF60] =	vst v5;
	v2 =	vmul.f32 v7, v2  }
0x278: {  	[tilespmem:s4+$0xFFFFFF70] =	vst v3;
	v3 =	vld [tilespmem:s4+$0xFFFFFF90]  }
0x279: {  	[tilespmem:s4+$0xFFFFFF80] =	vst v2;
	v4 =	vld [tilespmem:s4+$0xFFFFFFB0]  }
0x27a: {  	v2 =	vld.idx.msk [tilespmem:v6+s23+$0x0], $0xffff  }
0x27b: {  	v6 =	vld [tilespmem:s4+$0xFFFFFFA0]  }
.Ltmp9:
0x27c: {  	s13 =	sadd.s32 $0x3, s13;
	v5 =	vld [tilespmem:s4+$0xFFFFFFC0];
	(pc) =	sbr.rel @p2 .LBB2_17-.Ltmp9, $4  }
0x27d: {  	v7 =	vmov s13  }
0x27e: {  	v7 =	vand.u32 $0x7F, v7  }
0x27f: {  	v8 =	vor.u32 v1, v7  }
0x280: {  	v7 =	vmul.f32 v3, v2;
	v3 =	vbroadcast v8, $0x0  }
0x281: {  	v1 =	vmul.f32 v6, v2  }
0x282: {  	v4 =	vmul.f32 v4, v2;
	[tilespmem:s8+$0xFFFFFF90] =	vst v7  }
0x283: {  	[tilespmem:s8+$0xFFFFFFA0] =	vst v1;
	v1 =	vmul.f32 v5, v2  }
0x284: {  	[tilespmem:s8+$0xFFFFFFB0] =	vst v4  }
0x285: {  	[tilespmem:s8+$0xFFFFFFC0] =	vst v1;
	v1 =	vld [tilespmem:s8+$0xFFFFFFD0]  }
0x286: {  	v3 =	vld.idx.msk [tilespmem:v3+s23+$0x0], $0xffff  }
0x287: {  	v62 =	vld [tilespmem:s8+$0x0]  }
0x288: {  	v2 =	vld [tilespmem:s8+$0xFFFFFFF0]  }
0x289: {  	v63 =	vld [tilespmem:s8+$0xFFFFFFE0];
	_ =	sdelay $0x1  }
0x28a: {  	v1 =	vmul.f32 v1, v3  }
0x28b: {  	v4 =	vmul.f32 v62, v3  }
0x28c: {  	v2 =	vmul.f32 v2, v3;
	[tilespmem:s8+$0xFFFFFFD0] =	vst v1  }
0x28d: {  	v1 =	vmul.f32 v63, v3;
	[tilespmem:s8+$0x0] =	vst v4  }
0x28e: {  	[tilespmem:s8+$0xFFFFFFF0] =	vst v2  }
.Ltmp10:
0x28f: {  	s4 =	sadd.s32 $0x2800, s18;
	[tilespmem:s8+$0xFFFFFFE0] =	vst v1;
	(pc) =	sbr.rel @p1 .LBB2_20-.Ltmp10, $4  }
0x290: {  	[spmem:s3] =	stream.indirect.scatter.add.f32 [tilespmem:s22], [sflag:$0xA], $0x40, s4, s26, $0xb8;
	[tilespmem:$0x1F400] =	vst v63  }
0x291: {  	_ =	swait.ge [sflag:s11], $0x2000  }
0x292: {  	[sflag:s11] =	ssyncset.done $0x0  }
0x293: {  	[sflag:s11] =	ssyncadd.s32 $0xFFFFE000  }
.Ltmp11:
0x294: {  	(pc) =	sbr.rel .LBB2_8-.Ltmp11, $3  }
0x295: {  	_ =	sdelay $0x1  }
0x296: {  	s4 =	sadd.s32 $0x400, s17;
	s16 =	sadd.s32 $0x1, s16  }
0x297: {  	[tilespmem:s0], [sflag:$0x4] =	stream.indirect.gather [spmem:s2], $0x40, s4, s26, $0xb8;
	[tilespmem:$0x1F400] =	vst v63  }
.LBB2_21:
0x298: {  	_ =	sfence.sel $0x180000  }
0x299: {  	[bflag:$0x0] =	sbarrier.arrive $0xFFFF  }
0x29a: {  	_ =	strace $0x9000004D  }
0x29b: {  	s0 =	stileid.u32;
	[bflag:$0x2] =	sbarrier.arrive $0xFFFF  }
0x29c: {  	p0 =	sne.s32 s0, $0x0;
	s0 =	rddreg [dreg:$0x3]  }
0x29d: {  	s0 =	sadd.s32 @!p0 $0x100000, s0  }
0x29e: {  	[sflag:s0] =	ssyncadd.tile.s32 @!p0 $0x1;
	_ =	shalt  }
.Lfunc_end2:
_tile_overlayer_lowered:
.L_overlay_start_2:
0x29f: {  	(tag) =	ssettag $0x2  }
0x2a0: {  	s0 =	rddreg [dreg:$0x0];
	s2 =	stileid.u32  }
0x2a1: {  	s1 =	rddreg [dreg:$0x1];
	p0 =	sne.s32 s2, $0x0  }
0x2a2: {  	s3 =	rddreg [dreg:$0x2];
	[bflag:$0x3] =	sbarrier.arrive $0xFFFF;
	s2 =	simm.s32 @!p0 $0x1C0B  }
0x2a3: {  	[timem:s3], [sflag:s2] =	dma.local @!p0 [hbm:s0], s1  }
0x2a4: {  	s0 =	simm.s32 @!p0 $0xB  }
0x2a5: {  	_ =	swait.ge @!p0 [sflag:s0], s1  }
0x2a6: {  	s1 =	ssub.s32 @!p0 $0x0, s1;
	[sflag:s0] =	ssyncset.done @!p0 $0x0  }
0x2a7: {  	[sflag:s0] =	ssyncadd.s32 @!p0 s1  }
0x2a8: {  	[bflag:$0x3] =	sbarrier.arrive $0xFFFF  }
0x2a9: {  	_ =	shalt  }

// kernel: kernel.8.cloned.1.call-start
scs
__scs_entry_jumppad:
0x0: {  	(pc) =	sbr.rel $0x88, $3  }
0x1: {  	(tag) =	ssettag $0x0;
	lr =	simm.s32 $0x1  }
0x2: {  	[smem:$0x3F8F] =	sst lr;
	_ =	strace $0xD0000000  }
0x3: {  	_ = 	snop  }
0x4: {  	_ = 	snop  }
0x5: {  	_ = 	snop  }
0x6: {  	_ = 	snop  }
0x7: {  	_ = 	snop  }
__scs_overlays_trampoline_lowered:
0x8: {  	[smem:$0x3F9E] =	sst s0  }
0x9: {  	[smem:$0x3F9F] =	sst s1  }
0xa: {  	[smem:$0x3FA0] =	sst s2  }
0xb: {  	[smem:$0x3FA1] =	sst s3  }
0xc: {  	[smem:$0x3FA2] =	sst s4  }
0xd: {  	[smem:$0x3FA3] =	sst s5  }
0xe: {  	[smem:$0x3FA4] =	sst s6  }
0xf: {  	[smem:$0x3FA5] =	sst s7  }
0x10: {  	[smem:$0x3FA6] =	sst s8  }
0x11: {  	[smem:$0x3FA7] =	sst s9;
	s0 =	simm.s32 @!p0 $0x0  }
0x12: {  	s1 =	sld [smem:$0x3F8D];
	s0 =	simm.s32 @p0 $0x1  }
0x13: {  	[smem:$0x3FA8] =	sst s0;
	s0 =	simm.s32 @!p1 $0x0  }
0x14: {  	s2 =	sld [smem:$0x3F8C];
	s0 =	simm.s32 @p1 $0x1  }
0x15: {  	[smem:$0x3FA9] =	sst s0;
	s0 =	simm.s32 @!p2 $0x0  }
0x16: {  	s3 =	sld [smem:$0x3FDB];
	s0 =	simm.s32 @p2 $0x1  }
0x17: {  	s4 =	simm.s32 $0x1BF5;
	[smem:$0x3FAB] =	sst s0  }
0x18: {  	s0 =	sld [smem:$0x3F8E];
	_ =	swait.ge [sflag:s4], $0x0  }
0x19: {  	s7 =	sld [smem:$0x3F8F]  }
0x1a: {  	s8 =	sadd.s32 $0xFFFFE003, lr  }
0x1b: {  	s9 =	sadd.s32 $0xFFFFFEF7, lr;
	s5 =	simm.s32 $0xFFFFFFFF;
	p2 =	slt.u32 s8, $0xFFFFF086  }
0x1c: {  	p1 =	slt.u32 s9, $0xF7A;
	s5 =	simm.s32 @!p2 $0x0  }
0x1d: {  	s5 =	simm.s32 @p1 $0x1;
	p0 =	seq.s32 s7, s2  }
0x1e: {  	s7 =	smul.u32 @!p0 $0xF7A, s2;
	p2 =	seq.s32 @!p0 s5, $0x0  }
0x1f: {  	s9 =	smul.u32 $0xF7A, s1;
	s8 =	simm.s32 @!p0 $0x1BF5;
	p2 =	por !p2, p0  }
0x20: {  	[sflag:s8] =	ssyncset.s32 @!p0 $0xFFFFF086;
	s6 =	sadd.s32 @!p0 s3, s7;
	s7 =	simm.s32 @!p0 $0x108  }
0x21: {  	s3 =	sadd.s32 s3, s9;
	s6 =	sadd.s32 @!p0 $0x88, s6;
	s7 =	simm.s32 @p2 $0x1082  }
0x22: {  	[simem:s7], [sflag:s8] =	dma.local @!p0 [hbm:s6], $0xF7A  }
0x23: {  	s9 =	sor.u32 $0xD0000000, s2;
	s6 =	simm.s32 $0x108;
	_ =	swait.ge @!p0 [sflag:s8], $0x0  }
0x24: {  	s3 =	sadd.s32 $0x88, s3;
	s6 =	simm.s32 @!p1 $0x1082;
	[sflag:s4] =	ssyncset.s32 $0xFFFFF086  }
0x25: {  	[simem:s6], [sflag:s4] =	dma.local [hbm:s3], $0xF7A  }
0x26: {  	[smem:$0x3F8F] =	sst s1;
	(tag) =	ssettag s2;
	_ =	strace s9  }
0x27: {  	s1 =	sld [smem:$0x3F9F]  }
0x28: {  	s2 =	sld [smem:$0x3FA0]  }
0x29: {  	s4 =	sld [smem:$0x3FA2]  }
0x2a: {  	p0 =	seq.s32 s5, $0x0;
	s5 =	sld [smem:$0x3FA3]  }
0x2b: {  	s6 =	sld [smem:$0x3FA4]  }
0x2c: {  	s7 =	sld [smem:$0x3FA5]  }
0x2d: {  	s3 =	simm.s32 $0x108;
	s8 =	sld [smem:$0x3FA6]  }
0x2e: {  	s3 =	simm.s32 @!p0 $0x1082;
	s9 =	sld [smem:$0x3FA7]  }
0x2f: {  	lr =	sadd.s32 s0, s3;
	s0 =	sld [smem:$0x3F9E]  }
0x30: {  	s3 =	sld [smem:$0x3FA1]  }
0x31: {  	[smem:$0x3FAA] =	sst s10  }
0x32: {  	s10 =	sld [smem:$0x3FA8];
	_ =	sdelay $0x3  }
0x33: {  	p0 =	seq.s32 s10, $0x1;
	s10 =	sld [smem:$0x3FAA];
	_ =	sdelay $0x3  }
0x34: {  	[smem:$0x3FAA] =	sst s10  }
0x35: {  	s10 =	sld [smem:$0x3FA9];
	_ =	sdelay $0x3  }
0x36: {  	p1 =	seq.s32 s10, $0x1;
	s10 =	sld [smem:$0x3FAA];
	_ =	sdelay $0x3  }
0x37: {  	[smem:$0x3FAA] =	sst s10  }
0x38: {  	s10 =	sld [smem:$0x3FAB]  }
0x39: {  	_ = 	snop;
	(pc) =	sbr.ind lr, $3  }
0x3a: {  	_ = 	snop  }
0x3b: {  	_ = 	snop  }
0x3c: {  	p2 =	seq.s32 s10, $0x1;
	s10 =	sld [smem:$0x3FAA]  }
0x3d: {  	_ =	shalt  }
0x3e: {  	_ =	shalt  }
0x3f: {  	_ =	shalt  }
0x40: {  	_ =	shalt  }
0x41: {  	_ =	shalt  }
0x42: {  	_ =	shalt  }
0x43: {  	_ =	shalt  }
0x44: {  	_ =	shalt  }
0x45: {  	_ =	shalt  }
0x46: {  	_ =	shalt  }
0x47: {  	_ =	shalt  }
0x48: {  	_ =	shalt  }
0x49: {  	_ =	shalt  }
0x4a: {  	_ =	shalt  }
0x4b: {  	_ =	shalt  }
0x4c: {  	_ =	shalt  }
0x4d: {  	_ =	shalt  }
0x4e: {  	_ =	shalt  }
0x4f: {  	_ =	shalt  }
0x50: {  	_ =	shalt  }
0x51: {  	_ =	shalt  }
0x52: {  	_ =	shalt  }
0x53: {  	_ =	shalt  }
0x54: {  	_ =	shalt  }
0x55: {  	_ =	shalt  }
0x56: {  	_ =	shalt  }
0x57: {  	_ =	shalt  }
0x58: {  	_ =	shalt  }
0x59: {  	_ =	shalt  }
0x5a: {  	_ =	shalt  }
0x5b: {  	_ =	shalt  }
0x5c: {  	_ =	shalt  }
0x5d: {  	_ =	shalt  }
0x5e: {  	_ =	shalt  }
0x5f: {  	_ =	shalt  }
0x60: {  	_ =	shalt  }
0x61: {  	_ =	shalt  }
0x62: {  	_ =	shalt  }
0x63: {  	_ =	shalt  }
0x64: {  	_ =	shalt  }
0x65: {  	_ =	shalt  }
0x66: {  	_ =	shalt  }
0x67: {  	_ =	shalt  }
0x68: {  	_ =	shalt  }
0x69: {  	_ =	shalt  }
0x6a: {  	_ =	shalt  }
0x6b: {  	_ =	shalt  }
0x6c: {  	_ =	shalt  }
0x6d: {  	_ =	shalt  }
0x6e: {  	_ =	shalt  }
0x6f: {  	_ =	shalt  }
0x70: {  	_ =	shalt  }
0x71: {  	_ =	shalt  }
0x72: {  	_ =	shalt  }
0x73: {  	_ =	shalt  }
0x74: {  	_ =	shalt  }
0x75: {  	_ =	shalt  }
0x76: {  	_ =	shalt  }
0x77: {  	_ =	shalt  }
0x78: {  	_ =	shalt  }
0x79: {  	_ =	shalt  }
0x7a: {  	_ =	shalt  }
0x7b: {  	_ =	shalt  }
0x7c: {  	_ =	shalt  }
0x7d: {  	_ =	shalt  }
0x7e: {  	_ =	shalt  }
0x7f: {  	_ =	shalt  }
0x80: {  	_ =	shalt  }
0x81: {  	_ =	shalt  }
0x82: {  	_ =	shalt  }
0x83: {  	_ =	shalt  }
0x84: {  	_ =	shalt  }
0x85: {  	_ =	shalt  }
0x86: {  	_ =	shalt  }
0x87: {  	_ =	shalt  }
.Lfunc_end0:
.L_simem_size_0:
called_computation_lowered:
.L_overlay_start_0:
0x88: {  	s2 =	sld [smem:$0x3FD9]  }
0x89: {  	s3 =	sld [smem:$0x3FFE];
	_ =	sdelay $0x1  }
0x8a: {  	s1 =	srdreg.scid  }
0x8b: {  	s0 =	sand.u32 $0x1, s1  }
0x8c: {  	s16 =	sshll.u32 s0, $0xA;
	s2 =	sadd.s32 s3, s2  }
0x8d: {  	s2 =	sadd.s32 s2, s16  }
0x8e: {  	[smem:$0x3FB6] =	sst s2  }
0x8f: {  	_ = 	snop  }
0x90: {  	(tm) =	ssettm $0x1  }
0x91: {  	s17 =	sld [smem:$0x3FFB];
	_ =	sdelay $0x3  }
0x92: {  	_ =	strace s17  }
0x93: {  	s2 =	sld [smem:$0x3FFC];
	_ =	sdelay $0x3  }
0x94: {  	_ =	strace s2  }
0x95: {  	s2 =	sld [smem:$0x3FFD];
	_ =	sdelay $0x3  }
0x96: {  	_ =	strace s2  }
0x97: {  	_ =	strace $0x8FFFFFFF  }
0x98: {  	s18 =	sld [smem:$0x3FDB];
	_ =	sdelay $0x1  }
0x99: {  	s19 =	simm.s32 $_scs_section_size  }
0x9a: {  	s4 =	simm.s32 $_size__tile_overlayer_lowered;
	s5 =	simm.s32 $_tile_overlayer_lowered  }
0x9b: {  	s22 =	simm.s32 $0x1BFF;
	s21 =	sshll.u32 s5, $0x1;
	s2 =	sadd.s32 s19, s18  }
0x9c: {  	s6 =	simm.s32 $0x0;
	s20 =	sshll.u32 s4, $0x1;
	s4 =	sadd.s32 s21, s2  }
0x9d: {  	[timem:s6], [sflag:s22] =	dma.local [hbm:s4], s20  }
0x9e: {  	_ =	swait.ge [sflag:s22], s20  }
0x9f: {  	s3 =	ssub.s32 $0x0, s20;
	[sflag:s22] =	ssyncset.done $0x0  }
0xa0: {  	[sflag:s22] =	ssyncadd.s32 s3;
	_ =	sdelay $0x1  }
0xa1: {  	s23 =	simm.s32 $0x1B8B  }
0xa2: {  	_ =	swait.ge [sflag:s23], $0x1  }
0xa3: {  	[sflag:s23] =	ssyncset.done $0x0  }
0xa4: {  	s25 =	simm.s32 $0x1B8E;
	s24 =	sld [smem:$0x3FFE];
	[sflag:s23] =	ssyncadd.s32 $0xFFFFFFFF  }
0xa5: {  	s26 =	simm.s32 $execute0_lowered;
	[smem:$0x3FD2] =	sst s25  }
0xa6: {  	s4 =	sshll.u32 s26, $0x1;
	_ =	strace $0x80000046;
	[dreg:$0x1] =	wrdreg $0xFFFFFFFF  }
0xa7: {  	s28 =	simm.s32 $_size_execute0_lowered;
	s2 =	sadd.s32 s2, s4;
	[dreg:$0x0] =	wrdreg $0x0  }
0xa8: {  	s4 =	sshll.u32 s28, $0x1;
	[dreg:$0x2] =	wrdreg s2  }
0xa9: {  	[dreg:$0x3] =	wrdreg s4  }
0xaa: {  	[dreg:$0x4] =	wrdreg $0xC0  }
0xab: {  	_ =	task [dreg:s6], $0x5FFFF  }
0xac: {  	[dreg:$0x1] =	wrdreg $0xFFFFFFFF  }
0xad: {  	[dreg:$0x0] =	wrdreg $0x60  }
0xae: {  	[dreg:$0x2] =	wrdreg s24  }
0xaf: {  	[dreg:$0x3] =	wrdreg $0x9  }
0xb0: {  	_ =	task.clear_ibuf [dreg:s6], $0x4FFFF;
	_ =	strace $0x90000046  }
0xb1: {  	s29 =	simm.s32 $0x9;
	_ =	strace $0x80000048  }
0xb2: {  	_ =	swait.ge [sflag:s29], $0x1  }
0xb3: {  	[sflag:s29] =	ssyncadd.s32 $0xFFFFFFFF  }
0xb4: {  	_ =	strace $0x90000048  }
0xb5: {  	_ =	sfence  }
0xb6: {  	s30 =	sld [smem:$0x0];
	_ =	sdelay $0x2  }
0xb7: {  	s31 =	sshll.u32 s1, $0xD;
	s1 =	sshrl.u32 s1, $0x2  }
0xb8: {  	s3 =	sand.u32 $0x4000, s31;
	s1 =	sadd.s32 s1, s30  }
0xb9: {  	s0 =	sor.u32 s3, s0;
	s1 =	sshll.u32 s1, $0x11  }
0xba: {  	s0 =	sor.u32 s1, s0  }
0xbb: {  	s0 =	sadd.s32 $0x8F2B, s0  }
0xbc: {  	[sflag:s0] =	ssyncadd.remote.s32 $0x1  }
0xbd: {  	_ =	sfence.sel $0xFFFF  }
0xbe: {  	[dreg:$0x0] =	wrdreg $0xFFFFFFFF;
	(pc) =	sbr.abs _section_cstart, $3  }
0xbf: {  	[dreg:$0x1] =	wrdreg $0xFFFFFFFF  }
0xc0: {  	_ =	task.clear_ibuf [dreg:s6], $0x2FFFF;
	_ =	strace $0x9FFFFFFF  }
0xc1: {  	(tm) =	ssettm $0x7FFFFFFF  }
tec
execute0_lowered:
.L_overlay_start_1:
0x0: {  	(tag) =	ssettag $0x1  }
0x1: {  	s0 =	srdreg.scid;
	s4 =	rddreg [dreg:$0x0]  }
0x2: {  	s2 =	simm.s32 $0x0;
	s7 =	simm.s32 $0x1;
	s3 =	sand.u32 $0x1, s0  }
0x3: {  	s8 =	simm.s32 $0x1400;
	s0 =	stileid.u32;
	s1 =	sshll.u32 s3, $0x4  }
0x4: {  	s9 =	simm.s32 $0x2800;
	s3 =	ssub.s32 $0x2, s3;
	s5 =	sor.u32 s0, s1  }
0x5: {  	[smem:$0x7FF] =	sst s2;
	s31 =	sshrl.u32 s3, $0x1;
	s5 =	smul.u32 $0x280, s5  }
0x6: {  	s10 =	simm.s32 $0x0;
	s1 =	rddreg [dreg:$0x1];
	s6 =	ssub.s32 s3, s31  }
0x7: {  	_ =	strace $0x80000047;
	s6 =	smax.u32 s6, $0x1;
	s5 =	sadd.s32 s5, s4  }
0x8: {  	v0 =	vimm.f32 $0.0e+00;
	s3 =	sadd.s32 $0x1E00, s5;
	s4 =	sadd.s32 $0x6E00, s5;
	s5 =	sadd.s32 $0xBE00, s5  }
.LBB2_1:
0x9: {  	s11 =	simm.s32 $0x40;
	s12 =	simm.s32 $0x0  }
.LBB2_2:
0xa: {  	p0 =	sne.s32 s11, $0x4FC0;
	[tilespmem:s12+$0x2800] =	vst v0;
	s12 =	smov.u32 s11;
	s11 =	sadd.s32 $0x40, s11  }
.Ltmp0:
0xb: {  	(pc) =	sbr.rel @p0 .LBB2_2-.Ltmp0, $2  }
0xc: {  	_ =	sdelay $0x2  }
0xd: {  	s12 =	sshra.s32 s12, $0x2  }
0xe: {  	[tilespmem:s12+$0x2800] =	vst v0;
	s11 =	simm.s32 $0x0  }
0xf: {  	[tilespmem:s11], [sflag:$0x1] =	stream.linear.gather [hbm4b:s3+s11], $0x1400, $0x38;
	[tilespmem:$0x3C00] =	vst v63  }
0x10: {  	_ =	swait.ge [sflag:s7], $0x1400  }
0x11: {  	[sflag:s7] =	ssyncset.done $0x0  }
0x12: {  	[sflag:s7] =	ssyncadd.s32 $0xFFFFEC00  }
0x13: {  	[tilespmem:s8], [sflag:$0x1] =	stream.linear.gather [hbm4b:s4+s11], $0x1400, $0x38;
	[tilespmem:$0x3C00] =	vst v63  }
0x14: {  	_ =	swait.ge [sflag:s7], $0x1400  }
0x15: {  	[sflag:s7] =	ssyncset.done $0x0  }
0x16: {  	s12 =	simm.s32 $0x0;
	s11 =	simm.s32 $0x40;
	[sflag:s7] =	ssyncadd.s32 $0xFFFFEC00  }
.LBB2_4:
0x17: {  	p0 =	sne.s32 s11, $0x4FC0;
	v1 =	vld [tilespmem:s12+$0x0];
	_ =	sdelay $0x2  }
0x18: {  	v2 =	vld [tilespmem:s12+$0x1400]  }
.Ltmp1:
0x19: {  	(pc) =	sbr.rel @p0 .LBB2_4-.Ltmp1, $2  }
0x1a: {  	_ =	sdelay $0x2  }
0x1b: {  	s12 =	sshra.s32 s11, $0x2;
	s11 =	sadd.s32 $0x40, s11;
	[tilespmem:v1+s9+$0x0] =	vst.idx.add.f32.msk $0xffff, v2  }
0x1c: {  	v1 =	vld [tilespmem:s12+$0x0];
	_ =	sdelay $0x2  }
0x1d: {  	v2 =	vld [tilespmem:s12+$0x1400];
	_ =	sdelay $0x2  }
0x1e: {  	s10 =	sadd.s32 $0x1, s10  }
0x1f: {  	p0 =	sne.s32 s10, s6  }
.Ltmp2:
0x20: {  	[tilespmem:v1+s9+$0x0] =	vst.idx.add.f32.msk $0xffff, v2;
	(pc) =	sbr.rel @p0 .LBB2_1-.Ltmp2, $4  }
0x21: {  	[hbm4b:s5+s2] =	stream.linear.scatter [tilespmem:s9], [sflag:$0x1], $0x1400, $0x38;
	[tilespmem:$0x3C00] =	vst v63  }
0x22: {  	_ =	swait.ge [sflag:s7], $0x1400  }
0x23: {  	[sflag:s7] =	ssyncset.done $0x0  }
0x24: {  	[sflag:s7] =	ssyncadd.s32 $0xFFFFEC00  }
0x25: {  	_ =	sfence.sel $0x180000  }
0x26: {  	[bflag:$0x0] =	sbarrier.arrive $0xFFFF  }
0x27: {  	p0 =	sne.s32 s0, $0x0;
	_ =	strace $0x90000047  }
0x28: {  	s0 =	sadd.s32 @!p0 $0x100000, s1;
	[bflag:$0x2] =	sbarrier.arrive $0xFFFF  }
0x29: {  	[sflag:s0] =	ssyncadd.tile.s32 @!p0 $0x1;
	_ =	shalt  }
.Lfunc_end2:
_tile_overlayer_lowered:
.L_overlay_start_2:
0x2a: {  	(tag) =	ssettag $0x2  }
0x2b: {  	s0 =	rddreg [dreg:$0x0];
	s2 =	stileid.u32  }
0x2c: {  	s1 =	rddreg [dreg:$0x1];
	p0 =	sne.s32 s2, $0x0  }
0x2d: {  	s3 =	rddreg [dreg:$0x2];
	[bflag:$0x3] =	sbarrier.arrive $0xFFFF;
	s2 =	simm.s32 @!p0 $0x1C01  }
0x2e: {  	[timem:s3], [sflag:s2] =	dma.local @!p0 [hbm:s0], s1  }
0x2f: {  	s0 =	simm.s32 @!p0 $0x1  }
0x30: {  	_ =	swait.ge @!p0 [sflag:s0], s1  }
0x31: {  	s1 =	ssub.s32 @!p0 $0x0, s1;
	[sflag:s0] =	ssyncset.done @!p0 $0x0  }
0x32: {  	[sflag:s0] =	ssyncadd.s32 @!p0 s1  }
0x33: {  	[bflag:$0x3] =	sbarrier.arrive $0xFFFF  }
0x34: {  	_ =	shalt  }

</sc_bundles>
